<compile_context>
chip_gen: v7x
topology: tpu7x:2x2x1
jax: 0.10.2.dev20260603
libtpu: 0.0.44.dev20260713+nightly
codegen_flags: <defaults>
</compile_context>

<pallas_src>
import functools

import jax
import jax.numpy as jnp
from jax import lax
from jax.experimental import pallas as pl
from jax.experimental.pallas import tpu as pltpu
from jax.experimental.pallas import tpu_sc as plsc

E = 64
D = 768
TOPK = 2
T = 4096
S = T * TOPK
TB = 512
NTB = T // TB
SB = 2 * TB
SBLOG = SB.bit_length() - 1
BLK = 256
NB = 96
PAD = NB * BLK
SCB = 128

NC = 2
NS = 16
NW = NC * NS
LANES = 16



def _gate_body(inp_ref, wg_ref, bg_ref, idx_ref, rank_ref, score_ref,
               base_ref, bexp_ref, bvalid_ref, xyblk_ref, carry, ltri_buf):
    i = pl.program_id(0)

    @pl.when(i == 0)
    def _():
        carry[...] = jnp.zeros_like(carry)
        ii0 = lax.broadcasted_iota(jnp.int32, (SB, SB), 0)
        jj0 = lax.broadcasted_iota(jnp.int32, (SB, SB), 1)
        ltri_buf[...] = (ii0 > jj0).astype(jnp.float32)

    x = inp_ref[...]
    logits = jnp.dot(x, wg_ref[...],
                     preferred_element_type=jnp.float32) + bg_ref[...]
    iota_e = lax.broadcasted_iota(jnp.int32, (TB, E), 1)
    m1 = jnp.max(logits, axis=1, keepdims=True)
    a1 = jnp.min(jnp.where(logits == m1, iota_e, E), axis=1, keepdims=True)
    masked = jnp.where(iota_e == a1, -jnp.inf, logits)
    m2 = jnp.max(masked, axis=1, keepdims=True)
    a2 = jnp.min(jnp.where(masked == m2, iota_e, E), axis=1, keepdims=True)
    e2 = jnp.exp(m2 - m1)
    s1 = 1.0 / (1.0 + e2)
    s2 = e2 / (1.0 + e2)

    a = jnp.concatenate([a1, a2], axis=0)
    onehot = (a == lax.broadcasted_iota(jnp.int32, (SB, E), 1)
              ).astype(jnp.float32)
    prefix = jnp.dot(ltri_buf[...], onehot,
                     preferred_element_type=jnp.float32)
    rank_in_block = jnp.sum(prefix * onehot, axis=1, keepdims=True)
    carry_term = jnp.sum(onehot * carry[...], axis=1, keepdims=True)
    rank = (rank_in_block + carry_term).astype(jnp.int32)

    carry[...] = carry[...] + jnp.sum(onehot, axis=0, keepdims=True)
    idx_ref[...] = a
    rank_ref[...] = rank
    score_ref[...] = jnp.concatenate([s1, s2], axis=0)

    @pl.when(i == NTB - 1)
    def _():
        c = carry[...]
        pcf = jnp.ceil(c / BLK) * BLK
        ei = lax.broadcasted_iota(jnp.int32, (E, E), 0)
        ej = lax.broadcasted_iota(jnp.int32, (E, E), 1)
        ut = (ei < ej).astype(jnp.float32)
        basef = jnp.dot(pcf, ut, preferred_element_type=jnp.float32)
        base_ref[...] = basef.astype(jnp.int32)
        startsf = basef / BLK
        nblkf = pcf / BLK
        br = lax.broadcasted_iota(jnp.int32, (NB, E), 0).astype(jnp.float32)
        er = lax.broadcasted_iota(jnp.int32, (NB, E), 1).astype(jnp.float32)
        act = (br >= startsf) & (br < startsf + nblkf)
        bexp_col = jnp.sum(jnp.where(act, er, 0.0), axis=1, keepdims=True)
        vraw = jnp.clip(c - (br - startsf) * BLK, 0.0, float(BLK))
        bvalid_col = jnp.sum(jnp.where(act, vraw, 0.0), axis=1, keepdims=True)
        anyact = jnp.max(act.astype(jnp.float32), axis=1, keepdims=True)
        eline = lax.broadcasted_iota(jnp.int32, (1, E), 1).astype(jnp.float32)
        last_e = jnp.max(jnp.where(pcf > 0, eline, -1.0))
        bexp_ref[...] = jnp.where(anyact > 0, bexp_col, last_e
                                  ).astype(jnp.int32)
        bvalid_ref[...] = bvalid_col.astype(jnp.int32)
        brcol = lax.broadcasted_iota(jnp.int32, (NB, 1), 0).astype(jnp.float32)
        xyblk_ref[...] = jnp.where(anyact > 0, brcol, float(NB - 1)
                                   ).astype(jnp.int32)


def _gate_call(inp, Wg, bg):
    return pl.pallas_call(
        _gate_body,
        grid=(NTB,),
        in_specs=[
            pl.BlockSpec((TB, D), lambda i: (i, 0)),
            pl.BlockSpec((D, E), lambda i: (0, 0)),
            pl.BlockSpec((1, E), lambda i: (0, 0)),
        ],
        out_specs=[
            pl.BlockSpec((SB, 1), lambda i: (i, 0)),
            pl.BlockSpec((SB, 1), lambda i: (i, 0)),
            pl.BlockSpec((SB, 1), lambda i: (i, 0)),
            pl.BlockSpec((1, E), lambda i: (0, 0)),
            pl.BlockSpec((NB, 1), lambda i: (0, 0)),
            pl.BlockSpec((NB, 1), lambda i: (0, 0)),
            pl.BlockSpec((NB, 1), lambda i: (0, 0)),
        ],
        out_shape=[
            jax.ShapeDtypeStruct((S, 1), jnp.int32),
            jax.ShapeDtypeStruct((S, 1), jnp.int32),
            jax.ShapeDtypeStruct((S, 1), jnp.float32),
            jax.ShapeDtypeStruct((1, E), jnp.int32),
            jax.ShapeDtypeStruct((NB, 1), jnp.int32),
            jax.ShapeDtypeStruct((NB, 1), jnp.int32),
            jax.ShapeDtypeStruct((NB, 1), jnp.int32),
        ],
        scratch_shapes=[pltpu.VMEM((1, E), jnp.float32),
                        pltpu.VMEM((SB, SB), jnp.float32)],
        compiler_params=pltpu.CompilerParams(
            dimension_semantics=("arbitrary",)),
    )(inp, Wg, bg.reshape(1, E))


def _scatter_body(idx_hbm, rank_hbm, base_hbm, inp_hbm,
                  xpad_hbm, dest_hbm,
                  idx_v, rank_v, base_v, dest_rows, tok_rows, dest_flat,
                  rows_a, gsem):
    wid = lax.axis_index("s") * NC + lax.axis_index("c")
    slot_base = wid * (S // NW)
    pltpu.sync_copy(idx_hbm.at[pl.ds(slot_base, S // NW)], idx_v)
    pltpu.sync_copy(rank_hbm.at[pl.ds(slot_base, S // NW)], rank_v)
    pltpu.sync_copy(base_hbm.at[pl.ds(0, E)], base_v)
    for i in range(16):
        ev = idx_v[pl.ds(i * LANES, LANES)]
        bv = plsc.load_gather(base_v, [ev])
        dv = bv + rank_v[pl.ds(i * LANES, LANES)]
        sv = slot_base + i * LANES + lax.iota(jnp.int32, LANES)
        tv = (lax.shift_right_logical(sv, SBLOG) * TB
              + jnp.bitwise_and(sv, TB - 1))
        dest_rows[i // 8, pl.ds((i % 8) * LANES, LANES)] = dv
        tok_rows[i // 8, pl.ds((i % 8) * LANES, LANES)] = tv
        dest_flat[pl.ds(i * LANES, LANES)] = dv
    pltpu.sync_copy(dest_flat, dest_hbm.at[pl.ds(slot_base, S // NW)])
    for j in range(2):
        pltpu.async_copy(inp_hbm.at[tok_rows.at[j]], rows_a, gsem).wait()
        pltpu.async_copy(rows_a, xpad_hbm.at[dest_rows.at[j]], gsem).wait()


def _scatter_call(idx_flat, rank_flat, base, inp):
    mesh = plsc.VectorSubcoreMesh(core_axis_name="c", subcore_axis_name="s",
                                  num_cores=NC, num_subcores=NS)
    f = functools.partial(
        pl.kernel,
        out_type=[
            jax.ShapeDtypeStruct((PAD, D), jnp.float32),
            jax.ShapeDtypeStruct((S,), jnp.int32),
        ],
        mesh=mesh,
        scratch_types=[
            pltpu.VMEM((S // NW,), jnp.int32),
            pltpu.VMEM((S // NW,), jnp.int32),
            pltpu.VMEM((E,), jnp.int32),
            pltpu.VMEM((2, SCB), jnp.int32),
            pltpu.VMEM((2, SCB), jnp.int32),
            pltpu.VMEM((S // NW,), jnp.int32),
            pltpu.VMEM((SCB, D), jnp.float32),
            pltpu.SemaphoreType.DMA,
        ],
        compiler_params=pltpu.CompilerParams(needs_layout_passes=False),
    )(_scatter_body)
    return f(idx_flat, rank_flat, base, inp)


def _expert_body(bexp_ref, bvalid_ref, xyblk_ref, x_ref, w_ref, bfull_ref,
                 y_ref):
    i = pl.program_id(0)

    @pl.when(bvalid_ref[i] > 0)
    def _():
        w16 = w_ref[0].astype(jnp.bfloat16)
        b = bfull_ref[pl.ds(bexp_ref[i], 1), :]
        y_ref[...] = jnp.dot(x_ref[...].astype(jnp.bfloat16), w16,
                             preferred_element_type=jnp.float32) + b


def _expert_call(x_pad, We, be2, bexp, bvalid, xyblk):
    grid_spec = pltpu.PrefetchScalarGridSpec(
        num_scalar_prefetch=3,
        grid=(NB,),
        in_specs=[
            pl.BlockSpec((BLK, D), lambda i, be_r, bv_r, xy_r: (xy_r[i], 0)),
            pl.BlockSpec((1, D, D), lambda i, be_r, bv_r, xy_r:
                         (be_r[i], 0, 0)),
            pl.BlockSpec((E, D), lambda i, be_r, bv_r, xy_r: (0, 0)),
        ],
        out_specs=pl.BlockSpec((BLK, D), lambda i, be_r, bv_r, xy_r:
                               (xy_r[i], 0)),
    )
    return pl.pallas_call(
        _expert_body,
        grid_spec=grid_spec,
        out_shape=jax.ShapeDtypeStruct((PAD, D), jnp.float32),
        compiler_params=pltpu.CompilerParams(
            dimension_semantics=("arbitrary",)),
    )(bexp, bvalid, xyblk, x_pad, We, be2)


CHT = 64


def _gather_body(dest_hbm, score_hbm, ypad_hbm, out_hbm,
                 d0_v, d1_v, s0_v, s1_v, y0buf, y1buf, sem):
    wid = lax.axis_index("s") * NC + lax.axis_index("c")
    tn = T // NW
    tok_base = wid * tn
    gb = tok_base // TB
    r0 = tok_base - gb * TB
    s0_base = gb * SB + r0
    pltpu.sync_copy(dest_hbm.at[pl.ds(s0_base, tn)], d0_v)
    pltpu.sync_copy(dest_hbm.at[pl.ds(s0_base + TB, tn)], d1_v)
    pltpu.sync_copy(score_hbm.at[pl.ds(s0_base, tn)], s0_v)
    pltpu.sync_copy(score_hbm.at[pl.ds(s0_base + TB, tn)], s1_v)
    for c in range(tn // CHT):
        pltpu.async_copy(ypad_hbm.at[d0_v.at[pl.ds(c * CHT, CHT)]],
                         y0buf, sem).wait()
        pltpu.async_copy(ypad_hbm.at[d1_v.at[pl.ds(c * CHT, CHT)]],
                         y1buf, sem).wait()

        def fma(j, _, c=c):
            jj = c * CHT + j
            idxv = jnp.full((LANES,), 0, jnp.int32) + jj
            s0b = plsc.load_gather(s0_v, [idxv])
            s1b = plsc.load_gather(s1_v, [idxv])
            for k in range(D // LANES):
                a = y0buf[j, pl.ds(k * LANES, LANES)]
                b = y1buf[j, pl.ds(k * LANES, LANES)]
                y0buf[j, pl.ds(k * LANES, LANES)] = a * s0b + b * s1b
            return 0

        lax.fori_loop(0, CHT, fma, 0)
        pltpu.sync_copy(y0buf, out_hbm.at[pl.ds(tok_base + c * CHT, CHT)])


def _gather_call(dest, score_flat, y_pad):
    mesh = plsc.VectorSubcoreMesh(core_axis_name="c", subcore_axis_name="s",
                                  num_cores=NC, num_subcores=NS)
    f = functools.partial(
        pl.kernel,
        out_type=jax.ShapeDtypeStruct((T, D), jnp.float32),
        mesh=mesh,
        scratch_types=[
            pltpu.VMEM((T // NW,), jnp.int32),
            pltpu.VMEM((T // NW,), jnp.int32),
            pltpu.VMEM((T // NW,), jnp.float32),
            pltpu.VMEM((T // NW,), jnp.float32),
            pltpu.VMEM((CHT, D), jnp.float32),
            pltpu.VMEM((CHT, D), jnp.float32),
            pltpu.SemaphoreType.DMA,
        ],
        compiler_params=pltpu.CompilerParams(needs_layout_passes=False),
    )(_gather_body)
    return f(dest, score_flat, y_pad)


def kernel(inp, Wg, bg, We, be):
    (idx_col, rank_col, score_col, base_row,
     bexp_col, bvalid_col, xyblk_col) = _gate_call(inp, Wg, bg)

    idx_flat = idx_col.reshape(S)
    rank_flat = rank_col.reshape(S)
    x_pad, dest = _scatter_call(idx_flat, rank_flat, base_row.reshape(E), inp)

    y_pad = _expert_call(x_pad, We, be, bexp_col.reshape(NB),
                         bvalid_col.reshape(NB), xyblk_col.reshape(NB))

    return _gather_call(dest, score_col.reshape(S), y_pad)

# --- scband reference (transcript-rebuilt; emitter-appended) ---
"""Pipeline reference for scband-fmo-e-2834678415367 (READ-ONLY COPY).

The authoritative reference and input builder live on the scoring server;
editing this copy changes nothing except your own understanding.
"""

import jax, jax.numpy as jnp
import numpy as np

NUM_EXPERT = 64
D_MODEL = 768
TOP_K = 2
TOKENS = 4096
CHUNK = 128


def setup_inputs(seed: int = 0) -> dict:
    key = jax.random.key(seed)
    k1, k2, k3, k4, k5 = jax.random.split(key, 5)
    inp = jax.random.normal(k1, (TOKENS, D_MODEL), dtype=jnp.float32)
    # NaiveGate: single linear layer d_model -> num_expert * world_size
    Wg = jax.random.normal(k2, (D_MODEL, NUM_EXPERT), dtype=jnp.float32) * (1.0 / np.sqrt(D_MODEL))
    bg = jnp.zeros((NUM_EXPERT,), dtype=jnp.float32)
    # per-expert linear d_model -> d_model (expert modules of FMoE)
    We = jax.random.normal(k3, (NUM_EXPERT, D_MODEL, D_MODEL), dtype=jnp.float32) * (1.0 / np.sqrt(D_MODEL))
    be = jax.random.normal(k4, (NUM_EXPERT, D_MODEL), dtype=jnp.float32) * 0.01
    return {"inp": inp, "Wg": Wg, "bg": bg, "We": We, "be": be}


def _expert_apply(x_rep, idx_flat, We, be):
    # Mathematically identical to FMoE's scatter -> per-expert contiguous
    # batched expert_fn -> gather: each token-slot t gets expert idx_flat[t]
    # applied to its features. Computed in chunks to bound the gathered
    # expert-weight working set (gather -> grouped matmul).
    T, d = x_rep.shape
    n_chunks = T // CHUNK
    xr = x_rep.reshape(n_chunks, CHUNK, d)
    ir = idx_flat.reshape(n_chunks, CHUNK)

    def f(args):
        xc, ic = args
        Wc = jnp.take(We, ic, axis=0)  # [CHUNK, d, d] gather of expert weights
        bc = jnp.take(be, ic, axis=0)  # [CHUNK, d]
        return jnp.einsum('cd,cdf->cf', xc, Wc) + bc

    out = jax.lax.map(f, (xr, ir))
    return out.reshape(T, d)


def reference(inp, Wg, bg, We, be):
    # NaiveGate forward
    logits = inp @ Wg + bg                                  # [T, E]
    gate_top_k_val, gate_top_k_idx = jax.lax.top_k(logits, TOP_K)
    gate_score = jax.nn.softmax(gate_top_k_val, axis=-1)    # [T, k]

    # _fmoe_general_global_forward: replicate each token top_k times in
    # (token, k) slot order, dispatch each slot to its expert, apply expert.
    x_rep = jnp.repeat(inp, TOP_K, axis=0)                  # [T*k, d]
    idx_flat = gate_top_k_idx.reshape(-1)                   # [T*k]
    expert_out = _expert_apply(x_rep, idx_flat, We, be)     # [T*k, d]

    # x = bmm(gate_score[T,1,k], fwd[T,k,d]).reshape(-1, d_model)
    expert_out = expert_out.reshape(-1, TOP_K, D_MODEL)
    out = jnp.einsum('tk,tkd->td', gate_score, expert_out)  # [T, d]
    return out

if __name__ == "__main__":
    import jax
    _d = setup_inputs()
    print(jax.jit(kernel)(*tuple(_d.values())))

</pallas_src>

<mosaic_0001>
#map = affine_map<(d0, d1) -> (0)>
#map1 = affine_map<(d0, d1) -> (0, 0)>
module attributes {stable_mosaic.version = 14 : i64} {
  func.func @_scatter_body(%arg0: i32, %arg1: i32, %arg2: memref<8192xi32, #tpu.memory_space<hbm>>, %arg3: memref<8192xi32, #tpu.memory_space<hbm>>, %arg4: memref<64xi32, #tpu.memory_space<hbm>>, %arg5: memref<4096x768xf32, #tpu.memory_space<hbm>>, %arg6: memref<24576x768xf32, #tpu.memory_space<hbm>>, %arg7: memref<8192xi32, #tpu.memory_space<hbm>>, %arg8: memref<256xi32, #tpu.memory_space<vmem>>, %arg9: memref<256xi32, #tpu.memory_space<vmem>>, %arg10: memref<64xi32, #tpu.memory_space<vmem>>, %arg11: memref<2x128xi32, #tpu.memory_space<vmem>>, %arg12: memref<2x128xi32, #tpu.memory_space<vmem>>, %arg13: memref<256xi32, #tpu.memory_space<vmem>>, %arg14: memref<128x768xf32, #tpu.memory_space<vmem>>, %arg15: memref<!tpu.dma_semaphore, #tpu.memory_space<semaphore_mem>>) attributes {dimension_semantics = [#tpu.dimension_semantics<core_parallel>, #tpu.dimension_semantics<subcore_parallel>], iteration_bounds = array<i64: 2, 16>, scalar_prefetch = 0 : i64, scratch_operands = 8 : i64, tpu.core_type = #tpu.core_type<sc_vector_subcore>, window_params = [{transform_indices = #map}, {transform_indices = #map}, {transform_indices = #map}, {transform_indices = #map1}, {transform_indices = #map1}, {transform_indices = #map}]} {
    %mul3A = arith.constant 2 : i32
    %mul3A_0 = arith.muli %arg1, %mul3A : i32
    %add3A = arith.addi %mul3A_0, %arg0 : i32
    %mul3A_1 = arith.constant 256 : i32
    %mul3A_2 = arith.muli %add3A, %mul3A_1 : i32
    "tpu.region"() ({
      %run_scoped3A = tpu.sem_alloc : memref<!tpu.dma_semaphore, #tpu.memory_space<semaphore_mem>>
      %dma_start3A_547 = tpu.memref_slice %arg2[%mul3A_2] : memref<8192xi32, #tpu.memory_space<hbm>> -> memref<256xi32, #tpu.memory_space<hbm>>
      %dma_start3A_548 = tpu.memref_slice %arg2[%mul3A_2] : memref<8192xi32, #tpu.memory_space<hbm>> -> memref<256xi32, #tpu.memory_space<hbm>>
      tpu.enqueue_dma source(%dma_start3A_548 : memref<256xi32, #tpu.memory_space<hbm>>) target(%arg8 : memref<256xi32, #tpu.memory_space<vmem>>) target_semaphore(%run_scoped3A : memref<!tpu.dma_semaphore, #tpu.memory_space<semaphore_mem>>)
      %dma_wait3A_549 = tpu.memref_slice %arg2[%mul3A_2] : memref<8192xi32, #tpu.memory_space<hbm>> -> memref<256xi32, #tpu.memory_space<hbm>>
      %dma_wait3A_550 = tpu.memref_slice %arg2[%mul3A_2] : memref<8192xi32, #tpu.memory_space<hbm>> -> memref<256xi32, #tpu.memory_space<hbm>>
      tpu.wait_dma2 semaphore(%run_scoped3A : memref<!tpu.dma_semaphore, #tpu.memory_space<semaphore_mem>>) src(%dma_wait3A_550 : memref<256xi32, #tpu.memory_space<hbm>>) dst(%arg8 : memref<256xi32, #tpu.memory_space<vmem>>)
      tpu.yield
    }) : () -> ()
    "tpu.region"() ({
      %run_scoped3A = tpu.sem_alloc : memref<!tpu.dma_semaphore, #tpu.memory_space<semaphore_mem>>
      %dma_start3A_547 = tpu.memref_slice %arg3[%mul3A_2] : memref<8192xi32, #tpu.memory_space<hbm>> -> memref<256xi32, #tpu.memory_space<hbm>>
      %dma_start3A_548 = tpu.memref_slice %arg3[%mul3A_2] : memref<8192xi32, #tpu.memory_space<hbm>> -> memref<256xi32, #tpu.memory_space<hbm>>
      tpu.enqueue_dma source(%dma_start3A_548 : memref<256xi32, #tpu.memory_space<hbm>>) target(%arg9 : memref<256xi32, #tpu.memory_space<vmem>>) target_semaphore(%run_scoped3A : memref<!tpu.dma_semaphore, #tpu.memory_space<semaphore_mem>>)
      %dma_wait3A_549 = tpu.memref_slice %arg3[%mul3A_2] : memref<8192xi32, #tpu.memory_space<hbm>> -> memref<256xi32, #tpu.memory_space<hbm>>
      %dma_wait3A_550 = tpu.memref_slice %arg3[%mul3A_2] : memref<8192xi32, #tpu.memory_space<hbm>> -> memref<256xi32, #tpu.memory_space<hbm>>
      tpu.wait_dma2 semaphore(%run_scoped3A : memref<!tpu.dma_semaphore, #tpu.memory_space<semaphore_mem>>) src(%dma_wait3A_550 : memref<256xi32, #tpu.memory_space<hbm>>) dst(%arg9 : memref<256xi32, #tpu.memory_space<vmem>>)
      tpu.yield
    }) : () -> ()
    "tpu.region"() ({
      %run_scoped3A = tpu.sem_alloc : memref<!tpu.dma_semaphore, #tpu.memory_space<semaphore_mem>>
      %dma_start3A_547 = arith.constant 0 : i32
      %dma_start3A_548 = tpu.memref_slice %arg4[%dma_start3A_547] : memref<64xi32, #tpu.memory_space<hbm>> -> memref<64xi32, #tpu.memory_space<hbm>>
      %dma_start3A_549 = arith.constant 0 : i32
      %dma_start3A_550 = tpu.memref_slice %arg4[%dma_start3A_549] : memref<64xi32, #tpu.memory_space<hbm>> -> memref<64xi32, #tpu.memory_space<hbm>>
      tpu.enqueue_dma source(%dma_start3A_550 : memref<64xi32, #tpu.memory_space<hbm>>) target(%arg10 : memref<64xi32, #tpu.memory_space<vmem>>) target_semaphore(%run_scoped3A : memref<!tpu.dma_semaphore, #tpu.memory_space<semaphore_mem>>)
      %dma_wait3A_551 = arith.constant 0 : i32
      %dma_wait3A_552 = tpu.memref_slice %arg4[%dma_wait3A_551] : memref<64xi32, #tpu.memory_space<hbm>> -> memref<64xi32, #tpu.memory_space<hbm>>
      %dma_wait3A_553 = arith.constant 0 : i32
      %dma_wait3A_554 = tpu.memref_slice %arg4[%dma_wait3A_553] : memref<64xi32, #tpu.memory_space<hbm>> -> memref<64xi32, #tpu.memory_space<hbm>>
      tpu.wait_dma2 semaphore(%run_scoped3A : memref<!tpu.dma_semaphore, #tpu.memory_space<semaphore_mem>>) src(%dma_wait3A_554 : memref<64xi32, #tpu.memory_space<hbm>>) dst(%arg10 : memref<64xi32, #tpu.memory_space<vmem>>)
      tpu.yield
    }) : () -> ()
    %get3A = arith.constant 0 : index
    %get3A_3 = tpu.vector_load %arg8[%get3A] {strides = array<i32>} : memref<256xi32, #tpu.memory_space<vmem>>, vector<16xi32>,
    %gather3A = tpu.vector_load_idx %arg10[%get3A_3] : memref<64xi32, #tpu.memory_space<vmem>>[vector<16xi32>], vector<16xi32>,
    %get3A_4 = arith.constant 0 : index
    %get3A_5 = tpu.vector_load %arg9[%get3A_4] {strides = array<i32>} : memref<256xi32, #tpu.memory_space<vmem>>, vector<16xi32>,
    %add3A_6 = arith.addi %gather3A, %get3A_5 : vector<16xi32>
    %add3A_7 = arith.constant 0 : i32
    %add3A_8 = arith.addi %mul3A_2, %add3A_7 : i32
    %iota3A = tpu.iota {dimensions = array<i32: 0>} : vector<16xi32>
    %add3A_9 = vector.broadcast %add3A_8 : i32 to vector<16xi32>
    %add3A_10 = arith.addi %add3A_9, %iota3A : vector<16xi32>
    %shift_right_logical3A = arith.constant 10 : i32
    %shift_right_logical3A_11 = vector.broadcast %shift_right_logical3A : i32 to vector<16xi32>
    %shift_right_logical3A_12 = arith.shrui %add3A_10, %shift_right_logical3A_11 : vector<16xi32>
    %mul3A_13 = arith.constant 512 : i32
    %mul3A_14 = vector.broadcast %mul3A_13 : i32 to vector<16xi32>
    %mul3A_15 = arith.muli %shift_right_logical3A_12, %mul3A_14 : vector<16xi32>
    %and3A = arith.constant 511 : i32
    %and3A_16 = vector.broadcast %and3A : i32 to vector<16xi32>
    %and3A_17 = arith.andi %add3A_10, %and3A_16 : vector<16xi32>
    %add3A_18 = arith.addi %mul3A_15, %and3A_17 : vector<16xi32>
    %swap3A = arith.constant 0 : i32
    %swap3A_19 = arith.index_cast %swap3A : i32 to index
    %swap3A_20 = arith.constant 0 : index
    %swap3A_21 = tpu.vector_load %arg11[%swap3A_19, %swap3A_20] {strides = array<i32>} : memref<2x128xi32, #tpu.memory_space<vmem>>, vector<16xi32>,
    tpu.vector_store %arg11[%swap3A_19, %swap3A_20], %add3A_6 {strides = array<i32>} : memref<2x128xi32, #tpu.memory_space<vmem>>, vector<16xi32>,
    %swap3A_22 = arith.constant 0 : i32
    %swap3A_23 = arith.index_cast %swap3A_22 : i32 to index
    %swap3A_24 = arith.constant 0 : index
    %swap3A_25 = tpu.vector_load %arg12[%swap3A_23, %swap3A_24] {strides = array<i32>} : memref<2x128xi32, #tpu.memory_space<vmem>>, vector<16xi32>,
    tpu.vector_store %arg12[%swap3A_23, %swap3A_24], %add3A_18 {strides = array<i32>} : memref<2x128xi32, #tpu.memory_space<vmem>>, vector<16xi32>,
    %swap3A_26 = arith.constant 0 : index
    %swap3A_27 = tpu.vector_load %arg13[%swap3A_26] {strides = array<i32>} : memref<256xi32, #tpu.memory_space<vmem>>, vector<16xi32>,
    tpu.vector_store %arg13[%swap3A_26], %add3A_6 {strides = array<i32>} : memref<256xi32, #tpu.memory_space<vmem>>, vector<16xi32>,
    %get3A_28 = arith.constant 16 : index
    %get3A_29 = tpu.vector_load %arg8[%get3A_28] {strides = array<i32>} : memref<256xi32, #tpu.memory_space<vmem>>, vector<16xi32>,
    %gather3A_30 = tpu.vector_load_idx %arg10[%get3A_29] : memref<64xi32, #tpu.memory_space<vmem>>[vector<16xi32>], vector<16xi32>,
    %get3A_31 = arith.constant 16 : index
    %get3A_32 = tpu.vector_load %arg9[%get3A_31] {strides = array<i32>} : memref<256xi32, #tpu.memory_space<vmem>>, vector<16xi32>,
    %add3A_33 = arith.addi %gather3A_30, %get3A_32 : vector<16xi32>
    %add3A_34 = arith.constant 16 : i32
    %add3A_35 = arith.addi %mul3A_2, %add3A_34 : i32
    %iota3A_36 = tpu.iota {dimensions = array<i32: 0>} : vector<16xi32>
    %add3A_37 = vector.broadcast %add3A_35 : i32 to vector<16xi32>
    %add3A_38 = arith.addi %add3A_37, %iota3A_36 : vector<16xi32>
    %shift_right_logical3A_39 = arith.constant 10 : i32
    %shift_right_logical3A_40 = vector.broadcast %shift_right_logical3A_39 : i32 to vector<16xi32>
    %shift_right_logical3A_41 = arith.shrui %add3A_38, %shift_right_logical3A_40 : vector<16xi32>
    %mul3A_42 = arith.constant 512 : i32
    %mul3A_43 = vector.broadcast %mul3A_42 : i32 to vector<16xi32>
    %mul3A_44 = arith.muli %shift_right_logical3A_41, %mul3A_43 : vector<16xi32>
    %and3A_45 = arith.constant 511 : i32
    %and3A_46 = vector.broadcast %and3A_45 : i32 to vector<16xi32>
    %and3A_47 = arith.andi %add3A_38, %and3A_46 : vector<16xi32>
    %add3A_48 = arith.addi %mul3A_44, %and3A_47 : vector<16xi32>
    %swap3A_49 = arith.constant 0 : i32
    %swap3A_50 = arith.index_cast %swap3A_49 : i32 to index
    %swap3A_51 = arith.constant 16 : index
    %swap3A_52 = tpu.vector_load %arg11[%swap3A_50, %swap3A_51] {strides = array<i32>} : memref<2x128xi32, #tpu.memory_space<vmem>>, vector<16xi32>,
    tpu.vector_store %arg11[%swap3A_50, %swap3A_51], %add3A_33 {strides = array<i32>} : memref<2x128xi32, #tpu.memory_space<vmem>>, vector<16xi32>,
    %swap3A_53 = arith.constant 0 : i32
    %swap3A_54 = arith.index_cast %swap3A_53 : i32 to index
    %swap3A_55 = arith.constant 16 : index
    %swap3A_56 = tpu.vector_load %arg12[%swap3A_54, %swap3A_55] {strides = array<i32>} : memref<2x128xi32, #tpu.memory_space<vmem>>, vector<16xi32>,
    tpu.vector_store %arg12[%swap3A_54, %swap3A_55], %add3A_48 {strides = array<i32>} : memref<2x128xi32, #tpu.memory_space<vmem>>, vector<16xi32>,
    %swap3A_57 = arith.constant 16 : index
    %swap3A_58 = tpu.vector_load %arg13[%swap3A_57] {strides = array<i32>} : memref<256xi32, #tpu.memory_space<vmem>>, vector<16xi32>,
    tpu.vector_store %arg13[%swap3A_57], %add3A_33 {strides = array<i32>} : memref<256xi32, #tpu.memory_space<vmem>>, vector<16xi32>,
    %get3A_59 = arith.constant 32 : index
    %get3A_60 = tpu.vector_load %arg8[%get3A_59] {strides = array<i32>} : memref<256xi32, #tpu.memory_space<vmem>>, vector<16xi32>,
    %gather3A_61 = tpu.vector_load_idx %arg10[%get3A_60] : memref<64xi32, #tpu.memory_space<vmem>>[vector<16xi32>], vector<16xi32>,
    %get3A_62 = arith.constant 32 : index
    %get3A_63 = tpu.vector_load %arg9[%get3A_62] {strides = array<i32>} : memref<256xi32, #tpu.memory_space<vmem>>, vector<16xi32>,
    %add3A_64 = arith.addi %gather3A_61, %get3A_63 : vector<16xi32>
    %add3A_65 = arith.constant 32 : i32
    %add3A_66 = arith.addi %mul3A_2, %add3A_65 : i32
    %iota3A_67 = tpu.iota {dimensions = array<i32: 0>} : vector<16xi32>
    %add3A_68 = vector.broadcast %add3A_66 : i32 to vector<16xi32>
    %add3A_69 = arith.addi %add3A_68, %iota3A_67 : vector<16xi32>
    %shift_right_logical3A_70 = arith.constant 10 : i32
    %shift_right_logical3A_71 = vector.broadcast %shift_right_logical3A_70 : i32 to vector<16xi32>
    %shift_right_logical3A_72 = arith.shrui %add3A_69, %shift_right_logical3A_71 : vector<16xi32>
    %mul3A_73 = arith.constant 512 : i32
    %mul3A_74 = vector.broadcast %mul3A_73 : i32 to vector<16xi32>
    %mul3A_75 = arith.muli %shift_right_logical3A_72, %mul3A_74 : vector<16xi32>
    %and3A_76 = arith.constant 511 : i32
    %and3A_77 = vector.broadcast %and3A_76 : i32 to vector<16xi32>
    %and3A_78 = arith.andi %add3A_69, %and3A_77 : vector<16xi32>
    %add3A_79 = arith.addi %mul3A_75, %and3A_78 : vector<16xi32>
    %swap3A_80 = arith.constant 0 : i32
    %swap3A_81 = arith.index_cast %swap3A_80 : i32 to index
    %swap3A_82 = arith.constant 32 : index
    %swap3A_83 = tpu.vector_load %arg11[%swap3A_81, %swap3A_82] {strides = array<i32>} : memref<2x128xi32, #tpu.memory_space<vmem>>, vector<16xi32>,
    tpu.vector_store %arg11[%swap3A_81, %swap3A_82], %add3A_64 {strides = array<i32>} : memref<2x128xi32, #tpu.memory_space<vmem>>, vector<16xi32>,
    %swap3A_84 = arith.constant 0 : i32
    %swap3A_85 = arith.index_cast %swap3A_84 : i32 to index
    %swap3A_86 = arith.constant 32 : index
    %swap3A_87 = tpu.vector_load %arg12[%swap3A_85, %swap3A_86] {strides = array<i32>} : memref<2x128xi32, #tpu.memory_space<vmem>>, vector<16xi32>,
    tpu.vector_store %arg12[%swap3A_85, %swap3A_86], %add3A_79 {strides = array<i32>} : memref<2x128xi32, #tpu.memory_space<vmem>>, vector<16xi32>,
    %swap3A_88 = arith.constant 32 : index
    %swap3A_89 = tpu.vector_load %arg13[%swap3A_88] {strides = array<i32>} : memref<256xi32, #tpu.memory_space<vmem>>, vector<16xi32>,
    tpu.vector_store %arg13[%swap3A_88], %add3A_64 {strides = array<i32>} : memref<256xi32, #tpu.memory_space<vmem>>, vector<16xi32>,
    %get3A_90 = arith.constant 48 : index
    %get3A_91 = tpu.vector_load %arg8[%get3A_90] {strides = array<i32>} : memref<256xi32, #tpu.memory_space<vmem>>, vector<16xi32>,
    %gather3A_92 = tpu.vector_load_idx %arg10[%get3A_91] : memref<64xi32, #tpu.memory_space<vmem>>[vector<16xi32>], vector<16xi32>,
    %get3A_93 = arith.constant 48 : index
    %get3A_94 = tpu.vector_load %arg9[%get3A_93] {strides = array<i32>} : memref<256xi32, #tpu.memory_space<vmem>>, vector<16xi32>,
    %add3A_95 = arith.addi %gather3A_92, %get3A_94 : vector<16xi32>
    %add3A_96 = arith.constant 48 : i32
    %add3A_97 = arith.addi %mul3A_2, %add3A_96 : i32
    %iota3A_98 = tpu.iota {dimensions = array<i32: 0>} : vector<16xi32>
    %add3A_99 = vector.broadcast %add3A_97 : i32 to vector<16xi32>
    %add3A_100 = arith.addi %add3A_99, %iota3A_98 : vector<16xi32>
    %shift_right_logical3A_101 = arith.constant 10 : i32
    %shift_right_logical3A_102 = vector.broadcast %shift_right_logical3A_101 : i32 to vector<16xi32>
    %shift_right_logical3A_103 = arith.shrui %add3A_100, %shift_right_logical3A_102 : vector<16xi32>
    %mul3A_104 = arith.constant 512 : i32
    %mul3A_105 = vector.broadcast %mul3A_104 : i32 to vector<16xi32>
    %mul3A_106 = arith.muli %shift_right_logical3A_103, %mul3A_105 : vector<16xi32>
    %and3A_107 = arith.constant 511 : i32
    %and3A_108 = vector.broadcast %and3A_107 : i32 to vector<16xi32>
    %and3A_109 = arith.andi %add3A_100, %and3A_108 : vector<16xi32>
    %add3A_110 = arith.addi %mul3A_106, %and3A_109 : vector<16xi32>
    %swap3A_111 = arith.constant 0 : i32
    %swap3A_112 = arith.index_cast %swap3A_111 : i32 to index
    %swap3A_113 = arith.constant 48 : index
    %swap3A_114 = tpu.vector_load %arg11[%swap3A_112, %swap3A_113] {strides = array<i32>} : memref<2x128xi32, #tpu.memory_space<vmem>>, vector<16xi32>,
    tpu.vector_store %arg11[%swap3A_112, %swap3A_113], %add3A_95 {strides = array<i32>} : memref<2x128xi32, #tpu.memory_space<vmem>>, vector<16xi32>,
    %swap3A_115 = arith.constant 0 : i32
    %swap3A_116 = arith.index_cast %swap3A_115 : i32 to index
    %swap3A_117 = arith.constant 48 : index
    %swap3A_118 = tpu.vector_load %arg12[%swap3A_116, %swap3A_117] {strides = array<i32>} : memref<2x128xi32, #tpu.memory_space<vmem>>, vector<16xi32>,
    tpu.vector_store %arg12[%swap3A_116, %swap3A_117], %add3A_110 {strides = array<i32>} : memref<2x128xi32, #tpu.memory_space<vmem>>, vector<16xi32>,
    %swap3A_119 = arith.constant 48 : index
    %swap3A_120 = tpu.vector_load %arg13[%swap3A_119] {strides = array<i32>} : memref<256xi32, #tpu.memory_space<vmem>>, vector<16xi32>,
    tpu.vector_store %arg13[%swap3A_119], %add3A_95 {strides = array<i32>} : memref<256xi32, #tpu.memory_space<vmem>>, vector<16xi32>,
    %get3A_121 = arith.constant 64 : index
    %get3A_122 = tpu.vector_load %arg8[%get3A_121] {strides = array<i32>} : memref<256xi32, #tpu.memory_space<vmem>>, vector<16xi32>,
    %gather3A_123 = tpu.vector_load_idx %arg10[%get3A_122] : memref<64xi32, #tpu.memory_space<vmem>>[vector<16xi32>], vector<16xi32>,
    %get3A_124 = arith.constant 64 : index
    %get3A_125 = tpu.vector_load %arg9[%get3A_124] {strides = array<i32>} : memref<256xi32, #tpu.memory_space<vmem>>, vector<16xi32>,
    %add3A_126 = arith.addi %gather3A_123, %get3A_125 : vector<16xi32>
    %add3A_127 = arith.constant 64 : i32
    %add3A_128 = arith.addi %mul3A_2, %add3A_127 : i32
    %iota3A_129 = tpu.iota {dimensions = array<i32: 0>} : vector<16xi32>
    %add3A_130 = vector.broadcast %add3A_128 : i32 to vector<16xi32>
    %add3A_131 = arith.addi %add3A_130, %iota3A_129 : vector<16xi32>
    %shift_right_logical3A_132 = arith.constant 10 : i32
    %shift_right_logical3A_133 = vector.broadcast %shift_right_logical3A_132 : i32 to vector<16xi32>
    %shift_right_logical3A_134 = arith.shrui %add3A_131, %shift_right_logical3A_133 : vector<16xi32>
    %mul3A_135 = arith.constant 512 : i32
    %mul3A_136 = vector.broadcast %mul3A_135 : i32 to vector<16xi32>
    %mul3A_137 = arith.muli %shift_right_logical3A_134, %mul3A_136 : vector<16xi32>
    %and3A_138 = arith.constant 511 : i32
    %and3A_139 = vector.broadcast %and3A_138 : i32 to vector<16xi32>
    %and3A_140 = arith.andi %add3A_131, %and3A_139 : vector<16xi32>
    %add3A_141 = arith.addi %mul3A_137, %and3A_140 : vector<16xi32>
    %swap3A_142 = arith.constant 0 : i32
    %swap3A_143 = arith.index_cast %swap3A_142 : i32 to index
    %swap3A_144 = arith.constant 64 : index
    %swap3A_145 = tpu.vector_load %arg11[%swap3A_143, %swap3A_144] {strides = array<i32>} : memref<2x128xi32, #tpu.memory_space<vmem>>, vector<16xi32>,
    tpu.vector_store %arg11[%swap3A_143, %swap3A_144], %add3A_126 {strides = array<i32>} : memref<2x128xi32, #tpu.memory_space<vmem>>, vector<16xi32>,
    %swap3A_146 = arith.constant 0 : i32
    %swap3A_147 = arith.index_cast %swap3A_146 : i32 to index
    %swap3A_148 = arith.constant 64 : index
    %swap3A_149 = tpu.vector_load %arg12[%swap3A_147, %swap3A_148] {strides = array<i32>} : memref<2x128xi32, #tpu.memory_space<vmem>>, vector<16xi32>,
    tpu.vector_store %arg12[%swap3A_147, %swap3A_148], %add3A_141 {strides = array<i32>} : memref<2x128xi32, #tpu.memory_space<vmem>>, vector<16xi32>,
    %swap3A_150 = arith.constant 64 : index
    %swap3A_151 = tpu.vector_load %arg13[%swap3A_150] {strides = array<i32>} : memref<256xi32, #tpu.memory_space<vmem>>, vector<16xi32>,
    tpu.vector_store %arg13[%swap3A_150], %add3A_126 {strides = array<i32>} : memref<256xi32, #tpu.memory_space<vmem>>, vector<16xi32>,
    %get3A_152 = arith.constant 80 : index
    %get3A_153 = tpu.vector_load %arg8[%get3A_152] {strides = array<i32>} : memref<256xi32, #tpu.memory_space<vmem>>, vector<16xi32>,
    %gather3A_154 = tpu.vector_load_idx %arg10[%get3A_153] : memref<64xi32, #tpu.memory_space<vmem>>[vector<16xi32>], vector<16xi32>,
    %get3A_155 = arith.constant 80 : index
    %get3A_156 = tpu.vector_load %arg9[%get3A_155] {strides = array<i32>} : memref<256xi32, #tpu.memory_space<vmem>>, vector<16xi32>,
    %add3A_157 = arith.addi %gather3A_154, %get3A_156 : vector<16xi32>
    %add3A_158 = arith.constant 80 : i32
    %add3A_159 = arith.addi %mul3A_2, %add3A_158 : i32
    %iota3A_160 = tpu.iota {dimensions = array<i32: 0>} : vector<16xi32>
    %add3A_161 = vector.broadcast %add3A_159 : i32 to vector<16xi32>
    %add3A_162 = arith.addi %add3A_161, %iota3A_160 : vector<16xi32>
    %shift_right_logical3A_163 = arith.constant 10 : i32
    %shift_right_logical3A_164 = vector.broadcast %shift_right_logical3A_163 : i32 to vector<16xi32>
    %shift_right_logical3A_165 = arith.shrui %add3A_162, %shift_right_logical3A_164 : vector<16xi32>
    %mul3A_166 = arith.constant 512 : i32
    %mul3A_167 = vector.broadcast %mul3A_166 : i32 to vector<16xi32>
    %mul3A_168 = arith.muli %shift_right_logical3A_165, %mul3A_167 : vector<16xi32>
    %and3A_169 = arith.constant 511 : i32
    %and3A_170 = vector.broadcast %and3A_169 : i32 to vector<16xi32>
    %and3A_171 = arith.andi %add3A_162, %and3A_170 : vector<16xi32>
    %add3A_172 = arith.addi %mul3A_168, %and3A_171 : vector<16xi32>
    %swap3A_173 = arith.constant 0 : i32
    %swap3A_174 = arith.index_cast %swap3A_173 : i32 to index
    %swap3A_175 = arith.constant 80 : index
    %swap3A_176 = tpu.vector_load %arg11[%swap3A_174, %swap3A_175] {strides = array<i32>} : memref<2x128xi32, #tpu.memory_space<vmem>>, vector<16xi32>,
    tpu.vector_store %arg11[%swap3A_174, %swap3A_175], %add3A_157 {strides = array<i32>} : memref<2x128xi32, #tpu.memory_space<vmem>>, vector<16xi32>,
    %swap3A_177 = arith.constant 0 : i32
    %swap3A_178 = arith.index_cast %swap3A_177 : i32 to index
    %swap3A_179 = arith.constant 80 : index
    %swap3A_180 = tpu.vector_load %arg12[%swap3A_178, %swap3A_179] {strides = array<i32>} : memref<2x128xi32, #tpu.memory_space<vmem>>, vector<16xi32>,
    tpu.vector_store %arg12[%swap3A_178, %swap3A_179], %add3A_172 {strides = array<i32>} : memref<2x128xi32, #tpu.memory_space<vmem>>, vector<16xi32>,
    %swap3A_181 = arith.constant 80 : index
    %swap3A_182 = tpu.vector_load %arg13[%swap3A_181] {strides = array<i32>} : memref<256xi32, #tpu.memory_space<vmem>>, vector<16xi32>,
    tpu.vector_store %arg13[%swap3A_181], %add3A_157 {strides = array<i32>} : memref<256xi32, #tpu.memory_space<vmem>>, vector<16xi32>,
    %get3A_183 = arith.constant 96 : index
    %get3A_184 = tpu.vector_load %arg8[%get3A_183] {strides = array<i32>} : memref<256xi32, #tpu.memory_space<vmem>>, vector<16xi32>,
    %gather3A_185 = tpu.vector_load_idx %arg10[%get3A_184] : memref<64xi32, #tpu.memory_space<vmem>>[vector<16xi32>], vector<16xi32>,
    %get3A_186 = arith.constant 96 : index
    %get3A_187 = tpu.vector_load %arg9[%get3A_186] {strides = array<i32>} : memref<256xi32, #tpu.memory_space<vmem>>, vector<16xi32>,
    %add3A_188 = arith.addi %gather3A_185, %get3A_187 : vector<16xi32>
    %add3A_189 = arith.constant 96 : i32
    %add3A_190 = arith.addi %mul3A_2, %add3A_189 : i32
    %iota3A_191 = tpu.iota {dimensions = array<i32: 0>} : vector<16xi32>
    %add3A_192 = vector.broadcast %add3A_190 : i32 to vector<16xi32>
    %add3A_193 = arith.addi %add3A_192, %iota3A_191 : vector<16xi32>
    %shift_right_logical3A_194 = arith.constant 10 : i32
    %shift_right_logical3A_195 = vector.broadcast %shift_right_logical3A_194 : i32 to vector<16xi32>
    %shift_right_logical3A_196 = arith.shrui %add3A_193, %shift_right_logical3A_195 : vector<16xi32>
    %mul3A_197 = arith.constant 512 : i32
    %mul3A_198 = vector.broadcast %mul3A_197 : i32 to vector<16xi32>
    %mul3A_199 = arith.muli %shift_right_logical3A_196, %mul3A_198 : vector<16xi32>
    %and3A_200 = arith.constant 511 : i32
    %and3A_201 = vector.broadcast %and3A_200 : i32 to vector<16xi32>
    %and3A_202 = arith.andi %add3A_193, %and3A_201 : vector<16xi32>
    %add3A_203 = arith.addi %mul3A_199, %and3A_202 : vector<16xi32>
    %swap3A_204 = arith.constant 0 : i32
    %swap3A_205 = arith.index_cast %swap3A_204 : i32 to index
    %swap3A_206 = arith.constant 96 : index
    %swap3A_207 = tpu.vector_load %arg11[%swap3A_205, %swap3A_206] {strides = array<i32>} : memref<2x128xi32, #tpu.memory_space<vmem>>, vector<16xi32>,
    tpu.vector_store %arg11[%swap3A_205, %swap3A_206], %add3A_188 {strides = array<i32>} : memref<2x128xi32, #tpu.memory_space<vmem>>, vector<16xi32>,
    %swap3A_208 = arith.constant 0 : i32
    %swap3A_209 = arith.index_cast %swap3A_208 : i32 to index
    %swap3A_210 = arith.constant 96 : index
    %swap3A_211 = tpu.vector_load %arg12[%swap3A_209, %swap3A_210] {strides = array<i32>} : memref<2x128xi32, #tpu.memory_space<vmem>>, vector<16xi32>,
    tpu.vector_store %arg12[%swap3A_209, %swap3A_210], %add3A_203 {strides = array<i32>} : memref<2x128xi32, #tpu.memory_space<vmem>>, vector<16xi32>,
    %swap3A_212 = arith.constant 96 : index
    %swap3A_213 = tpu.vector_load %arg13[%swap3A_212] {strides = array<i32>} : memref<256xi32, #tpu.memory_space<vmem>>, vector<16xi32>,
    tpu.vector_store %arg13[%swap3A_212], %add3A_188 {strides = array<i32>} : memref<256xi32, #tpu.memory_space<vmem>>, vector<16xi32>,
    %get3A_214 = arith.constant 112 : index
    %get3A_215 = tpu.vector_load %arg8[%get3A_214] {strides = array<i32>} : memref<256xi32, #tpu.memory_space<vmem>>, vector<16xi32>,
    %gather3A_216 = tpu.vector_load_idx %arg10[%get3A_215] : memref<64xi32, #tpu.memory_space<vmem>>[vector<16xi32>], vector<16xi32>,
    %get3A_217 = arith.constant 112 : index
    %get3A_218 = tpu.vector_load %arg9[%get3A_217] {strides = array<i32>} : memref<256xi32, #tpu.memory_space<vmem>>, vector<16xi32>,
    %add3A_219 = arith.addi %gather3A_216, %get3A_218 : vector<16xi32>
    %add3A_220 = arith.constant 112 : i32
    %add3A_221 = arith.addi %mul3A_2, %add3A_220 : i32
    %iota3A_222 = tpu.iota {dimensions = array<i32: 0>} : vector<16xi32>
    %add3A_223 = vector.broadcast %add3A_221 : i32 to vector<16xi32>
    %add3A_224 = arith.addi %add3A_223, %iota3A_222 : vector<16xi32>
    %shift_right_logical3A_225 = arith.constant 10 : i32
    %shift_right_logical3A_226 = vector.broadcast %shift_right_logical3A_225 : i32 to vector<16xi32>
    %shift_right_logical3A_227 = arith.shrui %add3A_224, %shift_right_logical3A_226 : vector<16xi32>
    %mul3A_228 = arith.constant 512 : i32
    %mul3A_229 = vector.broadcast %mul3A_228 : i32 to vector<16xi32>
    %mul3A_230 = arith.muli %shift_right_logical3A_227, %mul3A_229 : vector<16xi32>
    %and3A_231 = arith.constant 511 : i32
    %and3A_232 = vector.broadcast %and3A_231 : i32 to vector<16xi32>
    %and3A_233 = arith.andi %add3A_224, %and3A_232 : vector<16xi32>
    %add3A_234 = arith.addi %mul3A_230, %and3A_233 : vector<16xi32>
    %swap3A_235 = arith.constant 0 : i32
    %swap3A_236 = arith.index_cast %swap3A_235 : i32 to index
    %swap3A_237 = arith.constant 112 : index
    %swap3A_238 = tpu.vector_load %arg11[%swap3A_236, %swap3A_237] {strides = array<i32>} : memref<2x128xi32, #tpu.memory_space<vmem>>, vector<16xi32>,
    tpu.vector_store %arg11[%swap3A_236, %swap3A_237], %add3A_219 {strides = array<i32>} : memref<2x128xi32, #tpu.memory_space<vmem>>, vector<16xi32>,
    %swap3A_239 = arith.constant 0 : i32
    %swap3A_240 = arith.index_cast %swap3A_239 : i32 to index
    %swap3A_241 = arith.constant 112 : index
    %swap3A_242 = tpu.vector_load %arg12[%swap3A_240, %swap3A_241] {strides = array<i32>} : memref<2x128xi32, #tpu.memory_space<vmem>>, vector<16xi32>,
    tpu.vector_store %arg12[%swap3A_240, %swap3A_241], %add3A_234 {strides = array<i32>} : memref<2x128xi32, #tpu.memory_space<vmem>>, vector<16xi32>,
    %swap3A_243 = arith.constant 112 : index
    %swap3A_244 = tpu.vector_load %arg13[%swap3A_243] {strides = array<i32>} : memref<256xi32, #tpu.memory_space<vmem>>, vector<16xi32>,
    tpu.vector_store %arg13[%swap3A_243], %add3A_219 {strides = array<i32>} : memref<256xi32, #tpu.memory_space<vmem>>, vector<16xi32>,
    %get3A_245 = arith.constant 128 : index
    %get3A_246 = tpu.vector_load %arg8[%get3A_245] {strides = array<i32>} : memref<256xi32, #tpu.memory_space<vmem>>, vector<16xi32>,
    %gather3A_247 = tpu.vector_load_idx %arg10[%get3A_246] : memref<64xi32, #tpu.memory_space<vmem>>[vector<16xi32>], vector<16xi32>,
    %get3A_248 = arith.constant 128 : index
    %get3A_249 = tpu.vector_load %arg9[%get3A_248] {strides = array<i32>} : memref<256xi32, #tpu.memory_space<vmem>>, vector<16xi32>,
    %add3A_250 = arith.addi %gather3A_247, %get3A_249 : vector<16xi32>
    %add3A_251 = arith.constant 128 : i32
    %add3A_252 = arith.addi %mul3A_2, %add3A_251 : i32
    %iota3A_253 = tpu.iota {dimensions = array<i32: 0>} : vector<16xi32>
    %add3A_254 = vector.broadcast %add3A_252 : i32 to vector<16xi32>
    %add3A_255 = arith.addi %add3A_254, %iota3A_253 : vector<16xi32>
    %shift_right_logical3A_256 = arith.constant 10 : i32
    %shift_right_logical3A_257 = vector.broadcast %shift_right_logical3A_256 : i32 to vector<16xi32>
    %shift_right_logical3A_258 = arith.shrui %add3A_255, %shift_right_logical3A_257 : vector<16xi32>
    %mul3A_259 = arith.constant 512 : i32
    %mul3A_260 = vector.broadcast %mul3A_259 : i32 to vector<16xi32>
    %mul3A_261 = arith.muli %shift_right_logical3A_258, %mul3A_260 : vector<16xi32>
    %and3A_262 = arith.constant 511 : i32
    %and3A_263 = vector.broadcast %and3A_262 : i32 to vector<16xi32>
    %and3A_264 = arith.andi %add3A_255, %and3A_263 : vector<16xi32>
    %add3A_265 = arith.addi %mul3A_261, %and3A_264 : vector<16xi32>
    %swap3A_266 = arith.constant 1 : i32
    %swap3A_267 = arith.index_cast %swap3A_266 : i32 to index
    %swap3A_268 = arith.constant 0 : index
    %swap3A_269 = tpu.vector_load %arg11[%swap3A_267, %swap3A_268] {strides = array<i32>} : memref<2x128xi32, #tpu.memory_space<vmem>>, vector<16xi32>,
    tpu.vector_store %arg11[%swap3A_267, %swap3A_268], %add3A_250 {strides = array<i32>} : memref<2x128xi32, #tpu.memory_space<vmem>>, vector<16xi32>,
    %swap3A_270 = arith.constant 1 : i32
    %swap3A_271 = arith.index_cast %swap3A_270 : i32 to index
    %swap3A_272 = arith.constant 0 : index
    %swap3A_273 = tpu.vector_load %arg12[%swap3A_271, %swap3A_272] {strides = array<i32>} : memref<2x128xi32, #tpu.memory_space<vmem>>, vector<16xi32>,
    tpu.vector_store %arg12[%swap3A_271, %swap3A_272], %add3A_265 {strides = array<i32>} : memref<2x128xi32, #tpu.memory_space<vmem>>, vector<16xi32>,
    %swap3A_274 = arith.constant 128 : index
    %swap3A_275 = tpu.vector_load %arg13[%swap3A_274] {strides = array<i32>} : memref<256xi32, #tpu.memory_space<vmem>>, vector<16xi32>,
    tpu.vector_store %arg13[%swap3A_274], %add3A_250 {strides = array<i32>} : memref<256xi32, #tpu.memory_space<vmem>>, vector<16xi32>,
    %get3A_276 = arith.constant 144 : index
    %get3A_277 = tpu.vector_load %arg8[%get3A_276] {strides = array<i32>} : memref<256xi32, #tpu.memory_space<vmem>>, vector<16xi32>,
    %gather3A_278 = tpu.vector_load_idx %arg10[%get3A_277] : memref<64xi32, #tpu.memory_space<vmem>>[vector<16xi32>], vector<16xi32>,
    %get3A_279 = arith.constant 144 : index
    %get3A_280 = tpu.vector_load %arg9[%get3A_279] {strides = array<i32>} : memref<256xi32, #tpu.memory_space<vmem>>, vector<16xi32>,
    %add3A_281 = arith.addi %gather3A_278, %get3A_280 : vector<16xi32>
    %add3A_282 = arith.constant 144 : i32
    %add3A_283 = arith.addi %mul3A_2, %add3A_282 : i32
    %iota3A_284 = tpu.iota {dimensions = array<i32: 0>} : vector<16xi32>
    %add3A_285 = vector.broadcast %add3A_283 : i32 to vector<16xi32>
    %add3A_286 = arith.addi %add3A_285, %iota3A_284 : vector<16xi32>
    %shift_right_logical3A_287 = arith.constant 10 : i32
    %shift_right_logical3A_288 = vector.broadcast %shift_right_logical3A_287 : i32 to vector<16xi32>
    %shift_right_logical3A_289 = arith.shrui %add3A_286, %shift_right_logical3A_288 : vector<16xi32>
    %mul3A_290 = arith.constant 512 : i32
    %mul3A_291 = vector.broadcast %mul3A_290 : i32 to vector<16xi32>
    %mul3A_292 = arith.muli %shift_right_logical3A_289, %mul3A_291 : vector<16xi32>
    %and3A_293 = arith.constant 511 : i32
    %and3A_294 = vector.broadcast %and3A_293 : i32 to vector<16xi32>
    %and3A_295 = arith.andi %add3A_286, %and3A_294 : vector<16xi32>
    %add3A_296 = arith.addi %mul3A_292, %and3A_295 : vector<16xi32>
    %swap3A_297 = arith.constant 1 : i32
    %swap3A_298 = arith.index_cast %swap3A_297 : i32 to index
    %swap3A_299 = arith.constant 16 : index
    %swap3A_300 = tpu.vector_load %arg11[%swap3A_298, %swap3A_299] {strides = array<i32>} : memref<2x128xi32, #tpu.memory_space<vmem>>, vector<16xi32>,
    tpu.vector_store %arg11[%swap3A_298, %swap3A_299], %add3A_281 {strides = array<i32>} : memref<2x128xi32, #tpu.memory_space<vmem>>, vector<16xi32>,
    %swap3A_301 = arith.constant 1 : i32
    %swap3A_302 = arith.index_cast %swap3A_301 : i32 to index
    %swap3A_303 = arith.constant 16 : index
    %swap3A_304 = tpu.vector_load %arg12[%swap3A_302, %swap3A_303] {strides = array<i32>} : memref<2x128xi32, #tpu.memory_space<vmem>>, vector<16xi32>,
    tpu.vector_store %arg12[%swap3A_302, %swap3A_303], %add3A_296 {strides = array<i32>} : memref<2x128xi32, #tpu.memory_space<vmem>>, vector<16xi32>,
    %swap3A_305 = arith.constant 144 : index
    %swap3A_306 = tpu.vector_load %arg13[%swap3A_305] {strides = array<i32>} : memref<256xi32, #tpu.memory_space<vmem>>, vector<16xi32>,
    tpu.vector_store %arg13[%swap3A_305], %add3A_281 {strides = array<i32>} : memref<256xi32, #tpu.memory_space<vmem>>, vector<16xi32>,
    %get3A_307 = arith.constant 160 : index
    %get3A_308 = tpu.vector_load %arg8[%get3A_307] {strides = array<i32>} : memref<256xi32, #tpu.memory_space<vmem>>, vector<16xi32>,
    %gather3A_309 = tpu.vector_load_idx %arg10[%get3A_308] : memref<64xi32, #tpu.memory_space<vmem>>[vector<16xi32>], vector<16xi32>,
    %get3A_310 = arith.constant 160 : index
    %get3A_311 = tpu.vector_load %arg9[%get3A_310] {strides = array<i32>} : memref<256xi32, #tpu.memory_space<vmem>>, vector<16xi32>,
    %add3A_312 = arith.addi %gather3A_309, %get3A_311 : vector<16xi32>
    %add3A_313 = arith.constant 160 : i32
    %add3A_314 = arith.addi %mul3A_2, %add3A_313 : i32
    %iota3A_315 = tpu.iota {dimensions = array<i32: 0>} : vector<16xi32>
    %add3A_316 = vector.broadcast %add3A_314 : i32 to vector<16xi32>
    %add3A_317 = arith.addi %add3A_316, %iota3A_315 : vector<16xi32>
    %shift_right_logical3A_318 = arith.constant 10 : i32
    %shift_right_logical3A_319 = vector.broadcast %shift_right_logical3A_318 : i32 to vector<16xi32>
    %shift_right_logical3A_320 = arith.shrui %add3A_317, %shift_right_logical3A_319 : vector<16xi32>
    %mul3A_321 = arith.constant 512 : i32
    %mul3A_322 = vector.broadcast %mul3A_321 : i32 to vector<16xi32>
    %mul3A_323 = arith.muli %shift_right_logical3A_320, %mul3A_322 : vector<16xi32>
    %and3A_324 = arith.constant 511 : i32
    %and3A_325 = vector.broadcast %and3A_324 : i32 to vector<16xi32>
    %and3A_326 = arith.andi %add3A_317, %and3A_325 : vector<16xi32>
    %add3A_327 = arith.addi %mul3A_323, %and3A_326 : vector<16xi32>
    %swap3A_328 = arith.constant 1 : i32
    %swap3A_329 = arith.index_cast %swap3A_328 : i32 to index
    %swap3A_330 = arith.constant 32 : index
    %swap3A_331 = tpu.vector_load %arg11[%swap3A_329, %swap3A_330] {strides = array<i32>} : memref<2x128xi32, #tpu.memory_space<vmem>>, vector<16xi32>,
    tpu.vector_store %arg11[%swap3A_329, %swap3A_330], %add3A_312 {strides = array<i32>} : memref<2x128xi32, #tpu.memory_space<vmem>>, vector<16xi32>,
    %swap3A_332 = arith.constant 1 : i32
    %swap3A_333 = arith.index_cast %swap3A_332 : i32 to index
    %swap3A_334 = arith.constant 32 : index
    %swap3A_335 = tpu.vector_load %arg12[%swap3A_333, %swap3A_334] {strides = array<i32>} : memref<2x128xi32, #tpu.memory_space<vmem>>, vector<16xi32>,
    tpu.vector_store %arg12[%swap3A_333, %swap3A_334], %add3A_327 {strides = array<i32>} : memref<2x128xi32, #tpu.memory_space<vmem>>, vector<16xi32>,
    %swap3A_336 = arith.constant 160 : index
    %swap3A_337 = tpu.vector_load %arg13[%swap3A_336] {strides = array<i32>} : memref<256xi32, #tpu.memory_space<vmem>>, vector<16xi32>,
    tpu.vector_store %arg13[%swap3A_336], %add3A_312 {strides = array<i32>} : memref<256xi32, #tpu.memory_space<vmem>>, vector<16xi32>,
    %get3A_338 = arith.constant 176 : index
    %get3A_339 = tpu.vector_load %arg8[%get3A_338] {strides = array<i32>} : memref<256xi32, #tpu.memory_space<vmem>>, vector<16xi32>,
    %gather3A_340 = tpu.vector_load_idx %arg10[%get3A_339] : memref<64xi32, #tpu.memory_space<vmem>>[vector<16xi32>], vector<16xi32>,
    %get3A_341 = arith.constant 176 : index
    %get3A_342 = tpu.vector_load %arg9[%get3A_341] {strides = array<i32>} : memref<256xi32, #tpu.memory_space<vmem>>, vector<16xi32>,
    %add3A_343 = arith.addi %gather3A_340, %get3A_342 : vector<16xi32>
    %add3A_344 = arith.constant 176 : i32
    %add3A_345 = arith.addi %mul3A_2, %add3A_344 : i32
    %iota3A_346 = tpu.iota {dimensions = array<i32: 0>} : vector<16xi32>
    %add3A_347 = vector.broadcast %add3A_345 : i32 to vector<16xi32>
    %add3A_348 = arith.addi %add3A_347, %iota3A_346 : vector<16xi32>
    %shift_right_logical3A_349 = arith.constant 10 : i32
    %shift_right_logical3A_350 = vector.broadcast %shift_right_logical3A_349 : i32 to vector<16xi32>
    %shift_right_logical3A_351 = arith.shrui %add3A_348, %shift_right_logical3A_350 : vector<16xi32>
    %mul3A_352 = arith.constant 512 : i32
    %mul3A_353 = vector.broadcast %mul3A_352 : i32 to vector<16xi32>
    %mul3A_354 = arith.muli %shift_right_logical3A_351, %mul3A_353 : vector<16xi32>
    %and3A_355 = arith.constant 511 : i32
    %and3A_356 = vector.broadcast %and3A_355 : i32 to vector<16xi32>
    %and3A_357 = arith.andi %add3A_348, %and3A_356 : vector<16xi32>
    %add3A_358 = arith.addi %mul3A_354, %and3A_357 : vector<16xi32>
    %swap3A_359 = arith.constant 1 : i32
    %swap3A_360 = arith.index_cast %swap3A_359 : i32 to index
    %swap3A_361 = arith.constant 48 : index
    %swap3A_362 = tpu.vector_load %arg11[%swap3A_360, %swap3A_361] {strides = array<i32>} : memref<2x128xi32, #tpu.memory_space<vmem>>, vector<16xi32>,
    tpu.vector_store %arg11[%swap3A_360, %swap3A_361], %add3A_343 {strides = array<i32>} : memref<2x128xi32, #tpu.memory_space<vmem>>, vector<16xi32>,
    %swap3A_363 = arith.constant 1 : i32
    %swap3A_364 = arith.index_cast %swap3A_363 : i32 to index
    %swap3A_365 = arith.constant 48 : index
    %swap3A_366 = tpu.vector_load %arg12[%swap3A_364, %swap3A_365] {strides = array<i32>} : memref<2x128xi32, #tpu.memory_space<vmem>>, vector<16xi32>,
    tpu.vector_store %arg12[%swap3A_364, %swap3A_365], %add3A_358 {strides = array<i32>} : memref<2x128xi32, #tpu.memory_space<vmem>>, vector<16xi32>,
    %swap3A_367 = arith.constant 176 : index
    %swap3A_368 = tpu.vector_load %arg13[%swap3A_367] {strides = array<i32>} : memref<256xi32, #tpu.memory_space<vmem>>, vector<16xi32>,
    tpu.vector_store %arg13[%swap3A_367], %add3A_343 {strides = array<i32>} : memref<256xi32, #tpu.memory_space<vmem>>, vector<16xi32>,
    %get3A_369 = arith.constant 192 : index
    %get3A_370 = tpu.vector_load %arg8[%get3A_369] {strides = array<i32>} : memref<256xi32, #tpu.memory_space<vmem>>, vector<16xi32>,
    %gather3A_371 = tpu.vector_load_idx %arg10[%get3A_370] : memref<64xi32, #tpu.memory_space<vmem>>[vector<16xi32>], vector<16xi32>,
    %get3A_372 = arith.constant 192 : index
    %get3A_373 = tpu.vector_load %arg9[%get3A_372] {strides = array<i32>} : memref<256xi32, #tpu.memory_space<vmem>>, vector<16xi32>,
    %add3A_374 = arith.addi %gather3A_371, %get3A_373 : vector<16xi32>
    %add3A_375 = arith.constant 192 : i32
    %add3A_376 = arith.addi %mul3A_2, %add3A_375 : i32
    %iota3A_377 = tpu.iota {dimensions = array<i32: 0>} : vector<16xi32>
    %add3A_378 = vector.broadcast %add3A_376 : i32 to vector<16xi32>
    %add3A_379 = arith.addi %add3A_378, %iota3A_377 : vector<16xi32>
    %shift_right_logical3A_380 = arith.constant 10 : i32
    %shift_right_logical3A_381 = vector.broadcast %shift_right_logical3A_380 : i32 to vector<16xi32>
    %shift_right_logical3A_382 = arith.shrui %add3A_379, %shift_right_logical3A_381 : vector<16xi32>
    %mul3A_383 = arith.constant 512 : i32
    %mul3A_384 = vector.broadcast %mul3A_383 : i32 to vector<16xi32>
    %mul3A_385 = arith.muli %shift_right_logical3A_382, %mul3A_384 : vector<16xi32>
    %and3A_386 = arith.constant 511 : i32
    %and3A_387 = vector.broadcast %and3A_386 : i32 to vector<16xi32>
    %and3A_388 = arith.andi %add3A_379, %and3A_387 : vector<16xi32>
    %add3A_389 = arith.addi %mul3A_385, %and3A_388 : vector<16xi32>
    %swap3A_390 = arith.constant 1 : i32
    %swap3A_391 = arith.index_cast %swap3A_390 : i32 to index
    %swap3A_392 = arith.constant 64 : index
    %swap3A_393 = tpu.vector_load %arg11[%swap3A_391, %swap3A_392] {strides = array<i32>} : memref<2x128xi32, #tpu.memory_space<vmem>>, vector<16xi32>,
    tpu.vector_store %arg11[%swap3A_391, %swap3A_392], %add3A_374 {strides = array<i32>} : memref<2x128xi32, #tpu.memory_space<vmem>>, vector<16xi32>,
    %swap3A_394 = arith.constant 1 : i32
    %swap3A_395 = arith.index_cast %swap3A_394 : i32 to index
    %swap3A_396 = arith.constant 64 : index
    %swap3A_397 = tpu.vector_load %arg12[%swap3A_395, %swap3A_396] {strides = array<i32>} : memref<2x128xi32, #tpu.memory_space<vmem>>, vector<16xi32>,
    tpu.vector_store %arg12[%swap3A_395, %swap3A_396], %add3A_389 {strides = array<i32>} : memref<2x128xi32, #tpu.memory_space<vmem>>, vector<16xi32>,
    %swap3A_398 = arith.constant 192 : index
    %swap3A_399 = tpu.vector_load %arg13[%swap3A_398] {strides = array<i32>} : memref<256xi32, #tpu.memory_space<vmem>>, vector<16xi32>,
    tpu.vector_store %arg13[%swap3A_398], %add3A_374 {strides = array<i32>} : memref<256xi32, #tpu.memory_space<vmem>>, vector<16xi32>,
    %get3A_400 = arith.constant 208 : index
    %get3A_401 = tpu.vector_load %arg8[%get3A_400] {strides = array<i32>} : memref<256xi32, #tpu.memory_space<vmem>>, vector<16xi32>,
    %gather3A_402 = tpu.vector_load_idx %arg10[%get3A_401] : memref<64xi32, #tpu.memory_space<vmem>>[vector<16xi32>], vector<16xi32>,
    %get3A_403 = arith.constant 208 : index
    %get3A_404 = tpu.vector_load %arg9[%get3A_403] {strides = array<i32>} : memref<256xi32, #tpu.memory_space<vmem>>, vector<16xi32>,
    %add3A_405 = arith.addi %gather3A_402, %get3A_404 : vector<16xi32>
    %add3A_406 = arith.constant 208 : i32
    %add3A_407 = arith.addi %mul3A_2, %add3A_406 : i32
    %iota3A_408 = tpu.iota {dimensions = array<i32: 0>} : vector<16xi32>
    %add3A_409 = vector.broadcast %add3A_407 : i32 to vector<16xi32>
    %add3A_410 = arith.addi %add3A_409, %iota3A_408 : vector<16xi32>
    %shift_right_logical3A_411 = arith.constant 10 : i32
    %shift_right_logical3A_412 = vector.broadcast %shift_right_logical3A_411 : i32 to vector<16xi32>
    %shift_right_logical3A_413 = arith.shrui %add3A_410, %shift_right_logical3A_412 : vector<16xi32>
    %mul3A_414 = arith.constant 512 : i32
    %mul3A_415 = vector.broadcast %mul3A_414 : i32 to vector<16xi32>
    %mul3A_416 = arith.muli %shift_right_logical3A_413, %mul3A_415 : vector<16xi32>
    %and3A_417 = arith.constant 511 : i32
    %and3A_418 = vector.broadcast %and3A_417 : i32 to vector<16xi32>
    %and3A_419 = arith.andi %add3A_410, %and3A_418 : vector<16xi32>
    %add3A_420 = arith.addi %mul3A_416, %and3A_419 : vector<16xi32>
    %swap3A_421 = arith.constant 1 : i32
    %swap3A_422 = arith.index_cast %swap3A_421 : i32 to index
    %swap3A_423 = arith.constant 80 : index
    %swap3A_424 = tpu.vector_load %arg11[%swap3A_422, %swap3A_423] {strides = array<i32>} : memref<2x128xi32, #tpu.memory_space<vmem>>, vector<16xi32>,
    tpu.vector_store %arg11[%swap3A_422, %swap3A_423], %add3A_405 {strides = array<i32>} : memref<2x128xi32, #tpu.memory_space<vmem>>, vector<16xi32>,
    %swap3A_425 = arith.constant 1 : i32
    %swap3A_426 = arith.index_cast %swap3A_425 : i32 to index
    %swap3A_427 = arith.constant 80 : index
    %swap3A_428 = tpu.vector_load %arg12[%swap3A_426, %swap3A_427] {strides = array<i32>} : memref<2x128xi32, #tpu.memory_space<vmem>>, vector<16xi32>,
    tpu.vector_store %arg12[%swap3A_426, %swap3A_427], %add3A_420 {strides = array<i32>} : memref<2x128xi32, #tpu.memory_space<vmem>>, vector<16xi32>,
    %swap3A_429 = arith.constant 208 : index
    %swap3A_430 = tpu.vector_load %arg13[%swap3A_429] {strides = array<i32>} : memref<256xi32, #tpu.memory_space<vmem>>, vector<16xi32>,
    tpu.vector_store %arg13[%swap3A_429], %add3A_405 {strides = array<i32>} : memref<256xi32, #tpu.memory_space<vmem>>, vector<16xi32>,
    %get3A_431 = arith.constant 224 : index
    %get3A_432 = tpu.vector_load %arg8[%get3A_431] {strides = array<i32>} : memref<256xi32, #tpu.memory_space<vmem>>, vector<16xi32>,
    %gather3A_433 = tpu.vector_load_idx %arg10[%get3A_432] : memref<64xi32, #tpu.memory_space<vmem>>[vector<16xi32>], vector<16xi32>,
    %get3A_434 = arith.constant 224 : index
    %get3A_435 = tpu.vector_load %arg9[%get3A_434] {strides = array<i32>} : memref<256xi32, #tpu.memory_space<vmem>>, vector<16xi32>,
    %add3A_436 = arith.addi %gather3A_433, %get3A_435 : vector<16xi32>
    %add3A_437 = arith.constant 224 : i32
    %add3A_438 = arith.addi %mul3A_2, %add3A_437 : i32
    %iota3A_439 = tpu.iota {dimensions = array<i32: 0>} : vector<16xi32>
    %add3A_440 = vector.broadcast %add3A_438 : i32 to vector<16xi32>
    %add3A_441 = arith.addi %add3A_440, %iota3A_439 : vector<16xi32>
    %shift_right_logical3A_442 = arith.constant 10 : i32
    %shift_right_logical3A_443 = vector.broadcast %shift_right_logical3A_442 : i32 to vector<16xi32>
    %shift_right_logical3A_444 = arith.shrui %add3A_441, %shift_right_logical3A_443 : vector<16xi32>
    %mul3A_445 = arith.constant 512 : i32
    %mul3A_446 = vector.broadcast %mul3A_445 : i32 to vector<16xi32>
    %mul3A_447 = arith.muli %shift_right_logical3A_444, %mul3A_446 : vector<16xi32>
    %and3A_448 = arith.constant 511 : i32
    %and3A_449 = vector.broadcast %and3A_448 : i32 to vector<16xi32>
    %and3A_450 = arith.andi %add3A_441, %and3A_449 : vector<16xi32>
    %add3A_451 = arith.addi %mul3A_447, %and3A_450 : vector<16xi32>
    %swap3A_452 = arith.constant 1 : i32
    %swap3A_453 = arith.index_cast %swap3A_452 : i32 to index
    %swap3A_454 = arith.constant 96 : index
    %swap3A_455 = tpu.vector_load %arg11[%swap3A_453, %swap3A_454] {strides = array<i32>} : memref<2x128xi32, #tpu.memory_space<vmem>>, vector<16xi32>,
    tpu.vector_store %arg11[%swap3A_453, %swap3A_454], %add3A_436 {strides = array<i32>} : memref<2x128xi32, #tpu.memory_space<vmem>>, vector<16xi32>,
    %swap3A_456 = arith.constant 1 : i32
    %swap3A_457 = arith.index_cast %swap3A_456 : i32 to index
    %swap3A_458 = arith.constant 96 : index
    %swap3A_459 = tpu.vector_load %arg12[%swap3A_457, %swap3A_458] {strides = array<i32>} : memref<2x128xi32, #tpu.memory_space<vmem>>, vector<16xi32>,
    tpu.vector_store %arg12[%swap3A_457, %swap3A_458], %add3A_451 {strides = array<i32>} : memref<2x128xi32, #tpu.memory_space<vmem>>, vector<16xi32>,
    %swap3A_460 = arith.constant 224 : index
    %swap3A_461 = tpu.vector_load %arg13[%swap3A_460] {strides = array<i32>} : memref<256xi32, #tpu.memory_space<vmem>>, vector<16xi32>,
    tpu.vector_store %arg13[%swap3A_460], %add3A_436 {strides = array<i32>} : memref<256xi32, #tpu.memory_space<vmem>>, vector<16xi32>,
    %get3A_462 = arith.constant 240 : index
    %get3A_463 = tpu.vector_load %arg8[%get3A_462] {strides = array<i32>} : memref<256xi32, #tpu.memory_space<vmem>>, vector<16xi32>,
    %gather3A_464 = tpu.vector_load_idx %arg10[%get3A_463] : memref<64xi32, #tpu.memory_space<vmem>>[vector<16xi32>], vector<16xi32>,
    %get3A_465 = arith.constant 240 : index
    %get3A_466 = tpu.vector_load %arg9[%get3A_465] {strides = array<i32>} : memref<256xi32, #tpu.memory_space<vmem>>, vector<16xi32>,
    %add3A_467 = arith.addi %gather3A_464, %get3A_466 : vector<16xi32>
    %add3A_468 = arith.constant 240 : i32
    %add3A_469 = arith.addi %mul3A_2, %add3A_468 : i32
    %iota3A_470 = tpu.iota {dimensions = array<i32: 0>} : vector<16xi32>
    %add3A_471 = vector.broadcast %add3A_469 : i32 to vector<16xi32>
    %add3A_472 = arith.addi %add3A_471, %iota3A_470 : vector<16xi32>
    %shift_right_logical3A_473 = arith.constant 10 : i32
    %shift_right_logical3A_474 = vector.broadcast %shift_right_logical3A_473 : i32 to vector<16xi32>
    %shift_right_logical3A_475 = arith.shrui %add3A_472, %shift_right_logical3A_474 : vector<16xi32>
    %mul3A_476 = arith.constant 512 : i32
    %mul3A_477 = vector.broadcast %mul3A_476 : i32 to vector<16xi32>
    %mul3A_478 = arith.muli %shift_right_logical3A_475, %mul3A_477 : vector<16xi32>
    %and3A_479 = arith.constant 511 : i32
    %and3A_480 = vector.broadcast %and3A_479 : i32 to vector<16xi32>
    %and3A_481 = arith.andi %add3A_472, %and3A_480 : vector<16xi32>
    %add3A_482 = arith.addi %mul3A_478, %and3A_481 : vector<16xi32>
    %swap3A_483 = arith.constant 1 : i32
    %swap3A_484 = arith.index_cast %swap3A_483 : i32 to index
    %swap3A_485 = arith.constant 112 : index
    %swap3A_486 = tpu.vector_load %arg11[%swap3A_484, %swap3A_485] {strides = array<i32>} : memref<2x128xi32, #tpu.memory_space<vmem>>, vector<16xi32>,
    tpu.vector_store %arg11[%swap3A_484, %swap3A_485], %add3A_467 {strides = array<i32>} : memref<2x128xi32, #tpu.memory_space<vmem>>, vector<16xi32>,
    %swap3A_487 = arith.constant 1 : i32
    %swap3A_488 = arith.index_cast %swap3A_487 : i32 to index
    %swap3A_489 = arith.constant 112 : index
    %swap3A_490 = tpu.vector_load %arg12[%swap3A_488, %swap3A_489] {strides = array<i32>} : memref<2x128xi32, #tpu.memory_space<vmem>>, vector<16xi32>,
    tpu.vector_store %arg12[%swap3A_488, %swap3A_489], %add3A_482 {strides = array<i32>} : memref<2x128xi32, #tpu.memory_space<vmem>>, vector<16xi32>,
    %swap3A_491 = arith.constant 240 : index
    %swap3A_492 = tpu.vector_load %arg13[%swap3A_491] {strides = array<i32>} : memref<256xi32, #tpu.memory_space<vmem>>, vector<16xi32>,
    tpu.vector_store %arg13[%swap3A_491], %add3A_467 {strides = array<i32>} : memref<256xi32, #tpu.memory_space<vmem>>, vector<16xi32>,
    "tpu.region"() ({
      %run_scoped3A = tpu.sem_alloc : memref<!tpu.dma_semaphore, #tpu.memory_space<semaphore_mem>>
      %dma_start3A_547 = tpu.memref_slice %arg7[%mul3A_2] : memref<8192xi32, #tpu.memory_space<hbm>> -> memref<256xi32, #tpu.memory_space<hbm>>
      %dma_start3A_548 = tpu.memref_slice %arg7[%mul3A_2] : memref<8192xi32, #tpu.memory_space<hbm>> -> memref<256xi32, #tpu.memory_space<hbm>>
      tpu.enqueue_dma source(%arg13 : memref<256xi32, #tpu.memory_space<vmem>>) target(%dma_start3A_548 : memref<256xi32, #tpu.memory_space<hbm>>) target_semaphore(%run_scoped3A : memref<!tpu.dma_semaphore, #tpu.memory_space<semaphore_mem>>)
      %dma_wait3A_549 = tpu.memref_slice %arg7[%mul3A_2] : memref<8192xi32, #tpu.memory_space<hbm>> -> memref<256xi32, #tpu.memory_space<hbm>>
      %dma_wait3A_550 = tpu.memref_slice %arg7[%mul3A_2] : memref<8192xi32, #tpu.memory_space<hbm>> -> memref<256xi32, #tpu.memory_space<hbm>>
      tpu.wait_dma2 semaphore(%run_scoped3A : memref<!tpu.dma_semaphore, #tpu.memory_space<semaphore_mem>>) src(%arg13 : memref<256xi32, #tpu.memory_space<vmem>>) dst(%dma_wait3A_550 : memref<256xi32, #tpu.memory_space<hbm>>)
      tpu.yield
    }) : () -> ()
    %dma_start3A = arith.constant 0 : i32
    %dma_start3A_493 = arith.constant 0 : i32
    %dma_start3A_494 = tpu.memref_slice %arg12[%dma_start3A, %dma_start3A_493] : memref<2x128xi32, #tpu.memory_space<vmem>> -> memref<1x128xi32, #tpu.memory_space<vmem>>
    %dma_start3A_495 = tpu.memref_squeeze %dma_start3A_494 : memref<1x128xi32, #tpu.memory_space<vmem>> -> memref<128xi32, #tpu.memory_space<vmem>>
    %dma_start3A_496 = arith.constant 0 : i32
    %dma_start3A_497 = arith.constant 0 : i32
    %dma_start3A_498 = tpu.memref_slice %arg5[%dma_start3A_496, %dma_start3A_497] : memref<4096x768xf32, #tpu.memory_space<hbm>> -> memref<4096x768xf32, #tpu.memory_space<hbm>>
    tpu.enqueue_indirect_dma source(%dma_start3A_498 : memref<4096x768xf32, #tpu.memory_space<hbm>>) target(%arg14 : memref<128x768xf32, #tpu.memory_space<vmem>>) offsets(%dma_start3A_495 : memref<128xi32, #tpu.memory_space<vmem>>) semaphore(%arg15 : memref<!tpu.dma_semaphore, #tpu.memory_space<semaphore_mem>>)
    %dma_wait3A = arith.constant 0 : i32
    %dma_wait3A_499 = arith.constant 0 : i32
    %dma_wait3A_500 = tpu.memref_slice %arg12[%dma_wait3A, %dma_wait3A_499] : memref<2x128xi32, #tpu.memory_space<vmem>> -> memref<1x128xi32, #tpu.memory_space<vmem>>
    %dma_wait3A_501 = tpu.memref_squeeze %dma_wait3A_500 : memref<1x128xi32, #tpu.memory_space<vmem>> -> memref<128xi32, #tpu.memory_space<vmem>>
    %dma_wait3A_502 = arith.constant 0 : i32
    %dma_wait3A_503 = arith.constant 0 : i32
    %dma_wait3A_504 = tpu.memref_slice %arg5[%dma_wait3A_502, %dma_wait3A_503] : memref<4096x768xf32, #tpu.memory_space<hbm>> -> memref<4096x768xf32, #tpu.memory_space<hbm>>
    tpu.wait_indirect_dma semaphore(%arg15 : memref<!tpu.dma_semaphore, #tpu.memory_space<semaphore_mem>>) src(%dma_wait3A_504 : memref<4096x768xf32, #tpu.memory_space<hbm>>) dst(%arg14 : memref<128x768xf32, #tpu.memory_space<vmem>>)
    %dma_start3A_505 = arith.constant 0 : i32
    %dma_start3A_506 = arith.constant 0 : i32
    %dma_start3A_507 = tpu.memref_slice %arg11[%dma_start3A_505, %dma_start3A_506] : memref<2x128xi32, #tpu.memory_space<vmem>> -> memref<1x128xi32, #tpu.memory_space<vmem>>
    %dma_start3A_508 = tpu.memref_squeeze %dma_start3A_507 : memref<1x128xi32, #tpu.memory_space<vmem>> -> memref<128xi32, #tpu.memory_space<vmem>>
    %dma_start3A_509 = arith.constant 0 : i32
    %dma_start3A_510 = arith.constant 0 : i32
    %dma_start3A_511 = tpu.memref_slice %arg6[%dma_start3A_509, %dma_start3A_510] : memref<24576x768xf32, #tpu.memory_space<hbm>> -> memref<24576x768xf32, #tpu.memory_space<hbm>>
    tpu.enqueue_indirect_dma source(%arg14 : memref<128x768xf32, #tpu.memory_space<vmem>>) target(%dma_start3A_511 : memref<24576x768xf32, #tpu.memory_space<hbm>>) offsets(%dma_start3A_508 : memref<128xi32, #tpu.memory_space<vmem>>) semaphore(%arg15 : memref<!tpu.dma_semaphore, #tpu.memory_space<semaphore_mem>>)
    %dma_wait3A_512 = arith.constant 0 : i32
    %dma_wait3A_513 = arith.constant 0 : i32
    %dma_wait3A_514 = tpu.memref_slice %arg11[%dma_wait3A_512, %dma_wait3A_513] : memref<2x128xi32, #tpu.memory_space<vmem>> -> memref<1x128xi32, #tpu.memory_space<vmem>>
    %dma_wait3A_515 = tpu.memref_squeeze %dma_wait3A_514 : memref<1x128xi32, #tpu.memory_space<vmem>> -> memref<128xi32, #tpu.memory_space<vmem>>
    %dma_wait3A_516 = arith.constant 0 : i32
    %dma_wait3A_517 = arith.constant 0 : i32
    %dma_wait3A_518 = tpu.memref_slice %arg6[%dma_wait3A_516, %dma_wait3A_517] : memref<24576x768xf32, #tpu.memory_space<hbm>> -> memref<24576x768xf32, #tpu.memory_space<hbm>>
    tpu.wait_indirect_dma semaphore(%arg15 : memref<!tpu.dma_semaphore, #tpu.memory_space<semaphore_mem>>) src(%arg14 : memref<128x768xf32, #tpu.memory_space<vmem>>) dst(%dma_wait3A_518 : memref<24576x768xf32, #tpu.memory_space<hbm>>)
    %dma_start3A_519 = arith.constant 1 : i32
    %dma_start3A_520 = arith.constant 0 : i32
    %dma_start3A_521 = tpu.memref_slice %arg12[%dma_start3A_519, %dma_start3A_520] : memref<2x128xi32, #tpu.memory_space<vmem>> -> memref<1x128xi32, #tpu.memory_space<vmem>>
    %dma_start3A_522 = tpu.memref_squeeze %dma_start3A_521 : memref<1x128xi32, #tpu.memory_space<vmem>> -> memref<128xi32, #tpu.memory_space<vmem>>
    %dma_start3A_523 = arith.constant 0 : i32
    %dma_start3A_524 = arith.constant 0 : i32
    %dma_start3A_525 = tpu.memref_slice %arg5[%dma_start3A_523, %dma_start3A_524] : memref<4096x768xf32, #tpu.memory_space<hbm>> -> memref<4096x768xf32, #tpu.memory_space<hbm>>
    tpu.enqueue_indirect_dma source(%dma_start3A_525 : memref<4096x768xf32, #tpu.memory_space<hbm>>) target(%arg14 : memref<128x768xf32, #tpu.memory_space<vmem>>) offsets(%dma_start3A_522 : memref<128xi32, #tpu.memory_space<vmem>>) semaphore(%arg15 : memref<!tpu.dma_semaphore, #tpu.memory_space<semaphore_mem>>)
    %dma_wait3A_526 = arith.constant 1 : i32
    %dma_wait3A_527 = arith.constant 0 : i32
    %dma_wait3A_528 = tpu.memref_slice %arg12[%dma_wait3A_526, %dma_wait3A_527] : memref<2x128xi32, #tpu.memory_space<vmem>> -> memref<1x128xi32, #tpu.memory_space<vmem>>
    %dma_wait3A_529 = tpu.memref_squeeze %dma_wait3A_528 : memref<1x128xi32, #tpu.memory_space<vmem>> -> memref<128xi32, #tpu.memory_space<vmem>>
    %dma_wait3A_530 = arith.constant 0 : i32
    %dma_wait3A_531 = arith.constant 0 : i32
    %dma_wait3A_532 = tpu.memref_slice %arg5[%dma_wait3A_530, %dma_wait3A_531] : memref<4096x768xf32, #tpu.memory_space<hbm>> -> memref<4096x768xf32, #tpu.memory_space<hbm>>
    tpu.wait_indirect_dma semaphore(%arg15 : memref<!tpu.dma_semaphore, #tpu.memory_space<semaphore_mem>>) src(%dma_wait3A_532 : memref<4096x768xf32, #tpu.memory_space<hbm>>) dst(%arg14 : memref<128x768xf32, #tpu.memory_space<vmem>>)
    %dma_start3A_533 = arith.constant 1 : i32
    %dma_start3A_534 = arith.constant 0 : i32
    %dma_start3A_535 = tpu.memref_slice %arg11[%dma_start3A_533, %dma_start3A_534] : memref<2x128xi32, #tpu.memory_space<vmem>> -> memref<1x128xi32, #tpu.memory_space<vmem>>
    %dma_start3A_536 = tpu.memref_squeeze %dma_start3A_535 : memref<1x128xi32, #tpu.memory_space<vmem>> -> memref<128xi32, #tpu.memory_space<vmem>>
    %dma_start3A_537 = arith.constant 0 : i32
    %dma_start3A_538 = arith.constant 0 : i32
    %dma_start3A_539 = tpu.memref_slice %arg6[%dma_start3A_537, %dma_start3A_538] : memref<24576x768xf32, #tpu.memory_space<hbm>> -> memref<24576x768xf32, #tpu.memory_space<hbm>>
    tpu.enqueue_indirect_dma source(%arg14 : memref<128x768xf32, #tpu.memory_space<vmem>>) target(%dma_start3A_539 : memref<24576x768xf32, #tpu.memory_space<hbm>>) offsets(%dma_start3A_536 : memref<128xi32, #tpu.memory_space<vmem>>) semaphore(%arg15 : memref<!tpu.dma_semaphore, #tpu.memory_space<semaphore_mem>>)
    %dma_wait3A_540 = arith.constant 1 : i32
    %dma_wait3A_541 = arith.constant 0 : i32
    %dma_wait3A_542 = tpu.memref_slice %arg11[%dma_wait3A_540, %dma_wait3A_541] : memref<2x128xi32, #tpu.memory_space<vmem>> -> memref<1x128xi32, #tpu.memory_space<vmem>>
    %dma_wait3A_543 = tpu.memref_squeeze %dma_wait3A_542 : memref<1x128xi32, #tpu.memory_space<vmem>> -> memref<128xi32, #tpu.memory_space<vmem>>
    %dma_wait3A_544 = arith.constant 0 : i32
    %dma_wait3A_545 = arith.constant 0 : i32
    %dma_wait3A_546 = tpu.memref_slice %arg6[%dma_wait3A_544, %dma_wait3A_545] : memref<24576x768xf32, #tpu.memory_space<hbm>> -> memref<24576x768xf32, #tpu.memory_space<hbm>>
    tpu.wait_indirect_dma semaphore(%arg15 : memref<!tpu.dma_semaphore, #tpu.memory_space<semaphore_mem>>) src(%arg14 : memref<128x768xf32, #tpu.memory_space<vmem>>) dst(%dma_wait3A_546 : memref<24576x768xf32, #tpu.memory_space<hbm>>)
    return
  }
}

#map = affine_map<(d0, d1) -> (0)>
#map1 = affine_map<(d0, d1) -> (0, 0)>
module attributes {stable_mosaic.version = 14 : i64} {
  func.func @_gather_body(%arg0: i32, %arg1: i32, %arg2: memref<8192xi32, #tpu.memory_space<hbm>>, %arg3: memref<8192xf32, #tpu.memory_space<hbm>>, %arg4: memref<24576x768xf32, #tpu.memory_space<hbm>>, %arg5: memref<4096x768xf32, #tpu.memory_space<hbm>>, %arg6: memref<128xi32, #tpu.memory_space<vmem>>, %arg7: memref<128xi32, #tpu.memory_space<vmem>>, %arg8: memref<128xf32, #tpu.memory_space<vmem>>, %arg9: memref<128xf32, #tpu.memory_space<vmem>>, %arg10: memref<64x768xf32, #tpu.memory_space<vmem>>, %arg11: memref<64x768xf32, #tpu.memory_space<vmem>>, %arg12: memref<!tpu.dma_semaphore, #tpu.memory_space<semaphore_mem>>) attributes {dimension_semantics = [#tpu.dimension_semantics<core_parallel>, #tpu.dimension_semantics<subcore_parallel>], iteration_bounds = array<i64: 2, 16>, scalar_prefetch = 0 : i64, scratch_operands = 7 : i64, tpu.core_type = #tpu.core_type<sc_vector_subcore>, window_params = [{transform_indices = #map}, {transform_indices = #map}, {transform_indices = #map1}, {transform_indices = #map1}]} {
    %mul3A = arith.constant 2 : i32
    %mul3A_0 = arith.muli %arg1, %mul3A : i32
    %add3A = arith.addi %mul3A_0, %arg0 : i32
    %mul3A_1 = arith.constant 128 : i32
    %mul3A_2 = arith.muli %add3A, %mul3A_1 : i32
    %jit3A = arith.constant 512 : i32
    %div3A = arith.divsi %mul3A_2, %jit3A : i32
    %sign3A = arith.constant 0 : i32
    %sign3A_3 = arith.cmpi sgt, %mul3A_2, %sign3A : i32
    %sign3A_4 = arith.extui %sign3A_3 : i1 to i32
    %sign3A_5 = arith.constant 0 : i32
    %sign3A_6 = arith.cmpi slt, %mul3A_2, %sign3A_5 : i32
    %sign3A_7 = arith.extui %sign3A_6 : i1 to i32
    %sign3A_8 = arith.subi %sign3A_4, %sign3A_7 : i32
    %sign3A_9 = arith.constant 0 : i32
    %sign3A_10 = arith.cmpi sgt, %jit3A, %sign3A_9 : i32
    %sign3A_11 = arith.extui %sign3A_10 : i1 to i32
    %sign3A_12 = arith.constant 0 : i32
    %sign3A_13 = arith.cmpi slt, %jit3A, %sign3A_12 : i32
    %sign3A_14 = arith.extui %sign3A_13 : i1 to i32
    %sign3A_15 = arith.subi %sign3A_11, %sign3A_14 : i32
    %ne3A = arith.cmpi ne, %sign3A_8, %sign3A_15 : i32
    %rem3A = arith.remsi %mul3A_2, %jit3A : i32
    %ne3A_16 = arith.constant 0 : i32
    %ne3A_17 = arith.cmpi ne, %rem3A, %ne3A_16 : i32
    %and3A = arith.andi %ne3A, %ne3A_17 : i1
    %sub3A = arith.constant 1 : i32
    %sub3A_18 = arith.subi %div3A, %sub3A : i32
    %select_n3A = arith.select %and3A, %sub3A_18, %div3A : i32
    %mul3A_19 = arith.constant 512 : i32
    %mul3A_20 = arith.muli %select_n3A, %mul3A_19 : i32
    %sub3A_21 = arith.subi %mul3A_2, %mul3A_20 : i32
    %mul3A_22 = arith.constant 1024 : i32
    %mul3A_23 = arith.muli %select_n3A, %mul3A_22 : i32
    %add3A_24 = arith.addi %mul3A_23, %sub3A_21 : i32
    "tpu.region"() ({
      %run_scoped3A = tpu.sem_alloc : memref<!tpu.dma_semaphore, #tpu.memory_space<semaphore_mem>>
      %dma_start3A_84 = tpu.memref_slice %arg2[%add3A_24] : memref<8192xi32, #tpu.memory_space<hbm>> -> memref<128xi32, #tpu.memory_space<hbm>>
      %dma_start3A_85 = tpu.memref_slice %arg2[%add3A_24] : memref<8192xi32, #tpu.memory_space<hbm>> -> memref<128xi32, #tpu.memory_space<hbm>>
      tpu.enqueue_dma source(%dma_start3A_85 : memref<128xi32, #tpu.memory_space<hbm>>) target(%arg6 : memref<128xi32, #tpu.memory_space<vmem>>) target_semaphore(%run_scoped3A : memref<!tpu.dma_semaphore, #tpu.memory_space<semaphore_mem>>)
      %dma_wait3A_86 = tpu.memref_slice %arg2[%add3A_24] : memref<8192xi32, #tpu.memory_space<hbm>> -> memref<128xi32, #tpu.memory_space<hbm>>
      %dma_wait3A_87 = tpu.memref_slice %arg2[%add3A_24] : memref<8192xi32, #tpu.memory_space<hbm>> -> memref<128xi32, #tpu.memory_space<hbm>>
      tpu.wait_dma2 semaphore(%run_scoped3A : memref<!tpu.dma_semaphore, #tpu.memory_space<semaphore_mem>>) src(%dma_wait3A_87 : memref<128xi32, #tpu.memory_space<hbm>>) dst(%arg6 : memref<128xi32, #tpu.memory_space<vmem>>)
      tpu.yield
    }) : () -> ()
    %add3A_25 = arith.constant 512 : i32
    %add3A_26 = arith.addi %add3A_24, %add3A_25 : i32
    "tpu.region"() ({
      %run_scoped3A = tpu.sem_alloc : memref<!tpu.dma_semaphore, #tpu.memory_space<semaphore_mem>>
      %dma_start3A_84 = tpu.memref_slice %arg2[%add3A_26] : memref<8192xi32, #tpu.memory_space<hbm>> -> memref<128xi32, #tpu.memory_space<hbm>>
      %dma_start3A_85 = tpu.memref_slice %arg2[%add3A_26] : memref<8192xi32, #tpu.memory_space<hbm>> -> memref<128xi32, #tpu.memory_space<hbm>>
      tpu.enqueue_dma source(%dma_start3A_85 : memref<128xi32, #tpu.memory_space<hbm>>) target(%arg7 : memref<128xi32, #tpu.memory_space<vmem>>) target_semaphore(%run_scoped3A : memref<!tpu.dma_semaphore, #tpu.memory_space<semaphore_mem>>)
      %dma_wait3A_86 = tpu.memref_slice %arg2[%add3A_26] : memref<8192xi32, #tpu.memory_space<hbm>> -> memref<128xi32, #tpu.memory_space<hbm>>
      %dma_wait3A_87 = tpu.memref_slice %arg2[%add3A_26] : memref<8192xi32, #tpu.memory_space<hbm>> -> memref<128xi32, #tpu.memory_space<hbm>>
      tpu.wait_dma2 semaphore(%run_scoped3A : memref<!tpu.dma_semaphore, #tpu.memory_space<semaphore_mem>>) src(%dma_wait3A_87 : memref<128xi32, #tpu.memory_space<hbm>>) dst(%arg7 : memref<128xi32, #tpu.memory_space<vmem>>)
      tpu.yield
    }) : () -> ()
    "tpu.region"() ({
      %run_scoped3A = tpu.sem_alloc : memref<!tpu.dma_semaphore, #tpu.memory_space<semaphore_mem>>
      %dma_start3A_84 = tpu.memref_slice %arg3[%add3A_24] : memref<8192xf32, #tpu.memory_space<hbm>> -> memref<128xf32, #tpu.memory_space<hbm>>
      %dma_start3A_85 = tpu.memref_slice %arg3[%add3A_24] : memref<8192xf32, #tpu.memory_space<hbm>> -> memref<128xf32, #tpu.memory_space<hbm>>
      tpu.enqueue_dma source(%dma_start3A_85 : memref<128xf32, #tpu.memory_space<hbm>>) target(%arg8 : memref<128xf32, #tpu.memory_space<vmem>>) target_semaphore(%run_scoped3A : memref<!tpu.dma_semaphore, #tpu.memory_space<semaphore_mem>>)
      %dma_wait3A_86 = tpu.memref_slice %arg3[%add3A_24] : memref<8192xf32, #tpu.memory_space<hbm>> -> memref<128xf32, #tpu.memory_space<hbm>>
      %dma_wait3A_87 = tpu.memref_slice %arg3[%add3A_24] : memref<8192xf32, #tpu.memory_space<hbm>> -> memref<128xf32, #tpu.memory_space<hbm>>
      tpu.wait_dma2 semaphore(%run_scoped3A : memref<!tpu.dma_semaphore, #tpu.memory_space<semaphore_mem>>) src(%dma_wait3A_87 : memref<128xf32, #tpu.memory_space<hbm>>) dst(%arg8 : memref<128xf32, #tpu.memory_space<vmem>>)
      tpu.yield
    }) : () -> ()
    %add3A_27 = arith.constant 512 : i32
    %add3A_28 = arith.addi %add3A_24, %add3A_27 : i32
    "tpu.region"() ({
      %run_scoped3A = tpu.sem_alloc : memref<!tpu.dma_semaphore, #tpu.memory_space<semaphore_mem>>
      %dma_start3A_84 = tpu.memref_slice %arg3[%add3A_28] : memref<8192xf32, #tpu.memory_space<hbm>> -> memref<128xf32, #tpu.memory_space<hbm>>
      %dma_start3A_85 = tpu.memref_slice %arg3[%add3A_28] : memref<8192xf32, #tpu.memory_space<hbm>> -> memref<128xf32, #tpu.memory_space<hbm>>
      tpu.enqueue_dma source(%dma_start3A_85 : memref<128xf32, #tpu.memory_space<hbm>>) target(%arg9 : memref<128xf32, #tpu.memory_space<vmem>>) target_semaphore(%run_scoped3A : memref<!tpu.dma_semaphore, #tpu.memory_space<semaphore_mem>>)
      %dma_wait3A_86 = tpu.memref_slice %arg3[%add3A_28] : memref<8192xf32, #tpu.memory_space<hbm>> -> memref<128xf32, #tpu.memory_space<hbm>>
      %dma_wait3A_87 = tpu.memref_slice %arg3[%add3A_28] : memref<8192xf32, #tpu.memory_space<hbm>> -> memref<128xf32, #tpu.memory_space<hbm>>
      tpu.wait_dma2 semaphore(%run_scoped3A : memref<!tpu.dma_semaphore, #tpu.memory_space<semaphore_mem>>) src(%dma_wait3A_87 : memref<128xf32, #tpu.memory_space<hbm>>) dst(%arg9 : memref<128xf32, #tpu.memory_space<vmem>>)
      tpu.yield
    }) : () -> ()
    %dma_start3A = arith.constant 0 : i32
    %dma_start3A_29 = tpu.memref_slice %arg6[%dma_start3A] : memref<128xi32, #tpu.memory_space<vmem>> -> memref<64xi32, #tpu.memory_space<vmem>>
    %dma_start3A_30 = arith.constant 0 : i32
    %dma_start3A_31 = arith.constant 0 : i32
    %dma_start3A_32 = tpu.memref_slice %arg4[%dma_start3A_30, %dma_start3A_31] : memref<24576x768xf32, #tpu.memory_space<hbm>> -> memref<24576x768xf32, #tpu.memory_space<hbm>>
    tpu.enqueue_indirect_dma source(%dma_start3A_32 : memref<24576x768xf32, #tpu.memory_space<hbm>>) target(%arg10 : memref<64x768xf32, #tpu.memory_space<vmem>>) offsets(%dma_start3A_29 : memref<64xi32, #tpu.memory_space<vmem>>) semaphore(%arg12 : memref<!tpu.dma_semaphore, #tpu.memory_space<semaphore_mem>>)
    %dma_wait3A = arith.constant 0 : i32
    %dma_wait3A_33 = tpu.memref_slice %arg6[%dma_wait3A] : memref<128xi32, #tpu.memory_space<vmem>> -> memref<64xi32, #tpu.memory_space<vmem>>
    %dma_wait3A_34 = arith.constant 0 : i32
    %dma_wait3A_35 = arith.constant 0 : i32
    %dma_wait3A_36 = tpu.memref_slice %arg4[%dma_wait3A_34, %dma_wait3A_35] : memref<24576x768xf32, #tpu.memory_space<hbm>> -> memref<24576x768xf32, #tpu.memory_space<hbm>>
    tpu.wait_indirect_dma semaphore(%arg12 : memref<!tpu.dma_semaphore, #tpu.memory_space<semaphore_mem>>) src(%dma_wait3A_36 : memref<24576x768xf32, #tpu.memory_space<hbm>>) dst(%arg10 : memref<64x768xf32, #tpu.memory_space<vmem>>)
    %dma_start3A_37 = arith.constant 0 : i32
    %dma_start3A_38 = tpu.memref_slice %arg7[%dma_start3A_37] : memref<128xi32, #tpu.memory_space<vmem>> -> memref<64xi32, #tpu.memory_space<vmem>>
    %dma_start3A_39 = arith.constant 0 : i32
    %dma_start3A_40 = arith.constant 0 : i32
    %dma_start3A_41 = tpu.memref_slice %arg4[%dma_start3A_39, %dma_start3A_40] : memref<24576x768xf32, #tpu.memory_space<hbm>> -> memref<24576x768xf32, #tpu.memory_space<hbm>>
    tpu.enqueue_indirect_dma source(%dma_start3A_41 : memref<24576x768xf32, #tpu.memory_space<hbm>>) target(%arg11 : memref<64x768xf32, #tpu.memory_space<vmem>>) offsets(%dma_start3A_38 : memref<64xi32, #tpu.memory_space<vmem>>) semaphore(%arg12 : memref<!tpu.dma_semaphore, #tpu.memory_space<semaphore_mem>>)
    %dma_wait3A_42 = arith.constant 0 : i32
    %dma_wait3A_43 = tpu.memref_slice %arg7[%dma_wait3A_42] : memref<128xi32, #tpu.memory_space<vmem>> -> memref<64xi32, #tpu.memory_space<vmem>>
    %dma_wait3A_44 = arith.constant 0 : i32
    %dma_wait3A_45 = arith.constant 0 : i32
    %dma_wait3A_46 = tpu.memref_slice %arg4[%dma_wait3A_44, %dma_wait3A_45] : memref<24576x768xf32, #tpu.memory_space<hbm>> -> memref<24576x768xf32, #tpu.memory_space<hbm>>
    tpu.wait_indirect_dma semaphore(%arg12 : memref<!tpu.dma_semaphore, #tpu.memory_space<semaphore_mem>>) src(%dma_wait3A_46 : memref<24576x768xf32, #tpu.memory_space<hbm>>) dst(%arg11 : memref<64x768xf32, #tpu.memory_space<vmem>>)
    %scan3A = arith.constant 0 : i32
    %scan3A_47 = arith.constant 0 : i32
    %scan3A_48 = arith.constant 64 : i32
    %scan3A_49 = arith.addi %scan3A_47, %scan3A_48 : i32
    %scan3A_50 = arith.constant 1 : i32
    %scan3A_51 = scf.for %scan3A_84 = %scan3A_47 to %scan3A_49 step %scan3A_50 iter_args(%scan3A_85 = %scan3A) -> (i32)  : i32 {
      %add3A_86 = arith.constant 0 : i32
      %add3A_87 = arith.addi %add3A_86, %scan3A_84 : i32
      %broadcast_in_dim3A = arith.constant 0 : i32
      %broadcast_in_dim3A_88 = vector.broadcast %broadcast_in_dim3A : i32 to vector<16xi32>
      %add3A_89 = vector.broadcast %add3A_87 : i32 to vector<16xi32>
      %add3A_90 = arith.addi %broadcast_in_dim3A_88, %add3A_89 : vector<16xi32>
      %gather3A = tpu.vector_load_idx %arg8[%add3A_90] : memref<128xf32, #tpu.memory_space<vmem>>[vector<16xi32>], vector<16xf32>,
      %gather3A_91 = tpu.vector_load_idx %arg9[%add3A_90] : memref<128xf32, #tpu.memory_space<vmem>>[vector<16xi32>], vector<16xf32>,
      %get3A = arith.index_cast %scan3A_84 : i32 to index
      %get3A_92 = arith.constant 0 : index
      %get3A_93 = tpu.vector_load %arg10[%get3A, %get3A_92] {strides = array<i32>} : memref<64x768xf32, #tpu.memory_space<vmem>>, vector<16xf32>,
      %get3A_94 = arith.index_cast %scan3A_84 : i32 to index
      %get3A_95 = arith.constant 0 : index
      %get3A_96 = tpu.vector_load %arg11[%get3A_94, %get3A_95] {strides = array<i32>} : memref<64x768xf32, #tpu.memory_space<vmem>>, vector<16xf32>,
      %mul3A_97 = arith.mulf %get3A_93, %gather3A : vector<16xf32>
      %mul3A_98 = arith.mulf %get3A_96, %gather3A_91 : vector<16xf32>
      %add3A_99 = arith.addf %mul3A_97, %mul3A_98 : vector<16xf32>
      %swap3A = arith.index_cast %scan3A_84 : i32 to index
      %swap3A_100 = arith.constant 0 : index
      %swap3A_101 = tpu.vector_load %arg10[%swap3A, %swap3A_100] {strides = array<i32>} : memref<64x768xf32, #tpu.memory_space<vmem>>, vector<16xf32>,
      tpu.vector_store %arg10[%swap3A, %swap3A_100], %add3A_99 {strides = array<i32>} : memref<64x768xf32, #tpu.memory_space<vmem>>, vector<16xf32>,
      %get3A_102 = arith.index_cast %scan3A_84 : i32 to index
      %get3A_103 = arith.constant 16 : index
      %get3A_104 = tpu.vector_load %arg10[%get3A_102, %get3A_103] {strides = array<i32>} : memref<64x768xf32, #tpu.memory_space<vmem>>, vector<16xf32>,
      %get3A_105 = arith.index_cast %scan3A_84 : i32 to index
      %get3A_106 = arith.constant 16 : index
      %get3A_107 = tpu.vector_load %arg11[%get3A_105, %get3A_106] {strides = array<i32>} : memref<64x768xf32, #tpu.memory_space<vmem>>, vector<16xf32>,
      %mul3A_108 = arith.mulf %get3A_104, %gather3A : vector<16xf32>
      %mul3A_109 = arith.mulf %get3A_107, %gather3A_91 : vector<16xf32>
      %add3A_110 = arith.addf %mul3A_108, %mul3A_109 : vector<16xf32>
      %swap3A_111 = arith.index_cast %scan3A_84 : i32 to index
      %swap3A_112 = arith.constant 16 : index
      %swap3A_113 = tpu.vector_load %arg10[%swap3A_111, %swap3A_112] {strides = array<i32>} : memref<64x768xf32, #tpu.memory_space<vmem>>, vector<16xf32>,
      tpu.vector_store %arg10[%swap3A_111, %swap3A_112], %add3A_110 {strides = array<i32>} : memref<64x768xf32, #tpu.memory_space<vmem>>, vector<16xf32>,
      %get3A_114 = arith.index_cast %scan3A_84 : i32 to index
      %get3A_115 = arith.constant 32 : index
      %get3A_116 = tpu.vector_load %arg10[%get3A_114, %get3A_115] {strides = array<i32>} : memref<64x768xf32, #tpu.memory_space<vmem>>, vector<16xf32>,
      %get3A_117 = arith.index_cast %scan3A_84 : i32 to index
      %get3A_118 = arith.constant 32 : index
      %get3A_119 = tpu.vector_load %arg11[%get3A_117, %get3A_118] {strides = array<i32>} : memref<64x768xf32, #tpu.memory_space<vmem>>, vector<16xf32>,
      %mul3A_120 = arith.mulf %get3A_116, %gather3A : vector<16xf32>
      %mul3A_121 = arith.mulf %get3A_119, %gather3A_91 : vector<16xf32>
      %add3A_122 = arith.addf %mul3A_120, %mul3A_121 : vector<16xf32>
      %swap3A_123 = arith.index_cast %scan3A_84 : i32 to index
      %swap3A_124 = arith.constant 32 : index
      %swap3A_125 = tpu.vector_load %arg10[%swap3A_123, %swap3A_124] {strides = array<i32>} : memref<64x768xf32, #tpu.memory_space<vmem>>, vector<16xf32>,
      tpu.vector_store %arg10[%swap3A_123, %swap3A_124], %add3A_122 {strides = array<i32>} : memref<64x768xf32, #tpu.memory_space<vmem>>, vector<16xf32>,
      %get3A_126 = arith.index_cast %scan3A_84 : i32 to index
      %get3A_127 = arith.constant 48 : index
      %get3A_128 = tpu.vector_load %arg10[%get3A_126, %get3A_127] {strides = array<i32>} : memref<64x768xf32, #tpu.memory_space<vmem>>, vector<16xf32>,
      %get3A_129 = arith.index_cast %scan3A_84 : i32 to index
      %get3A_130 = arith.constant 48 : index
      %get3A_131 = tpu.vector_load %arg11[%get3A_129, %get3A_130] {strides = array<i32>} : memref<64x768xf32, #tpu.memory_space<vmem>>, vector<16xf32>,
      %mul3A_132 = arith.mulf %get3A_128, %gather3A : vector<16xf32>
      %mul3A_133 = arith.mulf %get3A_131, %gather3A_91 : vector<16xf32>
      %add3A_134 = arith.addf %mul3A_132, %mul3A_133 : vector<16xf32>
      %swap3A_135 = arith.index_cast %scan3A_84 : i32 to index
      %swap3A_136 = arith.constant 48 : index
      %swap3A_137 = tpu.vector_load %arg10[%swap3A_135, %swap3A_136] {strides = array<i32>} : memref<64x768xf32, #tpu.memory_space<vmem>>, vector<16xf32>,
      tpu.vector_store %arg10[%swap3A_135, %swap3A_136], %add3A_134 {strides = array<i32>} : memref<64x768xf32, #tpu.memory_space<vmem>>, vector<16xf32>,
      %get3A_138 = arith.index_cast %scan3A_84 : i32 to index
      %get3A_139 = arith.constant 64 : index
      %get3A_140 = tpu.vector_load %arg10[%get3A_138, %get3A_139] {strides = array<i32>} : memref<64x768xf32, #tpu.memory_space<vmem>>, vector<16xf32>,
      %get3A_141 = arith.index_cast %scan3A_84 : i32 to index
      %get3A_142 = arith.constant 64 : index
      %get3A_143 = tpu.vector_load %arg11[%get3A_141, %get3A_142] {strides = array<i32>} : memref<64x768xf32, #tpu.memory_space<vmem>>, vector<16xf32>,
      %mul3A_144 = arith.mulf %get3A_140, %gather3A : vector<16xf32>
      %mul3A_145 = arith.mulf %get3A_143, %gather3A_91 : vector<16xf32>
      %add3A_146 = arith.addf %mul3A_144, %mul3A_145 : vector<16xf32>
      %swap3A_147 = arith.index_cast %scan3A_84 : i32 to index
      %swap3A_148 = arith.constant 64 : index
      %swap3A_149 = tpu.vector_load %arg10[%swap3A_147, %swap3A_148] {strides = array<i32>} : memref<64x768xf32, #tpu.memory_space<vmem>>, vector<16xf32>,
      tpu.vector_store %arg10[%swap3A_147, %swap3A_148], %add3A_146 {strides = array<i32>} : memref<64x768xf32, #tpu.memory_space<vmem>>, vector<16xf32>,
      %get3A_150 = arith.index_cast %scan3A_84 : i32 to index
      %get3A_151 = arith.constant 80 : index
      %get3A_152 = tpu.vector_load %arg10[%get3A_150, %get3A_151] {strides = array<i32>} : memref<64x768xf32, #tpu.memory_space<vmem>>, vector<16xf32>,
      %get3A_153 = arith.index_cast %scan3A_84 : i32 to index
      %get3A_154 = arith.constant 80 : index
      %get3A_155 = tpu.vector_load %arg11[%get3A_153, %get3A_154] {strides = array<i32>} : memref<64x768xf32, #tpu.memory_space<vmem>>, vector<16xf32>,
      %mul3A_156 = arith.mulf %get3A_152, %gather3A : vector<16xf32>
      %mul3A_157 = arith.mulf %get3A_155, %gather3A_91 : vector<16xf32>
      %add3A_158 = arith.addf %mul3A_156, %mul3A_157 : vector<16xf32>
      %swap3A_159 = arith.index_cast %scan3A_84 : i32 to index
      %swap3A_160 = arith.constant 80 : index
      %swap3A_161 = tpu.vector_load %arg10[%swap3A_159, %swap3A_160] {strides = array<i32>} : memref<64x768xf32, #tpu.memory_space<vmem>>, vector<16xf32>,
      tpu.vector_store %arg10[%swap3A_159, %swap3A_160], %add3A_158 {strides = array<i32>} : memref<64x768xf32, #tpu.memory_space<vmem>>, vector<16xf32>,
      %get3A_162 = arith.index_cast %scan3A_84 : i32 to index
      %get3A_163 = arith.constant 96 : index
      %get3A_164 = tpu.vector_load %arg10[%get3A_162, %get3A_163] {strides = array<i32>} : memref<64x768xf32, #tpu.memory_space<vmem>>, vector<16xf32>,
      %get3A_165 = arith.index_cast %scan3A_84 : i32 to index
      %get3A_166 = arith.constant 96 : index
      %get3A_167 = tpu.vector_load %arg11[%get3A_165, %get3A_166] {strides = array<i32>} : memref<64x768xf32, #tpu.memory_space<vmem>>, vector<16xf32>,
      %mul3A_168 = arith.mulf %get3A_164, %gather3A : vector<16xf32>
      %mul3A_169 = arith.mulf %get3A_167, %gather3A_91 : vector<16xf32>
      %add3A_170 = arith.addf %mul3A_168, %mul3A_169 : vector<16xf32>
      %swap3A_171 = arith.index_cast %scan3A_84 : i32 to index
      %swap3A_172 = arith.constant 96 : index
      %swap3A_173 = tpu.vector_load %arg10[%swap3A_171, %swap3A_172] {strides = array<i32>} : memref<64x768xf32, #tpu.memory_space<vmem>>, vector<16xf32>,
      tpu.vector_store %arg10[%swap3A_171, %swap3A_172], %add3A_170 {strides = array<i32>} : memref<64x768xf32, #tpu.memory_space<vmem>>, vector<16xf32>,
      %get3A_174 = arith.index_cast %scan3A_84 : i32 to index
      %get3A_175 = arith.constant 112 : index
      %get3A_176 = tpu.vector_load %arg10[%get3A_174, %get3A_175] {strides = array<i32>} : memref<64x768xf32, #tpu.memory_space<vmem>>, vector<16xf32>,
      %get3A_177 = arith.index_cast %scan3A_84 : i32 to index
      %get3A_178 = arith.constant 112 : index
      %get3A_179 = tpu.vector_load %arg11[%get3A_177, %get3A_178] {strides = array<i32>} : memref<64x768xf32, #tpu.memory_space<vmem>>, vector<16xf32>,
      %mul3A_180 = arith.mulf %get3A_176, %gather3A : vector<16xf32>
      %mul3A_181 = arith.mulf %get3A_179, %gather3A_91 : vector<16xf32>
      %add3A_182 = arith.addf %mul3A_180, %mul3A_181 : vector<16xf32>
      %swap3A_183 = arith.index_cast %scan3A_84 : i32 to index
      %swap3A_184 = arith.constant 112 : index
      %swap3A_185 = tpu.vector_load %arg10[%swap3A_183, %swap3A_184] {strides = array<i32>} : memref<64x768xf32, #tpu.memory_space<vmem>>, vector<16xf32>,
      tpu.vector_store %arg10[%swap3A_183, %swap3A_184], %add3A_182 {strides = array<i32>} : memref<64x768xf32, #tpu.memory_space<vmem>>, vector<16xf32>,
      %get3A_186 = arith.index_cast %scan3A_84 : i32 to index
      %get3A_187 = arith.constant 128 : index
      %get3A_188 = tpu.vector_load %arg10[%get3A_186, %get3A_187] {strides = array<i32>} : memref<64x768xf32, #tpu.memory_space<vmem>>, vector<16xf32>,
      %get3A_189 = arith.index_cast %scan3A_84 : i32 to index
      %get3A_190 = arith.constant 128 : index
      %get3A_191 = tpu.vector_load %arg11[%get3A_189, %get3A_190] {strides = array<i32>} : memref<64x768xf32, #tpu.memory_space<vmem>>, vector<16xf32>,
      %mul3A_192 = arith.mulf %get3A_188, %gather3A : vector<16xf32>
      %mul3A_193 = arith.mulf %get3A_191, %gather3A_91 : vector<16xf32>
      %add3A_194 = arith.addf %mul3A_192, %mul3A_193 : vector<16xf32>
      %swap3A_195 = arith.index_cast %scan3A_84 : i32 to index
      %swap3A_196 = arith.constant 128 : index
      %swap3A_197 = tpu.vector_load %arg10[%swap3A_195, %swap3A_196] {strides = array<i32>} : memref<64x768xf32, #tpu.memory_space<vmem>>, vector<16xf32>,
      tpu.vector_store %arg10[%swap3A_195, %swap3A_196], %add3A_194 {strides = array<i32>} : memref<64x768xf32, #tpu.memory_space<vmem>>, vector<16xf32>,
      %get3A_198 = arith.index_cast %scan3A_84 : i32 to index
      %get3A_199 = arith.constant 144 : index
      %get3A_200 = tpu.vector_load %arg10[%get3A_198, %get3A_199] {strides = array<i32>} : memref<64x768xf32, #tpu.memory_space<vmem>>, vector<16xf32>,
      %get3A_201 = arith.index_cast %scan3A_84 : i32 to index
      %get3A_202 = arith.constant 144 : index
      %get3A_203 = tpu.vector_load %arg11[%get3A_201, %get3A_202] {strides = array<i32>} : memref<64x768xf32, #tpu.memory_space<vmem>>, vector<16xf32>,
      %mul3A_204 = arith.mulf %get3A_200, %gather3A : vector<16xf32>
      %mul3A_205 = arith.mulf %get3A_203, %gather3A_91 : vector<16xf32>
      %add3A_206 = arith.addf %mul3A_204, %mul3A_205 : vector<16xf32>
      %swap3A_207 = arith.index_cast %scan3A_84 : i32 to index
      %swap3A_208 = arith.constant 144 : index
      %swap3A_209 = tpu.vector_load %arg10[%swap3A_207, %swap3A_208] {strides = array<i32>} : memref<64x768xf32, #tpu.memory_space<vmem>>, vector<16xf32>,
      tpu.vector_store %arg10[%swap3A_207, %swap3A_208], %add3A_206 {strides = array<i32>} : memref<64x768xf32, #tpu.memory_space<vmem>>, vector<16xf32>,
      %get3A_210 = arith.index_cast %scan3A_84 : i32 to index
      %get3A_211 = arith.constant 160 : index
      %get3A_212 = tpu.vector_load %arg10[%get3A_210, %get3A_211] {strides = array<i32>} : memref<64x768xf32, #tpu.memory_space<vmem>>, vector<16xf32>,
      %get3A_213 = arith.index_cast %scan3A_84 : i32 to index
      %get3A_214 = arith.constant 160 : index
      %get3A_215 = tpu.vector_load %arg11[%get3A_213, %get3A_214] {strides = array<i32>} : memref<64x768xf32, #tpu.memory_space<vmem>>, vector<16xf32>,
      %mul3A_216 = arith.mulf %get3A_212, %gather3A : vector<16xf32>
      %mul3A_217 = arith.mulf %get3A_215, %gather3A_91 : vector<16xf32>
      %add3A_218 = arith.addf %mul3A_216, %mul3A_217 : vector<16xf32>
      %swap3A_219 = arith.index_cast %scan3A_84 : i32 to index
      %swap3A_220 = arith.constant 160 : index
      %swap3A_221 = tpu.vector_load %arg10[%swap3A_219, %swap3A_220] {strides = array<i32>} : memref<64x768xf32, #tpu.memory_space<vmem>>, vector<16xf32>,
      tpu.vector_store %arg10[%swap3A_219, %swap3A_220], %add3A_218 {strides = array<i32>} : memref<64x768xf32, #tpu.memory_space<vmem>>, vector<16xf32>,
      %get3A_222 = arith.index_cast %scan3A_84 : i32 to index
      %get3A_223 = arith.constant 176 : index
      %get3A_224 = tpu.vector_load %arg10[%get3A_222, %get3A_223] {strides = array<i32>} : memref<64x768xf32, #tpu.memory_space<vmem>>, vector<16xf32>,
      %get3A_225 = arith.index_cast %scan3A_84 : i32 to index
      %get3A_226 = arith.constant 176 : index
      %get3A_227 = tpu.vector_load %arg11[%get3A_225, %get3A_226] {strides = array<i32>} : memref<64x768xf32, #tpu.memory_space<vmem>>, vector<16xf32>,
      %mul3A_228 = arith.mulf %get3A_224, %gather3A : vector<16xf32>
      %mul3A_229 = arith.mulf %get3A_227, %gather3A_91 : vector<16xf32>
      %add3A_230 = arith.addf %mul3A_228, %mul3A_229 : vector<16xf32>
      %swap3A_231 = arith.index_cast %scan3A_84 : i32 to index
      %swap3A_232 = arith.constant 176 : index
      %swap3A_233 = tpu.vector_load %arg10[%swap3A_231, %swap3A_232] {strides = array<i32>} : memref<64x768xf32, #tpu.memory_space<vmem>>, vector<16xf32>,
      tpu.vector_store %arg10[%swap3A_231, %swap3A_232], %add3A_230 {strides = array<i32>} : memref<64x768xf32, #tpu.memory_space<vmem>>, vector<16xf32>,
      %get3A_234 = arith.index_cast %scan3A_84 : i32 to index
      %get3A_235 = arith.constant 192 : index
      %get3A_236 = tpu.vector_load %arg10[%get3A_234, %get3A_235] {strides = array<i32>} : memref<64x768xf32, #tpu.memory_space<vmem>>, vector<16xf32>,
      %get3A_237 = arith.index_cast %scan3A_84 : i32 to index
      %get3A_238 = arith.constant 192 : index
      %get3A_239 = tpu.vector_load %arg11[%get3A_237, %get3A_238] {strides = array<i32>} : memref<64x768xf32, #tpu.memory_space<vmem>>, vector<16xf32>,
      %mul3A_240 = arith.mulf %get3A_236, %gather3A : vector<16xf32>
      %mul3A_241 = arith.mulf %get3A_239, %gather3A_91 : vector<16xf32>
      %add3A_242 = arith.addf %mul3A_240, %mul3A_241 : vector<16xf32>
      %swap3A_243 = arith.index_cast %scan3A_84 : i32 to index
      %swap3A_244 = arith.constant 192 : index
      %swap3A_245 = tpu.vector_load %arg10[%swap3A_243, %swap3A_244] {strides = array<i32>} : memref<64x768xf32, #tpu.memory_space<vmem>>, vector<16xf32>,
      tpu.vector_store %arg10[%swap3A_243, %swap3A_244], %add3A_242 {strides = array<i32>} : memref<64x768xf32, #tpu.memory_space<vmem>>, vector<16xf32>,
      %get3A_246 = arith.index_cast %scan3A_84 : i32 to index
      %get3A_247 = arith.constant 208 : index
      %get3A_248 = tpu.vector_load %arg10[%get3A_246, %get3A_247] {strides = array<i32>} : memref<64x768xf32, #tpu.memory_space<vmem>>, vector<16xf32>,
      %get3A_249 = arith.index_cast %scan3A_84 : i32 to index
      %get3A_250 = arith.constant 208 : index
      %get3A_251 = tpu.vector_load %arg11[%get3A_249, %get3A_250] {strides = array<i32>} : memref<64x768xf32, #tpu.memory_space<vmem>>, vector<16xf32>,
      %mul3A_252 = arith.mulf %get3A_248, %gather3A : vector<16xf32>
      %mul3A_253 = arith.mulf %get3A_251, %gather3A_91 : vector<16xf32>
      %add3A_254 = arith.addf %mul3A_252, %mul3A_253 : vector<16xf32>
      %swap3A_255 = arith.index_cast %scan3A_84 : i32 to index
      %swap3A_256 = arith.constant 208 : index
      %swap3A_257 = tpu.vector_load %arg10[%swap3A_255, %swap3A_256] {strides = array<i32>} : memref<64x768xf32, #tpu.memory_space<vmem>>, vector<16xf32>,
      tpu.vector_store %arg10[%swap3A_255, %swap3A_256], %add3A_254 {strides = array<i32>} : memref<64x768xf32, #tpu.memory_space<vmem>>, vector<16xf32>,
      %get3A_258 = arith.index_cast %scan3A_84 : i32 to index
      %get3A_259 = arith.constant 224 : index
      %get3A_260 = tpu.vector_load %arg10[%get3A_258, %get3A_259] {strides = array<i32>} : memref<64x768xf32, #tpu.memory_space<vmem>>, vector<16xf32>,
      %get3A_261 = arith.index_cast %scan3A_84 : i32 to index
      %get3A_262 = arith.constant 224 : index
      %get3A_263 = tpu.vector_load %arg11[%get3A_261, %get3A_262] {strides = array<i32>} : memref<64x768xf32, #tpu.memory_space<vmem>>, vector<16xf32>,
      %mul3A_264 = arith.mulf %get3A_260, %gather3A : vector<16xf32>
      %mul3A_265 = arith.mulf %get3A_263, %gather3A_91 : vector<16xf32>
      %add3A_266 = arith.addf %mul3A_264, %mul3A_265 : vector<16xf32>
      %swap3A_267 = arith.index_cast %scan3A_84 : i32 to index
      %swap3A_268 = arith.constant 224 : index
      %swap3A_269 = tpu.vector_load %arg10[%swap3A_267, %swap3A_268] {strides = array<i32>} : memref<64x768xf32, #tpu.memory_space<vmem>>, vector<16xf32>,
      tpu.vector_store %arg10[%swap3A_267, %swap3A_268], %add3A_266 {strides = array<i32>} : memref<64x768xf32, #tpu.memory_space<vmem>>, vector<16xf32>,
      %get3A_270 = arith.index_cast %scan3A_84 : i32 to index
      %get3A_271 = arith.constant 240 : index
      %get3A_272 = tpu.vector_load %arg10[%get3A_270, %get3A_271] {strides = array<i32>} : memref<64x768xf32, #tpu.memory_space<vmem>>, vector<16xf32>,
      %get3A_273 = arith.index_cast %scan3A_84 : i32 to index
      %get3A_274 = arith.constant 240 : index
      %get3A_275 = tpu.vector_load %arg11[%get3A_273, %get3A_274] {strides = array<i32>} : memref<64x768xf32, #tpu.memory_space<vmem>>, vector<16xf32>,
      %mul3A_276 = arith.mulf %get3A_272, %gather3A : vector<16xf32>
      %mul3A_277 = arith.mulf %get3A_275, %gather3A_91 : vector<16xf32>
      %add3A_278 = arith.addf %mul3A_276, %mul3A_277 : vector<16xf32>
      %swap3A_279 = arith.index_cast %scan3A_84 : i32 to index
      %swap3A_280 = arith.constant 240 : index
      %swap3A_281 = tpu.vector_load %arg10[%swap3A_279, %swap3A_280] {strides = array<i32>} : memref<64x768xf32, #tpu.memory_space<vmem>>, vector<16xf32>,
      tpu.vector_store %arg10[%swap3A_279, %swap3A_280], %add3A_278 {strides = array<i32>} : memref<64x768xf32, #tpu.memory_space<vmem>>, vector<16xf32>,
      %get3A_282 = arith.index_cast %scan3A_84 : i32 to index
      %get3A_283 = arith.constant 256 : index
      %get3A_284 = tpu.vector_load %arg10[%get3A_282, %get3A_283] {strides = array<i32>} : memref<64x768xf32, #tpu.memory_space<vmem>>, vector<16xf32>,
      %get3A_285 = arith.index_cast %scan3A_84 : i32 to index
      %get3A_286 = arith.constant 256 : index
      %get3A_287 = tpu.vector_load %arg11[%get3A_285, %get3A_286] {strides = array<i32>} : memref<64x768xf32, #tpu.memory_space<vmem>>, vector<16xf32>,
      %mul3A_288 = arith.mulf %get3A_284, %gather3A : vector<16xf32>
      %mul3A_289 = arith.mulf %get3A_287, %gather3A_91 : vector<16xf32>
      %add3A_290 = arith.addf %mul3A_288, %mul3A_289 : vector<16xf32>
      %swap3A_291 = arith.index_cast %scan3A_84 : i32 to index
      %swap3A_292 = arith.constant 256 : index
      %swap3A_293 = tpu.vector_load %arg10[%swap3A_291, %swap3A_292] {strides = array<i32>} : memref<64x768xf32, #tpu.memory_space<vmem>>, vector<16xf32>,
      tpu.vector_store %arg10[%swap3A_291, %swap3A_292], %add3A_290 {strides = array<i32>} : memref<64x768xf32, #tpu.memory_space<vmem>>, vector<16xf32>,
      %get3A_294 = arith.index_cast %scan3A_84 : i32 to index
      %get3A_295 = arith.constant 272 : index
      %get3A_296 = tpu.vector_load %arg10[%get3A_294, %get3A_295] {strides = array<i32>} : memref<64x768xf32, #tpu.memory_space<vmem>>, vector<16xf32>,
      %get3A_297 = arith.index_cast %scan3A_84 : i32 to index
      %get3A_298 = arith.constant 272 : index
      %get3A_299 = tpu.vector_load %arg11[%get3A_297, %get3A_298] {strides = array<i32>} : memref<64x768xf32, #tpu.memory_space<vmem>>, vector<16xf32>,
      %mul3A_300 = arith.mulf %get3A_296, %gather3A : vector<16xf32>
      %mul3A_301 = arith.mulf %get3A_299, %gather3A_91 : vector<16xf32>
      %add3A_302 = arith.addf %mul3A_300, %mul3A_301 : vector<16xf32>
      %swap3A_303 = arith.index_cast %scan3A_84 : i32 to index
      %swap3A_304 = arith.constant 272 : index
      %swap3A_305 = tpu.vector_load %arg10[%swap3A_303, %swap3A_304] {strides = array<i32>} : memref<64x768xf32, #tpu.memory_space<vmem>>, vector<16xf32>,
      tpu.vector_store %arg10[%swap3A_303, %swap3A_304], %add3A_302 {strides = array<i32>} : memref<64x768xf32, #tpu.memory_space<vmem>>, vector<16xf32>,
      %get3A_306 = arith.index_cast %scan3A_84 : i32 to index
      %get3A_307 = arith.constant 288 : index
      %get3A_308 = tpu.vector_load %arg10[%get3A_306, %get3A_307] {strides = array<i32>} : memref<64x768xf32, #tpu.memory_space<vmem>>, vector<16xf32>,
      %get3A_309 = arith.index_cast %scan3A_84 : i32 to index
      %get3A_310 = arith.constant 288 : index
      %get3A_311 = tpu.vector_load %arg11[%get3A_309, %get3A_310] {strides = array<i32>} : memref<64x768xf32, #tpu.memory_space<vmem>>, vector<16xf32>,
      %mul3A_312 = arith.mulf %get3A_308, %gather3A : vector<16xf32>
      %mul3A_313 = arith.mulf %get3A_311, %gather3A_91 : vector<16xf32>
      %add3A_314 = arith.addf %mul3A_312, %mul3A_313 : vector<16xf32>
      %swap3A_315 = arith.index_cast %scan3A_84 : i32 to index
      %swap3A_316 = arith.constant 288 : index
      %swap3A_317 = tpu.vector_load %arg10[%swap3A_315, %swap3A_316] {strides = array<i32>} : memref<64x768xf32, #tpu.memory_space<vmem>>, vector<16xf32>,
      tpu.vector_store %arg10[%swap3A_315, %swap3A_316], %add3A_314 {strides = array<i32>} : memref<64x768xf32, #tpu.memory_space<vmem>>, vector<16xf32>,
      %get3A_318 = arith.index_cast %scan3A_84 : i32 to index
      %get3A_319 = arith.constant 304 : index
      %get3A_320 = tpu.vector_load %arg10[%get3A_318, %get3A_319] {strides = array<i32>} : memref<64x768xf32, #tpu.memory_space<vmem>>, vector<16xf32>,
      %get3A_321 = arith.index_cast %scan3A_84 : i32 to index
      %get3A_322 = arith.constant 304 : index
      %get3A_323 = tpu.vector_load %arg11[%get3A_321, %get3A_322] {strides = array<i32>} : memref<64x768xf32, #tpu.memory_space<vmem>>, vector<16xf32>,
      %mul3A_324 = arith.mulf %get3A_320, %gather3A : vector<16xf32>
      %mul3A_325 = arith.mulf %get3A_323, %gather3A_91 : vector<16xf32>
      %add3A_326 = arith.addf %mul3A_324, %mul3A_325 : vector<16xf32>
      %swap3A_327 = arith.index_cast %scan3A_84 : i32 to index
      %swap3A_328 = arith.constant 304 : index
      %swap3A_329 = tpu.vector_load %arg10[%swap3A_327, %swap3A_328] {strides = array<i32>} : memref<64x768xf32, #tpu.memory_space<vmem>>, vector<16xf32>,
      tpu.vector_store %arg10[%swap3A_327, %swap3A_328], %add3A_326 {strides = array<i32>} : memref<64x768xf32, #tpu.memory_space<vmem>>, vector<16xf32>,
      %get3A_330 = arith.index_cast %scan3A_84 : i32 to index
      %get3A_331 = arith.constant 320 : index
      %get3A_332 = tpu.vector_load %arg10[%get3A_330, %get3A_331] {strides = array<i32>} : memref<64x768xf32, #tpu.memory_space<vmem>>, vector<16xf32>,
      %get3A_333 = arith.index_cast %scan3A_84 : i32 to index
      %get3A_334 = arith.constant 320 : index
      %get3A_335 = tpu.vector_load %arg11[%get3A_333, %get3A_334] {strides = array<i32>} : memref<64x768xf32, #tpu.memory_space<vmem>>, vector<16xf32>,
      %mul3A_336 = arith.mulf %get3A_332, %gather3A : vector<16xf32>
      %mul3A_337 = arith.mulf %get3A_335, %gather3A_91 : vector<16xf32>
      %add3A_338 = arith.addf %mul3A_336, %mul3A_337 : vector<16xf32>
      %swap3A_339 = arith.index_cast %scan3A_84 : i32 to index
      %swap3A_340 = arith.constant 320 : index
      %swap3A_341 = tpu.vector_load %arg10[%swap3A_339, %swap3A_340] {strides = array<i32>} : memref<64x768xf32, #tpu.memory_space<vmem>>, vector<16xf32>,
      tpu.vector_store %arg10[%swap3A_339, %swap3A_340], %add3A_338 {strides = array<i32>} : memref<64x768xf32, #tpu.memory_space<vmem>>, vector<16xf32>,
      %get3A_342 = arith.index_cast %scan3A_84 : i32 to index
      %get3A_343 = arith.constant 336 : index
      %get3A_344 = tpu.vector_load %arg10[%get3A_342, %get3A_343] {strides = array<i32>} : memref<64x768xf32, #tpu.memory_space<vmem>>, vector<16xf32>,
      %get3A_345 = arith.index_cast %scan3A_84 : i32 to index
      %get3A_346 = arith.constant 336 : index
      %get3A_347 = tpu.vector_load %arg11[%get3A_345, %get3A_346] {strides = array<i32>} : memref<64x768xf32, #tpu.memory_space<vmem>>, vector<16xf32>,
      %mul3A_348 = arith.mulf %get3A_344, %gather3A : vector<16xf32>
      %mul3A_349 = arith.mulf %get3A_347, %gather3A_91 : vector<16xf32>
      %add3A_350 = arith.addf %mul3A_348, %mul3A_349 : vector<16xf32>
      %swap3A_351 = arith.index_cast %scan3A_84 : i32 to index
      %swap3A_352 = arith.constant 336 : index
      %swap3A_353 = tpu.vector_load %arg10[%swap3A_351, %swap3A_352] {strides = array<i32>} : memref<64x768xf32, #tpu.memory_space<vmem>>, vector<16xf32>,
      tpu.vector_store %arg10[%swap3A_351, %swap3A_352], %add3A_350 {strides = array<i32>} : memref<64x768xf32, #tpu.memory_space<vmem>>, vector<16xf32>,
      %get3A_354 = arith.index_cast %scan3A_84 : i32 to index
      %get3A_355 = arith.constant 352 : index
      %get3A_356 = tpu.vector_load %arg10[%get3A_354, %get3A_355] {strides = array<i32>} : memref<64x768xf32, #tpu.memory_space<vmem>>, vector<16xf32>,
      %get3A_357 = arith.index_cast %scan3A_84 : i32 to index
      %get3A_358 = arith.constant 352 : index
      %get3A_359 = tpu.vector_load %arg11[%get3A_357, %get3A_358] {strides = array<i32>} : memref<64x768xf32, #tpu.memory_space<vmem>>, vector<16xf32>,
      %mul3A_360 = arith.mulf %get3A_356, %gather3A : vector<16xf32>
      %mul3A_361 = arith.mulf %get3A_359, %gather3A_91 : vector<16xf32>
      %add3A_362 = arith.addf %mul3A_360, %mul3A_361 : vector<16xf32>
      %swap3A_363 = arith.index_cast %scan3A_84 : i32 to index
      %swap3A_364 = arith.constant 352 : index
      %swap3A_365 = tpu.vector_load %arg10[%swap3A_363, %swap3A_364] {strides = array<i32>} : memref<64x768xf32, #tpu.memory_space<vmem>>, vector<16xf32>,
      tpu.vector_store %arg10[%swap3A_363, %swap3A_364], %add3A_362 {strides = array<i32>} : memref<64x768xf32, #tpu.memory_space<vmem>>, vector<16xf32>,
      %get3A_366 = arith.index_cast %scan3A_84 : i32 to index
      %get3A_367 = arith.constant 368 : index
      %get3A_368 = tpu.vector_load %arg10[%get3A_366, %get3A_367] {strides = array<i32>} : memref<64x768xf32, #tpu.memory_space<vmem>>, vector<16xf32>,
      %get3A_369 = arith.index_cast %scan3A_84 : i32 to index
      %get3A_370 = arith.constant 368 : index
      %get3A_371 = tpu.vector_load %arg11[%get3A_369, %get3A_370] {strides = array<i32>} : memref<64x768xf32, #tpu.memory_space<vmem>>, vector<16xf32>,
      %mul3A_372 = arith.mulf %get3A_368, %gather3A : vector<16xf32>
      %mul3A_373 = arith.mulf %get3A_371, %gather3A_91 : vector<16xf32>
      %add3A_374 = arith.addf %mul3A_372, %mul3A_373 : vector<16xf32>
      %swap3A_375 = arith.index_cast %scan3A_84 : i32 to index
      %swap3A_376 = arith.constant 368 : index
      %swap3A_377 = tpu.vector_load %arg10[%swap3A_375, %swap3A_376] {strides = array<i32>} : memref<64x768xf32, #tpu.memory_space<vmem>>, vector<16xf32>,
      tpu.vector_store %arg10[%swap3A_375, %swap3A_376], %add3A_374 {strides = array<i32>} : memref<64x768xf32, #tpu.memory_space<vmem>>, vector<16xf32>,
      %get3A_378 = arith.index_cast %scan3A_84 : i32 to index
      %get3A_379 = arith.constant 384 : index
      %get3A_380 = tpu.vector_load %arg10[%get3A_378, %get3A_379] {strides = array<i32>} : memref<64x768xf32, #tpu.memory_space<vmem>>, vector<16xf32>,
      %get3A_381 = arith.index_cast %scan3A_84 : i32 to index
      %get3A_382 = arith.constant 384 : index
      %get3A_383 = tpu.vector_load %arg11[%get3A_381, %get3A_382] {strides = array<i32>} : memref<64x768xf32, #tpu.memory_space<vmem>>, vector<16xf32>,
      %mul3A_384 = arith.mulf %get3A_380, %gather3A : vector<16xf32>
      %mul3A_385 = arith.mulf %get3A_383, %gather3A_91 : vector<16xf32>
      %add3A_386 = arith.addf %mul3A_384, %mul3A_385 : vector<16xf32>
      %swap3A_387 = arith.index_cast %scan3A_84 : i32 to index
      %swap3A_388 = arith.constant 384 : index
      %swap3A_389 = tpu.vector_load %arg10[%swap3A_387, %swap3A_388] {strides = array<i32>} : memref<64x768xf32, #tpu.memory_space<vmem>>, vector<16xf32>,
      tpu.vector_store %arg10[%swap3A_387, %swap3A_388], %add3A_386 {strides = array<i32>} : memref<64x768xf32, #tpu.memory_space<vmem>>, vector<16xf32>,
      %get3A_390 = arith.index_cast %scan3A_84 : i32 to index
      %get3A_391 = arith.constant 400 : index
      %get3A_392 = tpu.vector_load %arg10[%get3A_390, %get3A_391] {strides = array<i32>} : memref<64x768xf32, #tpu.memory_space<vmem>>, vector<16xf32>,
      %get3A_393 = arith.index_cast %scan3A_84 : i32 to index
      %get3A_394 = arith.constant 400 : index
      %get3A_395 = tpu.vector_load %arg11[%get3A_393, %get3A_394] {strides = array<i32>} : memref<64x768xf32, #tpu.memory_space<vmem>>, vector<16xf32>,
      %mul3A_396 = arith.mulf %get3A_392, %gather3A : vector<16xf32>
      %mul3A_397 = arith.mulf %get3A_395, %gather3A_91 : vector<16xf32>
      %add3A_398 = arith.addf %mul3A_396, %mul3A_397 : vector<16xf32>
      %swap3A_399 = arith.index_cast %scan3A_84 : i32 to index
      %swap3A_400 = arith.constant 400 : index
      %swap3A_401 = tpu.vector_load %arg10[%swap3A_399, %swap3A_400] {strides = array<i32>} : memref<64x768xf32, #tpu.memory_space<vmem>>, vector<16xf32>,
      tpu.vector_store %arg10[%swap3A_399, %swap3A_400], %add3A_398 {strides = array<i32>} : memref<64x768xf32, #tpu.memory_space<vmem>>, vector<16xf32>,
      %get3A_402 = arith.index_cast %scan3A_84 : i32 to index
      %get3A_403 = arith.constant 416 : index
      %get3A_404 = tpu.vector_load %arg10[%get3A_402, %get3A_403] {strides = array<i32>} : memref<64x768xf32, #tpu.memory_space<vmem>>, vector<16xf32>,
      %get3A_405 = arith.index_cast %scan3A_84 : i32 to index
      %get3A_406 = arith.constant 416 : index
      %get3A_407 = tpu.vector_load %arg11[%get3A_405, %get3A_406] {strides = array<i32>} : memref<64x768xf32, #tpu.memory_space<vmem>>, vector<16xf32>,
      %mul3A_408 = arith.mulf %get3A_404, %gather3A : vector<16xf32>
      %mul3A_409 = arith.mulf %get3A_407, %gather3A_91 : vector<16xf32>
      %add3A_410 = arith.addf %mul3A_408, %mul3A_409 : vector<16xf32>
      %swap3A_411 = arith.index_cast %scan3A_84 : i32 to index
      %swap3A_412 = arith.constant 416 : index
      %swap3A_413 = tpu.vector_load %arg10[%swap3A_411, %swap3A_412] {strides = array<i32>} : memref<64x768xf32, #tpu.memory_space<vmem>>, vector<16xf32>,
      tpu.vector_store %arg10[%swap3A_411, %swap3A_412], %add3A_410 {strides = array<i32>} : memref<64x768xf32, #tpu.memory_space<vmem>>, vector<16xf32>,
      %get3A_414 = arith.index_cast %scan3A_84 : i32 to index
      %get3A_415 = arith.constant 432 : index
      %get3A_416 = tpu.vector_load %arg10[%get3A_414, %get3A_415] {strides = array<i32>} : memref<64x768xf32, #tpu.memory_space<vmem>>, vector<16xf32>,
      %get3A_417 = arith.index_cast %scan3A_84 : i32 to index
      %get3A_418 = arith.constant 432 : index
      %get3A_419 = tpu.vector_load %arg11[%get3A_417, %get3A_418] {strides = array<i32>} : memref<64x768xf32, #tpu.memory_space<vmem>>, vector<16xf32>,
      %mul3A_420 = arith.mulf %get3A_416, %gather3A : vector<16xf32>
      %mul3A_421 = arith.mulf %get3A_419, %gather3A_91 : vector<16xf32>
      %add3A_422 = arith.addf %mul3A_420, %mul3A_421 : vector<16xf32>
      %swap3A_423 = arith.index_cast %scan3A_84 : i32 to index
      %swap3A_424 = arith.constant 432 : index
      %swap3A_425 = tpu.vector_load %arg10[%swap3A_423, %swap3A_424] {strides = array<i32>} : memref<64x768xf32, #tpu.memory_space<vmem>>, vector<16xf32>,
      tpu.vector_store %arg10[%swap3A_423, %swap3A_424], %add3A_422 {strides = array<i32>} : memref<64x768xf32, #tpu.memory_space<vmem>>, vector<16xf32>,
      %get3A_426 = arith.index_cast %scan3A_84 : i32 to index
      %get3A_427 = arith.constant 448 : index
      %get3A_428 = tpu.vector_load %arg10[%get3A_426, %get3A_427] {strides = array<i32>} : memref<64x768xf32, #tpu.memory_space<vmem>>, vector<16xf32>,
      %get3A_429 = arith.index_cast %scan3A_84 : i32 to index
      %get3A_430 = arith.constant 448 : index
      %get3A_431 = tpu.vector_load %arg11[%get3A_429, %get3A_430] {strides = array<i32>} : memref<64x768xf32, #tpu.memory_space<vmem>>, vector<16xf32>,
      %mul3A_432 = arith.mulf %get3A_428, %gather3A : vector<16xf32>
      %mul3A_433 = arith.mulf %get3A_431, %gather3A_91 : vector<16xf32>
      %add3A_434 = arith.addf %mul3A_432, %mul3A_433 : vector<16xf32>
      %swap3A_435 = arith.index_cast %scan3A_84 : i32 to index
      %swap3A_436 = arith.constant 448 : index
      %swap3A_437 = tpu.vector_load %arg10[%swap3A_435, %swap3A_436] {strides = array<i32>} : memref<64x768xf32, #tpu.memory_space<vmem>>, vector<16xf32>,
      tpu.vector_store %arg10[%swap3A_435, %swap3A_436], %add3A_434 {strides = array<i32>} : memref<64x768xf32, #tpu.memory_space<vmem>>, vector<16xf32>,
      %get3A_438 = arith.index_cast %scan3A_84 : i32 to index
      %get3A_439 = arith.constant 464 : index
      %get3A_440 = tpu.vector_load %arg10[%get3A_438, %get3A_439] {strides = array<i32>} : memref<64x768xf32, #tpu.memory_space<vmem>>, vector<16xf32>,
      %get3A_441 = arith.index_cast %scan3A_84 : i32 to index
      %get3A_442 = arith.constant 464 : index
      %get3A_443 = tpu.vector_load %arg11[%get3A_441, %get3A_442] {strides = array<i32>} : memref<64x768xf32, #tpu.memory_space<vmem>>, vector<16xf32>,
      %mul3A_444 = arith.mulf %get3A_440, %gather3A : vector<16xf32>
      %mul3A_445 = arith.mulf %get3A_443, %gather3A_91 : vector<16xf32>
      %add3A_446 = arith.addf %mul3A_444, %mul3A_445 : vector<16xf32>
      %swap3A_447 = arith.index_cast %scan3A_84 : i32 to index
      %swap3A_448 = arith.constant 464 : index
      %swap3A_449 = tpu.vector_load %arg10[%swap3A_447, %swap3A_448] {strides = array<i32>} : memref<64x768xf32, #tpu.memory_space<vmem>>, vector<16xf32>,
      tpu.vector_store %arg10[%swap3A_447, %swap3A_448], %add3A_446 {strides = array<i32>} : memref<64x768xf32, #tpu.memory_space<vmem>>, vector<16xf32>,
      %get3A_450 = arith.index_cast %scan3A_84 : i32 to index
      %get3A_451 = arith.constant 480 : index
      %get3A_452 = tpu.vector_load %arg10[%get3A_450, %get3A_451] {strides = array<i32>} : memref<64x768xf32, #tpu.memory_space<vmem>>, vector<16xf32>,
      %get3A_453 = arith.index_cast %scan3A_84 : i32 to index
      %get3A_454 = arith.constant 480 : index
      %get3A_455 = tpu.vector_load %arg11[%get3A_453, %get3A_454] {strides = array<i32>} : memref<64x768xf32, #tpu.memory_space<vmem>>, vector<16xf32>,
      %mul3A_456 = arith.mulf %get3A_452, %gather3A : vector<16xf32>
      %mul3A_457 = arith.mulf %get3A_455, %gather3A_91 : vector<16xf32>
      %add3A_458 = arith.addf %mul3A_456, %mul3A_457 : vector<16xf32>
      %swap3A_459 = arith.index_cast %scan3A_84 : i32 to index
      %swap3A_460 = arith.constant 480 : index
      %swap3A_461 = tpu.vector_load %arg10[%swap3A_459, %swap3A_460] {strides = array<i32>} : memref<64x768xf32, #tpu.memory_space<vmem>>, vector<16xf32>,
      tpu.vector_store %arg10[%swap3A_459, %swap3A_460], %add3A_458 {strides = array<i32>} : memref<64x768xf32, #tpu.memory_space<vmem>>, vector<16xf32>,
      %get3A_462 = arith.index_cast %scan3A_84 : i32 to index
      %get3A_463 = arith.constant 496 : index
      %get3A_464 = tpu.vector_load %arg10[%get3A_462, %get3A_463] {strides = array<i32>} : memref<64x768xf32, #tpu.memory_space<vmem>>, vector<16xf32>,
      %get3A_465 = arith.index_cast %scan3A_84 : i32 to index
      %get3A_466 = arith.constant 496 : index
      %get3A_467 = tpu.vector_load %arg11[%get3A_465, %get3A_466] {strides = array<i32>} : memref<64x768xf32, #tpu.memory_space<vmem>>, vector<16xf32>,
      %mul3A_468 = arith.mulf %get3A_464, %gather3A : vector<16xf32>
      %mul3A_469 = arith.mulf %get3A_467, %gather3A_91 : vector<16xf32>
      %add3A_470 = arith.addf %mul3A_468, %mul3A_469 : vector<16xf32>
      %swap3A_471 = arith.index_cast %scan3A_84 : i32 to index
      %swap3A_472 = arith.constant 496 : index
      %swap3A_473 = tpu.vector_load %arg10[%swap3A_471, %swap3A_472] {strides = array<i32>} : memref<64x768xf32, #tpu.memory_space<vmem>>, vector<16xf32>,
      tpu.vector_store %arg10[%swap3A_471, %swap3A_472], %add3A_470 {strides = array<i32>} : memref<64x768xf32, #tpu.memory_space<vmem>>, vector<16xf32>,
      %get3A_474 = arith.index_cast %scan3A_84 : i32 to index
      %get3A_475 = arith.constant 512 : index
      %get3A_476 = tpu.vector_load %arg10[%get3A_474, %get3A_475] {strides = array<i32>} : memref<64x768xf32, #tpu.memory_space<vmem>>, vector<16xf32>,
      %get3A_477 = arith.index_cast %scan3A_84 : i32 to index
      %get3A_478 = arith.constant 512 : index
      %get3A_479 = tpu.vector_load %arg11[%get3A_477, %get3A_478] {strides = array<i32>} : memref<64x768xf32, #tpu.memory_space<vmem>>, vector<16xf32>,
      %mul3A_480 = arith.mulf %get3A_476, %gather3A : vector<16xf32>
      %mul3A_481 = arith.mulf %get3A_479, %gather3A_91 : vector<16xf32>
      %add3A_482 = arith.addf %mul3A_480, %mul3A_481 : vector<16xf32>
      %swap3A_483 = arith.index_cast %scan3A_84 : i32 to index
      %swap3A_484 = arith.constant 512 : index
      %swap3A_485 = tpu.vector_load %arg10[%swap3A_483, %swap3A_484] {strides = array<i32>} : memref<64x768xf32, #tpu.memory_space<vmem>>, vector<16xf32>,
      tpu.vector_store %arg10[%swap3A_483, %swap3A_484], %add3A_482 {strides = array<i32>} : memref<64x768xf32, #tpu.memory_space<vmem>>, vector<16xf32>,
      %get3A_486 = arith.index_cast %scan3A_84 : i32 to index
      %get3A_487 = arith.constant 528 : index
      %get3A_488 = tpu.vector_load %arg10[%get3A_486, %get3A_487] {strides = array<i32>} : memref<64x768xf32, #tpu.memory_space<vmem>>, vector<16xf32>,
      %get3A_489 = arith.index_cast %scan3A_84 : i32 to index
      %get3A_490 = arith.constant 528 : index
      %get3A_491 = tpu.vector_load %arg11[%get3A_489, %get3A_490] {strides = array<i32>} : memref<64x768xf32, #tpu.memory_space<vmem>>, vector<16xf32>,
      %mul3A_492 = arith.mulf %get3A_488, %gather3A : vector<16xf32>
      %mul3A_493 = arith.mulf %get3A_491, %gather3A_91 : vector<16xf32>
      %add3A_494 = arith.addf %mul3A_492, %mul3A_493 : vector<16xf32>
      %swap3A_495 = arith.index_cast %scan3A_84 : i32 to index
      %swap3A_496 = arith.constant 528 : index
      %swap3A_497 = tpu.vector_load %arg10[%swap3A_495, %swap3A_496] {strides = array<i32>} : memref<64x768xf32, #tpu.memory_space<vmem>>, vector<16xf32>,
      tpu.vector_store %arg10[%swap3A_495, %swap3A_496], %add3A_494 {strides = array<i32>} : memref<64x768xf32, #tpu.memory_space<vmem>>, vector<16xf32>,
      %get3A_498 = arith.index_cast %scan3A_84 : i32 to index
      %get3A_499 = arith.constant 544 : index
      %get3A_500 = tpu.vector_load %arg10[%get3A_498, %get3A_499] {strides = array<i32>} : memref<64x768xf32, #tpu.memory_space<vmem>>, vector<16xf32>,
      %get3A_501 = arith.index_cast %scan3A_84 : i32 to index
      %get3A_502 = arith.constant 544 : index
      %get3A_503 = tpu.vector_load %arg11[%get3A_501, %get3A_502] {strides = array<i32>} : memref<64x768xf32, #tpu.memory_space<vmem>>, vector<16xf32>,
      %mul3A_504 = arith.mulf %get3A_500, %gather3A : vector<16xf32>
      %mul3A_505 = arith.mulf %get3A_503, %gather3A_91 : vector<16xf32>
      %add3A_506 = arith.addf %mul3A_504, %mul3A_505 : vector<16xf32>
      %swap3A_507 = arith.index_cast %scan3A_84 : i32 to index
      %swap3A_508 = arith.constant 544 : index
      %swap3A_509 = tpu.vector_load %arg10[%swap3A_507, %swap3A_508] {strides = array<i32>} : memref<64x768xf32, #tpu.memory_space<vmem>>, vector<16xf32>,
      tpu.vector_store %arg10[%swap3A_507, %swap3A_508], %add3A_506 {strides = array<i32>} : memref<64x768xf32, #tpu.memory_space<vmem>>, vector<16xf32>,
      %get3A_510 = arith.index_cast %scan3A_84 : i32 to index
      %get3A_511 = arith.constant 560 : index
      %get3A_512 = tpu.vector_load %arg10[%get3A_510, %get3A_511] {strides = array<i32>} : memref<64x768xf32, #tpu.memory_space<vmem>>, vector<16xf32>,
      %get3A_513 = arith.index_cast %scan3A_84 : i32 to index
      %get3A_514 = arith.constant 560 : index
      %get3A_515 = tpu.vector_load %arg11[%get3A_513, %get3A_514] {strides = array<i32>} : memref<64x768xf32, #tpu.memory_space<vmem>>, vector<16xf32>,
      %mul3A_516 = arith.mulf %get3A_512, %gather3A : vector<16xf32>
      %mul3A_517 = arith.mulf %get3A_515, %gather3A_91 : vector<16xf32>
      %add3A_518 = arith.addf %mul3A_516, %mul3A_517 : vector<16xf32>
      %swap3A_519 = arith.index_cast %scan3A_84 : i32 to index
      %swap3A_520 = arith.constant 560 : index
      %swap3A_521 = tpu.vector_load %arg10[%swap3A_519, %swap3A_520] {strides = array<i32>} : memref<64x768xf32, #tpu.memory_space<vmem>>, vector<16xf32>,
      tpu.vector_store %arg10[%swap3A_519, %swap3A_520], %add3A_518 {strides = array<i32>} : memref<64x768xf32, #tpu.memory_space<vmem>>, vector<16xf32>,
      %get3A_522 = arith.index_cast %scan3A_84 : i32 to index
      %get3A_523 = arith.constant 576 : index
      %get3A_524 = tpu.vector_load %arg10[%get3A_522, %get3A_523] {strides = array<i32>} : memref<64x768xf32, #tpu.memory_space<vmem>>, vector<16xf32>,
      %get3A_525 = arith.index_cast %scan3A_84 : i32 to index
      %get3A_526 = arith.constant 576 : index
      %get3A_527 = tpu.vector_load %arg11[%get3A_525, %get3A_526] {strides = array<i32>} : memref<64x768xf32, #tpu.memory_space<vmem>>, vector<16xf32>,
      %mul3A_528 = arith.mulf %get3A_524, %gather3A : vector<16xf32>
      %mul3A_529 = arith.mulf %get3A_527, %gather3A_91 : vector<16xf32>
      %add3A_530 = arith.addf %mul3A_528, %mul3A_529 : vector<16xf32>
      %swap3A_531 = arith.index_cast %scan3A_84 : i32 to index
      %swap3A_532 = arith.constant 576 : index
      %swap3A_533 = tpu.vector_load %arg10[%swap3A_531, %swap3A_532] {strides = array<i32>} : memref<64x768xf32, #tpu.memory_space<vmem>>, vector<16xf32>,
      tpu.vector_store %arg10[%swap3A_531, %swap3A_532], %add3A_530 {strides = array<i32>} : memref<64x768xf32, #tpu.memory_space<vmem>>, vector<16xf32>,
      %get3A_534 = arith.index_cast %scan3A_84 : i32 to index
      %get3A_535 = arith.constant 592 : index
      %get3A_536 = tpu.vector_load %arg10[%get3A_534, %get3A_535] {strides = array<i32>} : memref<64x768xf32, #tpu.memory_space<vmem>>, vector<16xf32>,
      %get3A_537 = arith.index_cast %scan3A_84 : i32 to index
      %get3A_538 = arith.constant 592 : index
      %get3A_539 = tpu.vector_load %arg11[%get3A_537, %get3A_538] {strides = array<i32>} : memref<64x768xf32, #tpu.memory_space<vmem>>, vector<16xf32>,
      %mul3A_540 = arith.mulf %get3A_536, %gather3A : vector<16xf32>
      %mul3A_541 = arith.mulf %get3A_539, %gather3A_91 : vector<16xf32>
      %add3A_542 = arith.addf %mul3A_540, %mul3A_541 : vector<16xf32>
      %swap3A_543 = arith.index_cast %scan3A_84 : i32 to index
      %swap3A_544 = arith.constant 592 : index
      %swap3A_545 = tpu.vector_load %arg10[%swap3A_543, %swap3A_544] {strides = array<i32>} : memref<64x768xf32, #tpu.memory_space<vmem>>, vector<16xf32>,
      tpu.vector_store %arg10[%swap3A_543, %swap3A_544], %add3A_542 {strides = array<i32>} : memref<64x768xf32, #tpu.memory_space<vmem>>, vector<16xf32>,
      %get3A_546 = arith.index_cast %scan3A_84 : i32 to index
      %get3A_547 = arith.constant 608 : index
      %get3A_548 = tpu.vector_load %arg10[%get3A_546, %get3A_547] {strides = array<i32>} : memref<64x768xf32, #tpu.memory_space<vmem>>, vector<16xf32>,
      %get3A_549 = arith.index_cast %scan3A_84 : i32 to index
      %get3A_550 = arith.constant 608 : index
      %get3A_551 = tpu.vector_load %arg11[%get3A_549, %get3A_550] {strides = array<i32>} : memref<64x768xf32, #tpu.memory_space<vmem>>, vector<16xf32>,
      %mul3A_552 = arith.mulf %get3A_548, %gather3A : vector<16xf32>
      %mul3A_553 = arith.mulf %get3A_551, %gather3A_91 : vector<16xf32>
      %add3A_554 = arith.addf %mul3A_552, %mul3A_553 : vector<16xf32>
      %swap3A_555 = arith.index_cast %scan3A_84 : i32 to index
      %swap3A_556 = arith.constant 608 : index
      %swap3A_557 = tpu.vector_load %arg10[%swap3A_555, %swap3A_556] {strides = array<i32>} : memref<64x768xf32, #tpu.memory_space<vmem>>, vector<16xf32>,
      tpu.vector_store %arg10[%swap3A_555, %swap3A_556], %add3A_554 {strides = array<i32>} : memref<64x768xf32, #tpu.memory_space<vmem>>, vector<16xf32>,
      %get3A_558 = arith.index_cast %scan3A_84 : i32 to index
      %get3A_559 = arith.constant 624 : index
      %get3A_560 = tpu.vector_load %arg10[%get3A_558, %get3A_559] {strides = array<i32>} : memref<64x768xf32, #tpu.memory_space<vmem>>, vector<16xf32>,
      %get3A_561 = arith.index_cast %scan3A_84 : i32 to index
      %get3A_562 = arith.constant 624 : index
      %get3A_563 = tpu.vector_load %arg11[%get3A_561, %get3A_562] {strides = array<i32>} : memref<64x768xf32, #tpu.memory_space<vmem>>, vector<16xf32>,
      %mul3A_564 = arith.mulf %get3A_560, %gather3A : vector<16xf32>
      %mul3A_565 = arith.mulf %get3A_563, %gather3A_91 : vector<16xf32>
      %add3A_566 = arith.addf %mul3A_564, %mul3A_565 : vector<16xf32>
      %swap3A_567 = arith.index_cast %scan3A_84 : i32 to index
      %swap3A_568 = arith.constant 624 : index
      %swap3A_569 = tpu.vector_load %arg10[%swap3A_567, %swap3A_568] {strides = array<i32>} : memref<64x768xf32, #tpu.memory_space<vmem>>, vector<16xf32>,
      tpu.vector_store %arg10[%swap3A_567, %swap3A_568], %add3A_566 {strides = array<i32>} : memref<64x768xf32, #tpu.memory_space<vmem>>, vector<16xf32>,
      %get3A_570 = arith.index_cast %scan3A_84 : i32 to index
      %get3A_571 = arith.constant 640 : index
      %get3A_572 = tpu.vector_load %arg10[%get3A_570, %get3A_571] {strides = array<i32>} : memref<64x768xf32, #tpu.memory_space<vmem>>, vector<16xf32>,
      %get3A_573 = arith.index_cast %scan3A_84 : i32 to index
      %get3A_574 = arith.constant 640 : index
      %get3A_575 = tpu.vector_load %arg11[%get3A_573, %get3A_574] {strides = array<i32>} : memref<64x768xf32, #tpu.memory_space<vmem>>, vector<16xf32>,
      %mul3A_576 = arith.mulf %get3A_572, %gather3A : vector<16xf32>
      %mul3A_577 = arith.mulf %get3A_575, %gather3A_91 : vector<16xf32>
      %add3A_578 = arith.addf %mul3A_576, %mul3A_577 : vector<16xf32>
      %swap3A_579 = arith.index_cast %scan3A_84 : i32 to index
      %swap3A_580 = arith.constant 640 : index
      %swap3A_581 = tpu.vector_load %arg10[%swap3A_579, %swap3A_580] {strides = array<i32>} : memref<64x768xf32, #tpu.memory_space<vmem>>, vector<16xf32>,
      tpu.vector_store %arg10[%swap3A_579, %swap3A_580], %add3A_578 {strides = array<i32>} : memref<64x768xf32, #tpu.memory_space<vmem>>, vector<16xf32>,
      %get3A_582 = arith.index_cast %scan3A_84 : i32 to index
      %get3A_583 = arith.constant 656 : index
      %get3A_584 = tpu.vector_load %arg10[%get3A_582, %get3A_583] {strides = array<i32>} : memref<64x768xf32, #tpu.memory_space<vmem>>, vector<16xf32>,
      %get3A_585 = arith.index_cast %scan3A_84 : i32 to index
      %get3A_586 = arith.constant 656 : index
      %get3A_587 = tpu.vector_load %arg11[%get3A_585, %get3A_586] {strides = array<i32>} : memref<64x768xf32, #tpu.memory_space<vmem>>, vector<16xf32>,
      %mul3A_588 = arith.mulf %get3A_584, %gather3A : vector<16xf32>
      %mul3A_589 = arith.mulf %get3A_587, %gather3A_91 : vector<16xf32>
      %add3A_590 = arith.addf %mul3A_588, %mul3A_589 : vector<16xf32>
      %swap3A_591 = arith.index_cast %scan3A_84 : i32 to index
      %swap3A_592 = arith.constant 656 : index
      %swap3A_593 = tpu.vector_load %arg10[%swap3A_591, %swap3A_592] {strides = array<i32>} : memref<64x768xf32, #tpu.memory_space<vmem>>, vector<16xf32>,
      tpu.vector_store %arg10[%swap3A_591, %swap3A_592], %add3A_590 {strides = array<i32>} : memref<64x768xf32, #tpu.memory_space<vmem>>, vector<16xf32>,
      %get3A_594 = arith.index_cast %scan3A_84 : i32 to index
      %get3A_595 = arith.constant 672 : index
      %get3A_596 = tpu.vector_load %arg10[%get3A_594, %get3A_595] {strides = array<i32>} : memref<64x768xf32, #tpu.memory_space<vmem>>, vector<16xf32>,
      %get3A_597 = arith.index_cast %scan3A_84 : i32 to index
      %get3A_598 = arith.constant 672 : index
      %get3A_599 = tpu.vector_load %arg11[%get3A_597, %get3A_598] {strides = array<i32>} : memref<64x768xf32, #tpu.memory_space<vmem>>, vector<16xf32>,
      %mul3A_600 = arith.mulf %get3A_596, %gather3A : vector<16xf32>
      %mul3A_601 = arith.mulf %get3A_599, %gather3A_91 : vector<16xf32>
      %add3A_602 = arith.addf %mul3A_600, %mul3A_601 : vector<16xf32>
      %swap3A_603 = arith.index_cast %scan3A_84 : i32 to index
      %swap3A_604 = arith.constant 672 : index
      %swap3A_605 = tpu.vector_load %arg10[%swap3A_603, %swap3A_604] {strides = array<i32>} : memref<64x768xf32, #tpu.memory_space<vmem>>, vector<16xf32>,
      tpu.vector_store %arg10[%swap3A_603, %swap3A_604], %add3A_602 {strides = array<i32>} : memref<64x768xf32, #tpu.memory_space<vmem>>, vector<16xf32>,
      %get3A_606 = arith.index_cast %scan3A_84 : i32 to index
      %get3A_607 = arith.constant 688 : index
      %get3A_608 = tpu.vector_load %arg10[%get3A_606, %get3A_607] {strides = array<i32>} : memref<64x768xf32, #tpu.memory_space<vmem>>, vector<16xf32>,
      %get3A_609 = arith.index_cast %scan3A_84 : i32 to index
      %get3A_610 = arith.constant 688 : index
      %get3A_611 = tpu.vector_load %arg11[%get3A_609, %get3A_610] {strides = array<i32>} : memref<64x768xf32, #tpu.memory_space<vmem>>, vector<16xf32>,
      %mul3A_612 = arith.mulf %get3A_608, %gather3A : vector<16xf32>
      %mul3A_613 = arith.mulf %get3A_611, %gather3A_91 : vector<16xf32>
      %add3A_614 = arith.addf %mul3A_612, %mul3A_613 : vector<16xf32>
      %swap3A_615 = arith.index_cast %scan3A_84 : i32 to index
      %swap3A_616 = arith.constant 688 : index
      %swap3A_617 = tpu.vector_load %arg10[%swap3A_615, %swap3A_616] {strides = array<i32>} : memref<64x768xf32, #tpu.memory_space<vmem>>, vector<16xf32>,
      tpu.vector_store %arg10[%swap3A_615, %swap3A_616], %add3A_614 {strides = array<i32>} : memref<64x768xf32, #tpu.memory_space<vmem>>, vector<16xf32>,
      %get3A_618 = arith.index_cast %scan3A_84 : i32 to index
      %get3A_619 = arith.constant 704 : index
      %get3A_620 = tpu.vector_load %arg10[%get3A_618, %get3A_619] {strides = array<i32>} : memref<64x768xf32, #tpu.memory_space<vmem>>, vector<16xf32>,
      %get3A_621 = arith.index_cast %scan3A_84 : i32 to index
      %get3A_622 = arith.constant 704 : index
      %get3A_623 = tpu.vector_load %arg11[%get3A_621, %get3A_622] {strides = array<i32>} : memref<64x768xf32, #tpu.memory_space<vmem>>, vector<16xf32>,
      %mul3A_624 = arith.mulf %get3A_620, %gather3A : vector<16xf32>
      %mul3A_625 = arith.mulf %get3A_623, %gather3A_91 : vector<16xf32>
      %add3A_626 = arith.addf %mul3A_624, %mul3A_625 : vector<16xf32>
      %swap3A_627 = arith.index_cast %scan3A_84 : i32 to index
      %swap3A_628 = arith.constant 704 : index
      %swap3A_629 = tpu.vector_load %arg10[%swap3A_627, %swap3A_628] {strides = array<i32>} : memref<64x768xf32, #tpu.memory_space<vmem>>, vector<16xf32>,
      tpu.vector_store %arg10[%swap3A_627, %swap3A_628], %add3A_626 {strides = array<i32>} : memref<64x768xf32, #tpu.memory_space<vmem>>, vector<16xf32>,
      %get3A_630 = arith.index_cast %scan3A_84 : i32 to index
      %get3A_631 = arith.constant 720 : index
      %get3A_632 = tpu.vector_load %arg10[%get3A_630, %get3A_631] {strides = array<i32>} : memref<64x768xf32, #tpu.memory_space<vmem>>, vector<16xf32>,
      %get3A_633 = arith.index_cast %scan3A_84 : i32 to index
      %get3A_634 = arith.constant 720 : index
      %get3A_635 = tpu.vector_load %arg11[%get3A_633, %get3A_634] {strides = array<i32>} : memref<64x768xf32, #tpu.memory_space<vmem>>, vector<16xf32>,
      %mul3A_636 = arith.mulf %get3A_632, %gather3A : vector<16xf32>
      %mul3A_637 = arith.mulf %get3A_635, %gather3A_91 : vector<16xf32>
      %add3A_638 = arith.addf %mul3A_636, %mul3A_637 : vector<16xf32>
      %swap3A_639 = arith.index_cast %scan3A_84 : i32 to index
      %swap3A_640 = arith.constant 720 : index
      %swap3A_641 = tpu.vector_load %arg10[%swap3A_639, %swap3A_640] {strides = array<i32>} : memref<64x768xf32, #tpu.memory_space<vmem>>, vector<16xf32>,
      tpu.vector_store %arg10[%swap3A_639, %swap3A_640], %add3A_638 {strides = array<i32>} : memref<64x768xf32, #tpu.memory_space<vmem>>, vector<16xf32>,
      %get3A_642 = arith.index_cast %scan3A_84 : i32 to index
      %get3A_643 = arith.constant 736 : index
      %get3A_644 = tpu.vector_load %arg10[%get3A_642, %get3A_643] {strides = array<i32>} : memref<64x768xf32, #tpu.memory_space<vmem>>, vector<16xf32>,
      %get3A_645 = arith.index_cast %scan3A_84 : i32 to index
      %get3A_646 = arith.constant 736 : index
      %get3A_647 = tpu.vector_load %arg11[%get3A_645, %get3A_646] {strides = array<i32>} : memref<64x768xf32, #tpu.memory_space<vmem>>, vector<16xf32>,
      %mul3A_648 = arith.mulf %get3A_644, %gather3A : vector<16xf32>
      %mul3A_649 = arith.mulf %get3A_647, %gather3A_91 : vector<16xf32>
      %add3A_650 = arith.addf %mul3A_648, %mul3A_649 : vector<16xf32>
      %swap3A_651 = arith.index_cast %scan3A_84 : i32 to index
      %swap3A_652 = arith.constant 736 : index
      %swap3A_653 = tpu.vector_load %arg10[%swap3A_651, %swap3A_652] {strides = array<i32>} : memref<64x768xf32, #tpu.memory_space<vmem>>, vector<16xf32>,
      tpu.vector_store %arg10[%swap3A_651, %swap3A_652], %add3A_650 {strides = array<i32>} : memref<64x768xf32, #tpu.memory_space<vmem>>, vector<16xf32>,
      %get3A_654 = arith.index_cast %scan3A_84 : i32 to index
      %get3A_655 = arith.constant 752 : index
      %get3A_656 = tpu.vector_load %arg10[%get3A_654, %get3A_655] {strides = array<i32>} : memref<64x768xf32, #tpu.memory_space<vmem>>, vector<16xf32>,
      %get3A_657 = arith.index_cast %scan3A_84 : i32 to index
      %get3A_658 = arith.constant 752 : index
      %get3A_659 = tpu.vector_load %arg11[%get3A_657, %get3A_658] {strides = array<i32>} : memref<64x768xf32, #tpu.memory_space<vmem>>, vector<16xf32>,
      %mul3A_660 = arith.mulf %get3A_656, %gather3A : vector<16xf32>
      %mul3A_661 = arith.mulf %get3A_659, %gather3A_91 : vector<16xf32>
      %add3A_662 = arith.addf %mul3A_660, %mul3A_661 : vector<16xf32>
      %swap3A_663 = arith.index_cast %scan3A_84 : i32 to index
      %swap3A_664 = arith.constant 752 : index
      %swap3A_665 = tpu.vector_load %arg10[%swap3A_663, %swap3A_664] {strides = array<i32>} : memref<64x768xf32, #tpu.memory_space<vmem>>, vector<16xf32>,
      tpu.vector_store %arg10[%swap3A_663, %swap3A_664], %add3A_662 {strides = array<i32>} : memref<64x768xf32, #tpu.memory_space<vmem>>, vector<16xf32>,
      %scan3A_666 = arith.constant 0 : i32
      scf.yield %scan3A_666 : i32
    }
    %scan3A_52 = arith.constant 64 : i32
    %add3A_53 = arith.constant 0 : i32
    %add3A_54 = arith.addi %mul3A_2, %add3A_53 : i32
    "tpu.region"() ({
      %run_scoped3A = tpu.sem_alloc : memref<!tpu.dma_semaphore, #tpu.memory_space<semaphore_mem>>
      %dma_start3A_84 = arith.constant 0 : i32
      %dma_start3A_85 = tpu.memref_slice %arg5[%add3A_54, %dma_start3A_84] : memref<4096x768xf32, #tpu.memory_space<hbm>> -> memref<64x768xf32, #tpu.memory_space<hbm>>
      %dma_start3A_86 = arith.constant 0 : i32
      %dma_start3A_87 = tpu.memref_slice %arg5[%add3A_54, %dma_start3A_86] : memref<4096x768xf32, #tpu.memory_space<hbm>> -> memref<64x768xf32, #tpu.memory_space<hbm>>
      tpu.enqueue_dma source(%arg10 : memref<64x768xf32, #tpu.memory_space<vmem>>) target(%dma_start3A_87 : memref<64x768xf32, #tpu.memory_space<hbm>>) target_semaphore(%run_scoped3A : memref<!tpu.dma_semaphore, #tpu.memory_space<semaphore_mem>>)
      %dma_wait3A_88 = arith.constant 0 : i32
      %dma_wait3A_89 = tpu.memref_slice %arg5[%add3A_54, %dma_wait3A_88] : memref<4096x768xf32, #tpu.memory_space<hbm>> -> memref<64x768xf32, #tpu.memory_space<hbm>>
      %dma_wait3A_90 = arith.constant 0 : i32
      %dma_wait3A_91 = tpu.memref_slice %arg5[%add3A_54, %dma_wait3A_90] : memref<4096x768xf32, #tpu.memory_space<hbm>> -> memref<64x768xf32, #tpu.memory_space<hbm>>
      tpu.wait_dma2 semaphore(%run_scoped3A : memref<!tpu.dma_semaphore, #tpu.memory_space<semaphore_mem>>) src(%arg10 : memref<64x768xf32, #tpu.memory_space<vmem>>) dst(%dma_wait3A_91 : memref<64x768xf32, #tpu.memory_space<hbm>>)
      tpu.yield
    }) : () -> ()
    %dma_start3A_55 = arith.constant 64 : i32
    %dma_start3A_56 = tpu.memref_slice %arg6[%dma_start3A_55] : memref<128xi32, #tpu.memory_space<vmem>> -> memref<64xi32, #tpu.memory_space<vmem>>
    %dma_start3A_57 = arith.constant 0 : i32
    %dma_start3A_58 = arith.constant 0 : i32
    %dma_start3A_59 = tpu.memref_slice %arg4[%dma_start3A_57, %dma_start3A_58] : memref<24576x768xf32, #tpu.memory_space<hbm>> -> memref<24576x768xf32, #tpu.memory_space<hbm>>
    tpu.enqueue_indirect_dma source(%dma_start3A_59 : memref<24576x768xf32, #tpu.memory_space<hbm>>) target(%arg10 : memref<64x768xf32, #tpu.memory_space<vmem>>) offsets(%dma_start3A_56 : memref<64xi32, #tpu.memory_space<vmem>>) semaphore(%arg12 : memref<!tpu.dma_semaphore, #tpu.memory_space<semaphore_mem>>)
    %dma_wait3A_60 = arith.constant 64 : i32
    %dma_wait3A_61 = tpu.memref_slice %arg6[%dma_wait3A_60] : memref<128xi32, #tpu.memory_space<vmem>> -> memref<64xi32, #tpu.memory_space<vmem>>
    %dma_wait3A_62 = arith.constant 0 : i32
    %dma_wait3A_63 = arith.constant 0 : i32
    %dma_wait3A_64 = tpu.memref_slice %arg4[%dma_wait3A_62, %dma_wait3A_63] : memref<24576x768xf32, #tpu.memory_space<hbm>> -> memref<24576x768xf32, #tpu.memory_space<hbm>>
    tpu.wait_indirect_dma semaphore(%arg12 : memref<!tpu.dma_semaphore, #tpu.memory_space<semaphore_mem>>) src(%dma_wait3A_64 : memref<24576x768xf32, #tpu.memory_space<hbm>>) dst(%arg10 : memref<64x768xf32, #tpu.memory_space<vmem>>)
    %dma_start3A_65 = arith.constant 64 : i32
    %dma_start3A_66 = tpu.memref_slice %arg7[%dma_start3A_65] : memref<128xi32, #tpu.memory_space<vmem>> -> memref<64xi32, #tpu.memory_space<vmem>>
    %dma_start3A_67 = arith.constant 0 : i32
    %dma_start3A_68 = arith.constant 0 : i32
    %dma_start3A_69 = tpu.memref_slice %arg4[%dma_start3A_67, %dma_start3A_68] : memref<24576x768xf32, #tpu.memory_space<hbm>> -> memref<24576x768xf32, #tpu.memory_space<hbm>>
    tpu.enqueue_indirect_dma source(%dma_start3A_69 : memref<24576x768xf32, #tpu.memory_space<hbm>>) target(%arg11 : memref<64x768xf32, #tpu.memory_space<vmem>>) offsets(%dma_start3A_66 : memref<64xi32, #tpu.memory_space<vmem>>) semaphore(%arg12 : memref<!tpu.dma_semaphore, #tpu.memory_space<semaphore_mem>>)
    %dma_wait3A_70 = arith.constant 64 : i32
    %dma_wait3A_71 = tpu.memref_slice %arg7[%dma_wait3A_70] : memref<128xi32, #tpu.memory_space<vmem>> -> memref<64xi32, #tpu.memory_space<vmem>>
    %dma_wait3A_72 = arith.constant 0 : i32
    %dma_wait3A_73 = arith.constant 0 : i32
    %dma_wait3A_74 = tpu.memref_slice %arg4[%dma_wait3A_72, %dma_wait3A_73] : memref<24576x768xf32, #tpu.memory_space<hbm>> -> memref<24576x768xf32, #tpu.memory_space<hbm>>
    tpu.wait_indirect_dma semaphore(%arg12 : memref<!tpu.dma_semaphore, #tpu.memory_space<semaphore_mem>>) src(%dma_wait3A_74 : memref<24576x768xf32, #tpu.memory_space<hbm>>) dst(%arg11 : memref<64x768xf32, #tpu.memory_space<vmem>>)
    %scan3A_75 = arith.constant 0 : i32
    %scan3A_76 = arith.constant 0 : i32
    %scan3A_77 = arith.constant 64 : i32
    %scan3A_78 = arith.addi %scan3A_76, %scan3A_77 : i32
    %scan3A_79 = arith.constant 1 : i32
    %scan3A_80 = scf.for %scan3A_84 = %scan3A_76 to %scan3A_78 step %scan3A_79 iter_args(%scan3A_85 = %scan3A_75) -> (i32)  : i32 {
      %add3A_86 = arith.constant 64 : i32
      %add3A_87 = arith.addi %add3A_86, %scan3A_84 : i32
      %broadcast_in_dim3A = arith.constant 0 : i32
      %broadcast_in_dim3A_88 = vector.broadcast %broadcast_in_dim3A : i32 to vector<16xi32>
      %add3A_89 = vector.broadcast %add3A_87 : i32 to vector<16xi32>
      %add3A_90 = arith.addi %broadcast_in_dim3A_88, %add3A_89 : vector<16xi32>
      %gather3A = tpu.vector_load_idx %arg8[%add3A_90] : memref<128xf32, #tpu.memory_space<vmem>>[vector<16xi32>], vector<16xf32>,
      %gather3A_91 = tpu.vector_load_idx %arg9[%add3A_90] : memref<128xf32, #tpu.memory_space<vmem>>[vector<16xi32>], vector<16xf32>,
      %get3A = arith.index_cast %scan3A_84 : i32 to index
      %get3A_92 = arith.constant 0 : index
      %get3A_93 = tpu.vector_load %arg10[%get3A, %get3A_92] {strides = array<i32>} : memref<64x768xf32, #tpu.memory_space<vmem>>, vector<16xf32>,
      %get3A_94 = arith.index_cast %scan3A_84 : i32 to index
      %get3A_95 = arith.constant 0 : index
      %get3A_96 = tpu.vector_load %arg11[%get3A_94, %get3A_95] {strides = array<i32>} : memref<64x768xf32, #tpu.memory_space<vmem>>, vector<16xf32>,
      %mul3A_97 = arith.mulf %get3A_93, %gather3A : vector<16xf32>
      %mul3A_98 = arith.mulf %get3A_96, %gather3A_91 : vector<16xf32>
      %add3A_99 = arith.addf %mul3A_97, %mul3A_98 : vector<16xf32>
      %swap3A = arith.index_cast %scan3A_84 : i32 to index
      %swap3A_100 = arith.constant 0 : index
      %swap3A_101 = tpu.vector_load %arg10[%swap3A, %swap3A_100] {strides = array<i32>} : memref<64x768xf32, #tpu.memory_space<vmem>>, vector<16xf32>,
      tpu.vector_store %arg10[%swap3A, %swap3A_100], %add3A_99 {strides = array<i32>} : memref<64x768xf32, #tpu.memory_space<vmem>>, vector<16xf32>,
      %get3A_102 = arith.index_cast %scan3A_84 : i32 to index
      %get3A_103 = arith.constant 16 : index
      %get3A_104 = tpu.vector_load %arg10[%get3A_102, %get3A_103] {strides = array<i32>} : memref<64x768xf32, #tpu.memory_space<vmem>>, vector<16xf32>,
      %get3A_105 = arith.index_cast %scan3A_84 : i32 to index
      %get3A_106 = arith.constant 16 : index
      %get3A_107 = tpu.vector_load %arg11[%get3A_105, %get3A_106] {strides = array<i32>} : memref<64x768xf32, #tpu.memory_space<vmem>>, vector<16xf32>,
      %mul3A_108 = arith.mulf %get3A_104, %gather3A : vector<16xf32>
      %mul3A_109 = arith.mulf %get3A_107, %gather3A_91 : vector<16xf32>
      %add3A_110 = arith.addf %mul3A_108, %mul3A_109 : vector<16xf32>
      %swap3A_111 = arith.index_cast %scan3A_84 : i32 to index
      %swap3A_112 = arith.constant 16 : index
      %swap3A_113 = tpu.vector_load %arg10[%swap3A_111, %swap3A_112] {strides = array<i32>} : memref<64x768xf32, #tpu.memory_space<vmem>>, vector<16xf32>,
      tpu.vector_store %arg10[%swap3A_111, %swap3A_112], %add3A_110 {strides = array<i32>} : memref<64x768xf32, #tpu.memory_space<vmem>>, vector<16xf32>,
      %get3A_114 = arith.index_cast %scan3A_84 : i32 to index
      %get3A_115 = arith.constant 32 : index
      %get3A_116 = tpu.vector_load %arg10[%get3A_114, %get3A_115] {strides = array<i32>} : memref<64x768xf32, #tpu.memory_space<vmem>>, vector<16xf32>,
      %get3A_117 = arith.index_cast %scan3A_84 : i32 to index
      %get3A_118 = arith.constant 32 : index
      %get3A_119 = tpu.vector_load %arg11[%get3A_117, %get3A_118] {strides = array<i32>} : memref<64x768xf32, #tpu.memory_space<vmem>>, vector<16xf32>,
      %mul3A_120 = arith.mulf %get3A_116, %gather3A : vector<16xf32>
      %mul3A_121 = arith.mulf %get3A_119, %gather3A_91 : vector<16xf32>
      %add3A_122 = arith.addf %mul3A_120, %mul3A_121 : vector<16xf32>
      %swap3A_123 = arith.index_cast %scan3A_84 : i32 to index
      %swap3A_124 = arith.constant 32 : index
      %swap3A_125 = tpu.vector_load %arg10[%swap3A_123, %swap3A_124] {strides = array<i32>} : memref<64x768xf32, #tpu.memory_space<vmem>>, vector<16xf32>,
      tpu.vector_store %arg10[%swap3A_123, %swap3A_124], %add3A_122 {strides = array<i32>} : memref<64x768xf32, #tpu.memory_space<vmem>>, vector<16xf32>,
      %get3A_126 = arith.index_cast %scan3A_84 : i32 to index
      %get3A_127 = arith.constant 48 : index
      %get3A_128 = tpu.vector_load %arg10[%get3A_126, %get3A_127] {strides = array<i32>} : memref<64x768xf32, #tpu.memory_space<vmem>>, vector<16xf32>,
      %get3A_129 = arith.index_cast %scan3A_84 : i32 to index
      %get3A_130 = arith.constant 48 : index
      %get3A_131 = tpu.vector_load %arg11[%get3A_129, %get3A_130] {strides = array<i32>} : memref<64x768xf32, #tpu.memory_space<vmem>>, vector<16xf32>,
      %mul3A_132 = arith.mulf %get3A_128, %gather3A : vector<16xf32>
      %mul3A_133 = arith.mulf %get3A_131, %gather3A_91 : vector<16xf32>
      %add3A_134 = arith.addf %mul3A_132, %mul3A_133 : vector<16xf32>
      %swap3A_135 = arith.index_cast %scan3A_84 : i32 to index
      %swap3A_136 = arith.constant 48 : index
      %swap3A_137 = tpu.vector_load %arg10[%swap3A_135, %swap3A_136] {strides = array<i32>} : memref<64x768xf32, #tpu.memory_space<vmem>>, vector<16xf32>,
      tpu.vector_store %arg10[%swap3A_135, %swap3A_136], %add3A_134 {strides = array<i32>} : memref<64x768xf32, #tpu.memory_space<vmem>>, vector<16xf32>,
      %get3A_138 = arith.index_cast %scan3A_84 : i32 to index
      %get3A_139 = arith.constant 64 : index
      %get3A_140 = tpu.vector_load %arg10[%get3A_138, %get3A_139] {strides = array<i32>} : memref<64x768xf32, #tpu.memory_space<vmem>>, vector<16xf32>,
      %get3A_141 = arith.index_cast %scan3A_84 : i32 to index
      %get3A_142 = arith.constant 64 : index
      %get3A_143 = tpu.vector_load %arg11[%get3A_141, %get3A_142] {strides = array<i32>} : memref<64x768xf32, #tpu.memory_space<vmem>>, vector<16xf32>,
      %mul3A_144 = arith.mulf %get3A_140, %gather3A : vector<16xf32>
      %mul3A_145 = arith.mulf %get3A_143, %gather3A_91 : vector<16xf32>
      %add3A_146 = arith.addf %mul3A_144, %mul3A_145 : vector<16xf32>
      %swap3A_147 = arith.index_cast %scan3A_84 : i32 to index
      %swap3A_148 = arith.constant 64 : index
      %swap3A_149 = tpu.vector_load %arg10[%swap3A_147, %swap3A_148] {strides = array<i32>} : memref<64x768xf32, #tpu.memory_space<vmem>>, vector<16xf32>,
      tpu.vector_store %arg10[%swap3A_147, %swap3A_148], %add3A_146 {strides = array<i32>} : memref<64x768xf32, #tpu.memory_space<vmem>>, vector<16xf32>,
      %get3A_150 = arith.index_cast %scan3A_84 : i32 to index
      %get3A_151 = arith.constant 80 : index
      %get3A_152 = tpu.vector_load %arg10[%get3A_150, %get3A_151] {strides = array<i32>} : memref<64x768xf32, #tpu.memory_space<vmem>>, vector<16xf32>,
      %get3A_153 = arith.index_cast %scan3A_84 : i32 to index
      %get3A_154 = arith.constant 80 : index
      %get3A_155 = tpu.vector_load %arg11[%get3A_153, %get3A_154] {strides = array<i32>} : memref<64x768xf32, #tpu.memory_space<vmem>>, vector<16xf32>,
      %mul3A_156 = arith.mulf %get3A_152, %gather3A : vector<16xf32>
      %mul3A_157 = arith.mulf %get3A_155, %gather3A_91 : vector<16xf32>
      %add3A_158 = arith.addf %mul3A_156, %mul3A_157 : vector<16xf32>
      %swap3A_159 = arith.index_cast %scan3A_84 : i32 to index
      %swap3A_160 = arith.constant 80 : index
      %swap3A_161 = tpu.vector_load %arg10[%swap3A_159, %swap3A_160] {strides = array<i32>} : memref<64x768xf32, #tpu.memory_space<vmem>>, vector<16xf32>,
      tpu.vector_store %arg10[%swap3A_159, %swap3A_160], %add3A_158 {strides = array<i32>} : memref<64x768xf32, #tpu.memory_space<vmem>>, vector<16xf32>,
      %get3A_162 = arith.index_cast %scan3A_84 : i32 to index
      %get3A_163 = arith.constant 96 : index
      %get3A_164 = tpu.vector_load %arg10[%get3A_162, %get3A_163] {strides = array<i32>} : memref<64x768xf32, #tpu.memory_space<vmem>>, vector<16xf32>,
      %get3A_165 = arith.index_cast %scan3A_84 : i32 to index
      %get3A_166 = arith.constant 96 : index
      %get3A_167 = tpu.vector_load %arg11[%get3A_165, %get3A_166] {strides = array<i32>} : memref<64x768xf32, #tpu.memory_space<vmem>>, vector<16xf32>,
      %mul3A_168 = arith.mulf %get3A_164, %gather3A : vector<16xf32>
      %mul3A_169 = arith.mulf %get3A_167, %gather3A_91 : vector<16xf32>
      %add3A_170 = arith.addf %mul3A_168, %mul3A_169 : vector<16xf32>
      %swap3A_171 = arith.index_cast %scan3A_84 : i32 to index
      %swap3A_172 = arith.constant 96 : index
      %swap3A_173 = tpu.vector_load %arg10[%swap3A_171, %swap3A_172] {strides = array<i32>} : memref<64x768xf32, #tpu.memory_space<vmem>>, vector<16xf32>,
      tpu.vector_store %arg10[%swap3A_171, %swap3A_172], %add3A_170 {strides = array<i32>} : memref<64x768xf32, #tpu.memory_space<vmem>>, vector<16xf32>,
      %get3A_174 = arith.index_cast %scan3A_84 : i32 to index
      %get3A_175 = arith.constant 112 : index
      %get3A_176 = tpu.vector_load %arg10[%get3A_174, %get3A_175] {strides = array<i32>} : memref<64x768xf32, #tpu.memory_space<vmem>>, vector<16xf32>,
      %get3A_177 = arith.index_cast %scan3A_84 : i32 to index
      %get3A_178 = arith.constant 112 : index
      %get3A_179 = tpu.vector_load %arg11[%get3A_177, %get3A_178] {strides = array<i32>} : memref<64x768xf32, #tpu.memory_space<vmem>>, vector<16xf32>,
      %mul3A_180 = arith.mulf %get3A_176, %gather3A : vector<16xf32>
      %mul3A_181 = arith.mulf %get3A_179, %gather3A_91 : vector<16xf32>
      %add3A_182 = arith.addf %mul3A_180, %mul3A_181 : vector<16xf32>
      %swap3A_183 = arith.index_cast %scan3A_84 : i32 to index
      %swap3A_184 = arith.constant 112 : index
      %swap3A_185 = tpu.vector_load %arg10[%swap3A_183, %swap3A_184] {strides = array<i32>} : memref<64x768xf32, #tpu.memory_space<vmem>>, vector<16xf32>,
      tpu.vector_store %arg10[%swap3A_183, %swap3A_184], %add3A_182 {strides = array<i32>} : memref<64x768xf32, #tpu.memory_space<vmem>>, vector<16xf32>,
      %get3A_186 = arith.index_cast %scan3A_84 : i32 to index
      %get3A_187 = arith.constant 128 : index
      %get3A_188 = tpu.vector_load %arg10[%get3A_186, %get3A_187] {strides = array<i32>} : memref<64x768xf32, #tpu.memory_space<vmem>>, vector<16xf32>,
      %get3A_189 = arith.index_cast %scan3A_84 : i32 to index
      %get3A_190 = arith.constant 128 : index
      %get3A_191 = tpu.vector_load %arg11[%get3A_189, %get3A_190] {strides = array<i32>} : memref<64x768xf32, #tpu.memory_space<vmem>>, vector<16xf32>,
      %mul3A_192 = arith.mulf %get3A_188, %gather3A : vector<16xf32>
      %mul3A_193 = arith.mulf %get3A_191, %gather3A_91 : vector<16xf32>
      %add3A_194 = arith.addf %mul3A_192, %mul3A_193 : vector<16xf32>
      %swap3A_195 = arith.index_cast %scan3A_84 : i32 to index
      %swap3A_196 = arith.constant 128 : index
      %swap3A_197 = tpu.vector_load %arg10[%swap3A_195, %swap3A_196] {strides = array<i32>} : memref<64x768xf32, #tpu.memory_space<vmem>>, vector<16xf32>,
      tpu.vector_store %arg10[%swap3A_195, %swap3A_196], %add3A_194 {strides = array<i32>} : memref<64x768xf32, #tpu.memory_space<vmem>>, vector<16xf32>,
      %get3A_198 = arith.index_cast %scan3A_84 : i32 to index
      %get3A_199 = arith.constant 144 : index
      %get3A_200 = tpu.vector_load %arg10[%get3A_198, %get3A_199] {strides = array<i32>} : memref<64x768xf32, #tpu.memory_space<vmem>>, vector<16xf32>,
      %get3A_201 = arith.index_cast %scan3A_84 : i32 to index
      %get3A_202 = arith.constant 144 : index
      %get3A_203 = tpu.vector_load %arg11[%get3A_201, %get3A_202] {strides = array<i32>} : memref<64x768xf32, #tpu.memory_space<vmem>>, vector<16xf32>,
      %mul3A_204 = arith.mulf %get3A_200, %gather3A : vector<16xf32>
      %mul3A_205 = arith.mulf %get3A_203, %gather3A_91 : vector<16xf32>
      %add3A_206 = arith.addf %mul3A_204, %mul3A_205 : vector<16xf32>
      %swap3A_207 = arith.index_cast %scan3A_84 : i32 to index
      %swap3A_208 = arith.constant 144 : index
      %swap3A_209 = tpu.vector_load %arg10[%swap3A_207, %swap3A_208] {strides = array<i32>} : memref<64x768xf32, #tpu.memory_space<vmem>>, vector<16xf32>,
      tpu.vector_store %arg10[%swap3A_207, %swap3A_208], %add3A_206 {strides = array<i32>} : memref<64x768xf32, #tpu.memory_space<vmem>>, vector<16xf32>,
      %get3A_210 = arith.index_cast %scan3A_84 : i32 to index
      %get3A_211 = arith.constant 160 : index
      %get3A_212 = tpu.vector_load %arg10[%get3A_210, %get3A_211] {strides = array<i32>} : memref<64x768xf32, #tpu.memory_space<vmem>>, vector<16xf32>,
      %get3A_213 = arith.index_cast %scan3A_84 : i32 to index
      %get3A_214 = arith.constant 160 : index
      %get3A_215 = tpu.vector_load %arg11[%get3A_213, %get3A_214] {strides = array<i32>} : memref<64x768xf32, #tpu.memory_space<vmem>>, vector<16xf32>,
      %mul3A_216 = arith.mulf %get3A_212, %gather3A : vector<16xf32>
      %mul3A_217 = arith.mulf %get3A_215, %gather3A_91 : vector<16xf32>
      %add3A_218 = arith.addf %mul3A_216, %mul3A_217 : vector<16xf32>
      %swap3A_219 = arith.index_cast %scan3A_84 : i32 to index
      %swap3A_220 = arith.constant 160 : index
      %swap3A_221 = tpu.vector_load %arg10[%swap3A_219, %swap3A_220] {strides = array<i32>} : memref<64x768xf32, #tpu.memory_space<vmem>>, vector<16xf32>,
      tpu.vector_store %arg10[%swap3A_219, %swap3A_220], %add3A_218 {strides = array<i32>} : memref<64x768xf32, #tpu.memory_space<vmem>>, vector<16xf32>,
      %get3A_222 = arith.index_cast %scan3A_84 : i32 to index
      %get3A_223 = arith.constant 176 : index
      %get3A_224 = tpu.vector_load %arg10[%get3A_222, %get3A_223] {strides = array<i32>} : memref<64x768xf32, #tpu.memory_space<vmem>>, vector<16xf32>,
      %get3A_225 = arith.index_cast %scan3A_84 : i32 to index
      %get3A_226 = arith.constant 176 : index
      %get3A_227 = tpu.vector_load %arg11[%get3A_225, %get3A_226] {strides = array<i32>} : memref<64x768xf32, #tpu.memory_space<vmem>>, vector<16xf32>,
      %mul3A_228 = arith.mulf %get3A_224, %gather3A : vector<16xf32>
      %mul3A_229 = arith.mulf %get3A_227, %gather3A_91 : vector<16xf32>
      %add3A_230 = arith.addf %mul3A_228, %mul3A_229 : vector<16xf32>
      %swap3A_231 = arith.index_cast %scan3A_84 : i32 to index
      %swap3A_232 = arith.constant 176 : index
      %swap3A_233 = tpu.vector_load %arg10[%swap3A_231, %swap3A_232] {strides = array<i32>} : memref<64x768xf32, #tpu.memory_space<vmem>>, vector<16xf32>,
      tpu.vector_store %arg10[%swap3A_231, %swap3A_232], %add3A_230 {strides = array<i32>} : memref<64x768xf32, #tpu.memory_space<vmem>>, vector<16xf32>,
      %get3A_234 = arith.index_cast %scan3A_84 : i32 to index
      %get3A_235 = arith.constant 192 : index
      %get3A_236 = tpu.vector_load %arg10[%get3A_234, %get3A_235] {strides = array<i32>} : memref<64x768xf32, #tpu.memory_space<vmem>>, vector<16xf32>,
      %get3A_237 = arith.index_cast %scan3A_84 : i32 to index
      %get3A_238 = arith.constant 192 : index
      %get3A_239 = tpu.vector_load %arg11[%get3A_237, %get3A_238] {strides = array<i32>} : memref<64x768xf32, #tpu.memory_space<vmem>>, vector<16xf32>,
      %mul3A_240 = arith.mulf %get3A_236, %gather3A : vector<16xf32>
      %mul3A_241 = arith.mulf %get3A_239, %gather3A_91 : vector<16xf32>
      %add3A_242 = arith.addf %mul3A_240, %mul3A_241 : vector<16xf32>
      %swap3A_243 = arith.index_cast %scan3A_84 : i32 to index
      %swap3A_244 = arith.constant 192 : index
      %swap3A_245 = tpu.vector_load %arg10[%swap3A_243, %swap3A_244] {strides = array<i32>} : memref<64x768xf32, #tpu.memory_space<vmem>>, vector<16xf32>,
      tpu.vector_store %arg10[%swap3A_243, %swap3A_244], %add3A_242 {strides = array<i32>} : memref<64x768xf32, #tpu.memory_space<vmem>>, vector<16xf32>,
      %get3A_246 = arith.index_cast %scan3A_84 : i32 to index
      %get3A_247 = arith.constant 208 : index
      %get3A_248 = tpu.vector_load %arg10[%get3A_246, %get3A_247] {strides = array<i32>} : memref<64x768xf32, #tpu.memory_space<vmem>>, vector<16xf32>,
      %get3A_249 = arith.index_cast %scan3A_84 : i32 to index
      %get3A_250 = arith.constant 208 : index
      %get3A_251 = tpu.vector_load %arg11[%get3A_249, %get3A_250] {strides = array<i32>} : memref<64x768xf32, #tpu.memory_space<vmem>>, vector<16xf32>,
      %mul3A_252 = arith.mulf %get3A_248, %gather3A : vector<16xf32>
      %mul3A_253 = arith.mulf %get3A_251, %gather3A_91 : vector<16xf32>
      %add3A_254 = arith.addf %mul3A_252, %mul3A_253 : vector<16xf32>
      %swap3A_255 = arith.index_cast %scan3A_84 : i32 to index
      %swap3A_256 = arith.constant 208 : index
      %swap3A_257 = tpu.vector_load %arg10[%swap3A_255, %swap3A_256] {strides = array<i32>} : memref<64x768xf32, #tpu.memory_space<vmem>>, vector<16xf32>,
      tpu.vector_store %arg10[%swap3A_255, %swap3A_256], %add3A_254 {strides = array<i32>} : memref<64x768xf32, #tpu.memory_space<vmem>>, vector<16xf32>,
      %get3A_258 = arith.index_cast %scan3A_84 : i32 to index
      %get3A_259 = arith.constant 224 : index
      %get3A_260 = tpu.vector_load %arg10[%get3A_258, %get3A_259] {strides = array<i32>} : memref<64x768xf32, #tpu.memory_space<vmem>>, vector<16xf32>,
      %get3A_261 = arith.index_cast %scan3A_84 : i32 to index
      %get3A_262 = arith.constant 224 : index
      %get3A_263 = tpu.vector_load %arg11[%get3A_261, %get3A_262] {strides = array<i32>} : memref<64x768xf32, #tpu.memory_space<vmem>>, vector<16xf32>,
      %mul3A_264 = arith.mulf %get3A_260, %gather3A : vector<16xf32>
      %mul3A_265 = arith.mulf %get3A_263, %gather3A_91 : vector<16xf32>
      %add3A_266 = arith.addf %mul3A_264, %mul3A_265 : vector<16xf32>
      %swap3A_267 = arith.index_cast %scan3A_84 : i32 to index
      %swap3A_268 = arith.constant 224 : index
      %swap3A_269 = tpu.vector_load %arg10[%swap3A_267, %swap3A_268] {strides = array<i32>} : memref<64x768xf32, #tpu.memory_space<vmem>>, vector<16xf32>,
      tpu.vector_store %arg10[%swap3A_267, %swap3A_268], %add3A_266 {strides = array<i32>} : memref<64x768xf32, #tpu.memory_space<vmem>>, vector<16xf32>,
      %get3A_270 = arith.index_cast %scan3A_84 : i32 to index
      %get3A_271 = arith.constant 240 : index
      %get3A_272 = tpu.vector_load %arg10[%get3A_270, %get3A_271] {strides = array<i32>} : memref<64x768xf32, #tpu.memory_space<vmem>>, vector<16xf32>,
      %get3A_273 = arith.index_cast %scan3A_84 : i32 to index
      %get3A_274 = arith.constant 240 : index
      %get3A_275 = tpu.vector_load %arg11[%get3A_273, %get3A_274] {strides = array<i32>} : memref<64x768xf32, #tpu.memory_space<vmem>>, vector<16xf32>,
      %mul3A_276 = arith.mulf %get3A_272, %gather3A : vector<16xf32>
      %mul3A_277 = arith.mulf %get3A_275, %gather3A_91 : vector<16xf32>
      %add3A_278 = arith.addf %mul3A_276, %mul3A_277 : vector<16xf32>
      %swap3A_279 = arith.index_cast %scan3A_84 : i32 to index
      %swap3A_280 = arith.constant 240 : index
      %swap3A_281 = tpu.vector_load %arg10[%swap3A_279, %swap3A_280] {strides = array<i32>} : memref<64x768xf32, #tpu.memory_space<vmem>>, vector<16xf32>,
      tpu.vector_store %arg10[%swap3A_279, %swap3A_280], %add3A_278 {strides = array<i32>} : memref<64x768xf32, #tpu.memory_space<vmem>>, vector<16xf32>,
      %get3A_282 = arith.index_cast %scan3A_84 : i32 to index
      %get3A_283 = arith.constant 256 : index
      %get3A_284 = tpu.vector_load %arg10[%get3A_282, %get3A_283] {strides = array<i32>} : memref<64x768xf32, #tpu.memory_space<vmem>>, vector<16xf32>,
      %get3A_285 = arith.index_cast %scan3A_84 : i32 to index
      %get3A_286 = arith.constant 256 : index
      %get3A_287 = tpu.vector_load %arg11[%get3A_285, %get3A_286] {strides = array<i32>} : memref<64x768xf32, #tpu.memory_space<vmem>>, vector<16xf32>,
      %mul3A_288 = arith.mulf %get3A_284, %gather3A : vector<16xf32>
      %mul3A_289 = arith.mulf %get3A_287, %gather3A_91 : vector<16xf32>
      %add3A_290 = arith.addf %mul3A_288, %mul3A_289 : vector<16xf32>
      %swap3A_291 = arith.index_cast %scan3A_84 : i32 to index
      %swap3A_292 = arith.constant 256 : index
      %swap3A_293 = tpu.vector_load %arg10[%swap3A_291, %swap3A_292] {strides = array<i32>} : memref<64x768xf32, #tpu.memory_space<vmem>>, vector<16xf32>,
      tpu.vector_store %arg10[%swap3A_291, %swap3A_292], %add3A_290 {strides = array<i32>} : memref<64x768xf32, #tpu.memory_space<vmem>>, vector<16xf32>,
      %get3A_294 = arith.index_cast %scan3A_84 : i32 to index
      %get3A_295 = arith.constant 272 : index
      %get3A_296 = tpu.vector_load %arg10[%get3A_294, %get3A_295] {strides = array<i32>} : memref<64x768xf32, #tpu.memory_space<vmem>>, vector<16xf32>,
      %get3A_297 = arith.index_cast %scan3A_84 : i32 to index
      %get3A_298 = arith.constant 272 : index
      %get3A_299 = tpu.vector_load %arg11[%get3A_297, %get3A_298] {strides = array<i32>} : memref<64x768xf32, #tpu.memory_space<vmem>>, vector<16xf32>,
      %mul3A_300 = arith.mulf %get3A_296, %gather3A : vector<16xf32>
      %mul3A_301 = arith.mulf %get3A_299, %gather3A_91 : vector<16xf32>
      %add3A_302 = arith.addf %mul3A_300, %mul3A_301 : vector<16xf32>
      %swap3A_303 = arith.index_cast %scan3A_84 : i32 to index
      %swap3A_304 = arith.constant 272 : index
      %swap3A_305 = tpu.vector_load %arg10[%swap3A_303, %swap3A_304] {strides = array<i32>} : memref<64x768xf32, #tpu.memory_space<vmem>>, vector<16xf32>,
      tpu.vector_store %arg10[%swap3A_303, %swap3A_304], %add3A_302 {strides = array<i32>} : memref<64x768xf32, #tpu.memory_space<vmem>>, vector<16xf32>,
      %get3A_306 = arith.index_cast %scan3A_84 : i32 to index
      %get3A_307 = arith.constant 288 : index
      %get3A_308 = tpu.vector_load %arg10[%get3A_306, %get3A_307] {strides = array<i32>} : memref<64x768xf32, #tpu.memory_space<vmem>>, vector<16xf32>,
      %get3A_309 = arith.index_cast %scan3A_84 : i32 to index
      %get3A_310 = arith.constant 288 : index
      %get3A_311 = tpu.vector_load %arg11[%get3A_309, %get3A_310] {strides = array<i32>} : memref<64x768xf32, #tpu.memory_space<vmem>>, vector<16xf32>,
      %mul3A_312 = arith.mulf %get3A_308, %gather3A : vector<16xf32>
      %mul3A_313 = arith.mulf %get3A_311, %gather3A_91 : vector<16xf32>
      %add3A_314 = arith.addf %mul3A_312, %mul3A_313 : vector<16xf32>
      %swap3A_315 = arith.index_cast %scan3A_84 : i32 to index
      %swap3A_316 = arith.constant 288 : index
      %swap3A_317 = tpu.vector_load %arg10[%swap3A_315, %swap3A_316] {strides = array<i32>} : memref<64x768xf32, #tpu.memory_space<vmem>>, vector<16xf32>,
      tpu.vector_store %arg10[%swap3A_315, %swap3A_316], %add3A_314 {strides = array<i32>} : memref<64x768xf32, #tpu.memory_space<vmem>>, vector<16xf32>,
      %get3A_318 = arith.index_cast %scan3A_84 : i32 to index
      %get3A_319 = arith.constant 304 : index
      %get3A_320 = tpu.vector_load %arg10[%get3A_318, %get3A_319] {strides = array<i32>} : memref<64x768xf32, #tpu.memory_space<vmem>>, vector<16xf32>,
      %get3A_321 = arith.index_cast %scan3A_84 : i32 to index
      %get3A_322 = arith.constant 304 : index
      %get3A_323 = tpu.vector_load %arg11[%get3A_321, %get3A_322] {strides = array<i32>} : memref<64x768xf32, #tpu.memory_space<vmem>>, vector<16xf32>,
      %mul3A_324 = arith.mulf %get3A_320, %gather3A : vector<16xf32>
      %mul3A_325 = arith.mulf %get3A_323, %gather3A_91 : vector<16xf32>
      %add3A_326 = arith.addf %mul3A_324, %mul3A_325 : vector<16xf32>
      %swap3A_327 = arith.index_cast %scan3A_84 : i32 to index
      %swap3A_328 = arith.constant 304 : index
      %swap3A_329 = tpu.vector_load %arg10[%swap3A_327, %swap3A_328] {strides = array<i32>} : memref<64x768xf32, #tpu.memory_space<vmem>>, vector<16xf32>,
      tpu.vector_store %arg10[%swap3A_327, %swap3A_328], %add3A_326 {strides = array<i32>} : memref<64x768xf32, #tpu.memory_space<vmem>>, vector<16xf32>,
      %get3A_330 = arith.index_cast %scan3A_84 : i32 to index
      %get3A_331 = arith.constant 320 : index
      %get3A_332 = tpu.vector_load %arg10[%get3A_330, %get3A_331] {strides = array<i32>} : memref<64x768xf32, #tpu.memory_space<vmem>>, vector<16xf32>,
      %get3A_333 = arith.index_cast %scan3A_84 : i32 to index
      %get3A_334 = arith.constant 320 : index
      %get3A_335 = tpu.vector_load %arg11[%get3A_333, %get3A_334] {strides = array<i32>} : memref<64x768xf32, #tpu.memory_space<vmem>>, vector<16xf32>,
      %mul3A_336 = arith.mulf %get3A_332, %gather3A : vector<16xf32>
      %mul3A_337 = arith.mulf %get3A_335, %gather3A_91 : vector<16xf32>
      %add3A_338 = arith.addf %mul3A_336, %mul3A_337 : vector<16xf32>
      %swap3A_339 = arith.index_cast %scan3A_84 : i32 to index
      %swap3A_340 = arith.constant 320 : index
      %swap3A_341 = tpu.vector_load %arg10[%swap3A_339, %swap3A_340] {strides = array<i32>} : memref<64x768xf32, #tpu.memory_space<vmem>>, vector<16xf32>,
      tpu.vector_store %arg10[%swap3A_339, %swap3A_340], %add3A_338 {strides = array<i32>} : memref<64x768xf32, #tpu.memory_space<vmem>>, vector<16xf32>,
      %get3A_342 = arith.index_cast %scan3A_84 : i32 to index
      %get3A_343 = arith.constant 336 : index
      %get3A_344 = tpu.vector_load %arg10[%get3A_342, %get3A_343] {strides = array<i32>} : memref<64x768xf32, #tpu.memory_space<vmem>>, vector<16xf32>,
      %get3A_345 = arith.index_cast %scan3A_84 : i32 to index
      %get3A_346 = arith.constant 336 : index
      %get3A_347 = tpu.vector_load %arg11[%get3A_345, %get3A_346] {strides = array<i32>} : memref<64x768xf32, #tpu.memory_space<vmem>>, vector<16xf32>,
      %mul3A_348 = arith.mulf %get3A_344, %gather3A : vector<16xf32>
      %mul3A_349 = arith.mulf %get3A_347, %gather3A_91 : vector<16xf32>
      %add3A_350 = arith.addf %mul3A_348, %mul3A_349 : vector<16xf32>
      %swap3A_351 = arith.index_cast %scan3A_84 : i32 to index
      %swap3A_352 = arith.constant 336 : index
      %swap3A_353 = tpu.vector_load %arg10[%swap3A_351, %swap3A_352] {strides = array<i32>} : memref<64x768xf32, #tpu.memory_space<vmem>>, vector<16xf32>,
      tpu.vector_store %arg10[%swap3A_351, %swap3A_352], %add3A_350 {strides = array<i32>} : memref<64x768xf32, #tpu.memory_space<vmem>>, vector<16xf32>,
      %get3A_354 = arith.index_cast %scan3A_84 : i32 to index
      %get3A_355 = arith.constant 352 : index
      %get3A_356 = tpu.vector_load %arg10[%get3A_354, %get3A_355] {strides = array<i32>} : memref<64x768xf32, #tpu.memory_space<vmem>>, vector<16xf32>,
      %get3A_357 = arith.index_cast %scan3A_84 : i32 to index
      %get3A_358 = arith.constant 352 : index
      %get3A_359 = tpu.vector_load %arg11[%get3A_357, %get3A_358] {strides = array<i32>} : memref<64x768xf32, #tpu.memory_space<vmem>>, vector<16xf32>,
      %mul3A_360 = arith.mulf %get3A_356, %gather3A : vector<16xf32>
      %mul3A_361 = arith.mulf %get3A_359, %gather3A_91 : vector<16xf32>
      %add3A_362 = arith.addf %mul3A_360, %mul3A_361 : vector<16xf32>
      %swap3A_363 = arith.index_cast %scan3A_84 : i32 to index
      %swap3A_364 = arith.constant 352 : index
      %swap3A_365 = tpu.vector_load %arg10[%swap3A_363, %swap3A_364] {strides = array<i32>} : memref<64x768xf32, #tpu.memory_space<vmem>>, vector<16xf32>,
      tpu.vector_store %arg10[%swap3A_363, %swap3A_364], %add3A_362 {strides = array<i32>} : memref<64x768xf32, #tpu.memory_space<vmem>>, vector<16xf32>,
      %get3A_366 = arith.index_cast %scan3A_84 : i32 to index
      %get3A_367 = arith.constant 368 : index
      %get3A_368 = tpu.vector_load %arg10[%get3A_366, %get3A_367] {strides = array<i32>} : memref<64x768xf32, #tpu.memory_space<vmem>>, vector<16xf32>,
      %get3A_369 = arith.index_cast %scan3A_84 : i32 to index
      %get3A_370 = arith.constant 368 : index
      %get3A_371 = tpu.vector_load %arg11[%get3A_369, %get3A_370] {strides = array<i32>} : memref<64x768xf32, #tpu.memory_space<vmem>>, vector<16xf32>,
      %mul3A_372 = arith.mulf %get3A_368, %gather3A : vector<16xf32>
      %mul3A_373 = arith.mulf %get3A_371, %gather3A_91 : vector<16xf32>
      %add3A_374 = arith.addf %mul3A_372, %mul3A_373 : vector<16xf32>
      %swap3A_375 = arith.index_cast %scan3A_84 : i32 to index
      %swap3A_376 = arith.constant 368 : index
      %swap3A_377 = tpu.vector_load %arg10[%swap3A_375, %swap3A_376] {strides = array<i32>} : memref<64x768xf32, #tpu.memory_space<vmem>>, vector<16xf32>,
      tpu.vector_store %arg10[%swap3A_375, %swap3A_376], %add3A_374 {strides = array<i32>} : memref<64x768xf32, #tpu.memory_space<vmem>>, vector<16xf32>,
      %get3A_378 = arith.index_cast %scan3A_84 : i32 to index
      %get3A_379 = arith.constant 384 : index
      %get3A_380 = tpu.vector_load %arg10[%get3A_378, %get3A_379] {strides = array<i32>} : memref<64x768xf32, #tpu.memory_space<vmem>>, vector<16xf32>,
      %get3A_381 = arith.index_cast %scan3A_84 : i32 to index
      %get3A_382 = arith.constant 384 : index
      %get3A_383 = tpu.vector_load %arg11[%get3A_381, %get3A_382] {strides = array<i32>} : memref<64x768xf32, #tpu.memory_space<vmem>>, vector<16xf32>,
      %mul3A_384 = arith.mulf %get3A_380, %gather3A : vector<16xf32>
      %mul3A_385 = arith.mulf %get3A_383, %gather3A_91 : vector<16xf32>
      %add3A_386 = arith.addf %mul3A_384, %mul3A_385 : vector<16xf32>
      %swap3A_387 = arith.index_cast %scan3A_84 : i32 to index
      %swap3A_388 = arith.constant 384 : index
      %swap3A_389 = tpu.vector_load %arg10[%swap3A_387, %swap3A_388] {strides = array<i32>} : memref<64x768xf32, #tpu.memory_space<vmem>>, vector<16xf32>,
      tpu.vector_store %arg10[%swap3A_387, %swap3A_388], %add3A_386 {strides = array<i32>} : memref<64x768xf32, #tpu.memory_space<vmem>>, vector<16xf32>,
      %get3A_390 = arith.index_cast %scan3A_84 : i32 to index
      %get3A_391 = arith.constant 400 : index
      %get3A_392 = tpu.vector_load %arg10[%get3A_390, %get3A_391] {strides = array<i32>} : memref<64x768xf32, #tpu.memory_space<vmem>>, vector<16xf32>,
      %get3A_393 = arith.index_cast %scan3A_84 : i32 to index
      %get3A_394 = arith.constant 400 : index
      %get3A_395 = tpu.vector_load %arg11[%get3A_393, %get3A_394] {strides = array<i32>} : memref<64x768xf32, #tpu.memory_space<vmem>>, vector<16xf32>,
      %mul3A_396 = arith.mulf %get3A_392, %gather3A : vector<16xf32>
      %mul3A_397 = arith.mulf %get3A_395, %gather3A_91 : vector<16xf32>
      %add3A_398 = arith.addf %mul3A_396, %mul3A_397 : vector<16xf32>
      %swap3A_399 = arith.index_cast %scan3A_84 : i32 to index
      %swap3A_400 = arith.constant 400 : index
      %swap3A_401 = tpu.vector_load %arg10[%swap3A_399, %swap3A_400] {strides = array<i32>} : memref<64x768xf32, #tpu.memory_space<vmem>>, vector<16xf32>,
      tpu.vector_store %arg10[%swap3A_399, %swap3A_400], %add3A_398 {strides = array<i32>} : memref<64x768xf32, #tpu.memory_space<vmem>>, vector<16xf32>,
      %get3A_402 = arith.index_cast %scan3A_84 : i32 to index
      %get3A_403 = arith.constant 416 : index
      %get3A_404 = tpu.vector_load %arg10[%get3A_402, %get3A_403] {strides = array<i32>} : memref<64x768xf32, #tpu.memory_space<vmem>>, vector<16xf32>,
      %get3A_405 = arith.index_cast %scan3A_84 : i32 to index
      %get3A_406 = arith.constant 416 : index
      %get3A_407 = tpu.vector_load %arg11[%get3A_405, %get3A_406] {strides = array<i32>} : memref<64x768xf32, #tpu.memory_space<vmem>>, vector<16xf32>,
      %mul3A_408 = arith.mulf %get3A_404, %gather3A : vector<16xf32>
      %mul3A_409 = arith.mulf %get3A_407, %gather3A_91 : vector<16xf32>
      %add3A_410 = arith.addf %mul3A_408, %mul3A_409 : vector<16xf32>
      %swap3A_411 = arith.index_cast %scan3A_84 : i32 to index
      %swap3A_412 = arith.constant 416 : index
      %swap3A_413 = tpu.vector_load %arg10[%swap3A_411, %swap3A_412] {strides = array<i32>} : memref<64x768xf32, #tpu.memory_space<vmem>>, vector<16xf32>,
      tpu.vector_store %arg10[%swap3A_411, %swap3A_412], %add3A_410 {strides = array<i32>} : memref<64x768xf32, #tpu.memory_space<vmem>>, vector<16xf32>,
      %get3A_414 = arith.index_cast %scan3A_84 : i32 to index
      %get3A_415 = arith.constant 432 : index
      %get3A_416 = tpu.vector_load %arg10[%get3A_414, %get3A_415] {strides = array<i32>} : memref<64x768xf32, #tpu.memory_space<vmem>>, vector<16xf32>,
      %get3A_417 = arith.index_cast %scan3A_84 : i32 to index
      %get3A_418 = arith.constant 432 : index
      %get3A_419 = tpu.vector_load %arg11[%get3A_417, %get3A_418] {strides = array<i32>} : memref<64x768xf32, #tpu.memory_space<vmem>>, vector<16xf32>,
      %mul3A_420 = arith.mulf %get3A_416, %gather3A : vector<16xf32>
      %mul3A_421 = arith.mulf %get3A_419, %gather3A_91 : vector<16xf32>
      %add3A_422 = arith.addf %mul3A_420, %mul3A_421 : vector<16xf32>
      %swap3A_423 = arith.index_cast %scan3A_84 : i32 to index
      %swap3A_424 = arith.constant 432 : index
      %swap3A_425 = tpu.vector_load %arg10[%swap3A_423, %swap3A_424] {strides = array<i32>} : memref<64x768xf32, #tpu.memory_space<vmem>>, vector<16xf32>,
      tpu.vector_store %arg10[%swap3A_423, %swap3A_424], %add3A_422 {strides = array<i32>} : memref<64x768xf32, #tpu.memory_space<vmem>>, vector<16xf32>,
      %get3A_426 = arith.index_cast %scan3A_84 : i32 to index
      %get3A_427 = arith.constant 448 : index
      %get3A_428 = tpu.vector_load %arg10[%get3A_426, %get3A_427] {strides = array<i32>} : memref<64x768xf32, #tpu.memory_space<vmem>>, vector<16xf32>,
      %get3A_429 = arith.index_cast %scan3A_84 : i32 to index
      %get3A_430 = arith.constant 448 : index
      %get3A_431 = tpu.vector_load %arg11[%get3A_429, %get3A_430] {strides = array<i32>} : memref<64x768xf32, #tpu.memory_space<vmem>>, vector<16xf32>,
      %mul3A_432 = arith.mulf %get3A_428, %gather3A : vector<16xf32>
      %mul3A_433 = arith.mulf %get3A_431, %gather3A_91 : vector<16xf32>
      %add3A_434 = arith.addf %mul3A_432, %mul3A_433 : vector<16xf32>
      %swap3A_435 = arith.index_cast %scan3A_84 : i32 to index
      %swap3A_436 = arith.constant 448 : index
      %swap3A_437 = tpu.vector_load %arg10[%swap3A_435, %swap3A_436] {strides = array<i32>} : memref<64x768xf32, #tpu.memory_space<vmem>>, vector<16xf32>,
      tpu.vector_store %arg10[%swap3A_435, %swap3A_436], %add3A_434 {strides = array<i32>} : memref<64x768xf32, #tpu.memory_space<vmem>>, vector<16xf32>,
      %get3A_438 = arith.index_cast %scan3A_84 : i32 to index
      %get3A_439 = arith.constant 464 : index
      %get3A_440 = tpu.vector_load %arg10[%get3A_438, %get3A_439] {strides = array<i32>} : memref<64x768xf32, #tpu.memory_space<vmem>>, vector<16xf32>,
      %get3A_441 = arith.index_cast %scan3A_84 : i32 to index
      %get3A_442 = arith.constant 464 : index
      %get3A_443 = tpu.vector_load %arg11[%get3A_441, %get3A_442] {strides = array<i32>} : memref<64x768xf32, #tpu.memory_space<vmem>>, vector<16xf32>,
      %mul3A_444 = arith.mulf %get3A_440, %gather3A : vector<16xf32>
      %mul3A_445 = arith.mulf %get3A_443, %gather3A_91 : vector<16xf32>
      %add3A_446 = arith.addf %mul3A_444, %mul3A_445 : vector<16xf32>
      %swap3A_447 = arith.index_cast %scan3A_84 : i32 to index
      %swap3A_448 = arith.constant 464 : index
      %swap3A_449 = tpu.vector_load %arg10[%swap3A_447, %swap3A_448] {strides = array<i32>} : memref<64x768xf32, #tpu.memory_space<vmem>>, vector<16xf32>,
      tpu.vector_store %arg10[%swap3A_447, %swap3A_448], %add3A_446 {strides = array<i32>} : memref<64x768xf32, #tpu.memory_space<vmem>>, vector<16xf32>,
      %get3A_450 = arith.index_cast %scan3A_84 : i32 to index
      %get3A_451 = arith.constant 480 : index
      %get3A_452 = tpu.vector_load %arg10[%get3A_450, %get3A_451] {strides = array<i32>} : memref<64x768xf32, #tpu.memory_space<vmem>>, vector<16xf32>,
      %get3A_453 = arith.index_cast %scan3A_84 : i32 to index
      %get3A_454 = arith.constant 480 : index
      %get3A_455 = tpu.vector_load %arg11[%get3A_453, %get3A_454] {strides = array<i32>} : memref<64x768xf32, #tpu.memory_space<vmem>>, vector<16xf32>,
      %mul3A_456 = arith.mulf %get3A_452, %gather3A : vector<16xf32>
      %mul3A_457 = arith.mulf %get3A_455, %gather3A_91 : vector<16xf32>
      %add3A_458 = arith.addf %mul3A_456, %mul3A_457 : vector<16xf32>
      %swap3A_459 = arith.index_cast %scan3A_84 : i32 to index
      %swap3A_460 = arith.constant 480 : index
      %swap3A_461 = tpu.vector_load %arg10[%swap3A_459, %swap3A_460] {strides = array<i32>} : memref<64x768xf32, #tpu.memory_space<vmem>>, vector<16xf32>,
      tpu.vector_store %arg10[%swap3A_459, %swap3A_460], %add3A_458 {strides = array<i32>} : memref<64x768xf32, #tpu.memory_space<vmem>>, vector<16xf32>,
      %get3A_462 = arith.index_cast %scan3A_84 : i32 to index
      %get3A_463 = arith.constant 496 : index
      %get3A_464 = tpu.vector_load %arg10[%get3A_462, %get3A_463] {strides = array<i32>} : memref<64x768xf32, #tpu.memory_space<vmem>>, vector<16xf32>,
      %get3A_465 = arith.index_cast %scan3A_84 : i32 to index
      %get3A_466 = arith.constant 496 : index
      %get3A_467 = tpu.vector_load %arg11[%get3A_465, %get3A_466] {strides = array<i32>} : memref<64x768xf32, #tpu.memory_space<vmem>>, vector<16xf32>,
      %mul3A_468 = arith.mulf %get3A_464, %gather3A : vector<16xf32>
      %mul3A_469 = arith.mulf %get3A_467, %gather3A_91 : vector<16xf32>
      %add3A_470 = arith.addf %mul3A_468, %mul3A_469 : vector<16xf32>
      %swap3A_471 = arith.index_cast %scan3A_84 : i32 to index
      %swap3A_472 = arith.constant 496 : index
      %swap3A_473 = tpu.vector_load %arg10[%swap3A_471, %swap3A_472] {strides = array<i32>} : memref<64x768xf32, #tpu.memory_space<vmem>>, vector<16xf32>,
      tpu.vector_store %arg10[%swap3A_471, %swap3A_472], %add3A_470 {strides = array<i32>} : memref<64x768xf32, #tpu.memory_space<vmem>>, vector<16xf32>,
      %get3A_474 = arith.index_cast %scan3A_84 : i32 to index
      %get3A_475 = arith.constant 512 : index
      %get3A_476 = tpu.vector_load %arg10[%get3A_474, %get3A_475] {strides = array<i32>} : memref<64x768xf32, #tpu.memory_space<vmem>>, vector<16xf32>,
      %get3A_477 = arith.index_cast %scan3A_84 : i32 to index
      %get3A_478 = arith.constant 512 : index
      %get3A_479 = tpu.vector_load %arg11[%get3A_477, %get3A_478] {strides = array<i32>} : memref<64x768xf32, #tpu.memory_space<vmem>>, vector<16xf32>,
      %mul3A_480 = arith.mulf %get3A_476, %gather3A : vector<16xf32>
      %mul3A_481 = arith.mulf %get3A_479, %gather3A_91 : vector<16xf32>
      %add3A_482 = arith.addf %mul3A_480, %mul3A_481 : vector<16xf32>
      %swap3A_483 = arith.index_cast %scan3A_84 : i32 to index
      %swap3A_484 = arith.constant 512 : index
      %swap3A_485 = tpu.vector_load %arg10[%swap3A_483, %swap3A_484] {strides = array<i32>} : memref<64x768xf32, #tpu.memory_space<vmem>>, vector<16xf32>,
      tpu.vector_store %arg10[%swap3A_483, %swap3A_484], %add3A_482 {strides = array<i32>} : memref<64x768xf32, #tpu.memory_space<vmem>>, vector<16xf32>,
      %get3A_486 = arith.index_cast %scan3A_84 : i32 to index
      %get3A_487 = arith.constant 528 : index
      %get3A_488 = tpu.vector_load %arg10[%get3A_486, %get3A_487] {strides = array<i32>} : memref<64x768xf32, #tpu.memory_space<vmem>>, vector<16xf32>,
      %get3A_489 = arith.index_cast %scan3A_84 : i32 to index
      %get3A_490 = arith.constant 528 : index
      %get3A_491 = tpu.vector_load %arg11[%get3A_489, %get3A_490] {strides = array<i32>} : memref<64x768xf32, #tpu.memory_space<vmem>>, vector<16xf32>,
      %mul3A_492 = arith.mulf %get3A_488, %gather3A : vector<16xf32>
      %mul3A_493 = arith.mulf %get3A_491, %gather3A_91 : vector<16xf32>
      %add3A_494 = arith.addf %mul3A_492, %mul3A_493 : vector<16xf32>
      %swap3A_495 = arith.index_cast %scan3A_84 : i32 to index
      %swap3A_496 = arith.constant 528 : index
      %swap3A_497 = tpu.vector_load %arg10[%swap3A_495, %swap3A_496] {strides = array<i32>} : memref<64x768xf32, #tpu.memory_space<vmem>>, vector<16xf32>,
      tpu.vector_store %arg10[%swap3A_495, %swap3A_496], %add3A_494 {strides = array<i32>} : memref<64x768xf32, #tpu.memory_space<vmem>>, vector<16xf32>,
      %get3A_498 = arith.index_cast %scan3A_84 : i32 to index
      %get3A_499 = arith.constant 544 : index
      %get3A_500 = tpu.vector_load %arg10[%get3A_498, %get3A_499] {strides = array<i32>} : memref<64x768xf32, #tpu.memory_space<vmem>>, vector<16xf32>,
      %get3A_501 = arith.index_cast %scan3A_84 : i32 to index
      %get3A_502 = arith.constant 544 : index
      %get3A_503 = tpu.vector_load %arg11[%get3A_501, %get3A_502] {strides = array<i32>} : memref<64x768xf32, #tpu.memory_space<vmem>>, vector<16xf32>,
      %mul3A_504 = arith.mulf %get3A_500, %gather3A : vector<16xf32>
      %mul3A_505 = arith.mulf %get3A_503, %gather3A_91 : vector<16xf32>
      %add3A_506 = arith.addf %mul3A_504, %mul3A_505 : vector<16xf32>
      %swap3A_507 = arith.index_cast %scan3A_84 : i32 to index
      %swap3A_508 = arith.constant 544 : index
      %swap3A_509 = tpu.vector_load %arg10[%swap3A_507, %swap3A_508] {strides = array<i32>} : memref<64x768xf32, #tpu.memory_space<vmem>>, vector<16xf32>,
      tpu.vector_store %arg10[%swap3A_507, %swap3A_508], %add3A_506 {strides = array<i32>} : memref<64x768xf32, #tpu.memory_space<vmem>>, vector<16xf32>,
      %get3A_510 = arith.index_cast %scan3A_84 : i32 to index
      %get3A_511 = arith.constant 560 : index
      %get3A_512 = tpu.vector_load %arg10[%get3A_510, %get3A_511] {strides = array<i32>} : memref<64x768xf32, #tpu.memory_space<vmem>>, vector<16xf32>,
      %get3A_513 = arith.index_cast %scan3A_84 : i32 to index
      %get3A_514 = arith.constant 560 : index
      %get3A_515 = tpu.vector_load %arg11[%get3A_513, %get3A_514] {strides = array<i32>} : memref<64x768xf32, #tpu.memory_space<vmem>>, vector<16xf32>,
      %mul3A_516 = arith.mulf %get3A_512, %gather3A : vector<16xf32>
      %mul3A_517 = arith.mulf %get3A_515, %gather3A_91 : vector<16xf32>
      %add3A_518 = arith.addf %mul3A_516, %mul3A_517 : vector<16xf32>
      %swap3A_519 = arith.index_cast %scan3A_84 : i32 to index
      %swap3A_520 = arith.constant 560 : index
      %swap3A_521 = tpu.vector_load %arg10[%swap3A_519, %swap3A_520] {strides = array<i32>} : memref<64x768xf32, #tpu.memory_space<vmem>>, vector<16xf32>,
      tpu.vector_store %arg10[%swap3A_519, %swap3A_520], %add3A_518 {strides = array<i32>} : memref<64x768xf32, #tpu.memory_space<vmem>>, vector<16xf32>,
      %get3A_522 = arith.index_cast %scan3A_84 : i32 to index
      %get3A_523 = arith.constant 576 : index
      %get3A_524 = tpu.vector_load %arg10[%get3A_522, %get3A_523] {strides = array<i32>} : memref<64x768xf32, #tpu.memory_space<vmem>>, vector<16xf32>,
      %get3A_525 = arith.index_cast %scan3A_84 : i32 to index
      %get3A_526 = arith.constant 576 : index
      %get3A_527 = tpu.vector_load %arg11[%get3A_525, %get3A_526] {strides = array<i32>} : memref<64x768xf32, #tpu.memory_space<vmem>>, vector<16xf32>,
      %mul3A_528 = arith.mulf %get3A_524, %gather3A : vector<16xf32>
      %mul3A_529 = arith.mulf %get3A_527, %gather3A_91 : vector<16xf32>
      %add3A_530 = arith.addf %mul3A_528, %mul3A_529 : vector<16xf32>
      %swap3A_531 = arith.index_cast %scan3A_84 : i32 to index
      %swap3A_532 = arith.constant 576 : index
      %swap3A_533 = tpu.vector_load %arg10[%swap3A_531, %swap3A_532] {strides = array<i32>} : memref<64x768xf32, #tpu.memory_space<vmem>>, vector<16xf32>,
      tpu.vector_store %arg10[%swap3A_531, %swap3A_532], %add3A_530 {strides = array<i32>} : memref<64x768xf32, #tpu.memory_space<vmem>>, vector<16xf32>,
      %get3A_534 = arith.index_cast %scan3A_84 : i32 to index
      %get3A_535 = arith.constant 592 : index
      %get3A_536 = tpu.vector_load %arg10[%get3A_534, %get3A_535] {strides = array<i32>} : memref<64x768xf32, #tpu.memory_space<vmem>>, vector<16xf32>,
      %get3A_537 = arith.index_cast %scan3A_84 : i32 to index
      %get3A_538 = arith.constant 592 : index
      %get3A_539 = tpu.vector_load %arg11[%get3A_537, %get3A_538] {strides = array<i32>} : memref<64x768xf32, #tpu.memory_space<vmem>>, vector<16xf32>,
      %mul3A_540 = arith.mulf %get3A_536, %gather3A : vector<16xf32>
      %mul3A_541 = arith.mulf %get3A_539, %gather3A_91 : vector<16xf32>
      %add3A_542 = arith.addf %mul3A_540, %mul3A_541 : vector<16xf32>
      %swap3A_543 = arith.index_cast %scan3A_84 : i32 to index
      %swap3A_544 = arith.constant 592 : index
      %swap3A_545 = tpu.vector_load %arg10[%swap3A_543, %swap3A_544] {strides = array<i32>} : memref<64x768xf32, #tpu.memory_space<vmem>>, vector<16xf32>,
      tpu.vector_store %arg10[%swap3A_543, %swap3A_544], %add3A_542 {strides = array<i32>} : memref<64x768xf32, #tpu.memory_space<vmem>>, vector<16xf32>,
      %get3A_546 = arith.index_cast %scan3A_84 : i32 to index
      %get3A_547 = arith.constant 608 : index
      %get3A_548 = tpu.vector_load %arg10[%get3A_546, %get3A_547] {strides = array<i32>} : memref<64x768xf32, #tpu.memory_space<vmem>>, vector<16xf32>,
      %get3A_549 = arith.index_cast %scan3A_84 : i32 to index
      %get3A_550 = arith.constant 608 : index
      %get3A_551 = tpu.vector_load %arg11[%get3A_549, %get3A_550] {strides = array<i32>} : memref<64x768xf32, #tpu.memory_space<vmem>>, vector<16xf32>,
      %mul3A_552 = arith.mulf %get3A_548, %gather3A : vector<16xf32>
      %mul3A_553 = arith.mulf %get3A_551, %gather3A_91 : vector<16xf32>
      %add3A_554 = arith.addf %mul3A_552, %mul3A_553 : vector<16xf32>
      %swap3A_555 = arith.index_cast %scan3A_84 : i32 to index
      %swap3A_556 = arith.constant 608 : index
      %swap3A_557 = tpu.vector_load %arg10[%swap3A_555, %swap3A_556] {strides = array<i32>} : memref<64x768xf32, #tpu.memory_space<vmem>>, vector<16xf32>,
      tpu.vector_store %arg10[%swap3A_555, %swap3A_556], %add3A_554 {strides = array<i32>} : memref<64x768xf32, #tpu.memory_space<vmem>>, vector<16xf32>,
      %get3A_558 = arith.index_cast %scan3A_84 : i32 to index
      %get3A_559 = arith.constant 624 : index
      %get3A_560 = tpu.vector_load %arg10[%get3A_558, %get3A_559] {strides = array<i32>} : memref<64x768xf32, #tpu.memory_space<vmem>>, vector<16xf32>,
      %get3A_561 = arith.index_cast %scan3A_84 : i32 to index
      %get3A_562 = arith.constant 624 : index
      %get3A_563 = tpu.vector_load %arg11[%get3A_561, %get3A_562] {strides = array<i32>} : memref<64x768xf32, #tpu.memory_space<vmem>>, vector<16xf32>,
      %mul3A_564 = arith.mulf %get3A_560, %gather3A : vector<16xf32>
      %mul3A_565 = arith.mulf %get3A_563, %gather3A_91 : vector<16xf32>
      %add3A_566 = arith.addf %mul3A_564, %mul3A_565 : vector<16xf32>
      %swap3A_567 = arith.index_cast %scan3A_84 : i32 to index
      %swap3A_568 = arith.constant 624 : index
      %swap3A_569 = tpu.vector_load %arg10[%swap3A_567, %swap3A_568] {strides = array<i32>} : memref<64x768xf32, #tpu.memory_space<vmem>>, vector<16xf32>,
      tpu.vector_store %arg10[%swap3A_567, %swap3A_568], %add3A_566 {strides = array<i32>} : memref<64x768xf32, #tpu.memory_space<vmem>>, vector<16xf32>,
      %get3A_570 = arith.index_cast %scan3A_84 : i32 to index
      %get3A_571 = arith.constant 640 : index
      %get3A_572 = tpu.vector_load %arg10[%get3A_570, %get3A_571] {strides = array<i32>} : memref<64x768xf32, #tpu.memory_space<vmem>>, vector<16xf32>,
      %get3A_573 = arith.index_cast %scan3A_84 : i32 to index
      %get3A_574 = arith.constant 640 : index
      %get3A_575 = tpu.vector_load %arg11[%get3A_573, %get3A_574] {strides = array<i32>} : memref<64x768xf32, #tpu.memory_space<vmem>>, vector<16xf32>,
      %mul3A_576 = arith.mulf %get3A_572, %gather3A : vector<16xf32>
      %mul3A_577 = arith.mulf %get3A_575, %gather3A_91 : vector<16xf32>
      %add3A_578 = arith.addf %mul3A_576, %mul3A_577 : vector<16xf32>
      %swap3A_579 = arith.index_cast %scan3A_84 : i32 to index
      %swap3A_580 = arith.constant 640 : index
      %swap3A_581 = tpu.vector_load %arg10[%swap3A_579, %swap3A_580] {strides = array<i32>} : memref<64x768xf32, #tpu.memory_space<vmem>>, vector<16xf32>,
      tpu.vector_store %arg10[%swap3A_579, %swap3A_580], %add3A_578 {strides = array<i32>} : memref<64x768xf32, #tpu.memory_space<vmem>>, vector<16xf32>,
      %get3A_582 = arith.index_cast %scan3A_84 : i32 to index
      %get3A_583 = arith.constant 656 : index
      %get3A_584 = tpu.vector_load %arg10[%get3A_582, %get3A_583] {strides = array<i32>} : memref<64x768xf32, #tpu.memory_space<vmem>>, vector<16xf32>,
      %get3A_585 = arith.index_cast %scan3A_84 : i32 to index
      %get3A_586 = arith.constant 656 : index
      %get3A_587 = tpu.vector_load %arg11[%get3A_585, %get3A_586] {strides = array<i32>} : memref<64x768xf32, #tpu.memory_space<vmem>>, vector<16xf32>,
      %mul3A_588 = arith.mulf %get3A_584, %gather3A : vector<16xf32>
      %mul3A_589 = arith.mulf %get3A_587, %gather3A_91 : vector<16xf32>
      %add3A_590 = arith.addf %mul3A_588, %mul3A_589 : vector<16xf32>
      %swap3A_591 = arith.index_cast %scan3A_84 : i32 to index
      %swap3A_592 = arith.constant 656 : index
      %swap3A_593 = tpu.vector_load %arg10[%swap3A_591, %swap3A_592] {strides = array<i32>} : memref<64x768xf32, #tpu.memory_space<vmem>>, vector<16xf32>,
      tpu.vector_store %arg10[%swap3A_591, %swap3A_592], %add3A_590 {strides = array<i32>} : memref<64x768xf32, #tpu.memory_space<vmem>>, vector<16xf32>,
      %get3A_594 = arith.index_cast %scan3A_84 : i32 to index
      %get3A_595 = arith.constant 672 : index
      %get3A_596 = tpu.vector_load %arg10[%get3A_594, %get3A_595] {strides = array<i32>} : memref<64x768xf32, #tpu.memory_space<vmem>>, vector<16xf32>,
      %get3A_597 = arith.index_cast %scan3A_84 : i32 to index
      %get3A_598 = arith.constant 672 : index
      %get3A_599 = tpu.vector_load %arg11[%get3A_597, %get3A_598] {strides = array<i32>} : memref<64x768xf32, #tpu.memory_space<vmem>>, vector<16xf32>,
      %mul3A_600 = arith.mulf %get3A_596, %gather3A : vector<16xf32>
      %mul3A_601 = arith.mulf %get3A_599, %gather3A_91 : vector<16xf32>
      %add3A_602 = arith.addf %mul3A_600, %mul3A_601 : vector<16xf32>
      %swap3A_603 = arith.index_cast %scan3A_84 : i32 to index
      %swap3A_604 = arith.constant 672 : index
      %swap3A_605 = tpu.vector_load %arg10[%swap3A_603, %swap3A_604] {strides = array<i32>} : memref<64x768xf32, #tpu.memory_space<vmem>>, vector<16xf32>,
      tpu.vector_store %arg10[%swap3A_603, %swap3A_604], %add3A_602 {strides = array<i32>} : memref<64x768xf32, #tpu.memory_space<vmem>>, vector<16xf32>,
      %get3A_606 = arith.index_cast %scan3A_84 : i32 to index
      %get3A_607 = arith.constant 688 : index
      %get3A_608 = tpu.vector_load %arg10[%get3A_606, %get3A_607] {strides = array<i32>} : memref<64x768xf32, #tpu.memory_space<vmem>>, vector<16xf32>,
      %get3A_609 = arith.index_cast %scan3A_84 : i32 to index
      %get3A_610 = arith.constant 688 : index
      %get3A_611 = tpu.vector_load %arg11[%get3A_609, %get3A_610] {strides = array<i32>} : memref<64x768xf32, #tpu.memory_space<vmem>>, vector<16xf32>,
      %mul3A_612 = arith.mulf %get3A_608, %gather3A : vector<16xf32>
      %mul3A_613 = arith.mulf %get3A_611, %gather3A_91 : vector<16xf32>
      %add3A_614 = arith.addf %mul3A_612, %mul3A_613 : vector<16xf32>
      %swap3A_615 = arith.index_cast %scan3A_84 : i32 to index
      %swap3A_616 = arith.constant 688 : index
      %swap3A_617 = tpu.vector_load %arg10[%swap3A_615, %swap3A_616] {strides = array<i32>} : memref<64x768xf32, #tpu.memory_space<vmem>>, vector<16xf32>,
      tpu.vector_store %arg10[%swap3A_615, %swap3A_616], %add3A_614 {strides = array<i32>} : memref<64x768xf32, #tpu.memory_space<vmem>>, vector<16xf32>,
      %get3A_618 = arith.index_cast %scan3A_84 : i32 to index
      %get3A_619 = arith.constant 704 : index
      %get3A_620 = tpu.vector_load %arg10[%get3A_618, %get3A_619] {strides = array<i32>} : memref<64x768xf32, #tpu.memory_space<vmem>>, vector<16xf32>,
      %get3A_621 = arith.index_cast %scan3A_84 : i32 to index
      %get3A_622 = arith.constant 704 : index
      %get3A_623 = tpu.vector_load %arg11[%get3A_621, %get3A_622] {strides = array<i32>} : memref<64x768xf32, #tpu.memory_space<vmem>>, vector<16xf32>,
      %mul3A_624 = arith.mulf %get3A_620, %gather3A : vector<16xf32>
      %mul3A_625 = arith.mulf %get3A_623, %gather3A_91 : vector<16xf32>
      %add3A_626 = arith.addf %mul3A_624, %mul3A_625 : vector<16xf32>
      %swap3A_627 = arith.index_cast %scan3A_84 : i32 to index
      %swap3A_628 = arith.constant 704 : index
      %swap3A_629 = tpu.vector_load %arg10[%swap3A_627, %swap3A_628] {strides = array<i32>} : memref<64x768xf32, #tpu.memory_space<vmem>>, vector<16xf32>,
      tpu.vector_store %arg10[%swap3A_627, %swap3A_628], %add3A_626 {strides = array<i32>} : memref<64x768xf32, #tpu.memory_space<vmem>>, vector<16xf32>,
      %get3A_630 = arith.index_cast %scan3A_84 : i32 to index
      %get3A_631 = arith.constant 720 : index
      %get3A_632 = tpu.vector_load %arg10[%get3A_630, %get3A_631] {strides = array<i32>} : memref<64x768xf32, #tpu.memory_space<vmem>>, vector<16xf32>,
      %get3A_633 = arith.index_cast %scan3A_84 : i32 to index
      %get3A_634 = arith.constant 720 : index
      %get3A_635 = tpu.vector_load %arg11[%get3A_633, %get3A_634] {strides = array<i32>} : memref<64x768xf32, #tpu.memory_space<vmem>>, vector<16xf32>,
      %mul3A_636 = arith.mulf %get3A_632, %gather3A : vector<16xf32>
      %mul3A_637 = arith.mulf %get3A_635, %gather3A_91 : vector<16xf32>
      %add3A_638 = arith.addf %mul3A_636, %mul3A_637 : vector<16xf32>
      %swap3A_639 = arith.index_cast %scan3A_84 : i32 to index
      %swap3A_640 = arith.constant 720 : index
      %swap3A_641 = tpu.vector_load %arg10[%swap3A_639, %swap3A_640] {strides = array<i32>} : memref<64x768xf32, #tpu.memory_space<vmem>>, vector<16xf32>,
      tpu.vector_store %arg10[%swap3A_639, %swap3A_640], %add3A_638 {strides = array<i32>} : memref<64x768xf32, #tpu.memory_space<vmem>>, vector<16xf32>,
      %get3A_642 = arith.index_cast %scan3A_84 : i32 to index
      %get3A_643 = arith.constant 736 : index
      %get3A_644 = tpu.vector_load %arg10[%get3A_642, %get3A_643] {strides = array<i32>} : memref<64x768xf32, #tpu.memory_space<vmem>>, vector<16xf32>,
      %get3A_645 = arith.index_cast %scan3A_84 : i32 to index
      %get3A_646 = arith.constant 736 : index
      %get3A_647 = tpu.vector_load %arg11[%get3A_645, %get3A_646] {strides = array<i32>} : memref<64x768xf32, #tpu.memory_space<vmem>>, vector<16xf32>,
      %mul3A_648 = arith.mulf %get3A_644, %gather3A : vector<16xf32>
      %mul3A_649 = arith.mulf %get3A_647, %gather3A_91 : vector<16xf32>
      %add3A_650 = arith.addf %mul3A_648, %mul3A_649 : vector<16xf32>
      %swap3A_651 = arith.index_cast %scan3A_84 : i32 to index
      %swap3A_652 = arith.constant 736 : index
      %swap3A_653 = tpu.vector_load %arg10[%swap3A_651, %swap3A_652] {strides = array<i32>} : memref<64x768xf32, #tpu.memory_space<vmem>>, vector<16xf32>,
      tpu.vector_store %arg10[%swap3A_651, %swap3A_652], %add3A_650 {strides = array<i32>} : memref<64x768xf32, #tpu.memory_space<vmem>>, vector<16xf32>,
      %get3A_654 = arith.index_cast %scan3A_84 : i32 to index
      %get3A_655 = arith.constant 752 : index
      %get3A_656 = tpu.vector_load %arg10[%get3A_654, %get3A_655] {strides = array<i32>} : memref<64x768xf32, #tpu.memory_space<vmem>>, vector<16xf32>,
      %get3A_657 = arith.index_cast %scan3A_84 : i32 to index
      %get3A_658 = arith.constant 752 : index
      %get3A_659 = tpu.vector_load %arg11[%get3A_657, %get3A_658] {strides = array<i32>} : memref<64x768xf32, #tpu.memory_space<vmem>>, vector<16xf32>,
      %mul3A_660 = arith.mulf %get3A_656, %gather3A : vector<16xf32>
      %mul3A_661 = arith.mulf %get3A_659, %gather3A_91 : vector<16xf32>
      %add3A_662 = arith.addf %mul3A_660, %mul3A_661 : vector<16xf32>
      %swap3A_663 = arith.index_cast %scan3A_84 : i32 to index
      %swap3A_664 = arith.constant 752 : index
      %swap3A_665 = tpu.vector_load %arg10[%swap3A_663, %swap3A_664] {strides = array<i32>} : memref<64x768xf32, #tpu.memory_space<vmem>>, vector<16xf32>,
      tpu.vector_store %arg10[%swap3A_663, %swap3A_664], %add3A_662 {strides = array<i32>} : memref<64x768xf32, #tpu.memory_space<vmem>>, vector<16xf32>,
      %scan3A_666 = arith.constant 0 : i32
      scf.yield %scan3A_666 : i32
    }
    %scan3A_81 = arith.constant 64 : i32
    %add3A_82 = arith.constant 64 : i32
    %add3A_83 = arith.addi %mul3A_2, %add3A_82 : i32
    "tpu.region"() ({
      %run_scoped3A = tpu.sem_alloc : memref<!tpu.dma_semaphore, #tpu.memory_space<semaphore_mem>>
      %dma_start3A_84 = arith.constant 0 : i32
      %dma_start3A_85 = tpu.memref_slice %arg5[%add3A_83, %dma_start3A_84] : memref<4096x768xf32, #tpu.memory_space<hbm>> -> memref<64x768xf32, #tpu.memory_space<hbm>>
      %dma_start3A_86 = arith.constant 0 : i32
      %dma_start3A_87 = tpu.memref_slice %arg5[%add3A_83, %dma_start3A_86] : memref<4096x768xf32, #tpu.memory_space<hbm>> -> memref<64x768xf32, #tpu.memory_space<hbm>>
      tpu.enqueue_dma source(%arg10 : memref<64x768xf32, #tpu.memory_space<vmem>>) target(%dma_start3A_87 : memref<64x768xf32, #tpu.memory_space<hbm>>) target_semaphore(%run_scoped3A : memref<!tpu.dma_semaphore, #tpu.memory_space<semaphore_mem>>)
      %dma_wait3A_88 = arith.constant 0 : i32
      %dma_wait3A_89 = tpu.memref_slice %arg5[%add3A_83, %dma_wait3A_88] : memref<4096x768xf32, #tpu.memory_space<hbm>> -> memref<64x768xf32, #tpu.memory_space<hbm>>
      %dma_wait3A_90 = arith.constant 0 : i32
      %dma_wait3A_91 = tpu.memref_slice %arg5[%add3A_83, %dma_wait3A_90] : memref<4096x768xf32, #tpu.memory_space<hbm>> -> memref<64x768xf32, #tpu.memory_space<hbm>>
      tpu.wait_dma2 semaphore(%run_scoped3A : memref<!tpu.dma_semaphore, #tpu.memory_space<semaphore_mem>>) src(%arg10 : memref<64x768xf32, #tpu.memory_space<vmem>>) dst(%dma_wait3A_91 : memref<64x768xf32, #tpu.memory_space<hbm>>)
      tpu.yield
    }) : () -> ()
    return
  }
}

module attributes {stable_mosaic.version = 14 : i64} {
  func.func @_gate_body(%arg0: i32, %arg1: memref<512x768xf32, #tpu.memory_space<vmem>>, %arg2: memref<768x64xf32, #tpu.memory_space<vmem>>, %arg3: memref<1x64xf32, #tpu.memory_space<vmem>>, %arg4: memref<1024x1xi32, #tpu.memory_space<vmem>>, %arg5: memref<1024x1xi32, #tpu.memory_space<vmem>>, %arg6: memref<1024x1xf32, #tpu.memory_space<vmem>>, %arg7: memref<1x64xi32, #tpu.memory_space<vmem>>, %arg8: memref<96x1xi32, #tpu.memory_space<vmem>>, %arg9: memref<96x1xi32, #tpu.memory_space<vmem>>, %arg10: memref<96x1xi32, #tpu.memory_space<vmem>>, %arg11: memref<1x64xf32, #tpu.memory_space<vmem>>, %arg12: memref<1024x1024xf32, #tpu.memory_space<vmem>>) attributes {dimension_semantics = [#tpu.dimension_semantics<arbitrary>], iteration_bounds = array<i64: 8>, scalar_prefetch = 0 : i64, scratch_operands = 2 : i64, tpu.core_type = #tpu.core_type<tc>, window_params = [{transform_indices = @transform_0, window_bounds = array<i64: 512, 768>}, {pipeline_mode = #tpu.pipeline_mode<synchronous>, transform_indices = @transform_1, window_bounds = array<i64: 768, 64>}, {pipeline_mode = #tpu.pipeline_mode<synchronous>, transform_indices = @transform_2, window_bounds = array<i64: 1, 64>}, {transform_indices = @transform_3, window_bounds = array<i64: 1024, 1>}, {transform_indices = @transform_4, window_bounds = array<i64: 1024, 1>}, {transform_indices = @transform_5, window_bounds = array<i64: 1024, 1>}, {pipeline_mode = #tpu.pipeline_mode<synchronous>, transform_indices = @transform_6, window_bounds = array<i64: 1, 64>}, {pipeline_mode = #tpu.pipeline_mode<synchronous>, transform_indices = @transform_7, window_bounds = array<i64: 96, 1>}, {pipeline_mode = #tpu.pipeline_mode<synchronous>, transform_indices = @transform_8, window_bounds = array<i64: 96, 1>}, {pipeline_mode = #tpu.pipeline_mode<synchronous>, transform_indices = @transform_9, window_bounds = array<i64: 96, 1>}]} {
    %eq3A = arith.constant 0 : i32
    %eq3A_0 = arith.cmpi eq, %arg0, %eq3A : i32
    %convert_element_type3A = arith.extui %eq3A_0 : i1 to i32
    %cond3A = arith.constant 0 : i32
    %cond3A_1 = arith.cmpi ne, %convert_element_type3A, %cond3A : i32
    scf.if %cond3A_1 {
      %broadcast_in_dim3A_89 = arith.constant 0.000000e+00 : f32
      %broadcast_in_dim3A_90 = vector.broadcast %broadcast_in_dim3A_89 : f32 to vector<1x64xf32>
      %swap3A_91 = arith.constant 0 : index
      %swap3A_92 = arith.constant 0 : index
      %swap3A_93 = vector.load %arg11[%swap3A_91, %swap3A_92] : memref<1x64xf32, #tpu.memory_space<vmem>>, vector<1x64xf32>
      tpu.vector_store %arg11[%swap3A_91, %swap3A_92], %broadcast_in_dim3A_90 {strides = array<i32>} : memref<1x64xf32, #tpu.memory_space<vmem>>, vector<1x64xf32>,
      %iota3A_94 = tpu.iota {dimensions = array<i32: 0>} : vector<1024x1024xi32>
      %iota3A_95 = tpu.iota {dimensions = array<i32: 1>} : vector<1024x1024xi32>
      %gt3A = arith.cmpi sgt, %iota3A_94, %iota3A_95 : vector<1024x1024xi32>
      %convert_element_type3A_96 = arith.extui %gt3A : vector<1024x1024xi1> to vector<1024x1024xi32>
      %convert_element_type3A_97 = arith.sitofp %convert_element_type3A_96 : vector<1024x1024xi32> to vector<1024x1024xf32>
      %swap3A_98 = arith.constant 0 : index
      %swap3A_99 = arith.constant 0 : index
      %swap3A_100 = vector.load %arg12[%swap3A_98, %swap3A_99] : memref<1024x1024xf32, #tpu.memory_space<vmem>>, vector<1024x1024xf32>
      tpu.vector_store %arg12[%swap3A_98, %swap3A_99], %convert_element_type3A_97 {strides = array<i32>} : memref<1024x1024xf32, #tpu.memory_space<vmem>>, vector<1024x1024xf32>,
    } else {
    }
    %get3A = arith.constant 0 : index
    %get3A_2 = arith.constant 0 : index
    %get3A_3 = vector.load %arg1[%get3A, %get3A_2] : memref<512x768xf32, #tpu.memory_space<vmem>>, vector<512x768xf32>
    %get3A_4 = arith.constant 0 : index
    %get3A_5 = arith.constant 0 : index
    %get3A_6 = vector.load %arg2[%get3A_4, %get3A_5] : memref<768x64xf32, #tpu.memory_space<vmem>>, vector<768x64xf32>
    %dot_general3A = arith.constant dense<0.000000e+00> : vector<512x64xf32>
    %dot_general3A_7 = tpu.matmul %get3A_3, %get3A_6, %dot_general3A {dimension_numbers = #tpu.dot_dimension_numbers<[1], [0], [0], [1], [0, 0, 1, 1], [], []>, transpose_lhs_hint = false} : vector<512x768xf32>, vector<768x64xf32>, vector<512x64xf32> -> vector<512x64xf32>
    %get3A_8 = arith.constant 0 : index
    %get3A_9 = arith.constant 0 : index
    %get3A_10 = vector.load %arg3[%get3A_8, %get3A_9] : memref<1x64xf32, #tpu.memory_space<vmem>>, vector<1x64xf32>
    %add3A = vector.broadcast %get3A_10 : vector<1x64xf32> to vector<512x64xf32>
    %add3A_11 = arith.addf %dot_general3A_7, %add3A : vector<512x64xf32>
    %iota3A = tpu.iota {dimensions = array<i32: 1>} : vector<512x64xi32>
    %reduce_max3A = arith.constant dense<0xFF800000> : vector<512xf32>
    %reduce_max3A_12 = vector.multi_reduction <maximumf>, %add3A_11, %reduce_max3A [1] : vector<512x64xf32> to vector<512xf32>
    %broadcast_in_dim3A = vector.shape_cast %reduce_max3A_12 : vector<512xf32> to vector<512x1xf32>
    %eq3A_13 = vector.broadcast %broadcast_in_dim3A : vector<512x1xf32> to vector<512x64xf32>
    %eq3A_14 = arith.cmpf oeq, %add3A_11, %eq3A_13 : vector<512x64xf32>
    %jit3A = arith.constant 64 : i32
    %broadcast_in_dim3A_15 = vector.broadcast %jit3A : i32 to vector<512x64xi32>
    %select_n3A = arith.select %eq3A_14, %iota3A, %broadcast_in_dim3A_15 : vector<512x64xi1>, vector<512x64xi32>
    %reduce_min3A = arith.constant dense<2147483647> : vector<512xi32>
    %reduce_min3A_16 = vector.multi_reduction <minsi>, %select_n3A, %reduce_min3A [1] : vector<512x64xi32> to vector<512xi32>
    %broadcast_in_dim3A_17 = vector.shape_cast %reduce_min3A_16 : vector<512xi32> to vector<512x1xi32>
    %eq3A_18 = vector.broadcast %broadcast_in_dim3A_17 : vector<512x1xi32> to vector<512x64xi32>
    %eq3A_19 = arith.cmpi eq, %iota3A, %eq3A_18 : vector<512x64xi32>
    %jit3A_20 = arith.constant 0xFF800000 : f32
    %broadcast_in_dim3A_21 = vector.broadcast %jit3A_20 : f32 to vector<512x64xf32>
    %select_n3A_22 = arith.select %eq3A_19, %broadcast_in_dim3A_21, %add3A_11 : vector<512x64xi1>, vector<512x64xf32>
    %reduce_max3A_23 = arith.constant dense<0xFF800000> : vector<512xf32>
    %reduce_max3A_24 = vector.multi_reduction <maximumf>, %select_n3A_22, %reduce_max3A_23 [1] : vector<512x64xf32> to vector<512xf32>
    %broadcast_in_dim3A_25 = vector.shape_cast %reduce_max3A_24 : vector<512xf32> to vector<512x1xf32>
    %eq3A_26 = vector.broadcast %broadcast_in_dim3A_25 : vector<512x1xf32> to vector<512x64xf32>
    %eq3A_27 = arith.cmpf oeq, %select_n3A_22, %eq3A_26 : vector<512x64xf32>
    %jit3A_28 = arith.constant 64 : i32
    %broadcast_in_dim3A_29 = vector.broadcast %jit3A_28 : i32 to vector<512x64xi32>
    %select_n3A_30 = arith.select %eq3A_27, %iota3A, %broadcast_in_dim3A_29 : vector<512x64xi1>, vector<512x64xi32>
    %reduce_min3A_31 = arith.constant dense<2147483647> : vector<512xi32>
    %reduce_min3A_32 = vector.multi_reduction <minsi>, %select_n3A_30, %reduce_min3A_31 [1] : vector<512x64xi32> to vector<512xi32>
    %broadcast_in_dim3A_33 = vector.shape_cast %reduce_min3A_32 : vector<512xi32> to vector<512x1xi32>
    %sub3A = arith.subf %broadcast_in_dim3A_25, %broadcast_in_dim3A : vector<512x1xf32>
    %exp3A = math.exp %sub3A : vector<512x1xf32>
    %add3A_34 = arith.constant 1.000000e+00 : f32
    %add3A_35 = vector.broadcast %add3A_34 : f32 to vector<512x1xf32>
    %add3A_36 = arith.addf %add3A_35, %exp3A : vector<512x1xf32>
    %div3A = arith.constant 1.000000e+00 : f32
    %div3A_37 = vector.broadcast %div3A : f32 to vector<512x1xf32>
    %div3A_38 = arith.divf %div3A_37, %add3A_36 : vector<512x1xf32>
    %add3A_39 = arith.constant 1.000000e+00 : f32
    %add3A_40 = vector.broadcast %add3A_39 : f32 to vector<512x1xf32>
    %add3A_41 = arith.addf %add3A_40, %exp3A : vector<512x1xf32>
    %div3A_42 = arith.divf %exp3A, %add3A_41 : vector<512x1xf32>
    %concatenate3A = tpu.concatenate %broadcast_in_dim3A_17, %broadcast_in_dim3A_33 in 0 : vector<512x1xi32>, vector<512x1xi32> -> vector<1024x1xi32>
    %iota3A_43 = tpu.iota {dimensions = array<i32: 1>} : vector<1024x64xi32>
    %eq3A_44 = vector.broadcast %concatenate3A : vector<1024x1xi32> to vector<1024x64xi32>
    %eq3A_45 = arith.cmpi eq, %eq3A_44, %iota3A_43 : vector<1024x64xi32>
    %convert_element_type3A_46 = arith.extui %eq3A_45 : vector<1024x64xi1> to vector<1024x64xi32>
    %convert_element_type3A_47 = arith.sitofp %convert_element_type3A_46 : vector<1024x64xi32> to vector<1024x64xf32>
    %get3A_48 = arith.constant 0 : index
    %get3A_49 = arith.constant 0 : index
    %get3A_50 = vector.load %arg12[%get3A_48, %get3A_49] : memref<1024x1024xf32, #tpu.memory_space<vmem>>, vector<1024x1024xf32>
    %dot_general3A_51 = arith.constant dense<0.000000e+00> : vector<1024x64xf32>
    %dot_general3A_52 = tpu.matmul %get3A_50, %convert_element_type3A_47, %dot_general3A_51 {dimension_numbers = #tpu.dot_dimension_numbers<[1], [0], [0], [1], [0, 0, 1, 1], [], []>, transpose_lhs_hint = false} : vector<1024x1024xf32>, vector<1024x64xf32>, vector<1024x64xf32> -> vector<1024x64xf32>
    %mul3A = arith.mulf %dot_general3A_52, %convert_element_type3A_47 : vector<1024x64xf32>
    %reduce_sum3A = arith.constant dense<0.000000e+00> : vector<1024xf32>
    %reduce_sum3A_53 = vector.multi_reduction <add>, %mul3A, %reduce_sum3A [1] : vector<1024x64xf32> to vector<1024xf32>
    %broadcast_in_dim3A_54 = vector.shape_cast %reduce_sum3A_53 : vector<1024xf32> to vector<1024x1xf32>
    %get3A_55 = arith.constant 0 : index
    %get3A_56 = arith.constant 0 : index
    %get3A_57 = vector.load %arg11[%get3A_55, %get3A_56] : memref<1x64xf32, #tpu.memory_space<vmem>>, vector<1x64xf32>
    %mul3A_58 = vector.broadcast %get3A_57 : vector<1x64xf32> to vector<1024x64xf32>
    %mul3A_59 = arith.mulf %convert_element_type3A_47, %mul3A_58 : vector<1024x64xf32>
    %reduce_sum3A_60 = arith.constant dense<0.000000e+00> : vector<1024xf32>
    %reduce_sum3A_61 = vector.multi_reduction <add>, %mul3A_59, %reduce_sum3A_60 [1] : vector<1024x64xf32> to vector<1024xf32>
    %broadcast_in_dim3A_62 = vector.shape_cast %reduce_sum3A_61 : vector<1024xf32> to vector<1024x1xf32>
    %add3A_63 = arith.addf %broadcast_in_dim3A_54, %broadcast_in_dim3A_62 : vector<1024x1xf32>
    %convert_element_type3A_64 = arith.fptosi %add3A_63 : vector<1024x1xf32> to vector<1024x1xi32>
    %get3A_65 = arith.constant 0 : index
    %get3A_66 = arith.constant 0 : index
    %get3A_67 = vector.load %arg11[%get3A_65, %get3A_66] : memref<1x64xf32, #tpu.memory_space<vmem>>, vector<1x64xf32>
    %reduce_sum3A_68 = arith.constant dense<0.000000e+00> : vector<64xf32>
    %reduce_sum3A_69 = vector.multi_reduction <add>, %convert_element_type3A_47, %reduce_sum3A_68 [0] : vector<1024x64xf32> to vector<64xf32>
    %broadcast_in_dim3A_70 = vector.shape_cast %reduce_sum3A_69 : vector<64xf32> to vector<1x64xf32>
    %add3A_71 = arith.addf %get3A_67, %broadcast_in_dim3A_70 : vector<1x64xf32>
    %swap3A = arith.constant 0 : index
    %swap3A_72 = arith.constant 0 : index
    %swap3A_73 = vector.load %arg11[%swap3A, %swap3A_72] : memref<1x64xf32, #tpu.memory_space<vmem>>, vector<1x64xf32>
    tpu.vector_store %arg11[%swap3A, %swap3A_72], %add3A_71 {strides = array<i32>} : memref<1x64xf32, #tpu.memory_space<vmem>>, vector<1x64xf32>,
    %swap3A_74 = arith.constant 0 : index
    %swap3A_75 = arith.constant 0 : index
    %swap3A_76 = vector.load %arg4[%swap3A_74, %swap3A_75] : memref<1024x1xi32, #tpu.memory_space<vmem>>, vector<1024x1xi32>
    tpu.vector_store %arg4[%swap3A_74, %swap3A_75], %concatenate3A {strides = array<i32>} : memref<1024x1xi32, #tpu.memory_space<vmem>>, vector<1024x1xi32>,
    %swap3A_77 = arith.constant 0 : index
    %swap3A_78 = arith.constant 0 : index
    %swap3A_79 = vector.load %arg5[%swap3A_77, %swap3A_78] : memref<1024x1xi32, #tpu.memory_space<vmem>>, vector<1024x1xi32>
    tpu.vector_store %arg5[%swap3A_77, %swap3A_78], %convert_element_type3A_64 {strides = array<i32>} : memref<1024x1xi32, #tpu.memory_space<vmem>>, vector<1024x1xi32>,
    %concatenate3A_80 = tpu.concatenate %div3A_38, %div3A_42 in 0 : vector<512x1xf32>, vector<512x1xf32> -> vector<1024x1xf32>
    %swap3A_81 = arith.constant 0 : index
    %swap3A_82 = arith.constant 0 : index
    %swap3A_83 = vector.load %arg6[%swap3A_81, %swap3A_82] : memref<1024x1xf32, #tpu.memory_space<vmem>>, vector<1024x1xf32>
    tpu.vector_store %arg6[%swap3A_81, %swap3A_82], %concatenate3A_80 {strides = array<i32>} : memref<1024x1xf32, #tpu.memory_space<vmem>>, vector<1024x1xf32>,
    %eq3A_84 = arith.constant 7 : i32
    %eq3A_85 = arith.cmpi eq, %arg0, %eq3A_84 : i32
    %convert_element_type3A_86 = arith.extui %eq3A_85 : i1 to i32
    %cond3A_87 = arith.constant 0 : i32
    %cond3A_88 = arith.cmpi ne, %convert_element_type3A_86, %cond3A_87 : i32
    scf.if %cond3A_88 {
      %get3A_89 = arith.constant 0 : index
      %get3A_90 = arith.constant 0 : index
      %get3A_91 = vector.load %arg11[%get3A_89, %get3A_90] : memref<1x64xf32, #tpu.memory_space<vmem>>, vector<1x64xf32>
      %div3A_92 = arith.constant 2.560000e+02 : f32
      %div3A_93 = vector.broadcast %div3A_92 : f32 to vector<1x64xf32>
      %div3A_94 = arith.divf %get3A_91, %div3A_93 : vector<1x64xf32>
      %ceil3A = math.ceil %div3A_94 : vector<1x64xf32>
      %mul3A_95 = arith.constant 2.560000e+02 : f32
      %mul3A_96 = vector.broadcast %mul3A_95 : f32 to vector<1x64xf32>
      %mul3A_97 = arith.mulf %ceil3A, %mul3A_96 : vector<1x64xf32>
      %iota3A_98 = tpu.iota {dimensions = array<i32: 0>} : vector<64x64xi32>
      %iota3A_99 = tpu.iota {dimensions = array<i32: 1>} : vector<64x64xi32>
      %lt3A = arith.cmpi slt, %iota3A_98, %iota3A_99 : vector<64x64xi32>
      %convert_element_type3A_100 = arith.extui %lt3A : vector<64x64xi1> to vector<64x64xi32>
      %convert_element_type3A_101 = arith.sitofp %convert_element_type3A_100 : vector<64x64xi32> to vector<64x64xf32>
      %dot_general3A_102 = arith.constant dense<0.000000e+00> : vector<1x64xf32>
      %dot_general3A_103 = tpu.matmul %mul3A_97, %convert_element_type3A_101, %dot_general3A_102 {dimension_numbers = #tpu.dot_dimension_numbers<[1], [0], [0], [1], [0, 0, 1, 1], [], []>, transpose_lhs_hint = false} : vector<1x64xf32>, vector<64x64xf32>, vector<1x64xf32> -> vector<1x64xf32>
      %convert_element_type3A_104 = arith.fptosi %dot_general3A_103 : vector<1x64xf32> to vector<1x64xi32>
      %swap3A_105 = arith.constant 0 : index
      %swap3A_106 = arith.constant 0 : index
      %swap3A_107 = vector.load %arg7[%swap3A_105, %swap3A_106] : memref<1x64xi32, #tpu.memory_space<vmem>>, vector<1x64xi32>
      tpu.vector_store %arg7[%swap3A_105, %swap3A_106], %convert_element_type3A_104 {strides = array<i32>} : memref<1x64xi32, #tpu.memory_space<vmem>>, vector<1x64xi32>,
      %div3A_108 = arith.constant 2.560000e+02 : f32
      %div3A_109 = vector.broadcast %div3A_108 : f32 to vector<1x64xf32>
      %div3A_110 = arith.divf %dot_general3A_103, %div3A_109 : vector<1x64xf32>
      %div3A_111 = arith.constant 2.560000e+02 : f32
      %div3A_112 = vector.broadcast %div3A_111 : f32 to vector<1x64xf32>
      %div3A_113 = arith.divf %mul3A_97, %div3A_112 : vector<1x64xf32>
      %iota3A_114 = tpu.iota {dimensions = array<i32: 0>} : vector<96x64xi32>
      %convert_element_type3A_115 = arith.sitofp %iota3A_114 : vector<96x64xi32> to vector<96x64xf32>
      %iota3A_116 = tpu.iota {dimensions = array<i32: 1>} : vector<96x64xi32>
      %convert_element_type3A_117 = arith.sitofp %iota3A_116 : vector<96x64xi32> to vector<96x64xf32>
      %ge3A = vector.broadcast %div3A_110 : vector<1x64xf32> to vector<96x64xf32>
      %ge3A_118 = arith.cmpf oge, %convert_element_type3A_115, %ge3A : vector<96x64xf32>
      %add3A_119 = arith.addf %div3A_110, %div3A_113 : vector<1x64xf32>
      %lt3A_120 = vector.broadcast %add3A_119 : vector<1x64xf32> to vector<96x64xf32>
      %lt3A_121 = arith.cmpf olt, %convert_element_type3A_115, %lt3A_120 : vector<96x64xf32>
      %and3A = arith.andi %ge3A_118, %lt3A_121 : vector<96x64xi1>
      %jit3A_122 = arith.constant 0.000000e+00 : f32
      %broadcast_in_dim3A_123 = vector.broadcast %jit3A_122 : f32 to vector<96x64xf32>
      %select_n3A_124 = arith.select %and3A, %convert_element_type3A_117, %broadcast_in_dim3A_123 : vector<96x64xi1>, vector<96x64xf32>
      %reduce_sum3A_125 = arith.constant dense<0.000000e+00> : vector<96xf32>
      %reduce_sum3A_126 = vector.multi_reduction <add>, %select_n3A_124, %reduce_sum3A_125 [1] : vector<96x64xf32> to vector<96xf32>
      %broadcast_in_dim3A_127 = vector.shape_cast %reduce_sum3A_126 : vector<96xf32> to vector<96x1xf32>
      %sub3A_128 = vector.broadcast %div3A_110 : vector<1x64xf32> to vector<96x64xf32>
      %sub3A_129 = arith.subf %convert_element_type3A_115, %sub3A_128 : vector<96x64xf32>
      %mul3A_130 = arith.constant 2.560000e+02 : f32
      %mul3A_131 = vector.broadcast %mul3A_130 : f32 to vector<96x64xf32>
      %mul3A_132 = arith.mulf %sub3A_129, %mul3A_131 : vector<96x64xf32>
      %sub3A_133 = vector.broadcast %get3A_91 : vector<1x64xf32> to vector<96x64xf32>
      %sub3A_134 = arith.subf %sub3A_133, %mul3A_132 : vector<96x64xf32>
      %jit3A_135 = arith.constant 0.000000e+00 : f32
      %jit3A_136 = arith.constant 2.560000e+02 : f32
      %max3A = vector.broadcast %jit3A_135 : f32 to vector<96x64xf32>
      %max3A_137 = arith.maximumf %max3A, %sub3A_134 : vector<96x64xf32>
      %min3A = vector.broadcast %jit3A_136 : f32 to vector<96x64xf32>
      %min3A_138 = arith.minimumf %min3A, %max3A_137 : vector<96x64xf32>
      %jit3A_139 = arith.constant 0.000000e+00 : f32
      %broadcast_in_dim3A_140 = vector.broadcast %jit3A_139 : f32 to vector<96x64xf32>
      %select_n3A_141 = arith.select %and3A, %min3A_138, %broadcast_in_dim3A_140 : vector<96x64xi1>, vector<96x64xf32>
      %reduce_sum3A_142 = arith.constant dense<0.000000e+00> : vector<96xf32>
      %reduce_sum3A_143 = vector.multi_reduction <add>, %select_n3A_141, %reduce_sum3A_142 [1] : vector<96x64xf32> to vector<96xf32>
      %broadcast_in_dim3A_144 = vector.shape_cast %reduce_sum3A_143 : vector<96xf32> to vector<96x1xf32>
      %convert_element_type3A_145 = arith.extui %and3A : vector<96x64xi1> to vector<96x64xi32>
      %convert_element_type3A_146 = arith.sitofp %convert_element_type3A_145 : vector<96x64xi32> to vector<96x64xf32>
      %reduce_max3A_147 = arith.constant dense<0xFF800000> : vector<96xf32>
      %reduce_max3A_148 = vector.multi_reduction <maximumf>, %convert_element_type3A_146, %reduce_max3A_147 [1] : vector<96x64xf32> to vector<96xf32>
      %broadcast_in_dim3A_149 = vector.shape_cast %reduce_max3A_148 : vector<96xf32> to vector<96x1xf32>
      %iota3A_150 = tpu.iota {dimensions = array<i32: 1>} : vector<1x64xi32>
      %convert_element_type3A_151 = arith.sitofp %iota3A_150 : vector<1x64xi32> to vector<1x64xf32>
      %gt3A = arith.constant 0.000000e+00 : f32
      %gt3A_152 = vector.broadcast %gt3A : f32 to vector<1x64xf32>
      %gt3A_153 = arith.cmpf ogt, %mul3A_97, %gt3A_152 : vector<1x64xf32>
      %jit3A_154 = arith.constant -1.000000e+00 : f32
      %broadcast_in_dim3A_155 = vector.broadcast %jit3A_154 : f32 to vector<1x64xf32>
      %select_n3A_156 = arith.select %gt3A_153, %convert_element_type3A_151, %broadcast_in_dim3A_155 : vector<1x64xi1>, vector<1x64xf32>
      %reduce_max3A_157 = vector.shape_cast %select_n3A_156 : vector<1x64xf32> to vector<1x1x64xf32>
      %reduce_max3A_158 = arith.constant dense<0xFF800000> : vector<1xf32>
      %reduce_max3A_159 = vector.multi_reduction <maximumf>, %reduce_max3A_157, %reduce_max3A_158 [1, 2] : vector<1x1x64xf32> to vector<1xf32>
      %reduce_max3A_160 = vector.shape_cast %reduce_max3A_159 : vector<1xf32> to vector<1x1x1xf32>
      %reduce_max3A_161 = vector.extract %reduce_max3A_160[0, 0, 0] : f32 from vector<1x1x1xf32>
      %gt3A_162 = arith.constant 0.000000e+00 : f32
      %gt3A_163 = vector.broadcast %gt3A_162 : f32 to vector<96x1xf32>
      %gt3A_164 = arith.cmpf ogt, %broadcast_in_dim3A_149, %gt3A_163 : vector<96x1xf32>
      %broadcast_in_dim3A_165 = vector.broadcast %reduce_max3A_161 : f32 to vector<96x1xf32>
      %select_n3A_166 = arith.select %gt3A_164, %broadcast_in_dim3A_127, %broadcast_in_dim3A_165 : vector<96x1xi1>, vector<96x1xf32>
      %convert_element_type3A_167 = arith.fptosi %select_n3A_166 : vector<96x1xf32> to vector<96x1xi32>
      %swap3A_168 = arith.constant 0 : index
      %swap3A_169 = arith.constant 0 : index
      %swap3A_170 = vector.load %arg8[%swap3A_168, %swap3A_169] : memref<96x1xi32, #tpu.memory_space<vmem>>, vector<96x1xi32>
      tpu.vector_store %arg8[%swap3A_168, %swap3A_169], %convert_element_type3A_167 {strides = array<i32>} : memref<96x1xi32, #tpu.memory_space<vmem>>, vector<96x1xi32>,
      %convert_element_type3A_171 = arith.fptosi %broadcast_in_dim3A_144 : vector<96x1xf32> to vector<96x1xi32>
      %swap3A_172 = arith.constant 0 : index
      %swap3A_173 = arith.constant 0 : index
      %swap3A_174 = vector.load %arg9[%swap3A_172, %swap3A_173] : memref<96x1xi32, #tpu.memory_space<vmem>>, vector<96x1xi32>
      tpu.vector_store %arg9[%swap3A_172, %swap3A_173], %convert_element_type3A_171 {strides = array<i32>} : memref<96x1xi32, #tpu.memory_space<vmem>>, vector<96x1xi32>,
      %iota3A_175 = tpu.iota {dimensions = array<i32: 0>} : vector<96x1xi32>
      %convert_element_type3A_176 = arith.sitofp %iota3A_175 : vector<96x1xi32> to vector<96x1xf32>
      %gt3A_177 = arith.constant 0.000000e+00 : f32
      %gt3A_178 = vector.broadcast %gt3A_177 : f32 to vector<96x1xf32>
      %gt3A_179 = arith.cmpf ogt, %broadcast_in_dim3A_149, %gt3A_178 : vector<96x1xf32>
      %jit3A_180 = arith.constant 9.500000e+01 : f32
      %broadcast_in_dim3A_181 = vector.broadcast %jit3A_180 : f32 to vector<96x1xf32>
      %select_n3A_182 = arith.select %gt3A_179, %convert_element_type3A_176, %broadcast_in_dim3A_181 : vector<96x1xi1>, vector<96x1xf32>
      %convert_element_type3A_183 = arith.fptosi %select_n3A_182 : vector<96x1xf32> to vector<96x1xi32>
      %swap3A_184 = arith.constant 0 : index
      %swap3A_185 = arith.constant 0 : index
      %swap3A_186 = vector.load %arg10[%swap3A_184, %swap3A_185] : memref<96x1xi32, #tpu.memory_space<vmem>>, vector<96x1xi32>
      tpu.vector_store %arg10[%swap3A_184, %swap3A_185], %convert_element_type3A_183 {strides = array<i32>} : memref<96x1xi32, #tpu.memory_space<vmem>>, vector<96x1xi32>,
    } else {
    }
    return
  }
  func.func @transform_0(%arg0: i32) -> (i32, i32) {
    %c0_i32 = arith.constant 0 : i32
    %c0_i32_0 = arith.constant 0 : i32
    return %arg0, %c0_i32 : i32, i32
  }
  func.func @transform_1(%arg0: i32) -> (i32, i32) {
    %c0_i32 = arith.constant 0 : i32
    %c0_i32_0 = arith.constant 0 : i32
    %c0_i32_1 = arith.constant 0 : i32
    return %c0_i32, %c0_i32_0 : i32, i32
  }
  func.func @transform_2(%arg0: i32) -> (i32, i32) {
    %c0_i32 = arith.constant 0 : i32
    %c0_i32_0 = arith.constant 0 : i32
    %c0_i32_1 = arith.constant 0 : i32
    return %c0_i32, %c0_i32_0 : i32, i32
  }
  func.func @transform_3(%arg0: i32) -> (i32, i32) {
    %c0_i32 = arith.constant 0 : i32
    %c0_i32_0 = arith.constant 0 : i32
    return %arg0, %c0_i32 : i32, i32
  }
  func.func @transform_4(%arg0: i32) -> (i32, i32) {
    %c0_i32 = arith.constant 0 : i32
    %c0_i32_0 = arith.constant 0 : i32
    return %arg0, %c0_i32 : i32, i32
  }
  func.func @transform_5(%arg0: i32) -> (i32, i32) {
    %c0_i32 = arith.constant 0 : i32
    %c0_i32_0 = arith.constant 0 : i32
    return %arg0, %c0_i32 : i32, i32
  }
  func.func @transform_6(%arg0: i32) -> (i32, i32) {
    %c0_i32 = arith.constant 0 : i32
    %c0_i32_0 = arith.constant 0 : i32
    %c0_i32_1 = arith.constant 0 : i32
    return %c0_i32, %c0_i32_0 : i32, i32
  }
  func.func @transform_7(%arg0: i32) -> (i32, i32) {
    %c0_i32 = arith.constant 0 : i32
    %c0_i32_0 = arith.constant 0 : i32
    %c0_i32_1 = arith.constant 0 : i32
    return %c0_i32, %c0_i32_0 : i32, i32
  }
  func.func @transform_8(%arg0: i32) -> (i32, i32) {
    %c0_i32 = arith.constant 0 : i32
    %c0_i32_0 = arith.constant 0 : i32
    %c0_i32_1 = arith.constant 0 : i32
    return %c0_i32, %c0_i32_0 : i32, i32
  }
  func.func @transform_9(%arg0: i32) -> (i32, i32) {
    %c0_i32 = arith.constant 0 : i32
    %c0_i32_0 = arith.constant 0 : i32
    %c0_i32_1 = arith.constant 0 : i32
    return %c0_i32, %c0_i32_0 : i32, i32
  }
}

module attributes {stable_mosaic.version = 14 : i64} {
  func.func @_expert_body(%arg0: i32, %arg1: memref<96xi32, #tpu.memory_space<smem>>, %arg2: memref<96xi32, #tpu.memory_space<smem>>, %arg3: memref<96xi32, #tpu.memory_space<smem>>, %arg4: memref<256x768xf32, #tpu.memory_space<vmem>>, %arg5: memref<1x768x768xf32, #tpu.memory_space<vmem>>, %arg6: memref<64x768xf32, #tpu.memory_space<vmem>>, %arg7: memref<256x768xf32, #tpu.memory_space<vmem>>) attributes {dimension_semantics = [#tpu.dimension_semantics<arbitrary>], iteration_bounds = array<i64: 96>, scalar_prefetch = 3 : i64, scratch_operands = 0 : i64, tpu.core_type = #tpu.core_type<tc>, window_params = [{transform_indices = @transform_0, window_bounds = array<i64: 256, 768>}, {transform_indices = @transform_1, window_bounds = array<i64: 1, 768, 768>}, {pipeline_mode = #tpu.pipeline_mode<synchronous>, transform_indices = @transform_2, window_bounds = array<i64: 64, 768>}, {transform_indices = @transform_3, window_bounds = array<i64: 256, 768>}]} {
    %get3A = arith.index_cast %arg0 : i32 to index
    %get3A_0 = memref.load %arg2[%get3A] : memref<96xi32, #tpu.memory_space<smem>>
    %gt3A = arith.constant 0 : i32
    %gt3A_1 = arith.cmpi sgt, %get3A_0, %gt3A : i32
    %convert_element_type3A = arith.extui %gt3A_1 : i1 to i32
    %cond3A = arith.constant 0 : i32
    %cond3A_2 = arith.cmpi ne, %convert_element_type3A, %cond3A : i32
    scf.if %cond3A_2 {
      %get3A_3 = arith.constant 0 : index
      %get3A_4 = arith.constant 0 : index
      %get3A_5 = arith.constant 0 : index
      %get3A_6 = vector.load %arg5[%get3A_3, %get3A_4, %get3A_5] : memref<1x768x768xf32, #tpu.memory_space<vmem>>, vector<1x768x768xf32>
      %get3A_7 = vector.shape_cast %get3A_6 : vector<1x768x768xf32> to vector<768x768xf32>
      %convert_element_type3A_8 = arith.truncf %get3A_7 : vector<768x768xf32> to vector<768x768xbf16>
      %get3A_9 = arith.index_cast %arg0 : i32 to index
      %get3A_10 = memref.load %arg1[%get3A_9] : memref<96xi32, #tpu.memory_space<smem>>
      %get3A_11 = arith.index_cast %get3A_10 : i32 to index
      %get3A_12 = arith.constant 0 : index
      %get3A_13 = vector.load %arg6[%get3A_11, %get3A_12] : memref<64x768xf32, #tpu.memory_space<vmem>>, vector<1x768xf32>
      %get3A_14 = arith.constant 0 : index
      %get3A_15 = arith.constant 0 : index
      %get3A_16 = vector.load %arg4[%get3A_14, %get3A_15] : memref<256x768xf32, #tpu.memory_space<vmem>>, vector<256x768xf32>
      %convert_element_type3A_17 = arith.truncf %get3A_16 : vector<256x768xf32> to vector<256x768xbf16>
      %dot_general3A = arith.constant dense<0.000000e+00> : vector<256x768xf32>
      %dot_general3A_18 = tpu.matmul %convert_element_type3A_17, %convert_element_type3A_8, %dot_general3A {dimension_numbers = #tpu.dot_dimension_numbers<[1], [0], [0], [1], [0, 0, 1, 1], [], []>, transpose_lhs_hint = false} : vector<256x768xbf16>, vector<768x768xbf16>, vector<256x768xf32> -> vector<256x768xf32>
      %add3A = vector.broadcast %get3A_13 : vector<1x768xf32> to vector<256x768xf32>
      %add3A_19 = arith.addf %dot_general3A_18, %add3A : vector<256x768xf32>
      %swap3A = arith.constant 0 : index
      %swap3A_20 = arith.constant 0 : index
      %swap3A_21 = vector.load %arg7[%swap3A, %swap3A_20] : memref<256x768xf32, #tpu.memory_space<vmem>>, vector<256x768xf32>
      tpu.vector_store %arg7[%swap3A, %swap3A_20], %add3A_19 {strides = array<i32>} : memref<256x768xf32, #tpu.memory_space<vmem>>, vector<256x768xf32>,
    } else {
    }
    return
  }
  func.func @transform_0(%arg0: i32, %arg1: memref<96xi32, #tpu.memory_space<smem>>, %arg2: memref<96xi32, #tpu.memory_space<smem>>, %arg3: memref<96xi32, #tpu.memory_space<smem>>) -> (i32, i32) {
    %get3A = arith.index_cast %arg0 : i32 to index
    %get3A_0 = memref.load %arg3[%get3A] : memref<96xi32, #tpu.memory_space<smem>>
    %c0_i32 = arith.constant 0 : i32
    %c0_i32_1 = arith.constant 0 : i32
    return %get3A_0, %c0_i32 : i32, i32
  }
  func.func @transform_1(%arg0: i32, %arg1: memref<96xi32, #tpu.memory_space<smem>>, %arg2: memref<96xi32, #tpu.memory_space<smem>>, %arg3: memref<96xi32, #tpu.memory_space<smem>>) -> (i32, i32, i32) {
    %get3A = arith.index_cast %arg0 : i32 to index
    %get3A_0 = memref.load %arg1[%get3A] : memref<96xi32, #tpu.memory_space<smem>>
    %c0_i32 = arith.constant 0 : i32
    %c0_i32_1 = arith.constant 0 : i32
    %c0_i32_2 = arith.constant 0 : i32
    return %get3A_0, %c0_i32, %c0_i32_1 : i32, i32, i32
  }
  func.func @transform_2(%arg0: i32, %arg1: memref<96xi32, #tpu.memory_space<smem>>, %arg2: memref<96xi32, #tpu.memory_space<smem>>, %arg3: memref<96xi32, #tpu.memory_space<smem>>) -> (i32, i32) {
    %c0_i32 = arith.constant 0 : i32
    %c0_i32_0 = arith.constant 0 : i32
    %c0_i32_1 = arith.constant 0 : i32
    return %c0_i32, %c0_i32_0 : i32, i32
  }
  func.func @transform_3(%arg0: i32, %arg1: memref<96xi32, #tpu.memory_space<smem>>, %arg2: memref<96xi32, #tpu.memory_space<smem>>, %arg3: memref<96xi32, #tpu.memory_space<smem>>) -> (i32, i32) {
    %get3A = arith.index_cast %arg0 : i32 to index
    %get3A_0 = memref.load %arg3[%get3A] : memref<96xi32, #tpu.memory_space<smem>>
    %c0_i32 = arith.constant 0 : i32
    %c0_i32_1 = arith.constant 0 : i32
    return %get3A_0, %c0_i32 : i32, i32
  }
}

</mosaic_0001>

<sc_bundles>
// kernel: kernel.6.cloned.1.call-start
scs
__scs_entry_jumppad:
0x0: {  	(pc) =	sbr.rel $0x88, $3  }
0x1: {  	(tag) =	ssettag $0x0;
	lr =	simm.s32 $0x1  }
0x2: {  	[smem:$0x3F9C] =	sst lr;
	_ =	strace $0xD0000000  }
0x3: {  	_ = 	snop  }
0x4: {  	_ = 	snop  }
0x5: {  	_ = 	snop  }
0x6: {  	_ = 	snop  }
0x7: {  	_ = 	snop  }
__scs_overlays_trampoline_lowered:
0x8: {  	[smem:$0x3FAB] =	sst s0  }
0x9: {  	[smem:$0x3FAC] =	sst s1  }
0xa: {  	[smem:$0x3FAD] =	sst s2  }
0xb: {  	[smem:$0x3FAE] =	sst s3  }
0xc: {  	[smem:$0x3FAF] =	sst s4  }
0xd: {  	[smem:$0x3FB0] =	sst s5  }
0xe: {  	[smem:$0x3FB1] =	sst s6  }
0xf: {  	[smem:$0x3FB2] =	sst s7  }
0x10: {  	[smem:$0x3FB3] =	sst s8  }
0x11: {  	[smem:$0x3FB4] =	sst s9;
	s0 =	simm.s32 @!p0 $0x0  }
0x12: {  	s1 =	sld [smem:$0x3F9A];
	s0 =	simm.s32 @p0 $0x1  }
0x13: {  	[smem:$0x3FB5] =	sst s0;
	s0 =	simm.s32 @!p1 $0x0  }
0x14: {  	s2 =	sld [smem:$0x3F99];
	s0 =	simm.s32 @p1 $0x1  }
0x15: {  	[smem:$0x3FB6] =	sst s0;
	s0 =	simm.s32 @!p2 $0x0  }
0x16: {  	s3 =	sld [smem:$0x3FDB];
	s0 =	simm.s32 @p2 $0x1  }
0x17: {  	s4 =	simm.s32 $0x1BF5;
	[smem:$0x3FB8] =	sst s0  }
0x18: {  	s0 =	sld [smem:$0x3F9B];
	_ =	swait.ge [sflag:s4], $0x0  }
0x19: {  	s7 =	sld [smem:$0x3F9C]  }
0x1a: {  	s8 =	sadd.s32 $0xFFFFE003, lr  }
0x1b: {  	s9 =	sadd.s32 $0xFFFFFEF7, lr;
	s5 =	simm.s32 $0xFFFFFFFF;
	p2 =	slt.u32 s8, $0xFFFFF086  }
0x1c: {  	p1 =	slt.u32 s9, $0xF7A;
	s5 =	simm.s32 @!p2 $0x0  }
0x1d: {  	s5 =	simm.s32 @p1 $0x1;
	p0 =	seq.s32 s7, s2  }
0x1e: {  	s7 =	smul.u32 @!p0 $0xF7A, s2;
	p2 =	seq.s32 @!p0 s5, $0x0  }
0x1f: {  	s9 =	smul.u32 $0xF7A, s1;
	s8 =	simm.s32 @!p0 $0x1BF5;
	p2 =	por !p2, p0  }
0x20: {  	[sflag:s8] =	ssyncset.s32 @!p0 $0xFFFFF086;
	s6 =	sadd.s32 @!p0 s3, s7;
	s7 =	simm.s32 @!p0 $0x108  }
0x21: {  	s3 =	sadd.s32 s3, s9;
	s6 =	sadd.s32 @!p0 $0x88, s6;
	s7 =	simm.s32 @p2 $0x1082  }
0x22: {  	[simem:s7], [sflag:s8] =	dma.local @!p0 [hbm:s6], $0xF7A  }
0x23: {  	s9 =	sor.u32 $0xD0000000, s2;
	s6 =	simm.s32 $0x108;
	_ =	swait.ge @!p0 [sflag:s8], $0x0  }
0x24: {  	s3 =	sadd.s32 $0x88, s3;
	s6 =	simm.s32 @!p1 $0x1082;
	[sflag:s4] =	ssyncset.s32 $0xFFFFF086  }
0x25: {  	[simem:s6], [sflag:s4] =	dma.local [hbm:s3], $0xF7A  }
0x26: {  	[smem:$0x3F9C] =	sst s1;
	(tag) =	ssettag s2;
	_ =	strace s9  }
0x27: {  	s1 =	sld [smem:$0x3FAC]  }
0x28: {  	s2 =	sld [smem:$0x3FAD]  }
0x29: {  	s4 =	sld [smem:$0x3FAF]  }
0x2a: {  	p0 =	seq.s32 s5, $0x0;
	s5 =	sld [smem:$0x3FB0]  }
0x2b: {  	s6 =	sld [smem:$0x3FB1]  }
0x2c: {  	s7 =	sld [smem:$0x3FB2]  }
0x2d: {  	s3 =	simm.s32 $0x108;
	s8 =	sld [smem:$0x3FB3]  }
0x2e: {  	s3 =	simm.s32 @!p0 $0x1082;
	s9 =	sld [smem:$0x3FB4]  }
0x2f: {  	lr =	sadd.s32 s0, s3;
	s0 =	sld [smem:$0x3FAB]  }
0x30: {  	s3 =	sld [smem:$0x3FAE]  }
0x31: {  	[smem:$0x3FB7] =	sst s10  }
0x32: {  	s10 =	sld [smem:$0x3FB5];
	_ =	sdelay $0x3  }
0x33: {  	p0 =	seq.s32 s10, $0x1;
	s10 =	sld [smem:$0x3FB7];
	_ =	sdelay $0x3  }
0x34: {  	[smem:$0x3FB7] =	sst s10  }
0x35: {  	s10 =	sld [smem:$0x3FB6];
	_ =	sdelay $0x3  }
0x36: {  	p1 =	seq.s32 s10, $0x1;
	s10 =	sld [smem:$0x3FB7];
	_ =	sdelay $0x3  }
0x37: {  	[smem:$0x3FB7] =	sst s10  }
0x38: {  	s10 =	sld [smem:$0x3FB8]  }
0x39: {  	_ = 	snop;
	(pc) =	sbr.ind lr, $3  }
0x3a: {  	_ = 	snop  }
0x3b: {  	_ = 	snop  }
0x3c: {  	p2 =	seq.s32 s10, $0x1;
	s10 =	sld [smem:$0x3FB7]  }
0x3d: {  	_ =	shalt  }
0x3e: {  	_ =	shalt  }
0x3f: {  	_ =	shalt  }
0x40: {  	_ =	shalt  }
0x41: {  	_ =	shalt  }
0x42: {  	_ =	shalt  }
0x43: {  	_ =	shalt  }
0x44: {  	_ =	shalt  }
0x45: {  	_ =	shalt  }
0x46: {  	_ =	shalt  }
0x47: {  	_ =	shalt  }
0x48: {  	_ =	shalt  }
0x49: {  	_ =	shalt  }
0x4a: {  	_ =	shalt  }
0x4b: {  	_ =	shalt  }
0x4c: {  	_ =	shalt  }
0x4d: {  	_ =	shalt  }
0x4e: {  	_ =	shalt  }
0x4f: {  	_ =	shalt  }
0x50: {  	_ =	shalt  }
0x51: {  	_ =	shalt  }
0x52: {  	_ =	shalt  }
0x53: {  	_ =	shalt  }
0x54: {  	_ =	shalt  }
0x55: {  	_ =	shalt  }
0x56: {  	_ =	shalt  }
0x57: {  	_ =	shalt  }
0x58: {  	_ =	shalt  }
0x59: {  	_ =	shalt  }
0x5a: {  	_ =	shalt  }
0x5b: {  	_ =	shalt  }
0x5c: {  	_ =	shalt  }
0x5d: {  	_ =	shalt  }
0x5e: {  	_ =	shalt  }
0x5f: {  	_ =	shalt  }
0x60: {  	_ =	shalt  }
0x61: {  	_ =	shalt  }
0x62: {  	_ =	shalt  }
0x63: {  	_ =	shalt  }
0x64: {  	_ =	shalt  }
0x65: {  	_ =	shalt  }
0x66: {  	_ =	shalt  }
0x67: {  	_ =	shalt  }
0x68: {  	_ =	shalt  }
0x69: {  	_ =	shalt  }
0x6a: {  	_ =	shalt  }
0x6b: {  	_ =	shalt  }
0x6c: {  	_ =	shalt  }
0x6d: {  	_ =	shalt  }
0x6e: {  	_ =	shalt  }
0x6f: {  	_ =	shalt  }
0x70: {  	_ =	shalt  }
0x71: {  	_ =	shalt  }
0x72: {  	_ =	shalt  }
0x73: {  	_ =	shalt  }
0x74: {  	_ =	shalt  }
0x75: {  	_ =	shalt  }
0x76: {  	_ =	shalt  }
0x77: {  	_ =	shalt  }
0x78: {  	_ =	shalt  }
0x79: {  	_ =	shalt  }
0x7a: {  	_ =	shalt  }
0x7b: {  	_ =	shalt  }
0x7c: {  	_ =	shalt  }
0x7d: {  	_ =	shalt  }
0x7e: {  	_ =	shalt  }
0x7f: {  	_ =	shalt  }
0x80: {  	_ =	shalt  }
0x81: {  	_ =	shalt  }
0x82: {  	_ =	shalt  }
0x83: {  	_ =	shalt  }
0x84: {  	_ =	shalt  }
0x85: {  	_ =	shalt  }
0x86: {  	_ =	shalt  }
0x87: {  	_ =	shalt  }
.Lfunc_end0:
.L_simem_size_0:
called_computation_lowered:
.L_overlay_start_0:
0x88: {  	s2 =	sld [smem:$0x3FD9]  }
0x89: {  	s3 =	sld [smem:$0x3FFE];
	_ =	sdelay $0x1  }
0x8a: {  	s1 =	srdreg.scid  }
0x8b: {  	s0 =	sand.u32 $0x1, s1  }
0x8c: {  	s17 =	sshll.u32 s0, $0xA;
	s2 =	sadd.s32 s3, s2  }
0x8d: {  	s2 =	sadd.s32 s2, s17  }
0x8e: {  	[smem:$0x3FC3] =	sst s2  }
0x8f: {  	_ = 	snop  }
0x90: {  	s2 =	sld [smem:$0x3FC9]  }
0x91: {  	s18 =	sld [smem:$0x3FD0];
	(tm) =	ssettm $0x1  }
0x92: {  	s4 =	sld [smem:$0x3FFB];
	_ =	sdelay $0x3  }
0x93: {  	_ =	strace s4  }
0x94: {  	s4 =	sld [smem:$0x3FFC];
	_ =	sdelay $0x3  }
0x95: {  	_ =	strace s4  }
0x96: {  	s4 =	sld [smem:$0x3FFD];
	_ =	sdelay $0x3  }
0x97: {  	_ =	strace s4  }
0x98: {  	_ =	strace $0x8FFFFFFF  }
0x99: {  	s19 =	sld [smem:$0x3FDB];
	_ =	sdelay $0x1  }
0x9a: {  	s5 =	simm.s32 $_scs_section_size  }
0x9b: {  	s6 =	simm.s32 $_size__tile_overlayer_lowered;
	s7 =	simm.s32 $_tile_overlayer_lowered  }
0x9c: {  	s22 =	simm.s32 $0x1BFF;
	s21 =	sshll.u32 s7, $0x1;
	s4 =	sadd.s32 s5, s19  }
0x9d: {  	s8 =	simm.s32 $0x0;
	s20 =	sshll.u32 s6, $0x1;
	s6 =	sadd.s32 s21, s4  }
0x9e: {  	[timem:s8], [sflag:s22] =	dma.local [hbm:s6], s20  }
0x9f: {  	_ =	swait.ge [sflag:s22], s20  }
0xa0: {  	s5 =	ssub.s32 $0x0, s20;
	[sflag:s22] =	ssyncset.done $0x0  }
0xa1: {  	[sflag:s22] =	ssyncadd.s32 s5;
	_ =	sdelay $0x1  }
0xa2: {  	s23 =	simm.s32 $0x1B8B  }
0xa3: {  	_ =	swait.ge [sflag:s23], $0x1  }
0xa4: {  	[sflag:s23] =	ssyncset.done $0x0  }
0xa5: {  	s25 =	simm.s32 $0x1B8E;
	s24 =	sld [smem:$0x3FFE];
	[sflag:s23] =	ssyncadd.s32 $0xFFFFFFFF  }
0xa6: {  	s26 =	simm.s32 $execute0_lowered;
	[smem:$0x3FD2] =	sst s25  }
0xa7: {  	s6 =	sshll.u32 s26, $0x1;
	_ =	strace $0x80000046;
	[dreg:$0x1] =	wrdreg $0xFFFFFFFF  }
0xa8: {  	s28 =	simm.s32 $_size_execute0_lowered;
	s4 =	sadd.s32 s4, s6;
	[dreg:$0x0] =	wrdreg $0x0  }
0xa9: {  	s6 =	sshll.u32 s28, $0x1;
	[dreg:$0x2] =	wrdreg s4  }
0xaa: {  	[dreg:$0x3] =	wrdreg s6  }
0xab: {  	[dreg:$0x4] =	wrdreg $0xC0  }
0xac: {  	_ =	task [dreg:s8], $0x5FFFF  }
0xad: {  	[dreg:$0x1] =	wrdreg $0xFFFFFFFF  }
0xae: {  	[dreg:$0x0] =	wrdreg $0x60  }
0xaf: {  	[dreg:$0x2] =	wrdreg s18  }
0xb0: {  	[dreg:$0x3] =	wrdreg s24  }
0xb1: {  	[dreg:$0x4] =	wrdreg s2  }
0xb2: {  	[dreg:$0x5] =	wrdreg $0x9  }
0xb3: {  	_ =	task.clear_ibuf [dreg:s8], $0x6FFFF;
	_ =	strace $0x90000046  }
0xb4: {  	s29 =	simm.s32 $0x9;
	_ =	strace $0x80000048  }
0xb5: {  	_ =	swait.ge [sflag:s29], $0x1  }
0xb6: {  	[sflag:s29] =	ssyncadd.s32 $0xFFFFFFFF  }
0xb7: {  	_ =	strace $0x90000048  }
0xb8: {  	_ =	sfence  }
0xb9: {  	s30 =	sld [smem:$0x0];
	_ =	sdelay $0x2  }
0xba: {  	s31 =	sshll.u32 s1, $0xD;
	s1 =	sshrl.u32 s1, $0x2  }
0xbb: {  	s3 =	sand.u32 $0x4000, s31;
	s1 =	sadd.s32 s1, s30  }
0xbc: {  	s0 =	sor.u32 s3, s0;
	s1 =	sshll.u32 s1, $0x11  }
0xbd: {  	s0 =	sor.u32 s1, s0  }
0xbe: {  	s0 =	sadd.s32 $0x8F2B, s0  }
0xbf: {  	[sflag:s0] =	ssyncadd.remote.s32 $0x1  }
0xc0: {  	_ =	sfence.sel $0xFFFF  }
0xc1: {  	[dreg:$0x0] =	wrdreg $0xFFFFFFFF;
	(pc) =	sbr.abs _section_cstart, $3  }
0xc2: {  	[dreg:$0x1] =	wrdreg $0xFFFFFFFF  }
0xc3: {  	_ =	task.clear_ibuf [dreg:s8], $0x2FFFF;
	_ =	strace $0x9FFFFFFF  }
0xc4: {  	(tm) =	ssettm $0x7FFFFFFF  }
0xc5: {  	_ =	shalt  }
tec
execute0_lowered:
.L_overlay_start_1:
0x0: {  	(tag) =	ssettag $0x1  }
0x1: {  	s0 =	srdreg.scid  }
0x2: {  	s2 =	stileid.u32;
	s1 =	sand.u32 $0x1, s0  }
0x3: {  	s21 =	sshll.u32 s2, $0x9;
	s22 =	sshll.u32 s1, $0x8  }
0x4: {  	v18 =	vlaneseq.u32;
	s0 =	sor.u32 s22, s21  }
0x5: {  	v0 =	vmov s0;
	s2 =	sor.u32 $0x10, s0;
	v1 =	vor.u32 s0, v18  }
0x6: {  	s23 =	sor.u32 $0x20, s0;
	s6 =	sor.u32 $0x30, s0;
	v0 =	vshrl.u32 v0, $0x1;
	v2 =	vmov s2;
	v1 =	vand.u32 $0x10F, v1  }
0x7: {  	s25 =	sor.u32 $0x40, s0;
	s26 =	sor.u32 $0x50, s0;
	s28 =	sor.u32 $0x60, s0;
	v3 =	vor.u32 s2, v18;
	v4 =	vmov s23;
	v5 =	vor.u32 s6, v18  }
0x8: {  	s29 =	sor.u32 $0x70, s0;
	s11 =	sor.u32 $0x80, s0;
	s12 =	sor.u32 $0x90, s0;
	v6 =	vor.u32 s25, v18;
	v7 =	vor.u32 s26, v18;
	v8 =	vmov s28  }
0x9: {  	s17 =	sor.u32 $0xA0, s0;
	v9 =	vor.u32 s29, v18;
	v10 =	vor.u32 s11, v18;
	v11 =	vmov s12  }
0xa: {  	s13 =	sor.u32 $0xB0, s0;
	s14 =	sor.u32 $0xC0, s0;
	v12 =	vor.u32 s12, v18;
	v13 =	vmov s17;
	v14 =	vor.u32 s17, v18  }
0xb: {  	s15 =	sor.u32 $0xD0, s0;
	v15 =	vmov s13;
	v16 =	vor.u32 s13, v18;
	v17 =	vmov s14  }
0xc: {  	s16 =	sor.u32 $0xE0, s0;
	v19 =	vor.u32 s14, v18;
	v20 =	vmov s15;
	v21 =	vor.u32 s15, v18  }
0xd: {  	v22 =	vmov s16;
	v0 =	vand.u32 $0xE00, v0;
	v2 =	vshrl.u32 v2, $0x1  }
0xe: {  	v3 =	vand.u32 $0x11F, v3;
	v2 =	vand.u32 $0x3FFFFE00, v2;
	v0 =	vor.u32 v1, v0  }
0xf: {  	v1 =	vor.u32 v3, v2;
	v2 =	vshrl.u32 v4, $0x1;
	v3 =	vor.u32 s23, v18  }
0x10: {  	v4 =	vmov s6;
	v2 =	vand.u32 $0x3FFFFE00, v2;
	v3 =	vand.u32 $0x12F, v3  }
0x11: {  	v23 =	vor.u32 s16, v18;
	v4 =	vshrl.u32 v4, $0x1;
	v2 =	vor.u32 v3, v2  }
0x12: {  	v3 =	vand.u32 $0x3FFFFE00, v4;
	v4 =	vand.u32 $0x13F, v5;
	v5 =	vmov s26  }
0x13: {  	v3 =	vor.u32 v4, v3;
	v4 =	vmov s25;
	v5 =	vshrl.u32 v5, $0x1  }
0x14: {  	v7 =	vand.u32 $0x15F, v7;
	v4 =	vshrl.u32 v4, $0x1;
	v5 =	vand.u32 $0x3FFFFE00, v5  }
0x15: {  	v6 =	vand.u32 $0x14F, v6;
	v4 =	vand.u32 $0x3FFFFE00, v4;
	v5 =	vor.u32 v7, v5  }
0x16: {  	v7 =	vor.u32 s28, v18;
	v4 =	vor.u32 v6, v4;
	v6 =	vshrl.u32 v8, $0x1  }
0x17: {  	s7 =	sshrl.u32 s0, $0x3;
	s0 =	sor.u32 $0xF0, s0;
	v8 =	vmov s29;
	v7 =	vand.u32 $0x16F, v7;
	v6 =	vand.u32 $0x3FFFFE00, v6  }
0x18: {  	v24 =	vmov s0;
	v8 =	vshrl.u32 v8, $0x1;
	v6 =	vor.u32 v7, v6  }
0x19: {  	v7 =	vand.u32 $0x3FFFFE00, v8;
	v8 =	vand.u32 $0x17F, v9;
	v9 =	vmov s11  }
0x1a: {  	v25 =	vor.u32 s0, v18;
	v11 =	vshrl.u32 v11, $0x1;
	v9 =	vshrl.u32 v9, $0x1  }
0x1b: {  	v10 =	vand.u32 $0x18F, v10;
	v7 =	vor.u32 v8, v7;
	v8 =	vand.u32 $0x3FFFFE00, v9  }
0x1c: {  	s5 =	rddreg [dreg:$0x0];
	v9 =	vand.u32 $0x3FFFFE00, v11;
	v11 =	vand.u32 $0x19F, v12;
	v12 =	vshrl.u32 v13, $0x1  }
0x1d: {  	s10 =	rddreg [dreg:$0x1];
	v13 =	vshrl.u32 v17, $0x1;
	v17 =	vand.u32 $0x1EF, v23;
	v8 =	vor.u32 v10, v8  }
0x1e: {  	s3 =	rddreg [dreg:$0x2];
	s4 =	simm.s32 $0x0;
	s30 =	simm.s32 $0x100;
	v9 =	vor.u32 v11, v9;
	v10 =	vand.u32 $0x3FFFFE00, v12;
	v11 =	vand.u32 $0x1AF, v14  }
0x1f: {  	s31 =	simm.s32 $0x480;
	[smem:$0x7FF] =	sst s4;
	s1 =	ssub.s32 $0x2, s1;
	v12 =	vshrl.u32 v15, $0x1;
	v14 =	vand.u32 $0x1CF, v19;
	v10 =	vor.u32 v11, v10  }
0x20: {  	_ =	strace $0x80000047;
	[dreg:$0x7] =	wrdreg s30;
	s8 =	sshrl.u32 s1, $0x1;
	v11 =	vand.u32 $0x3FFFFE00, v12;
	v12 =	vand.u32 $0x3FFFFE00, v13;
	v13 =	vand.u32 $0x1BF, v16  }
0x21: {  	[dreg:$0x8] =	wrdreg s31;
	s1 =	ssub.s32 s1, s8;
	v15 =	vshrl.u32 v20, $0x1;
	v16 =	vshrl.u32 v24, $0x1;
	v11 =	vor.u32 v13, v11  }
0x22: {  	s8 =	sadd.s32 $0x700, s10;
	s24 =	sadd.s32 s7, s10;
	s5 =	sadd.s32 s5, s7;
	v12 =	vor.u32 v14, v12;
	v13 =	vand.u32 $0x3FFFFE00, v15;
	v15 =	vshrl.u32 v22, $0x1  }
0x23: {  	s7 =	sadd.s32 $0x200, s3;
	[dreg:$0x4] =	wrdreg s5;
	s9 =	sadd.s32 $0x200, s24;
	v14 =	vand.u32 $0x1DF, v21;
	v16 =	vand.u32 $0x3FFFFE00, v16;
	v15 =	vand.u32 $0x3FFFFE00, v15  }
0x24: {  	s12 =	simm.s32 $0x200;
	s2 =	sadd.s32 $0x240600, s24;
	[dreg:$0x5] =	wrdreg s9;
	v13 =	vor.u32 v14, v13;
	v14 =	vor.u32 v17, v15;
	v15 =	vand.u32 $0x1FF, v25  }
0x25: {  	vm0 =	vmmov $0xffff;
	s5 =	sadd.s32 $0x600, s10;
	[dreg:$0x6] =	wrdreg s2;
	s9 =	sadd.s32 $0x800, s10;
	v17 =	vshrl.u32 v18, $0x3;
	v15 =	vor.u32 v15, v16  }
0x26: {  	s2 =	smax.u32 s1, $0x1;
	s10 =	simm.s32 $0x1;
	s6 =	sadd.s32 $0x100, s3;
	v16 =	vand.u32 $0x7, v18;
	v17 =	vmul.u32 $0x8, v17;
	v18 =	vor.u32 $0x8, v18  }
.LBB2_1:
0x27: {  	[dreg:$0x9] =	wrdreg s2  }
0x28: {  	s20 =	rddreg [dreg:$0x4];
	s0 =	simm.s32 $0x2  }
0x29: {  	[tilespmem:s4], [sflag:$0x2] =	stream.linear.gather [hbm4b:s20+s4], $0x100, $0x38;
	[tilespmem:$0x18580] =	vst v63  }
0x2a: {  	_ =	swait.ge [sflag:s0], $0x100  }
0x2b: {  	s19 =	rddreg [dreg:$0x5];
	[sflag:s0] =	ssyncset.done $0x0  }
0x2c: {  	s21 =	rddreg [dreg:$0x7];
	[sflag:s0] =	ssyncadd.s32 $0xFFFFFF00  }
0x2d: {  	[tilespmem:s21], [sflag:$0x2] =	stream.linear.gather [hbm4b:s19+s4], $0x100, $0x38;
	[tilespmem:$0x18580] =	vst v63  }
0x2e: {  	_ =	swait.ge [sflag:s0], $0x100  }
0x2f: {  	[sflag:s0] =	ssyncset.done $0x0  }
0x30: {  	[sflag:s0] =	ssyncadd.s32 $0xFFFFFF00  }
0x31: {  	s21 =	rddreg [dreg:$0x1]  }
0x32: {  	[tilespmem:s12], [sflag:$0x2] =	stream.linear.gather [hbm4b:s21+s4], $0x80, $0x38;
	[tilespmem:$0x18580] =	vst v63  }
0x33: {  	_ =	swait.ge [sflag:s0], $0x80  }
0x34: {  	[sflag:s0] =	ssyncset.done $0x0  }
0x35: {  	[sflag:s0] =	ssyncadd.s32 $0xFFFFFF80  }
0x36: {  	v19 =	vld [tilespmem:$0x0];
	_ =	sdelay $0x5  }
0x37: {  	v20 =	vld [tilespmem:$0x100]  }
0x38: {  	v21 =	vld [tilespmem:$0x10]  }
0x39: {  	v19 =	vld.idx.msk [tilespmem:v19+s12+$0x0], $0xffff;
	_ =	sdelay $0x4  }
0x3a: {  	[tilespmem:$0x380] =	vst v0;
	v19 =	vadd.s32 v19, v20  }
0x3b: {  	v50 =	vld [tilespmem:$0x20];
	[tilespmem:$0x280] =	vst v19  }
0x3c: {  	v20 =	vld [tilespmem:$0x110];
	[tilespmem:$0x480] =	vst v19  }
0x3d: {  	v19 =	vld.idx.msk [tilespmem:v21+s12+$0x0], $0xffff;
	_ =	sdelay $0x4  }
0x3e: {  	[tilespmem:$0x390] =	vst v1;
	v19 =	vadd.s32 v19, v20  }
0x3f: {  	v51 =	vld [tilespmem:$0x30];
	[tilespmem:$0x290] =	vst v19  }
0x40: {  	v20 =	vld [tilespmem:$0x120];
	[tilespmem:$0x490] =	vst v19  }
0x41: {  	v19 =	vld.idx.msk [tilespmem:v50+s12+$0x0], $0xffff;
	_ =	sdelay $0x4  }
0x42: {  	[tilespmem:$0x3A0] =	vst v2;
	v19 =	vadd.s32 v19, v20  }
0x43: {  	v52 =	vld [tilespmem:$0x40];
	[tilespmem:$0x2A0] =	vst v19  }
0x44: {  	v20 =	vld [tilespmem:$0x130];
	[tilespmem:$0x4A0] =	vst v19  }
0x45: {  	v19 =	vld.idx.msk [tilespmem:v51+s12+$0x0], $0xffff;
	_ =	sdelay $0x4  }
0x46: {  	[tilespmem:$0x3B0] =	vst v3;
	v19 =	vadd.s32 v19, v20  }
0x47: {  	v53 =	vld [tilespmem:$0x50];
	[tilespmem:$0x2B0] =	vst v19  }
0x48: {  	v20 =	vld [tilespmem:$0x140];
	[tilespmem:$0x4B0] =	vst v19  }
0x49: {  	v19 =	vld.idx.msk [tilespmem:v52+s12+$0x0], $0xffff;
	_ =	sdelay $0x4  }
0x4a: {  	[tilespmem:$0x3C0] =	vst v4;
	v19 =	vadd.s32 v19, v20  }
0x4b: {  	v54 =	vld [tilespmem:$0x60];
	[tilespmem:$0x2C0] =	vst v19  }
0x4c: {  	v20 =	vld [tilespmem:$0x150];
	[tilespmem:$0x4C0] =	vst v19  }
0x4d: {  	v19 =	vld.idx.msk [tilespmem:v53+s12+$0x0], $0xffff;
	_ =	sdelay $0x4  }
0x4e: {  	[tilespmem:$0x3D0] =	vst v5;
	v19 =	vadd.s32 v19, v20  }
0x4f: {  	v55 =	vld [tilespmem:$0x70];
	[tilespmem:$0x2D0] =	vst v19  }
0x50: {  	v20 =	vld [tilespmem:$0x160];
	[tilespmem:$0x4D0] =	vst v19  }
0x51: {  	v19 =	vld.idx.msk [tilespmem:v54+s12+$0x0], $0xffff;
	_ =	sdelay $0x4  }
0x52: {  	[tilespmem:$0x3E0] =	vst v6;
	v19 =	vadd.s32 v19, v20  }
0x53: {  	v56 =	vld [tilespmem:$0x80];
	[tilespmem:$0x2E0] =	vst v19  }
0x54: {  	v20 =	vld [tilespmem:$0x170];
	[tilespmem:$0x4E0] =	vst v19  }
0x55: {  	v19 =	vld.idx.msk [tilespmem:v55+s12+$0x0], $0xffff;
	_ =	sdelay $0x4  }
0x56: {  	[tilespmem:$0x3F0] =	vst v7;
	v19 =	vadd.s32 v19, v20  }
0x57: {  	v57 =	vld [tilespmem:$0x90];
	[tilespmem:$0x2F0] =	vst v19  }
0x58: {  	v20 =	vld [tilespmem:$0x180];
	[tilespmem:$0x4F0] =	vst v19  }
0x59: {  	v19 =	vld.idx.msk [tilespmem:v56+s12+$0x0], $0xffff;
	_ =	sdelay $0x4  }
0x5a: {  	[tilespmem:$0x400] =	vst v8;
	v19 =	vadd.s32 v19, v20  }
0x5b: {  	v58 =	vld [tilespmem:$0xA0];
	[tilespmem:$0x300] =	vst v19  }
0x5c: {  	v20 =	vld [tilespmem:$0x190];
	[tilespmem:$0x500] =	vst v19  }
0x5d: {  	v19 =	vld.idx.msk [tilespmem:v57+s12+$0x0], $0xffff;
	_ =	sdelay $0x4  }
0x5e: {  	[tilespmem:$0x410] =	vst v9;
	v19 =	vadd.s32 v19, v20  }
0x5f: {  	v59 =	vld [tilespmem:$0xB0];
	[tilespmem:$0x310] =	vst v19  }
0x60: {  	v20 =	vld [tilespmem:$0x1A0];
	[tilespmem:$0x510] =	vst v19  }
0x61: {  	v19 =	vld.idx.msk [tilespmem:v58+s12+$0x0], $0xffff;
	_ =	sdelay $0x4  }
0x62: {  	[tilespmem:$0x420] =	vst v10;
	v19 =	vadd.s32 v19, v20  }
0x63: {  	v60 =	vld [tilespmem:$0xC0];
	[tilespmem:$0x320] =	vst v19  }
0x64: {  	v20 =	vld [tilespmem:$0x1B0];
	[tilespmem:$0x520] =	vst v19  }
0x65: {  	v19 =	vld.idx.msk [tilespmem:v59+s12+$0x0], $0xffff;
	_ =	sdelay $0x4  }
0x66: {  	[tilespmem:$0x430] =	vst v11;
	v19 =	vadd.s32 v19, v20  }
0x67: {  	v61 =	vld [tilespmem:$0xD0];
	[tilespmem:$0x330] =	vst v19  }
0x68: {  	v20 =	vld [tilespmem:$0x1C0];
	[tilespmem:$0x530] =	vst v19  }
0x69: {  	v19 =	vld.idx.msk [tilespmem:v60+s12+$0x0], $0xffff;
	_ =	sdelay $0x4  }
0x6a: {  	[tilespmem:$0x440] =	vst v12;
	v19 =	vadd.s32 v19, v20  }
0x6b: {  	v62 =	vld [tilespmem:$0xE0];
	[tilespmem:$0x340] =	vst v19  }
0x6c: {  	v20 =	vld [tilespmem:$0x1D0];
	[tilespmem:$0x540] =	vst v19  }
0x6d: {  	v19 =	vld.idx.msk [tilespmem:v61+s12+$0x0], $0xffff;
	_ =	sdelay $0x4  }
0x6e: {  	[tilespmem:$0x450] =	vst v13;
	v19 =	vadd.s32 v19, v20  }
0x6f: {  	v63 =	vld [tilespmem:$0xF0];
	[tilespmem:$0x350] =	vst v19  }
0x70: {  	v20 =	vld [tilespmem:$0x1E0];
	[tilespmem:$0x550] =	vst v19  }
0x71: {  	v19 =	vld.idx.msk [tilespmem:v62+s12+$0x0], $0xffff;
	_ =	sdelay $0x4  }
0x72: {  	[tilespmem:$0x460] =	vst v14;
	v19 =	vadd.s32 v19, v20  }
0x73: {  	[tilespmem:$0x360] =	vst v19  }
0x74: {  	v20 =	vld [tilespmem:$0x1F0];
	[tilespmem:$0x560] =	vst v19  }
0x75: {  	v19 =	vld.idx.msk [tilespmem:v63+s12+$0x0], $0xffff;
	_ =	sdelay $0x4  }
0x76: {  	[tilespmem:$0x470] =	vst v15;
	v19 =	vadd.s32 v19, v20  }
0x77: {  	s22 =	rddreg [dreg:$0x6];
	[tilespmem:$0x370] =	vst v19  }
0x78: {  	s23 =	rddreg [dreg:$0x8];
	[tilespmem:$0x570] =	vst v19  }
0x79: {  	[hbm4b:s22+s4] =	stream.linear.scatter [tilespmem:s23], [sflag:$0x2], $0x100, $0x38;
	[tilespmem:$0x18580] =	vst v63  }
0x7a: {  	_ =	swait.ge [sflag:s0], $0x100  }
0x7b: {  	[sflag:s0] =	ssyncset.done $0x0  }
0x7c: {  	[sflag:s0] =	ssyncadd.s32 $0xFFFFFF00  }
0x7d: {  	v19 =	vld [tilespmem:$0x380];
	_ =	sdelay $0x4  }
0x7e: {  	v20 =	vshrl.u32 v19, $0x3  }
0x7f: {  	v20 =	vmul.u32 $0x30, v20  }
0x80: {  	v19 =	vand.u32 $0x7, v19  }
0x81: {  	v19 =	vor.u32 v19, v20  }
0x82: {  	v20 =	vperm.xlane v19, v16;
	_ =	sdelay $0x1  }
0x83: {  	v20 =	vadd.s32 v17, v20;
	_ =	sdelay $0x3  }
0x84: {  	s24 =	simm.s32 $0x580;
	v19 =	vperm.xlane v19, v18  }
0x85: {  	[tilespmem:s24], [sflag:$0x1] =	stream.indirect_vreg.gather [hbm4b:s3+s4], $0x80, v20, vm0, $0xb8;
	[tilespmem:$0x18580] =	vst v63  }
0x86: {  	s25 =	simm.s32 $0xD80;
	v19 =	vadd.s32 v17, v19  }
0x87: {  	[tilespmem:s25], [sflag:$0x1] =	stream.indirect_vreg.gather [hbm4b:s6+s4], $0x80, v20, vm0, $0xb8;
	[tilespmem:$0x18580] =	vst v63  }
0x88: {  	s26 =	simm.s32 $0x1580  }
0x89: {  	[tilespmem:s26], [sflag:$0x1] =	stream.indirect_vreg.gather [hbm4b:s7+s4], $0x80, v20, vm0, $0xb8;
	[tilespmem:$0x18580] =	vst v63  }
0x8a: {  	s28 =	simm.s32 $0x1D80  }
0x8b: {  	[tilespmem:s28], [sflag:$0x1] =	stream.indirect_vreg.gather [hbm4b:s3+s4], $0x80, v19, vm0, $0xb8;
	[tilespmem:$0x18580] =	vst v63  }
0x8c: {  	s29 =	simm.s32 $0x2580  }
0x8d: {  	[tilespmem:s29], [sflag:$0x1] =	stream.indirect_vreg.gather [hbm4b:s6+s4], $0x80, v19, vm0, $0xb8;
	[tilespmem:$0x18580] =	vst v63  }
0x8e: {  	s30 =	simm.s32 $0x2D80  }
0x8f: {  	[tilespmem:s30], [sflag:$0x1] =	stream.indirect_vreg.gather [hbm4b:s7+s4], $0x80, v19, vm0, $0xb8;
	[tilespmem:$0x18580] =	vst v63  }
0x90: {  	v19 =	vld [tilespmem:$0x390];
	_ =	sdelay $0x4  }
0x91: {  	v20 =	vshrl.u32 v19, $0x3  }
0x92: {  	v20 =	vmul.u32 $0x30, v20  }
0x93: {  	v19 =	vand.u32 $0x7, v19  }
0x94: {  	v19 =	vor.u32 v19, v20  }
0x95: {  	v20 =	vperm.xlane v19, v16;
	_ =	sdelay $0x1  }
0x96: {  	v20 =	vadd.s32 v17, v20;
	_ =	sdelay $0x3  }
0x97: {  	s2 =	simm.s32 $0x3580;
	v19 =	vperm.xlane v19, v18  }
0x98: {  	[tilespmem:s2], [sflag:$0x1] =	stream.indirect_vreg.gather [hbm4b:s3+s4], $0x80, v20, vm0, $0xb8;
	[tilespmem:$0x18580] =	vst v63  }
0x99: {  	s11 =	simm.s32 $0x3D80;
	v19 =	vadd.s32 v17, v19  }
0x9a: {  	[tilespmem:s11], [sflag:$0x1] =	stream.indirect_vreg.gather [hbm4b:s6+s4], $0x80, v20, vm0, $0xb8;
	[tilespmem:$0x18580] =	vst v63  }
0x9b: {  	s13 =	simm.s32 $0x4580  }
0x9c: {  	[tilespmem:s13], [sflag:$0x1] =	stream.indirect_vreg.gather [hbm4b:s7+s4], $0x80, v20, vm0, $0xb8;
	[tilespmem:$0x18580] =	vst v63  }
0x9d: {  	s14 =	simm.s32 $0x4D80  }
0x9e: {  	[tilespmem:s14], [sflag:$0x1] =	stream.indirect_vreg.gather [hbm4b:s3+s4], $0x80, v19, vm0, $0xb8;
	[tilespmem:$0x18580] =	vst v63  }
0x9f: {  	s15 =	simm.s32 $0x5580  }
0xa0: {  	[tilespmem:s15], [sflag:$0x1] =	stream.indirect_vreg.gather [hbm4b:s6+s4], $0x80, v19, vm0, $0xb8;
	[tilespmem:$0x18580] =	vst v63  }
0xa1: {  	s16 =	simm.s32 $0x5D80  }
0xa2: {  	[tilespmem:s16], [sflag:$0x1] =	stream.indirect_vreg.gather [hbm4b:s7+s4], $0x80, v19, vm0, $0xb8;
	[tilespmem:$0x18580] =	vst v63  }
0xa3: {  	v19 =	vld [tilespmem:$0x3A0];
	_ =	sdelay $0x4  }
0xa4: {  	v20 =	vshrl.u32 v19, $0x3  }
0xa5: {  	v20 =	vmul.u32 $0x30, v20  }
0xa6: {  	v19 =	vand.u32 $0x7, v19  }
0xa7: {  	v19 =	vor.u32 v19, v20  }
0xa8: {  	v20 =	vperm.xlane v19, v16;
	_ =	sdelay $0x1  }
0xa9: {  	v20 =	vadd.s32 v17, v20;
	_ =	sdelay $0x3  }
0xaa: {  	s17 =	simm.s32 $0x6580;
	v19 =	vperm.xlane v19, v18  }
0xab: {  	[tilespmem:s17], [sflag:$0x1] =	stream.indirect_vreg.gather [hbm4b:s3+s4], $0x80, v20, vm0, $0xb8;
	[tilespmem:$0x18580] =	vst v63  }
0xac: {  	s18 =	simm.s32 $0x6D80;
	v19 =	vadd.s32 v17, v19  }
0xad: {  	[tilespmem:s18], [sflag:$0x1] =	stream.indirect_vreg.gather [hbm4b:s6+s4], $0x80, v20, vm0, $0xb8;
	[tilespmem:$0x18580] =	vst v63  }
0xae: {  	s19 =	simm.s32 $0x7580  }
0xaf: {  	[tilespmem:s19], [sflag:$0x1] =	stream.indirect_vreg.gather [hbm4b:s7+s4], $0x80, v20, vm0, $0xb8;
	[tilespmem:$0x18580] =	vst v63  }
0xb0: {  	s20 =	simm.s32 $0x7D80  }
0xb1: {  	[tilespmem:s20], [sflag:$0x1] =	stream.indirect_vreg.gather [hbm4b:s3+s4], $0x80, v19, vm0, $0xb8;
	[tilespmem:$0x18580] =	vst v63  }
0xb2: {  	s21 =	simm.s32 $0x8580  }
0xb3: {  	[tilespmem:s21], [sflag:$0x1] =	stream.indirect_vreg.gather [hbm4b:s6+s4], $0x80, v19, vm0, $0xb8;
	[tilespmem:$0x18580] =	vst v63  }
0xb4: {  	s2 =	simm.s32 $0x8D80  }
0xb5: {  	[tilespmem:s2], [sflag:$0x1] =	stream.indirect_vreg.gather [hbm4b:s7+s4], $0x80, v19, vm0, $0xb8;
	[tilespmem:$0x18580] =	vst v63  }
0xb6: {  	v19 =	vld [tilespmem:$0x3B0];
	_ =	sdelay $0x4  }
0xb7: {  	v20 =	vshrl.u32 v19, $0x3  }
0xb8: {  	v20 =	vmul.u32 $0x30, v20  }
0xb9: {  	v19 =	vand.u32 $0x7, v19  }
0xba: {  	v19 =	vor.u32 v19, v20  }
0xbb: {  	v20 =	vperm.xlane v19, v16;
	_ =	sdelay $0x1  }
0xbc: {  	v20 =	vadd.s32 v17, v20;
	_ =	sdelay $0x3  }
0xbd: {  	s11 =	simm.s32 $0x9580;
	v19 =	vperm.xlane v19, v18  }
0xbe: {  	[tilespmem:s11], [sflag:$0x1] =	stream.indirect_vreg.gather [hbm4b:s3+s4], $0x80, v20, vm0, $0xb8;
	[tilespmem:$0x18580] =	vst v63  }
0xbf: {  	s13 =	simm.s32 $0x9D80;
	v19 =	vadd.s32 v17, v19  }
0xc0: {  	[tilespmem:s13], [sflag:$0x1] =	stream.indirect_vreg.gather [hbm4b:s6+s4], $0x80, v20, vm0, $0xb8;
	[tilespmem:$0x18580] =	vst v63  }
0xc1: {  	s14 =	simm.s32 $0xA580  }
0xc2: {  	[tilespmem:s14], [sflag:$0x1] =	stream.indirect_vreg.gather [hbm4b:s7+s4], $0x80, v20, vm0, $0xb8;
	[tilespmem:$0x18580] =	vst v63  }
0xc3: {  	s15 =	simm.s32 $0xAD80  }
0xc4: {  	[tilespmem:s15], [sflag:$0x1] =	stream.indirect_vreg.gather [hbm4b:s3+s4], $0x80, v19, vm0, $0xb8;
	[tilespmem:$0x18580] =	vst v63  }
0xc5: {  	s16 =	simm.s32 $0xB580  }
0xc6: {  	[tilespmem:s16], [sflag:$0x1] =	stream.indirect_vreg.gather [hbm4b:s6+s4], $0x80, v19, vm0, $0xb8;
	[tilespmem:$0x18580] =	vst v63  }
0xc7: {  	s17 =	simm.s32 $0xBD80  }
0xc8: {  	[tilespmem:s17], [sflag:$0x1] =	stream.indirect_vreg.gather [hbm4b:s7+s4], $0x80, v19, vm0, $0xb8;
	[tilespmem:$0x18580] =	vst v63  }
0xc9: {  	v19 =	vld [tilespmem:$0x3C0];
	_ =	sdelay $0x4  }
0xca: {  	v20 =	vshrl.u32 v19, $0x3  }
0xcb: {  	v20 =	vmul.u32 $0x30, v20  }
0xcc: {  	v19 =	vand.u32 $0x7, v19  }
0xcd: {  	v19 =	vor.u32 v19, v20  }
0xce: {  	v20 =	vperm.xlane v19, v16;
	_ =	sdelay $0x1  }
0xcf: {  	v20 =	vadd.s32 v17, v20;
	_ =	sdelay $0x3  }
0xd0: {  	s18 =	simm.s32 $0xC580;
	v19 =	vperm.xlane v19, v18  }
0xd1: {  	[tilespmem:s18], [sflag:$0x1] =	stream.indirect_vreg.gather [hbm4b:s3+s4], $0x80, v20, vm0, $0xb8;
	[tilespmem:$0x18580] =	vst v63  }
0xd2: {  	s19 =	simm.s32 $0xCD80;
	v19 =	vadd.s32 v17, v19  }
0xd3: {  	[tilespmem:s19], [sflag:$0x1] =	stream.indirect_vreg.gather [hbm4b:s6+s4], $0x80, v20, vm0, $0xb8;
	[tilespmem:$0x18580] =	vst v63  }
0xd4: {  	s20 =	simm.s32 $0xD580  }
0xd5: {  	[tilespmem:s20], [sflag:$0x1] =	stream.indirect_vreg.gather [hbm4b:s7+s4], $0x80, v20, vm0, $0xb8;
	[tilespmem:$0x18580] =	vst v63  }
0xd6: {  	s11 =	simm.s32 $0xDD80  }
0xd7: {  	[tilespmem:s11], [sflag:$0x1] =	stream.indirect_vreg.gather [hbm4b:s3+s4], $0x80, v19, vm0, $0xb8;
	[tilespmem:$0x18580] =	vst v63  }
0xd8: {  	s13 =	simm.s32 $0xE580  }
0xd9: {  	[tilespmem:s13], [sflag:$0x1] =	stream.indirect_vreg.gather [hbm4b:s6+s4], $0x80, v19, vm0, $0xb8;
	[tilespmem:$0x18580] =	vst v63  }
0xda: {  	s14 =	simm.s32 $0xED80  }
0xdb: {  	[tilespmem:s14], [sflag:$0x1] =	stream.indirect_vreg.gather [hbm4b:s7+s4], $0x80, v19, vm0, $0xb8;
	[tilespmem:$0x18580] =	vst v63  }
0xdc: {  	v19 =	vld [tilespmem:$0x3D0];
	_ =	sdelay $0x4  }
0xdd: {  	v20 =	vshrl.u32 v19, $0x3  }
0xde: {  	v20 =	vmul.u32 $0x30, v20  }
0xdf: {  	v19 =	vand.u32 $0x7, v19  }
0xe0: {  	v19 =	vor.u32 v19, v20  }
0xe1: {  	v20 =	vperm.xlane v19, v16;
	_ =	sdelay $0x1  }
0xe2: {  	v20 =	vadd.s32 v17, v20;
	_ =	sdelay $0x3  }
0xe3: {  	s15 =	simm.s32 $0xF580;
	v19 =	vperm.xlane v19, v18  }
0xe4: {  	[tilespmem:s15], [sflag:$0x1] =	stream.indirect_vreg.gather [hbm4b:s3+s4], $0x80, v20, vm0, $0xb8;
	[tilespmem:$0x18580] =	vst v63  }
0xe5: {  	s16 =	simm.s32 $0xFD80;
	v19 =	vadd.s32 v17, v19  }
0xe6: {  	[tilespmem:s16], [sflag:$0x1] =	stream.indirect_vreg.gather [hbm4b:s6+s4], $0x80, v20, vm0, $0xb8;
	[tilespmem:$0x18580] =	vst v63  }
0xe7: {  	s17 =	simm.s32 $0x10580  }
0xe8: {  	[tilespmem:s17], [sflag:$0x1] =	stream.indirect_vreg.gather [hbm4b:s7+s4], $0x80, v20, vm0, $0xb8;
	[tilespmem:$0x18580] =	vst v63  }
0xe9: {  	s18 =	simm.s32 $0x10D80  }
0xea: {  	[tilespmem:s18], [sflag:$0x1] =	stream.indirect_vreg.gather [hbm4b:s3+s4], $0x80, v19, vm0, $0xb8;
	[tilespmem:$0x18580] =	vst v63  }
0xeb: {  	s19 =	simm.s32 $0x11580  }
0xec: {  	[tilespmem:s19], [sflag:$0x1] =	stream.indirect_vreg.gather [hbm4b:s6+s4], $0x80, v19, vm0, $0xb8;
	[tilespmem:$0x18580] =	vst v63  }
0xed: {  	s20 =	simm.s32 $0x11D80  }
0xee: {  	[tilespmem:s20], [sflag:$0x1] =	stream.indirect_vreg.gather [hbm4b:s7+s4], $0x80, v19, vm0, $0xb8;
	[tilespmem:$0x18580] =	vst v63  }
0xef: {  	v19 =	vld [tilespmem:$0x3E0];
	_ =	sdelay $0x4  }
0xf0: {  	v20 =	vshrl.u32 v19, $0x3  }
0xf1: {  	v20 =	vmul.u32 $0x30, v20  }
0xf2: {  	v19 =	vand.u32 $0x7, v19  }
0xf3: {  	v19 =	vor.u32 v19, v20  }
0xf4: {  	v20 =	vperm.xlane v19, v16;
	_ =	sdelay $0x1  }
0xf5: {  	v20 =	vadd.s32 v17, v20;
	_ =	sdelay $0x3  }
0xf6: {  	s15 =	simm.s32 $0x12580;
	v19 =	vperm.xlane v19, v18  }
0xf7: {  	[tilespmem:s15], [sflag:$0x1] =	stream.indirect_vreg.gather [hbm4b:s3+s4], $0x80, v20, vm0, $0xb8;
	[tilespmem:$0x18580] =	vst v63  }
0xf8: {  	s16 =	simm.s32 $0x12D80;
	v19 =	vadd.s32 v17, v19  }
0xf9: {  	[tilespmem:s16], [sflag:$0x1] =	stream.indirect_vreg.gather [hbm4b:s6+s4], $0x80, v20, vm0, $0xb8;
	[tilespmem:$0x18580] =	vst v63  }
0xfa: {  	s17 =	simm.s32 $0x13580  }
0xfb: {  	[tilespmem:s17], [sflag:$0x1] =	stream.indirect_vreg.gather [hbm4b:s7+s4], $0x80, v20, vm0, $0xb8;
	[tilespmem:$0x18580] =	vst v63  }
0xfc: {  	s18 =	simm.s32 $0x13D80  }
0xfd: {  	[tilespmem:s18], [sflag:$0x1] =	stream.indirect_vreg.gather [hbm4b:s3+s4], $0x80, v19, vm0, $0xb8;
	[tilespmem:$0x18580] =	vst v63  }
0xfe: {  	s20 =	simm.s32 $0x14580  }
0xff: {  	[tilespmem:s20], [sflag:$0x1] =	stream.indirect_vreg.gather [hbm4b:s6+s4], $0x80, v19, vm0, $0xb8;
	[tilespmem:$0x18580] =	vst v63  }
0x100: {  	s17 =	simm.s32 $0x14D80  }
0x101: {  	[tilespmem:s17], [sflag:$0x1] =	stream.indirect_vreg.gather [hbm4b:s7+s4], $0x80, v19, vm0, $0xb8;
	[tilespmem:$0x18580] =	vst v63  }
0x102: {  	v19 =	vld [tilespmem:$0x3F0];
	_ =	sdelay $0x4  }
0x103: {  	v20 =	vshrl.u32 v19, $0x3  }
0x104: {  	v20 =	vmul.u32 $0x30, v20  }
0x105: {  	v19 =	vand.u32 $0x7, v19  }
0x106: {  	v19 =	vor.u32 v19, v20  }
0x107: {  	v20 =	vperm.xlane v19, v16;
	_ =	sdelay $0x1  }
0x108: {  	v20 =	vadd.s32 v17, v20;
	_ =	sdelay $0x3  }
0x109: {  	s18 =	simm.s32 $0x15580;
	v19 =	vperm.xlane v19, v18  }
0x10a: {  	[tilespmem:s18], [sflag:$0x1] =	stream.indirect_vreg.gather [hbm4b:s3+s4], $0x80, v20, vm0, $0xb8;
	[tilespmem:$0x18580] =	vst v63  }
0x10b: {  	s17 =	simm.s32 $0x15D80;
	v19 =	vadd.s32 v17, v19  }
0x10c: {  	[tilespmem:s17], [sflag:$0x1] =	stream.indirect_vreg.gather [hbm4b:s6+s4], $0x80, v20, vm0, $0xb8;
	[tilespmem:$0x18580] =	vst v63  }
0x10d: {  	s18 =	simm.s32 $0x16580  }
0x10e: {  	[tilespmem:s18], [sflag:$0x1] =	stream.indirect_vreg.gather [hbm4b:s7+s4], $0x80, v20, vm0, $0xb8;
	[tilespmem:$0x18580] =	vst v63  }
0x10f: {  	s18 =	simm.s32 $0x16D80  }
0x110: {  	[tilespmem:s18], [sflag:$0x1] =	stream.indirect_vreg.gather [hbm4b:s3+s4], $0x80, v19, vm0, $0xb8;
	[tilespmem:$0x18580] =	vst v63  }
0x111: {  	s0 =	simm.s32 $0x17580  }
0x112: {  	[tilespmem:s0], [sflag:$0x1] =	stream.indirect_vreg.gather [hbm4b:s6+s4], $0x80, v19, vm0, $0xb8;
	[tilespmem:$0x18580] =	vst v63  }
0x113: {  	s0 =	simm.s32 $0x17D80  }
0x114: {  	[tilespmem:s0], [sflag:$0x1] =	stream.indirect_vreg.gather [hbm4b:s7+s4], $0x80, v19, vm0, $0xb8;
	[tilespmem:$0x18580] =	vst v63  }
0x115: {  	_ =	swait.ge [sflag:s10], $0x18000  }
0x116: {  	[sflag:s10] =	ssyncset.done $0x0  }
0x117: {  	[sflag:s10] =	ssyncadd.s32 $0xFFFE8000  }
0x118: {  	v19 =	vld [tilespmem:$0x280];
	_ =	sdelay $0x4  }
0x119: {  	v20 =	vshrl.u32 v19, $0x3  }
0x11a: {  	v20 =	vmul.u32 $0x30, v20  }
0x11b: {  	v19 =	vand.u32 $0x7, v19  }
0x11c: {  	v19 =	vor.u32 v19, v20  }
0x11d: {  	v20 =	vperm.xlane v19, v16;
	_ =	sdelay $0x1  }
0x11e: {  	v20 =	vadd.s32 v17, v20;
	_ =	sdelay $0x3  }
0x11f: {  	s1 =	simm.s32 $0x580;
	v19 =	vperm.xlane v19, v18  }
0x120: {  	[hbm4b:s5+s4] =	stream.indirect_vreg.scatter [tilespmem:s1], [sflag:$0x1], $0x80, v20, vm0, $0xb8;
	[tilespmem:$0x18580] =	vst v63  }
0x121: {  	s31 =	simm.s32 $0xD80;
	v19 =	vadd.s32 v17, v19  }
0x122: {  	[hbm4b:s8+s4] =	stream.indirect_vreg.scatter [tilespmem:s31], [sflag:$0x1], $0x80, v20, vm0, $0xb8;
	[tilespmem:$0x18580] =	vst v63  }
0x123: {  	s22 =	simm.s32 $0x1580  }
0x124: {  	[hbm4b:s9+s4] =	stream.indirect_vreg.scatter [tilespmem:s22], [sflag:$0x1], $0x80, v20, vm0, $0xb8;
	[tilespmem:$0x18580] =	vst v63  }
0x125: {  	s23 =	simm.s32 $0x1D80  }
0x126: {  	[hbm4b:s5+s4] =	stream.indirect_vreg.scatter [tilespmem:s23], [sflag:$0x1], $0x80, v19, vm0, $0xb8;
	[tilespmem:$0x18580] =	vst v63  }
0x127: {  	s24 =	simm.s32 $0x2580  }
0x128: {  	[hbm4b:s8+s4] =	stream.indirect_vreg.scatter [tilespmem:s24], [sflag:$0x1], $0x80, v19, vm0, $0xb8;
	[tilespmem:$0x18580] =	vst v63  }
0x129: {  	s1 =	simm.s32 $0x2D80  }
0x12a: {  	[hbm4b:s9+s4] =	stream.indirect_vreg.scatter [tilespmem:s1], [sflag:$0x1], $0x80, v19, vm0, $0xb8;
	[tilespmem:$0x18580] =	vst v63  }
0x12b: {  	v19 =	vld [tilespmem:$0x290];
	_ =	sdelay $0x4  }
0x12c: {  	v20 =	vshrl.u32 v19, $0x3  }
0x12d: {  	v20 =	vmul.u32 $0x30, v20  }
0x12e: {  	v19 =	vand.u32 $0x7, v19  }
0x12f: {  	v19 =	vor.u32 v19, v20  }
0x130: {  	v20 =	vperm.xlane v19, v16;
	_ =	sdelay $0x1  }
0x131: {  	v20 =	vadd.s32 v17, v20;
	_ =	sdelay $0x3  }
0x132: {  	s24 =	simm.s32 $0x3580;
	v19 =	vperm.xlane v19, v18  }
0x133: {  	[hbm4b:s5+s4] =	stream.indirect_vreg.scatter [tilespmem:s24], [sflag:$0x1], $0x80, v20, vm0, $0xb8;
	[tilespmem:$0x18580] =	vst v63  }
0x134: {  	s25 =	simm.s32 $0x3D80;
	v19 =	vadd.s32 v17, v19  }
0x135: {  	[hbm4b:s8+s4] =	stream.indirect_vreg.scatter [tilespmem:s25], [sflag:$0x1], $0x80, v20, vm0, $0xb8;
	[tilespmem:$0x18580] =	vst v63  }
0x136: {  	s28 =	simm.s32 $0x4580  }
0x137: {  	[hbm4b:s9+s4] =	stream.indirect_vreg.scatter [tilespmem:s28], [sflag:$0x1], $0x80, v20, vm0, $0xb8;
	[tilespmem:$0x18580] =	vst v63  }
0x138: {  	s29 =	simm.s32 $0x4D80  }
0x139: {  	[hbm4b:s5+s4] =	stream.indirect_vreg.scatter [tilespmem:s29], [sflag:$0x1], $0x80, v19, vm0, $0xb8;
	[tilespmem:$0x18580] =	vst v63  }
0x13a: {  	s30 =	simm.s32 $0x5580  }
0x13b: {  	[hbm4b:s8+s4] =	stream.indirect_vreg.scatter [tilespmem:s30], [sflag:$0x1], $0x80, v19, vm0, $0xb8;
	[tilespmem:$0x18580] =	vst v63  }
0x13c: {  	s0 =	simm.s32 $0x5D80  }
0x13d: {  	[hbm4b:s9+s4] =	stream.indirect_vreg.scatter [tilespmem:s0], [sflag:$0x1], $0x80, v19, vm0, $0xb8;
	[tilespmem:$0x18580] =	vst v63  }
0x13e: {  	v19 =	vld [tilespmem:$0x2A0];
	_ =	sdelay $0x4  }
0x13f: {  	v20 =	vshrl.u32 v19, $0x3  }
0x140: {  	v20 =	vmul.u32 $0x30, v20  }
0x141: {  	v19 =	vand.u32 $0x7, v19  }
0x142: {  	v19 =	vor.u32 v19, v20  }
0x143: {  	v20 =	vperm.xlane v19, v16;
	_ =	sdelay $0x1  }
0x144: {  	v20 =	vadd.s32 v17, v20;
	_ =	sdelay $0x3  }
0x145: {  	s26 =	simm.s32 $0x6580;
	v19 =	vperm.xlane v19, v18  }
0x146: {  	[hbm4b:s5+s4] =	stream.indirect_vreg.scatter [tilespmem:s26], [sflag:$0x1], $0x80, v20, vm0, $0xb8;
	[tilespmem:$0x18580] =	vst v63  }
0x147: {  	s22 =	simm.s32 $0x6D80;
	v19 =	vadd.s32 v17, v19  }
0x148: {  	[hbm4b:s8+s4] =	stream.indirect_vreg.scatter [tilespmem:s22], [sflag:$0x1], $0x80, v20, vm0, $0xb8;
	[tilespmem:$0x18580] =	vst v63  }
0x149: {  	s23 =	simm.s32 $0x7580  }
0x14a: {  	[hbm4b:s9+s4] =	stream.indirect_vreg.scatter [tilespmem:s23], [sflag:$0x1], $0x80, v20, vm0, $0xb8;
	[tilespmem:$0x18580] =	vst v63  }
0x14b: {  	s24 =	simm.s32 $0x7D80  }
0x14c: {  	[hbm4b:s5+s4] =	stream.indirect_vreg.scatter [tilespmem:s24], [sflag:$0x1], $0x80, v19, vm0, $0xb8;
	[tilespmem:$0x18580] =	vst v63  }
0x14d: {  	s25 =	simm.s32 $0x8580  }
0x14e: {  	[hbm4b:s8+s4] =	stream.indirect_vreg.scatter [tilespmem:s25], [sflag:$0x1], $0x80, v19, vm0, $0xb8;
	[tilespmem:$0x18580] =	vst v63  }
0x14f: {  	s21 =	simm.s32 $0x8D80  }
0x150: {  	[hbm4b:s9+s4] =	stream.indirect_vreg.scatter [tilespmem:s21], [sflag:$0x1], $0x80, v19, vm0, $0xb8;
	[tilespmem:$0x18580] =	vst v63  }
0x151: {  	v19 =	vld [tilespmem:$0x2B0];
	_ =	sdelay $0x4  }
0x152: {  	v20 =	vshrl.u32 v19, $0x3  }
0x153: {  	v20 =	vmul.u32 $0x30, v20  }
0x154: {  	v19 =	vand.u32 $0x7, v19  }
0x155: {  	v19 =	vor.u32 v19, v20  }
0x156: {  	v20 =	vperm.xlane v19, v16;
	_ =	sdelay $0x1  }
0x157: {  	v20 =	vadd.s32 v17, v20;
	_ =	sdelay $0x3  }
0x158: {  	s28 =	simm.s32 $0x9580;
	v19 =	vperm.xlane v19, v18  }
0x159: {  	[hbm4b:s5+s4] =	stream.indirect_vreg.scatter [tilespmem:s28], [sflag:$0x1], $0x80, v20, vm0, $0xb8;
	[tilespmem:$0x18580] =	vst v63  }
0x15a: {  	s26 =	simm.s32 $0x9D80;
	v19 =	vadd.s32 v17, v19  }
0x15b: {  	[hbm4b:s8+s4] =	stream.indirect_vreg.scatter [tilespmem:s26], [sflag:$0x1], $0x80, v20, vm0, $0xb8;
	[tilespmem:$0x18580] =	vst v63  }
0x15c: {  	s21 =	simm.s32 $0xA580  }
0x15d: {  	[hbm4b:s9+s4] =	stream.indirect_vreg.scatter [tilespmem:s21], [sflag:$0x1], $0x80, v20, vm0, $0xb8;
	[tilespmem:$0x18580] =	vst v63  }
0x15e: {  	s29 =	simm.s32 $0xAD80  }
0x15f: {  	[hbm4b:s5+s4] =	stream.indirect_vreg.scatter [tilespmem:s29], [sflag:$0x1], $0x80, v19, vm0, $0xb8;
	[tilespmem:$0x18580] =	vst v63  }
0x160: {  	s30 =	simm.s32 $0xB580  }
0x161: {  	[hbm4b:s8+s4] =	stream.indirect_vreg.scatter [tilespmem:s30], [sflag:$0x1], $0x80, v19, vm0, $0xb8;
	[tilespmem:$0x18580] =	vst v63  }
0x162: {  	s29 =	simm.s32 $0xBD80  }
0x163: {  	[hbm4b:s9+s4] =	stream.indirect_vreg.scatter [tilespmem:s29], [sflag:$0x1], $0x80, v19, vm0, $0xb8;
	[tilespmem:$0x18580] =	vst v63  }
0x164: {  	v19 =	vld [tilespmem:$0x2C0];
	_ =	sdelay $0x4  }
0x165: {  	v20 =	vshrl.u32 v19, $0x3  }
0x166: {  	v20 =	vmul.u32 $0x30, v20  }
0x167: {  	v19 =	vand.u32 $0x7, v19  }
0x168: {  	v19 =	vor.u32 v19, v20  }
0x169: {  	v20 =	vperm.xlane v19, v16;
	_ =	sdelay $0x1  }
0x16a: {  	v20 =	vadd.s32 v17, v20;
	_ =	sdelay $0x3  }
0x16b: {  	s28 =	simm.s32 $0xC580;
	v19 =	vperm.xlane v19, v18  }
0x16c: {  	[hbm4b:s5+s4] =	stream.indirect_vreg.scatter [tilespmem:s28], [sflag:$0x1], $0x80, v20, vm0, $0xb8;
	[tilespmem:$0x18580] =	vst v63  }
0x16d: {  	s2 =	simm.s32 $0xCD80;
	v19 =	vadd.s32 v17, v19  }
0x16e: {  	[hbm4b:s8+s4] =	stream.indirect_vreg.scatter [tilespmem:s2], [sflag:$0x1], $0x80, v20, vm0, $0xb8;
	[tilespmem:$0x18580] =	vst v63  }
0x16f: {  	s31 =	simm.s32 $0xD580  }
0x170: {  	[hbm4b:s9+s4] =	stream.indirect_vreg.scatter [tilespmem:s31], [sflag:$0x1], $0x80, v20, vm0, $0xb8;
	[tilespmem:$0x18580] =	vst v63  }
0x171: {  	s11 =	simm.s32 $0xDD80  }
0x172: {  	[hbm4b:s5+s4] =	stream.indirect_vreg.scatter [tilespmem:s11], [sflag:$0x1], $0x80, v19, vm0, $0xb8;
	[tilespmem:$0x18580] =	vst v63  }
0x173: {  	s11 =	simm.s32 $0xE580  }
0x174: {  	[hbm4b:s8+s4] =	stream.indirect_vreg.scatter [tilespmem:s11], [sflag:$0x1], $0x80, v19, vm0, $0xb8;
	[tilespmem:$0x18580] =	vst v63  }
0x175: {  	s31 =	simm.s32 $0xED80  }
0x176: {  	[hbm4b:s9+s4] =	stream.indirect_vreg.scatter [tilespmem:s31], [sflag:$0x1], $0x80, v19, vm0, $0xb8;
	[tilespmem:$0x18580] =	vst v63  }
0x177: {  	v19 =	vld [tilespmem:$0x2D0];
	_ =	sdelay $0x4  }
0x178: {  	v20 =	vshrl.u32 v19, $0x3  }
0x179: {  	v20 =	vmul.u32 $0x30, v20  }
0x17a: {  	v19 =	vand.u32 $0x7, v19  }
0x17b: {  	v19 =	vor.u32 v19, v20  }
0x17c: {  	v20 =	vperm.xlane v19, v16;
	_ =	sdelay $0x1  }
0x17d: {  	v20 =	vadd.s32 v17, v20;
	_ =	sdelay $0x3  }
0x17e: {  	s30 =	simm.s32 $0xF580;
	v19 =	vperm.xlane v19, v18  }
0x17f: {  	[hbm4b:s5+s4] =	stream.indirect_vreg.scatter [tilespmem:s30], [sflag:$0x1], $0x80, v20, vm0, $0xb8;
	[tilespmem:$0x18580] =	vst v63  }
0x180: {  	s13 =	simm.s32 $0xFD80;
	v19 =	vadd.s32 v17, v19  }
0x181: {  	[hbm4b:s8+s4] =	stream.indirect_vreg.scatter [tilespmem:s13], [sflag:$0x1], $0x80, v20, vm0, $0xb8;
	[tilespmem:$0x18580] =	vst v63  }
0x182: {  	s13 =	simm.s32 $0x10580  }
0x183: {  	[hbm4b:s9+s4] =	stream.indirect_vreg.scatter [tilespmem:s13], [sflag:$0x1], $0x80, v20, vm0, $0xb8;
	[tilespmem:$0x18580] =	vst v63  }
0x184: {  	s14 =	simm.s32 $0x10D80  }
0x185: {  	[hbm4b:s5+s4] =	stream.indirect_vreg.scatter [tilespmem:s14], [sflag:$0x1], $0x80, v19, vm0, $0xb8;
	[tilespmem:$0x18580] =	vst v63  }
0x186: {  	s14 =	simm.s32 $0x11580  }
0x187: {  	[hbm4b:s8+s4] =	stream.indirect_vreg.scatter [tilespmem:s14], [sflag:$0x1], $0x80, v19, vm0, $0xb8;
	[tilespmem:$0x18580] =	vst v63  }
0x188: {  	s19 =	simm.s32 $0x11D80  }
0x189: {  	[hbm4b:s9+s4] =	stream.indirect_vreg.scatter [tilespmem:s19], [sflag:$0x1], $0x80, v19, vm0, $0xb8;
	[tilespmem:$0x18580] =	vst v63  }
0x18a: {  	v19 =	vld [tilespmem:$0x2E0];
	_ =	sdelay $0x4  }
0x18b: {  	v20 =	vshrl.u32 v19, $0x3  }
0x18c: {  	v20 =	vmul.u32 $0x30, v20  }
0x18d: {  	v19 =	vand.u32 $0x7, v19  }
0x18e: {  	v19 =	vor.u32 v19, v20  }
0x18f: {  	v20 =	vperm.xlane v19, v16;
	_ =	sdelay $0x1  }
0x190: {  	v20 =	vadd.s32 v17, v20;
	_ =	sdelay $0x3  }
0x191: {  	s19 =	simm.s32 $0x12580;
	v19 =	vperm.xlane v19, v18  }
0x192: {  	[hbm4b:s5+s4] =	stream.indirect_vreg.scatter [tilespmem:s19], [sflag:$0x1], $0x80, v20, vm0, $0xb8;
	[tilespmem:$0x18580] =	vst v63  }
0x193: {  	s15 =	simm.s32 $0x12D80;
	v19 =	vadd.s32 v17, v19  }
0x194: {  	[hbm4b:s8+s4] =	stream.indirect_vreg.scatter [tilespmem:s15], [sflag:$0x1], $0x80, v20, vm0, $0xb8;
	[tilespmem:$0x18580] =	vst v63  }
0x195: {  	s15 =	simm.s32 $0x13580  }
0x196: {  	[hbm4b:s9+s4] =	stream.indirect_vreg.scatter [tilespmem:s15], [sflag:$0x1], $0x80, v20, vm0, $0xb8;
	[tilespmem:$0x18580] =	vst v63  }
0x197: {  	s16 =	simm.s32 $0x13D80  }
0x198: {  	[hbm4b:s5+s4] =	stream.indirect_vreg.scatter [tilespmem:s16], [sflag:$0x1], $0x80, v19, vm0, $0xb8;
	[tilespmem:$0x18580] =	vst v63  }
0x199: {  	s16 =	simm.s32 $0x14580  }
0x19a: {  	[hbm4b:s8+s4] =	stream.indirect_vreg.scatter [tilespmem:s16], [sflag:$0x1], $0x80, v19, vm0, $0xb8;
	[tilespmem:$0x18580] =	vst v63  }
0x19b: {  	s20 =	simm.s32 $0x14D80  }
0x19c: {  	[hbm4b:s9+s4] =	stream.indirect_vreg.scatter [tilespmem:s20], [sflag:$0x1], $0x80, v19, vm0, $0xb8;
	[tilespmem:$0x18580] =	vst v63  }
0x19d: {  	v19 =	vld [tilespmem:$0x2F0];
	_ =	sdelay $0x4  }
0x19e: {  	v20 =	vshrl.u32 v19, $0x3  }
0x19f: {  	v20 =	vmul.u32 $0x30, v20  }
0x1a0: {  	v19 =	vand.u32 $0x7, v19  }
0x1a1: {  	v19 =	vor.u32 v19, v20  }
0x1a2: {  	v20 =	vperm.xlane v19, v16;
	_ =	sdelay $0x1  }
0x1a3: {  	v20 =	vadd.s32 v17, v20;
	_ =	sdelay $0x3  }
0x1a4: {  	s20 =	simm.s32 $0x15580;
	v19 =	vperm.xlane v19, v18  }
0x1a5: {  	[hbm4b:s5+s4] =	stream.indirect_vreg.scatter [tilespmem:s20], [sflag:$0x1], $0x80, v20, vm0, $0xb8;
	[tilespmem:$0x18580] =	vst v63  }
0x1a6: {  	s17 =	simm.s32 $0x15D80;
	v19 =	vadd.s32 v17, v19  }
0x1a7: {  	[hbm4b:s8+s4] =	stream.indirect_vreg.scatter [tilespmem:s17], [sflag:$0x1], $0x80, v20, vm0, $0xb8;
	[tilespmem:$0x18580] =	vst v63  }
0x1a8: {  	s17 =	simm.s32 $0x16580  }
0x1a9: {  	[hbm4b:s9+s4] =	stream.indirect_vreg.scatter [tilespmem:s17], [sflag:$0x1], $0x80, v20, vm0, $0xb8;
	[tilespmem:$0x18580] =	vst v63  }
0x1aa: {  	s18 =	simm.s32 $0x16D80  }
0x1ab: {  	[hbm4b:s5+s4] =	stream.indirect_vreg.scatter [tilespmem:s18], [sflag:$0x1], $0x80, v19, vm0, $0xb8;
	[tilespmem:$0x18580] =	vst v63  }
0x1ac: {  	s18 =	simm.s32 $0x17580  }
0x1ad: {  	[hbm4b:s8+s4] =	stream.indirect_vreg.scatter [tilespmem:s18], [sflag:$0x1], $0x80, v19, vm0, $0xb8;
	[tilespmem:$0x18580] =	vst v63  }
0x1ae: {  	s2 =	simm.s32 $0x17D80  }
0x1af: {  	[hbm4b:s9+s4] =	stream.indirect_vreg.scatter [tilespmem:s2], [sflag:$0x1], $0x80, v19, vm0, $0xb8;
	[tilespmem:$0x18580] =	vst v63  }
0x1b0: {  	_ =	swait.ge [sflag:s10], $0x18000  }
0x1b1: {  	[sflag:s10] =	ssyncset.done $0x0  }
0x1b2: {  	[sflag:s10] =	ssyncadd.s32 $0xFFFE8000  }
0x1b3: {  	v19 =	vld [tilespmem:$0x400];
	_ =	sdelay $0x4  }
0x1b4: {  	v20 =	vshrl.u32 v19, $0x3  }
0x1b5: {  	v20 =	vmul.u32 $0x30, v20  }
0x1b6: {  	v19 =	vand.u32 $0x7, v19  }
0x1b7: {  	v19 =	vor.u32 v19, v20  }
0x1b8: {  	v20 =	vperm.xlane v19, v16;
	_ =	sdelay $0x1  }
0x1b9: {  	v20 =	vadd.s32 v17, v20;
	_ =	sdelay $0x3  }
0x1ba: {  	s2 =	simm.s32 $0x580;
	v19 =	vperm.xlane v19, v18  }
0x1bb: {  	[tilespmem:s2], [sflag:$0x1] =	stream.indirect_vreg.gather [hbm4b:s3+s4], $0x80, v20, vm0, $0xb8;
	[tilespmem:$0x18580] =	vst v63  }
0x1bc: {  	v19 =	vadd.s32 v17, v19;
	s2 =	simm.s32 $0xD80  }
0x1bd: {  	[tilespmem:s2], [sflag:$0x1] =	stream.indirect_vreg.gather [hbm4b:s6+s4], $0x80, v20, vm0, $0xb8;
	[tilespmem:$0x18580] =	vst v63  }
0x1be: {  	s2 =	simm.s32 $0x1580  }
0x1bf: {  	[tilespmem:s2], [sflag:$0x1] =	stream.indirect_vreg.gather [hbm4b:s7+s4], $0x80, v20, vm0, $0xb8;
	[tilespmem:$0x18580] =	vst v63  }
0x1c0: {  	s2 =	simm.s32 $0x1D80  }
0x1c1: {  	[tilespmem:s2], [sflag:$0x1] =	stream.indirect_vreg.gather [hbm4b:s3+s4], $0x80, v19, vm0, $0xb8;
	[tilespmem:$0x18580] =	vst v63  }
0x1c2: {  	s2 =	simm.s32 $0x2580  }
0x1c3: {  	[tilespmem:s2], [sflag:$0x1] =	stream.indirect_vreg.gather [hbm4b:s6+s4], $0x80, v19, vm0, $0xb8;
	[tilespmem:$0x18580] =	vst v63  }
0x1c4: {  	_ = 	snop  }
0x1c5: {  	[tilespmem:s1], [sflag:$0x1] =	stream.indirect_vreg.gather [hbm4b:s7+s4], $0x80, v19, vm0, $0xb8;
	[tilespmem:$0x18580] =	vst v63  }
0x1c6: {  	v19 =	vld [tilespmem:$0x410];
	_ =	sdelay $0x4  }
0x1c7: {  	v20 =	vshrl.u32 v19, $0x3  }
0x1c8: {  	v20 =	vmul.u32 $0x30, v20  }
0x1c9: {  	v19 =	vand.u32 $0x7, v19  }
0x1ca: {  	v19 =	vor.u32 v19, v20  }
0x1cb: {  	v20 =	vperm.xlane v19, v16;
	_ =	sdelay $0x1  }
0x1cc: {  	v20 =	vadd.s32 v17, v20;
	_ =	sdelay $0x3  }
0x1cd: {  	s2 =	simm.s32 $0x3580;
	v19 =	vperm.xlane v19, v18  }
0x1ce: {  	[tilespmem:s2], [sflag:$0x1] =	stream.indirect_vreg.gather [hbm4b:s3+s4], $0x80, v20, vm0, $0xb8;
	[tilespmem:$0x18580] =	vst v63  }
0x1cf: {  	v19 =	vadd.s32 v17, v19;
	s2 =	simm.s32 $0x3D80  }
0x1d0: {  	[tilespmem:s2], [sflag:$0x1] =	stream.indirect_vreg.gather [hbm4b:s6+s4], $0x80, v20, vm0, $0xb8;
	[tilespmem:$0x18580] =	vst v63  }
0x1d1: {  	s2 =	simm.s32 $0x4580  }
0x1d2: {  	[tilespmem:s2], [sflag:$0x1] =	stream.indirect_vreg.gather [hbm4b:s7+s4], $0x80, v20, vm0, $0xb8;
	[tilespmem:$0x18580] =	vst v63  }
0x1d3: {  	s2 =	simm.s32 $0x4D80  }
0x1d4: {  	[tilespmem:s2], [sflag:$0x1] =	stream.indirect_vreg.gather [hbm4b:s3+s4], $0x80, v19, vm0, $0xb8;
	[tilespmem:$0x18580] =	vst v63  }
0x1d5: {  	s2 =	simm.s32 $0x5580  }
0x1d6: {  	[tilespmem:s2], [sflag:$0x1] =	stream.indirect_vreg.gather [hbm4b:s6+s4], $0x80, v19, vm0, $0xb8;
	[tilespmem:$0x18580] =	vst v63  }
0x1d7: {  	_ = 	snop  }
0x1d8: {  	[tilespmem:s0], [sflag:$0x1] =	stream.indirect_vreg.gather [hbm4b:s7+s4], $0x80, v19, vm0, $0xb8;
	[tilespmem:$0x18580] =	vst v63  }
0x1d9: {  	v19 =	vld [tilespmem:$0x420];
	_ =	sdelay $0x4  }
0x1da: {  	v20 =	vshrl.u32 v19, $0x3  }
0x1db: {  	v20 =	vmul.u32 $0x30, v20  }
0x1dc: {  	v19 =	vand.u32 $0x7, v19  }
0x1dd: {  	v19 =	vor.u32 v19, v20  }
0x1de: {  	v20 =	vperm.xlane v19, v16;
	_ =	sdelay $0x1  }
0x1df: {  	v20 =	vadd.s32 v17, v20;
	_ =	sdelay $0x3  }
0x1e0: {  	s2 =	simm.s32 $0x6580;
	v19 =	vperm.xlane v19, v18  }
0x1e1: {  	[tilespmem:s2], [sflag:$0x1] =	stream.indirect_vreg.gather [hbm4b:s3+s4], $0x80, v20, vm0, $0xb8;
	[tilespmem:$0x18580] =	vst v63  }
0x1e2: {  	v19 =	vadd.s32 v17, v19  }
0x1e3: {  	[tilespmem:s22], [sflag:$0x1] =	stream.indirect_vreg.gather [hbm4b:s6+s4], $0x80, v20, vm0, $0xb8;
	[tilespmem:$0x18580] =	vst v63  }
0x1e4: {  	_ = 	snop  }
0x1e5: {  	[tilespmem:s23], [sflag:$0x1] =	stream.indirect_vreg.gather [hbm4b:s7+s4], $0x80, v20, vm0, $0xb8;
	[tilespmem:$0x18580] =	vst v63  }
0x1e6: {  	_ = 	snop  }
0x1e7: {  	[tilespmem:s24], [sflag:$0x1] =	stream.indirect_vreg.gather [hbm4b:s3+s4], $0x80, v19, vm0, $0xb8;
	[tilespmem:$0x18580] =	vst v63  }
0x1e8: {  	_ = 	snop  }
0x1e9: {  	[tilespmem:s25], [sflag:$0x1] =	stream.indirect_vreg.gather [hbm4b:s6+s4], $0x80, v19, vm0, $0xb8;
	[tilespmem:$0x18580] =	vst v63  }
0x1ea: {  	s1 =	simm.s32 $0x8D80  }
0x1eb: {  	[tilespmem:s1], [sflag:$0x1] =	stream.indirect_vreg.gather [hbm4b:s7+s4], $0x80, v19, vm0, $0xb8;
	[tilespmem:$0x18580] =	vst v63  }
0x1ec: {  	v19 =	vld [tilespmem:$0x430];
	_ =	sdelay $0x4  }
0x1ed: {  	v20 =	vshrl.u32 v19, $0x3  }
0x1ee: {  	v20 =	vmul.u32 $0x30, v20  }
0x1ef: {  	v19 =	vand.u32 $0x7, v19  }
0x1f0: {  	v19 =	vor.u32 v19, v20  }
0x1f1: {  	v20 =	vperm.xlane v19, v16;
	_ =	sdelay $0x1  }
0x1f2: {  	v20 =	vadd.s32 v17, v20;
	_ =	sdelay $0x3  }
0x1f3: {  	s2 =	simm.s32 $0x9580;
	v19 =	vperm.xlane v19, v18  }
0x1f4: {  	[tilespmem:s2], [sflag:$0x1] =	stream.indirect_vreg.gather [hbm4b:s3+s4], $0x80, v20, vm0, $0xb8;
	[tilespmem:$0x18580] =	vst v63  }
0x1f5: {  	v19 =	vadd.s32 v17, v19  }
0x1f6: {  	[tilespmem:s26], [sflag:$0x1] =	stream.indirect_vreg.gather [hbm4b:s6+s4], $0x80, v20, vm0, $0xb8;
	[tilespmem:$0x18580] =	vst v63  }
0x1f7: {  	_ = 	snop  }
0x1f8: {  	[tilespmem:s21], [sflag:$0x1] =	stream.indirect_vreg.gather [hbm4b:s7+s4], $0x80, v20, vm0, $0xb8;
	[tilespmem:$0x18580] =	vst v63  }
0x1f9: {  	s21 =	simm.s32 $0xAD80  }
0x1fa: {  	[tilespmem:s21], [sflag:$0x1] =	stream.indirect_vreg.gather [hbm4b:s3+s4], $0x80, v19, vm0, $0xb8;
	[tilespmem:$0x18580] =	vst v63  }
0x1fb: {  	s0 =	simm.s32 $0xB580  }
0x1fc: {  	[tilespmem:s0], [sflag:$0x1] =	stream.indirect_vreg.gather [hbm4b:s6+s4], $0x80, v19, vm0, $0xb8;
	[tilespmem:$0x18580] =	vst v63  }
0x1fd: {  	_ = 	snop  }
0x1fe: {  	[tilespmem:s29], [sflag:$0x1] =	stream.indirect_vreg.gather [hbm4b:s7+s4], $0x80, v19, vm0, $0xb8;
	[tilespmem:$0x18580] =	vst v63  }
0x1ff: {  	v19 =	vld [tilespmem:$0x440];
	_ =	sdelay $0x4  }
0x200: {  	v20 =	vshrl.u32 v19, $0x3  }
0x201: {  	v20 =	vmul.u32 $0x30, v20  }
0x202: {  	v19 =	vand.u32 $0x7, v19  }
0x203: {  	v19 =	vor.u32 v19, v20  }
0x204: {  	v20 =	vperm.xlane v19, v16;
	_ =	sdelay $0x1  }
0x205: {  	v20 =	vadd.s32 v17, v20;
	_ =	sdelay $0x3  }
0x206: {  	v19 =	vperm.xlane v19, v18  }
0x207: {  	[tilespmem:s28], [sflag:$0x1] =	stream.indirect_vreg.gather [hbm4b:s3+s4], $0x80, v20, vm0, $0xb8;
	[tilespmem:$0x18580] =	vst v63  }
0x208: {  	s1 =	simm.s32 $0xCD80;
	v19 =	vadd.s32 v17, v19  }
0x209: {  	[tilespmem:s1], [sflag:$0x1] =	stream.indirect_vreg.gather [hbm4b:s6+s4], $0x80, v20, vm0, $0xb8;
	[tilespmem:$0x18580] =	vst v63  }
0x20a: {  	s2 =	simm.s32 $0xD580  }
0x20b: {  	[tilespmem:s2], [sflag:$0x1] =	stream.indirect_vreg.gather [hbm4b:s7+s4], $0x80, v20, vm0, $0xb8;
	[tilespmem:$0x18580] =	vst v63  }
0x20c: {  	s0 =	simm.s32 $0xDD80  }
0x20d: {  	[tilespmem:s0], [sflag:$0x1] =	stream.indirect_vreg.gather [hbm4b:s3+s4], $0x80, v19, vm0, $0xb8;
	[tilespmem:$0x18580] =	vst v63  }
0x20e: {  	_ = 	snop  }
0x20f: {  	[tilespmem:s11], [sflag:$0x1] =	stream.indirect_vreg.gather [hbm4b:s6+s4], $0x80, v19, vm0, $0xb8;
	[tilespmem:$0x18580] =	vst v63  }
0x210: {  	_ = 	snop  }
0x211: {  	[tilespmem:s31], [sflag:$0x1] =	stream.indirect_vreg.gather [hbm4b:s7+s4], $0x80, v19, vm0, $0xb8;
	[tilespmem:$0x18580] =	vst v63  }
0x212: {  	v19 =	vld [tilespmem:$0x450];
	_ =	sdelay $0x4  }
0x213: {  	v20 =	vshrl.u32 v19, $0x3  }
0x214: {  	v20 =	vmul.u32 $0x30, v20  }
0x215: {  	v19 =	vand.u32 $0x7, v19  }
0x216: {  	v19 =	vor.u32 v19, v20  }
0x217: {  	v20 =	vperm.xlane v19, v16;
	_ =	sdelay $0x1  }
0x218: {  	v20 =	vadd.s32 v17, v20;
	_ =	sdelay $0x3  }
0x219: {  	v19 =	vperm.xlane v19, v18  }
0x21a: {  	[tilespmem:s30], [sflag:$0x1] =	stream.indirect_vreg.gather [hbm4b:s3+s4], $0x80, v20, vm0, $0xb8;
	[tilespmem:$0x18580] =	vst v63  }
0x21b: {  	s2 =	simm.s32 $0xFD80;
	v19 =	vadd.s32 v17, v19  }
0x21c: {  	[tilespmem:s2], [sflag:$0x1] =	stream.indirect_vreg.gather [hbm4b:s6+s4], $0x80, v20, vm0, $0xb8;
	[tilespmem:$0x18580] =	vst v63  }
0x21d: {  	_ = 	snop  }
0x21e: {  	[tilespmem:s13], [sflag:$0x1] =	stream.indirect_vreg.gather [hbm4b:s7+s4], $0x80, v20, vm0, $0xb8;
	[tilespmem:$0x18580] =	vst v63  }
0x21f: {  	s2 =	simm.s32 $0x10D80  }
0x220: {  	[tilespmem:s2], [sflag:$0x1] =	stream.indirect_vreg.gather [hbm4b:s3+s4], $0x80, v19, vm0, $0xb8;
	[tilespmem:$0x18580] =	vst v63  }
0x221: {  	_ = 	snop  }
0x222: {  	[tilespmem:s14], [sflag:$0x1] =	stream.indirect_vreg.gather [hbm4b:s6+s4], $0x80, v19, vm0, $0xb8;
	[tilespmem:$0x18580] =	vst v63  }
0x223: {  	s2 =	simm.s32 $0x11D80  }
0x224: {  	[tilespmem:s2], [sflag:$0x1] =	stream.indirect_vreg.gather [hbm4b:s7+s4], $0x80, v19, vm0, $0xb8;
	[tilespmem:$0x18580] =	vst v63  }
0x225: {  	v19 =	vld [tilespmem:$0x460];
	_ =	sdelay $0x4  }
0x226: {  	v20 =	vshrl.u32 v19, $0x3  }
0x227: {  	v20 =	vmul.u32 $0x30, v20  }
0x228: {  	v19 =	vand.u32 $0x7, v19  }
0x229: {  	v19 =	vor.u32 v19, v20  }
0x22a: {  	v20 =	vperm.xlane v19, v16;
	_ =	sdelay $0x1  }
0x22b: {  	v20 =	vadd.s32 v17, v20;
	_ =	sdelay $0x3  }
0x22c: {  	v19 =	vperm.xlane v19, v18  }
0x22d: {  	[tilespmem:s19], [sflag:$0x1] =	stream.indirect_vreg.gather [hbm4b:s3+s4], $0x80, v20, vm0, $0xb8;
	[tilespmem:$0x18580] =	vst v63  }
0x22e: {  	s2 =	simm.s32 $0x12D80;
	v19 =	vadd.s32 v17, v19  }
0x22f: {  	[tilespmem:s2], [sflag:$0x1] =	stream.indirect_vreg.gather [hbm4b:s6+s4], $0x80, v20, vm0, $0xb8;
	[tilespmem:$0x18580] =	vst v63  }
0x230: {  	_ = 	snop  }
0x231: {  	[tilespmem:s15], [sflag:$0x1] =	stream.indirect_vreg.gather [hbm4b:s7+s4], $0x80, v20, vm0, $0xb8;
	[tilespmem:$0x18580] =	vst v63  }
0x232: {  	s2 =	simm.s32 $0x13D80  }
0x233: {  	[tilespmem:s2], [sflag:$0x1] =	stream.indirect_vreg.gather [hbm4b:s3+s4], $0x80, v19, vm0, $0xb8;
	[tilespmem:$0x18580] =	vst v63  }
0x234: {  	_ = 	snop  }
0x235: {  	[tilespmem:s16], [sflag:$0x1] =	stream.indirect_vreg.gather [hbm4b:s6+s4], $0x80, v19, vm0, $0xb8;
	[tilespmem:$0x18580] =	vst v63  }
0x236: {  	s2 =	simm.s32 $0x14D80  }
0x237: {  	[tilespmem:s2], [sflag:$0x1] =	stream.indirect_vreg.gather [hbm4b:s7+s4], $0x80, v19, vm0, $0xb8;
	[tilespmem:$0x18580] =	vst v63  }
0x238: {  	v19 =	vld [tilespmem:$0x470];
	_ =	sdelay $0x4  }
0x239: {  	v20 =	vshrl.u32 v19, $0x3  }
0x23a: {  	v20 =	vmul.u32 $0x30, v20  }
0x23b: {  	v19 =	vand.u32 $0x7, v19  }
0x23c: {  	v19 =	vor.u32 v19, v20  }
0x23d: {  	v20 =	vperm.xlane v19, v16;
	_ =	sdelay $0x1  }
0x23e: {  	v20 =	vadd.s32 v17, v20;
	_ =	sdelay $0x3  }
0x23f: {  	v19 =	vperm.xlane v19, v18  }
0x240: {  	[tilespmem:s20], [sflag:$0x1] =	stream.indirect_vreg.gather [hbm4b:s3+s4], $0x80, v20, vm0, $0xb8;
	[tilespmem:$0x18580] =	vst v63  }
0x241: {  	s2 =	simm.s32 $0x15D80;
	v19 =	vadd.s32 v17, v19  }
0x242: {  	[tilespmem:s2], [sflag:$0x1] =	stream.indirect_vreg.gather [hbm4b:s6+s4], $0x80, v20, vm0, $0xb8;
	[tilespmem:$0x18580] =	vst v63  }
0x243: {  	_ = 	snop  }
0x244: {  	[tilespmem:s17], [sflag:$0x1] =	stream.indirect_vreg.gather [hbm4b:s7+s4], $0x80, v20, vm0, $0xb8;
	[tilespmem:$0x18580] =	vst v63  }
0x245: {  	s2 =	simm.s32 $0x16D80  }
0x246: {  	[tilespmem:s2], [sflag:$0x1] =	stream.indirect_vreg.gather [hbm4b:s3+s4], $0x80, v19, vm0, $0xb8;
	[tilespmem:$0x18580] =	vst v63  }
0x247: {  	_ = 	snop  }
0x248: {  	[tilespmem:s18], [sflag:$0x1] =	stream.indirect_vreg.gather [hbm4b:s6+s4], $0x80, v19, vm0, $0xb8;
	[tilespmem:$0x18580] =	vst v63  }
0x249: {  	s2 =	simm.s32 $0x17D80  }
0x24a: {  	[tilespmem:s2], [sflag:$0x1] =	stream.indirect_vreg.gather [hbm4b:s7+s4], $0x80, v19, vm0, $0xb8;
	[tilespmem:$0x18580] =	vst v63  }
0x24b: {  	_ =	swait.ge [sflag:s10], $0x18000  }
0x24c: {  	[sflag:s10] =	ssyncset.done $0x0  }
0x24d: {  	[sflag:s10] =	ssyncadd.s32 $0xFFFE8000  }
0x24e: {  	v19 =	vld [tilespmem:$0x300];
	_ =	sdelay $0x4  }
0x24f: {  	v20 =	vshrl.u32 v19, $0x3  }
0x250: {  	v20 =	vmul.u32 $0x30, v20  }
0x251: {  	v19 =	vand.u32 $0x7, v19  }
0x252: {  	v19 =	vor.u32 v19, v20  }
0x253: {  	v20 =	vperm.xlane v19, v16;
	_ =	sdelay $0x1  }
0x254: {  	v20 =	vadd.s32 v17, v20;
	_ =	sdelay $0x3  }
0x255: {  	s2 =	simm.s32 $0x580;
	v19 =	vperm.xlane v19, v18  }
0x256: {  	[hbm4b:s5+s4] =	stream.indirect_vreg.scatter [tilespmem:s2], [sflag:$0x1], $0x80, v20, vm0, $0xb8;
	[tilespmem:$0x18580] =	vst v63  }
0x257: {  	v19 =	vadd.s32 v17, v19;
	s2 =	simm.s32 $0xD80  }
0x258: {  	[hbm4b:s8+s4] =	stream.indirect_vreg.scatter [tilespmem:s2], [sflag:$0x1], $0x80, v20, vm0, $0xb8;
	[tilespmem:$0x18580] =	vst v63  }
0x259: {  	s2 =	simm.s32 $0x1580  }
0x25a: {  	[hbm4b:s9+s4] =	stream.indirect_vreg.scatter [tilespmem:s2], [sflag:$0x1], $0x80, v20, vm0, $0xb8;
	[tilespmem:$0x18580] =	vst v63  }
0x25b: {  	s2 =	simm.s32 $0x1D80  }
0x25c: {  	[hbm4b:s5+s4] =	stream.indirect_vreg.scatter [tilespmem:s2], [sflag:$0x1], $0x80, v19, vm0, $0xb8;
	[tilespmem:$0x18580] =	vst v63  }
0x25d: {  	s2 =	simm.s32 $0x2580  }
0x25e: {  	[hbm4b:s8+s4] =	stream.indirect_vreg.scatter [tilespmem:s2], [sflag:$0x1], $0x80, v19, vm0, $0xb8;
	[tilespmem:$0x18580] =	vst v63  }
0x25f: {  	s2 =	simm.s32 $0x2D80  }
0x260: {  	[hbm4b:s9+s4] =	stream.indirect_vreg.scatter [tilespmem:s2], [sflag:$0x1], $0x80, v19, vm0, $0xb8;
	[tilespmem:$0x18580] =	vst v63  }
0x261: {  	v19 =	vld [tilespmem:$0x310];
	_ =	sdelay $0x4  }
0x262: {  	v20 =	vshrl.u32 v19, $0x3  }
0x263: {  	v20 =	vmul.u32 $0x30, v20  }
0x264: {  	v19 =	vand.u32 $0x7, v19  }
0x265: {  	v19 =	vor.u32 v19, v20  }
0x266: {  	v20 =	vperm.xlane v19, v16;
	_ =	sdelay $0x1  }
0x267: {  	v20 =	vadd.s32 v17, v20;
	_ =	sdelay $0x3  }
0x268: {  	s2 =	simm.s32 $0x3580;
	v19 =	vperm.xlane v19, v18  }
0x269: {  	[hbm4b:s5+s4] =	stream.indirect_vreg.scatter [tilespmem:s2], [sflag:$0x1], $0x80, v20, vm0, $0xb8;
	[tilespmem:$0x18580] =	vst v63  }
0x26a: {  	v19 =	vadd.s32 v17, v19;
	s2 =	simm.s32 $0x3D80  }
0x26b: {  	[hbm4b:s8+s4] =	stream.indirect_vreg.scatter [tilespmem:s2], [sflag:$0x1], $0x80, v20, vm0, $0xb8;
	[tilespmem:$0x18580] =	vst v63  }
0x26c: {  	s2 =	simm.s32 $0x4580  }
0x26d: {  	[hbm4b:s9+s4] =	stream.indirect_vreg.scatter [tilespmem:s2], [sflag:$0x1], $0x80, v20, vm0, $0xb8;
	[tilespmem:$0x18580] =	vst v63  }
0x26e: {  	s2 =	simm.s32 $0x4D80  }
0x26f: {  	[hbm4b:s5+s4] =	stream.indirect_vreg.scatter [tilespmem:s2], [sflag:$0x1], $0x80, v19, vm0, $0xb8;
	[tilespmem:$0x18580] =	vst v63  }
0x270: {  	s2 =	simm.s32 $0x5580  }
0x271: {  	[hbm4b:s8+s4] =	stream.indirect_vreg.scatter [tilespmem:s2], [sflag:$0x1], $0x80, v19, vm0, $0xb8;
	[tilespmem:$0x18580] =	vst v63  }
0x272: {  	s2 =	simm.s32 $0x5D80  }
0x273: {  	[hbm4b:s9+s4] =	stream.indirect_vreg.scatter [tilespmem:s2], [sflag:$0x1], $0x80, v19, vm0, $0xb8;
	[tilespmem:$0x18580] =	vst v63  }
0x274: {  	v19 =	vld [tilespmem:$0x320];
	_ =	sdelay $0x4  }
0x275: {  	v20 =	vshrl.u32 v19, $0x3  }
0x276: {  	v20 =	vmul.u32 $0x30, v20  }
0x277: {  	v19 =	vand.u32 $0x7, v19  }
0x278: {  	v19 =	vor.u32 v19, v20  }
0x279: {  	v20 =	vperm.xlane v19, v16;
	_ =	sdelay $0x1  }
0x27a: {  	v20 =	vadd.s32 v17, v20;
	_ =	sdelay $0x3  }
0x27b: {  	s2 =	simm.s32 $0x6580;
	v19 =	vperm.xlane v19, v18  }
0x27c: {  	[hbm4b:s5+s4] =	stream.indirect_vreg.scatter [tilespmem:s2], [sflag:$0x1], $0x80, v20, vm0, $0xb8;
	[tilespmem:$0x18580] =	vst v63  }
0x27d: {  	s22 =	simm.s32 $0x6D80;
	v19 =	vadd.s32 v17, v19  }
0x27e: {  	[hbm4b:s8+s4] =	stream.indirect_vreg.scatter [tilespmem:s22], [sflag:$0x1], $0x80, v20, vm0, $0xb8;
	[tilespmem:$0x18580] =	vst v63  }
0x27f: {  	s23 =	simm.s32 $0x7580  }
0x280: {  	[hbm4b:s9+s4] =	stream.indirect_vreg.scatter [tilespmem:s23], [sflag:$0x1], $0x80, v20, vm0, $0xb8;
	[tilespmem:$0x18580] =	vst v63  }
0x281: {  	s24 =	simm.s32 $0x7D80  }
0x282: {  	[hbm4b:s5+s4] =	stream.indirect_vreg.scatter [tilespmem:s24], [sflag:$0x1], $0x80, v19, vm0, $0xb8;
	[tilespmem:$0x18580] =	vst v63  }
0x283: {  	s25 =	simm.s32 $0x8580  }
0x284: {  	[hbm4b:s8+s4] =	stream.indirect_vreg.scatter [tilespmem:s25], [sflag:$0x1], $0x80, v19, vm0, $0xb8;
	[tilespmem:$0x18580] =	vst v63  }
0x285: {  	s23 =	simm.s32 $0x8D80  }
0x286: {  	[hbm4b:s9+s4] =	stream.indirect_vreg.scatter [tilespmem:s23], [sflag:$0x1], $0x80, v19, vm0, $0xb8;
	[tilespmem:$0x18580] =	vst v63  }
0x287: {  	v19 =	vld [tilespmem:$0x330];
	_ =	sdelay $0x4  }
0x288: {  	v20 =	vshrl.u32 v19, $0x3  }
0x289: {  	v20 =	vmul.u32 $0x30, v20  }
0x28a: {  	v19 =	vand.u32 $0x7, v19  }
0x28b: {  	v19 =	vor.u32 v19, v20  }
0x28c: {  	v20 =	vperm.xlane v19, v16;
	_ =	sdelay $0x1  }
0x28d: {  	v20 =	vadd.s32 v17, v20;
	_ =	sdelay $0x3  }
0x28e: {  	s24 =	simm.s32 $0x9580;
	v19 =	vperm.xlane v19, v18  }
0x28f: {  	[hbm4b:s5+s4] =	stream.indirect_vreg.scatter [tilespmem:s24], [sflag:$0x1], $0x80, v20, vm0, $0xb8;
	[tilespmem:$0x18580] =	vst v63  }
0x290: {  	s26 =	simm.s32 $0x9D80;
	v19 =	vadd.s32 v17, v19  }
0x291: {  	[hbm4b:s8+s4] =	stream.indirect_vreg.scatter [tilespmem:s26], [sflag:$0x1], $0x80, v20, vm0, $0xb8;
	[tilespmem:$0x18580] =	vst v63  }
0x292: {  	s25 =	simm.s32 $0xA580  }
0x293: {  	[hbm4b:s9+s4] =	stream.indirect_vreg.scatter [tilespmem:s25], [sflag:$0x1], $0x80, v20, vm0, $0xb8;
	[tilespmem:$0x18580] =	vst v63  }
0x294: {  	_ = 	snop  }
0x295: {  	[hbm4b:s5+s4] =	stream.indirect_vreg.scatter [tilespmem:s21], [sflag:$0x1], $0x80, v19, vm0, $0xb8;
	[tilespmem:$0x18580] =	vst v63  }
0x296: {  	s26 =	simm.s32 $0xB580  }
0x297: {  	[hbm4b:s8+s4] =	stream.indirect_vreg.scatter [tilespmem:s26], [sflag:$0x1], $0x80, v19, vm0, $0xb8;
	[tilespmem:$0x18580] =	vst v63  }
0x298: {  	s29 =	simm.s32 $0xBD80  }
0x299: {  	[hbm4b:s9+s4] =	stream.indirect_vreg.scatter [tilespmem:s29], [sflag:$0x1], $0x80, v19, vm0, $0xb8;
	[tilespmem:$0x18580] =	vst v63  }
0x29a: {  	v19 =	vld [tilespmem:$0x340];
	_ =	sdelay $0x4  }
0x29b: {  	v20 =	vshrl.u32 v19, $0x3  }
0x29c: {  	v20 =	vmul.u32 $0x30, v20  }
0x29d: {  	v19 =	vand.u32 $0x7, v19  }
0x29e: {  	v19 =	vor.u32 v19, v20  }
0x29f: {  	v20 =	vperm.xlane v19, v16;
	_ =	sdelay $0x1  }
0x2a0: {  	v20 =	vadd.s32 v17, v20;
	_ =	sdelay $0x3  }
0x2a1: {  	s28 =	simm.s32 $0xC580;
	v19 =	vperm.xlane v19, v18  }
0x2a2: {  	[hbm4b:s5+s4] =	stream.indirect_vreg.scatter [tilespmem:s28], [sflag:$0x1], $0x80, v20, vm0, $0xb8;
	[tilespmem:$0x18580] =	vst v63  }
0x2a3: {  	v19 =	vadd.s32 v17, v19  }
0x2a4: {  	[hbm4b:s8+s4] =	stream.indirect_vreg.scatter [tilespmem:s1], [sflag:$0x1], $0x80, v20, vm0, $0xb8;
	[tilespmem:$0x18580] =	vst v63  }
0x2a5: {  	s2 =	simm.s32 $0xD580  }
0x2a6: {  	[hbm4b:s9+s4] =	stream.indirect_vreg.scatter [tilespmem:s2], [sflag:$0x1], $0x80, v20, vm0, $0xb8;
	[tilespmem:$0x18580] =	vst v63  }
0x2a7: {  	_ = 	snop  }
0x2a8: {  	[hbm4b:s5+s4] =	stream.indirect_vreg.scatter [tilespmem:s0], [sflag:$0x1], $0x80, v19, vm0, $0xb8;
	[tilespmem:$0x18580] =	vst v63  }
0x2a9: {  	s11 =	simm.s32 $0xE580  }
0x2aa: {  	[hbm4b:s8+s4] =	stream.indirect_vreg.scatter [tilespmem:s11], [sflag:$0x1], $0x80, v19, vm0, $0xb8;
	[tilespmem:$0x18580] =	vst v63  }
0x2ab: {  	s31 =	simm.s32 $0xED80  }
0x2ac: {  	[hbm4b:s9+s4] =	stream.indirect_vreg.scatter [tilespmem:s31], [sflag:$0x1], $0x80, v19, vm0, $0xb8;
	[tilespmem:$0x18580] =	vst v63  }
0x2ad: {  	v19 =	vld [tilespmem:$0x350];
	_ =	sdelay $0x4  }
0x2ae: {  	v20 =	vshrl.u32 v19, $0x3  }
0x2af: {  	v20 =	vmul.u32 $0x30, v20  }
0x2b0: {  	v19 =	vand.u32 $0x7, v19  }
0x2b1: {  	v19 =	vor.u32 v19, v20  }
0x2b2: {  	v20 =	vperm.xlane v19, v16;
	_ =	sdelay $0x1  }
0x2b3: {  	v20 =	vadd.s32 v17, v20;
	_ =	sdelay $0x3  }
0x2b4: {  	s30 =	simm.s32 $0xF580;
	v19 =	vperm.xlane v19, v18  }
0x2b5: {  	[hbm4b:s5+s4] =	stream.indirect_vreg.scatter [tilespmem:s30], [sflag:$0x1], $0x80, v20, vm0, $0xb8;
	[tilespmem:$0x18580] =	vst v63  }
0x2b6: {  	s22 =	simm.s32 $0xFD80;
	v19 =	vadd.s32 v17, v19  }
0x2b7: {  	[hbm4b:s8+s4] =	stream.indirect_vreg.scatter [tilespmem:s22], [sflag:$0x1], $0x80, v20, vm0, $0xb8;
	[tilespmem:$0x18580] =	vst v63  }
0x2b8: {  	s13 =	simm.s32 $0x10580  }
0x2b9: {  	[hbm4b:s9+s4] =	stream.indirect_vreg.scatter [tilespmem:s13], [sflag:$0x1], $0x80, v20, vm0, $0xb8;
	[tilespmem:$0x18580] =	vst v63  }
0x2ba: {  	s23 =	simm.s32 $0x10D80  }
0x2bb: {  	[hbm4b:s5+s4] =	stream.indirect_vreg.scatter [tilespmem:s23], [sflag:$0x1], $0x80, v19, vm0, $0xb8;
	[tilespmem:$0x18580] =	vst v63  }
0x2bc: {  	s14 =	simm.s32 $0x11580  }
0x2bd: {  	[hbm4b:s8+s4] =	stream.indirect_vreg.scatter [tilespmem:s14], [sflag:$0x1], $0x80, v19, vm0, $0xb8;
	[tilespmem:$0x18580] =	vst v63  }
0x2be: {  	s24 =	simm.s32 $0x11D80  }
0x2bf: {  	[hbm4b:s9+s4] =	stream.indirect_vreg.scatter [tilespmem:s24], [sflag:$0x1], $0x80, v19, vm0, $0xb8;
	[tilespmem:$0x18580] =	vst v63  }
0x2c0: {  	v19 =	vld [tilespmem:$0x360];
	_ =	sdelay $0x4  }
0x2c1: {  	v20 =	vshrl.u32 v19, $0x3  }
0x2c2: {  	v20 =	vmul.u32 $0x30, v20  }
0x2c3: {  	v19 =	vand.u32 $0x7, v19  }
0x2c4: {  	v19 =	vor.u32 v19, v20  }
0x2c5: {  	v20 =	vperm.xlane v19, v16;
	_ =	sdelay $0x1  }
0x2c6: {  	v20 =	vadd.s32 v17, v20;
	_ =	sdelay $0x3  }
0x2c7: {  	s19 =	simm.s32 $0x12580;
	v19 =	vperm.xlane v19, v18  }
0x2c8: {  	[hbm4b:s5+s4] =	stream.indirect_vreg.scatter [tilespmem:s19], [sflag:$0x1], $0x80, v20, vm0, $0xb8;
	[tilespmem:$0x18580] =	vst v63  }
0x2c9: {  	s25 =	simm.s32 $0x12D80;
	v19 =	vadd.s32 v17, v19  }
0x2ca: {  	[hbm4b:s8+s4] =	stream.indirect_vreg.scatter [tilespmem:s25], [sflag:$0x1], $0x80, v20, vm0, $0xb8;
	[tilespmem:$0x18580] =	vst v63  }
0x2cb: {  	s15 =	simm.s32 $0x13580  }
0x2cc: {  	[hbm4b:s9+s4] =	stream.indirect_vreg.scatter [tilespmem:s15], [sflag:$0x1], $0x80, v20, vm0, $0xb8;
	[tilespmem:$0x18580] =	vst v63  }
0x2cd: {  	s26 =	simm.s32 $0x13D80  }
0x2ce: {  	[hbm4b:s5+s4] =	stream.indirect_vreg.scatter [tilespmem:s26], [sflag:$0x1], $0x80, v19, vm0, $0xb8;
	[tilespmem:$0x18580] =	vst v63  }
0x2cf: {  	s16 =	simm.s32 $0x14580  }
0x2d0: {  	[hbm4b:s8+s4] =	stream.indirect_vreg.scatter [tilespmem:s16], [sflag:$0x1], $0x80, v19, vm0, $0xb8;
	[tilespmem:$0x18580] =	vst v63  }
0x2d1: {  	s28 =	simm.s32 $0x14D80  }
0x2d2: {  	[hbm4b:s9+s4] =	stream.indirect_vreg.scatter [tilespmem:s28], [sflag:$0x1], $0x80, v19, vm0, $0xb8;
	[tilespmem:$0x18580] =	vst v63  }
0x2d3: {  	v19 =	vld [tilespmem:$0x370];
	_ =	sdelay $0x4  }
0x2d4: {  	v20 =	vshrl.u32 v19, $0x3  }
0x2d5: {  	v20 =	vmul.u32 $0x30, v20  }
0x2d6: {  	v19 =	vand.u32 $0x7, v19  }
0x2d7: {  	v19 =	vor.u32 v19, v20  }
0x2d8: {  	v20 =	vperm.xlane v19, v16;
	_ =	sdelay $0x1  }
0x2d9: {  	v20 =	vadd.s32 v17, v20;
	_ =	sdelay $0x3  }
0x2da: {  	s20 =	simm.s32 $0x15580;
	v19 =	vperm.xlane v19, v18  }
0x2db: {  	[hbm4b:s5+s4] =	stream.indirect_vreg.scatter [tilespmem:s20], [sflag:$0x1], $0x80, v20, vm0, $0xb8;
	[tilespmem:$0x18580] =	vst v63  }
0x2dc: {  	s29 =	simm.s32 $0x15D80;
	v19 =	vadd.s32 v17, v19  }
0x2dd: {  	[hbm4b:s8+s4] =	stream.indirect_vreg.scatter [tilespmem:s29], [sflag:$0x1], $0x80, v20, vm0, $0xb8;
	[tilespmem:$0x18580] =	vst v63  }
0x2de: {  	s17 =	simm.s32 $0x16580  }
0x2df: {  	[hbm4b:s9+s4] =	stream.indirect_vreg.scatter [tilespmem:s17], [sflag:$0x1], $0x80, v20, vm0, $0xb8;
	[tilespmem:$0x18580] =	vst v63  }
0x2e0: {  	s21 =	rddreg [dreg:$0x9];
	s30 =	simm.s32 $0x16D80  }
0x2e1: {  	[hbm4b:s5+s4] =	stream.indirect_vreg.scatter [tilespmem:s30], [sflag:$0x1], $0x80, v19, vm0, $0xb8;
	[tilespmem:$0x18580] =	vst v63  }
0x2e2: {  	s18 =	simm.s32 $0x17580;
	p0 =	sne.s32 s21, $0x1  }
0x2e3: {  	[hbm4b:s8+s4] =	stream.indirect_vreg.scatter [tilespmem:s18], [sflag:$0x1], $0x80, v19, vm0, $0xb8;
	[tilespmem:$0x18580] =	vst v63  }
.Ltmp0:
0x2e4: {  	s31 =	simm.s32 $0x17D80;
	(pc) =	sbr.rel @p0 .LBB2_1-.Ltmp0, $4  }
0x2e5: {  	[hbm4b:s9+s4] =	stream.indirect_vreg.scatter [tilespmem:s31], [sflag:$0x1], $0x80, v19, vm0, $0xb8;
	[tilespmem:$0x18580] =	vst v63  }
0x2e6: {  	_ =	swait.ge [sflag:s10], $0x18000  }
0x2e7: {  	[sflag:s10] =	ssyncset.done $0x0  }
0x2e8: {  	s2 =	sadd.s32 $0xFFFFFFFF, s21;
	[sflag:s10] =	ssyncadd.s32 $0xFFFE8000  }
0x2e9: {  	_ =	sfence.sel $0x180000  }
0x2ea: {  	[bflag:$0x0] =	sbarrier.arrive $0xFFFF  }
0x2eb: {  	_ =	strace $0x90000047  }
0x2ec: {  	s0 =	stileid.u32;
	[bflag:$0x2] =	sbarrier.arrive $0xFFFF  }
0x2ed: {  	p0 =	sne.s32 s0, $0x0;
	s0 =	rddreg [dreg:$0x3]  }
0x2ee: {  	s0 =	sadd.s32 @!p0 $0x100000, s0  }
0x2ef: {  	[sflag:s0] =	ssyncadd.tile.s32 @!p0 $0x1;
	_ =	shalt  }
.Lfunc_end2:
_tile_overlayer_lowered:
.L_overlay_start_2:
0x2f0: {  	(tag) =	ssettag $0x2  }
0x2f1: {  	s0 =	rddreg [dreg:$0x0];
	s2 =	stileid.u32  }
0x2f2: {  	s1 =	rddreg [dreg:$0x1];
	p0 =	sne.s32 s2, $0x0  }
0x2f3: {  	s3 =	rddreg [dreg:$0x2];
	[bflag:$0x3] =	sbarrier.arrive $0xFFFF;
	s2 =	simm.s32 @!p0 $0x1C02  }
0x2f4: {  	[timem:s3], [sflag:s2] =	dma.local @!p0 [hbm:s0], s1  }
0x2f5: {  	s0 =	simm.s32 @!p0 $0x2  }
0x2f6: {  	_ =	swait.ge @!p0 [sflag:s0], s1  }
0x2f7: {  	s1 =	ssub.s32 @!p0 $0x0, s1;
	[sflag:s0] =	ssyncset.done @!p0 $0x0  }
0x2f8: {  	[sflag:s0] =	ssyncadd.s32 @!p0 s1  }
0x2f9: {  	[bflag:$0x3] =	sbarrier.arrive $0xFFFF  }
0x2fa: {  	_ =	shalt  }

// kernel: kernel.9.cloned.1.call-start
scs
__scs_entry_jumppad:
0x0: {  	(pc) =	sbr.rel $0x88, $3  }
0x1: {  	(tag) =	ssettag $0x0;
	lr =	simm.s32 $0x1  }
0x2: {  	[smem:$0x3F9C] =	sst lr;
	_ =	strace $0xD0000000  }
0x3: {  	_ = 	snop  }
0x4: {  	_ = 	snop  }
0x5: {  	_ = 	snop  }
0x6: {  	_ = 	snop  }
0x7: {  	_ = 	snop  }
__scs_overlays_trampoline_lowered:
0x8: {  	[smem:$0x3FAB] =	sst s0  }
0x9: {  	[smem:$0x3FAC] =	sst s1  }
0xa: {  	[smem:$0x3FAD] =	sst s2  }
0xb: {  	[smem:$0x3FAE] =	sst s3  }
0xc: {  	[smem:$0x3FAF] =	sst s4  }
0xd: {  	[smem:$0x3FB0] =	sst s5  }
0xe: {  	[smem:$0x3FB1] =	sst s6  }
0xf: {  	[smem:$0x3FB2] =	sst s7  }
0x10: {  	[smem:$0x3FB3] =	sst s8  }
0x11: {  	[smem:$0x3FB4] =	sst s9;
	s0 =	simm.s32 @!p0 $0x0  }
0x12: {  	s1 =	sld [smem:$0x3F9A];
	s0 =	simm.s32 @p0 $0x1  }
0x13: {  	[smem:$0x3FB5] =	sst s0;
	s0 =	simm.s32 @!p1 $0x0  }
0x14: {  	s2 =	sld [smem:$0x3F99];
	s0 =	simm.s32 @p1 $0x1  }
0x15: {  	[smem:$0x3FB6] =	sst s0;
	s0 =	simm.s32 @!p2 $0x0  }
0x16: {  	s3 =	sld [smem:$0x3FDB];
	s0 =	simm.s32 @p2 $0x1  }
0x17: {  	s4 =	simm.s32 $0x1BF5;
	[smem:$0x3FB8] =	sst s0  }
0x18: {  	s0 =	sld [smem:$0x3F9B];
	_ =	swait.ge [sflag:s4], $0x0  }
0x19: {  	s7 =	sld [smem:$0x3F9C]  }
0x1a: {  	s8 =	sadd.s32 $0xFFFFE003, lr  }
0x1b: {  	s9 =	sadd.s32 $0xFFFFFEF7, lr;
	s5 =	simm.s32 $0xFFFFFFFF;
	p2 =	slt.u32 s8, $0xFFFFF086  }
0x1c: {  	p1 =	slt.u32 s9, $0xF7A;
	s5 =	simm.s32 @!p2 $0x0  }
0x1d: {  	s5 =	simm.s32 @p1 $0x1;
	p0 =	seq.s32 s7, s2  }
0x1e: {  	s7 =	smul.u32 @!p0 $0xF7A, s2;
	p2 =	seq.s32 @!p0 s5, $0x0  }
0x1f: {  	s9 =	smul.u32 $0xF7A, s1;
	s8 =	simm.s32 @!p0 $0x1BF5;
	p2 =	por !p2, p0  }
0x20: {  	[sflag:s8] =	ssyncset.s32 @!p0 $0xFFFFF086;
	s6 =	sadd.s32 @!p0 s3, s7;
	s7 =	simm.s32 @!p0 $0x108  }
0x21: {  	s3 =	sadd.s32 s3, s9;
	s6 =	sadd.s32 @!p0 $0x88, s6;
	s7 =	simm.s32 @p2 $0x1082  }
0x22: {  	[simem:s7], [sflag:s8] =	dma.local @!p0 [hbm:s6], $0xF7A  }
0x23: {  	s9 =	sor.u32 $0xD0000000, s2;
	s6 =	simm.s32 $0x108;
	_ =	swait.ge @!p0 [sflag:s8], $0x0  }
0x24: {  	s3 =	sadd.s32 $0x88, s3;
	s6 =	simm.s32 @!p1 $0x1082;
	[sflag:s4] =	ssyncset.s32 $0xFFFFF086  }
0x25: {  	[simem:s6], [sflag:s4] =	dma.local [hbm:s3], $0xF7A  }
0x26: {  	[smem:$0x3F9C] =	sst s1;
	(tag) =	ssettag s2;
	_ =	strace s9  }
0x27: {  	s1 =	sld [smem:$0x3FAC]  }
0x28: {  	s2 =	sld [smem:$0x3FAD]  }
0x29: {  	s4 =	sld [smem:$0x3FAF]  }
0x2a: {  	p0 =	seq.s32 s5, $0x0;
	s5 =	sld [smem:$0x3FB0]  }
0x2b: {  	s6 =	sld [smem:$0x3FB1]  }
0x2c: {  	s7 =	sld [smem:$0x3FB2]  }
0x2d: {  	s3 =	simm.s32 $0x108;
	s8 =	sld [smem:$0x3FB3]  }
0x2e: {  	s3 =	simm.s32 @!p0 $0x1082;
	s9 =	sld [smem:$0x3FB4]  }
0x2f: {  	lr =	sadd.s32 s0, s3;
	s0 =	sld [smem:$0x3FAB]  }
0x30: {  	s3 =	sld [smem:$0x3FAE]  }
0x31: {  	[smem:$0x3FB7] =	sst s10  }
0x32: {  	s10 =	sld [smem:$0x3FB5];
	_ =	sdelay $0x3  }
0x33: {  	p0 =	seq.s32 s10, $0x1;
	s10 =	sld [smem:$0x3FB7];
	_ =	sdelay $0x3  }
0x34: {  	[smem:$0x3FB7] =	sst s10  }
0x35: {  	s10 =	sld [smem:$0x3FB6];
	_ =	sdelay $0x3  }
0x36: {  	p1 =	seq.s32 s10, $0x1;
	s10 =	sld [smem:$0x3FB7];
	_ =	sdelay $0x3  }
0x37: {  	[smem:$0x3FB7] =	sst s10  }
0x38: {  	s10 =	sld [smem:$0x3FB8]  }
0x39: {  	_ = 	snop;
	(pc) =	sbr.ind lr, $3  }
0x3a: {  	_ = 	snop  }
0x3b: {  	_ = 	snop  }
0x3c: {  	p2 =	seq.s32 s10, $0x1;
	s10 =	sld [smem:$0x3FB7]  }
0x3d: {  	_ =	shalt  }
0x3e: {  	_ =	shalt  }
0x3f: {  	_ =	shalt  }
0x40: {  	_ =	shalt  }
0x41: {  	_ =	shalt  }
0x42: {  	_ =	shalt  }
0x43: {  	_ =	shalt  }
0x44: {  	_ =	shalt  }
0x45: {  	_ =	shalt  }
0x46: {  	_ =	shalt  }
0x47: {  	_ =	shalt  }
0x48: {  	_ =	shalt  }
0x49: {  	_ =	shalt  }
0x4a: {  	_ =	shalt  }
0x4b: {  	_ =	shalt  }
0x4c: {  	_ =	shalt  }
0x4d: {  	_ =	shalt  }
0x4e: {  	_ =	shalt  }
0x4f: {  	_ =	shalt  }
0x50: {  	_ =	shalt  }
0x51: {  	_ =	shalt  }
0x52: {  	_ =	shalt  }
0x53: {  	_ =	shalt  }
0x54: {  	_ =	shalt  }
0x55: {  	_ =	shalt  }
0x56: {  	_ =	shalt  }
0x57: {  	_ =	shalt  }
0x58: {  	_ =	shalt  }
0x59: {  	_ =	shalt  }
0x5a: {  	_ =	shalt  }
0x5b: {  	_ =	shalt  }
0x5c: {  	_ =	shalt  }
0x5d: {  	_ =	shalt  }
0x5e: {  	_ =	shalt  }
0x5f: {  	_ =	shalt  }
0x60: {  	_ =	shalt  }
0x61: {  	_ =	shalt  }
0x62: {  	_ =	shalt  }
0x63: {  	_ =	shalt  }
0x64: {  	_ =	shalt  }
0x65: {  	_ =	shalt  }
0x66: {  	_ =	shalt  }
0x67: {  	_ =	shalt  }
0x68: {  	_ =	shalt  }
0x69: {  	_ =	shalt  }
0x6a: {  	_ =	shalt  }
0x6b: {  	_ =	shalt  }
0x6c: {  	_ =	shalt  }
0x6d: {  	_ =	shalt  }
0x6e: {  	_ =	shalt  }
0x6f: {  	_ =	shalt  }
0x70: {  	_ =	shalt  }
0x71: {  	_ =	shalt  }
0x72: {  	_ =	shalt  }
0x73: {  	_ =	shalt  }
0x74: {  	_ =	shalt  }
0x75: {  	_ =	shalt  }
0x76: {  	_ =	shalt  }
0x77: {  	_ =	shalt  }
0x78: {  	_ =	shalt  }
0x79: {  	_ =	shalt  }
0x7a: {  	_ =	shalt  }
0x7b: {  	_ =	shalt  }
0x7c: {  	_ =	shalt  }
0x7d: {  	_ =	shalt  }
0x7e: {  	_ =	shalt  }
0x7f: {  	_ =	shalt  }
0x80: {  	_ =	shalt  }
0x81: {  	_ =	shalt  }
0x82: {  	_ =	shalt  }
0x83: {  	_ =	shalt  }
0x84: {  	_ =	shalt  }
0x85: {  	_ =	shalt  }
0x86: {  	_ =	shalt  }
0x87: {  	_ =	shalt  }
.Lfunc_end0:
.L_simem_size_0:
called_computation.1_lowered:
.L_overlay_start_0:
0x88: {  	s2 =	sld [smem:$0x3FD9]  }
0x89: {  	s3 =	sld [smem:$0x3FFE];
	_ =	sdelay $0x1  }
0x8a: {  	s1 =	srdreg.scid  }
0x8b: {  	s0 =	sand.u32 $0x1, s1  }
0x8c: {  	s17 =	sshll.u32 s0, $0xA;
	s2 =	sadd.s32 s3, s2  }
0x8d: {  	s2 =	sadd.s32 s2, s17  }
0x8e: {  	[smem:$0x3FC3] =	sst s2  }
0x8f: {  	_ = 	snop  }
0x90: {  	s2 =	sld [smem:$0x3FD0];
	(tm) =	ssettm $0x1  }
0x91: {  	s18 =	sld [smem:$0x3FFB];
	_ =	sdelay $0x3  }
0x92: {  	_ =	strace s18  }
0x93: {  	s3 =	sld [smem:$0x3FFC];
	_ =	sdelay $0x3  }
0x94: {  	_ =	strace s3  }
0x95: {  	s3 =	sld [smem:$0x3FFD];
	_ =	sdelay $0x3  }
0x96: {  	_ =	strace s3  }
0x97: {  	_ =	strace $0x8FFFFFFF  }
0x98: {  	s19 =	sld [smem:$0x3FDB];
	_ =	sdelay $0x1  }
0x99: {  	s4 =	simm.s32 $_scs_section_size  }
0x9a: {  	s5 =	simm.s32 $_size__tile_overlayer_lowered;
	s6 =	simm.s32 $_tile_overlayer_lowered  }
0x9b: {  	s22 =	simm.s32 $0x1BFF;
	s21 =	sshll.u32 s6, $0x1;
	s3 =	sadd.s32 s4, s19  }
0x9c: {  	s7 =	simm.s32 $0x0;
	s20 =	sshll.u32 s5, $0x1;
	s5 =	sadd.s32 s21, s3  }
0x9d: {  	[timem:s7], [sflag:s22] =	dma.local [hbm:s5], s20  }
0x9e: {  	_ =	swait.ge [sflag:s22], s20  }
0x9f: {  	s4 =	ssub.s32 $0x0, s20;
	[sflag:s22] =	ssyncset.done $0x0  }
0xa0: {  	[sflag:s22] =	ssyncadd.s32 s4;
	_ =	sdelay $0x1  }
0xa1: {  	s23 =	simm.s32 $0x1B8B  }
0xa2: {  	_ =	swait.ge [sflag:s23], $0x1  }
0xa3: {  	[sflag:s23] =	ssyncset.done $0x0  }
0xa4: {  	s25 =	simm.s32 $0x1B8E;
	s24 =	sld [smem:$0x3FFE];
	[sflag:s23] =	ssyncadd.s32 $0xFFFFFFFF  }
0xa5: {  	s26 =	simm.s32 $execute0_lowered;
	[smem:$0x3FD2] =	sst s25  }
0xa6: {  	s5 =	sshll.u32 s26, $0x1;
	_ =	strace $0x80000049;
	[dreg:$0x1] =	wrdreg $0xFFFFFFFF  }
0xa7: {  	s28 =	simm.s32 $_size_execute0_lowered;
	s3 =	sadd.s32 s3, s5;
	[dreg:$0x0] =	wrdreg $0x0  }
0xa8: {  	s5 =	sshll.u32 s28, $0x1;
	[dreg:$0x2] =	wrdreg s3  }
0xa9: {  	[dreg:$0x3] =	wrdreg s5  }
0xaa: {  	[dreg:$0x4] =	wrdreg $0xC0  }
0xab: {  	_ =	task [dreg:s7], $0x5FFFF  }
0xac: {  	[dreg:$0x1] =	wrdreg $0xFFFFFFFF  }
0xad: {  	[dreg:$0x0] =	wrdreg $0x60  }
0xae: {  	[dreg:$0x2] =	wrdreg s24  }
0xaf: {  	[dreg:$0x3] =	wrdreg s2  }
0xb0: {  	[dreg:$0x4] =	wrdreg $0x9  }
0xb1: {  	_ =	task.clear_ibuf [dreg:s7], $0x5FFFF;
	_ =	strace $0x90000049  }
0xb2: {  	s29 =	simm.s32 $0x9;
	_ =	strace $0x8000004B  }
0xb3: {  	_ =	swait.ge [sflag:s29], $0x1  }
0xb4: {  	[sflag:s29] =	ssyncadd.s32 $0xFFFFFFFF  }
0xb5: {  	_ =	strace $0x9000004B  }
0xb6: {  	_ =	sfence  }
0xb7: {  	s30 =	sld [smem:$0x0];
	_ =	sdelay $0x2  }
0xb8: {  	s31 =	sshll.u32 s1, $0xD;
	s1 =	sshrl.u32 s1, $0x2  }
0xb9: {  	s3 =	sand.u32 $0x4000, s31;
	s1 =	sadd.s32 s1, s30  }
0xba: {  	s0 =	sor.u32 s3, s0;
	s1 =	sshll.u32 s1, $0x11  }
0xbb: {  	s0 =	sor.u32 s1, s0  }
0xbc: {  	s0 =	sadd.s32 $0x8F2B, s0  }
0xbd: {  	[sflag:s0] =	ssyncadd.remote.s32 $0x1  }
0xbe: {  	_ =	sfence.sel $0xFFFF  }
0xbf: {  	[dreg:$0x0] =	wrdreg $0xFFFFFFFF;
	(pc) =	sbr.abs _section_cstart, $3  }
0xc0: {  	[dreg:$0x1] =	wrdreg $0xFFFFFFFF  }
0xc1: {  	_ =	task.clear_ibuf [dreg:s7], $0x2FFFF;
	_ =	strace $0x9FFFFFFF  }
0xc2: {  	(tm) =	ssettm $0x7FFFFFFF  }
0xc3: {  	_ =	shalt  }
tec
execute0_lowered:
.L_overlay_start_1:
0x0: {  	(tag) =	ssettag $0x1  }
0x1: {  	s0 =	rddreg [dreg:$0x0]  }
0x2: {  	s1 =	rddreg [dreg:$0x1];
	s2 =	simm.s32 $0x0  }
0x3: {  	s3 =	srdreg.scid;
	s7 =	stileid.u32;
	s13 =	simm.s32 $0x2  }
0x4: {  	s15 =	simm.s32 $0x100;
	s16 =	simm.s32 $0x180;
	s17 =	simm.s32 $0x200  }
0x5: {  	s14 =	simm.s32 $0x11A00;
	s18 =	simm.s32 $0x12200;
	s12 =	simm.s32 $0x15A00  }
0x6: {  	s28 =	simm.s32 $0x17A00;
	s29 =	simm.s32 $0x0;
	[smem:$0x7FF] =	sst s2  }
0x7: {  	s4 =	sand.u32 $0x1, s3;
	s6 =	sadd.s32 $0x240600, s0;
	s20 =	sshll.u32 s7, $0x9  }
0x8: {  	s19 =	sshll.u32 s7, $0x8;
	s21 =	sadd.s32 $0x240A00, s0;
	s3 =	sadd.s32 $0x240E00, s0  }
0x9: {  	s7 =	simm.s32 $0x10200;
	_ =	strace $0x8000004A;
	s5 =	sshll.u32 s4, $0x7  }
0xa: {  	s8 =	sand.u32 $0x1C00, s20;
	s4 =	ssub.s32 $0x2, s4;
	s20 =	simm.s32 $0x13200  }
0xb: {  	s5 =	sor.u32 s5, s19;
	s22 =	sshrl.u32 s4, $0x1;
	s19 =	simm.s32 $0x12A00  }
0xc: {  	s9 =	sand.u32 $0x180, s5;
	s5 =	sshrl.u32 s5, $0x3;
	s4 =	ssub.s32 s4, s22  }
0xd: {  	s22 =	simm.s32 $0x15200;
	s8 =	sor.u32 s8, s9;
	s10 =	smul.u32 $0x1800, s5  }
0xe: {  	s5 =	smul.u32 $0x300, s5;
	s31 =	smax.u32 s4, $0x1;
	s8 =	sshrl.u32 s8, $0x3  }
0xf: {  	s9 =	sadd.s32 $0x241000, s0;
	[dreg:$0x9] =	wrdreg s31;
	s23 =	sor.u32 $0x40, s8  }
0x10: {  	s11 =	sadd.s32 s6, s8;
	s24 =	sadd.s32 s21, s8;
	s26 =	sshrl.u32 s10, $0x3  }
0x11: {  	s8 =	sadd.s32 $0x240F00, s0;
	s10 =	simm.s32 $0x13A00;
	[dreg:$0x3] =	wrdreg s11  }
0x12: {  	s6 =	sadd.s32 s6, s23;
	[dreg:$0x5] =	wrdreg s24;
	s25 =	sadd.s32 s21, s23  }
0x13: {  	s30 =	sadd.s32 s1, s26;
	s1 =	sadd.s32 s1, s5;
	s21 =	simm.s32 $0x14200  }
0x14: {  	s11 =	simm.s32 $0x14A00;
	s23 =	simm.s32 $0x16200;
	[dreg:$0x4] =	wrdreg s6  }
0x15: {  	v2 =	vlaneseq.u32;
	s24 =	simm.s32 $0x16A00;
	s26 =	simm.s32 $0x17200;
	[dreg:$0x6] =	wrdreg s25  }
0x16: {  	vm0 =	vmmov $0xffff;
	v1 =	vshrl.u32 v2, $0x3;
	[dreg:$0x7] =	wrdreg s1;
	s0 =	sadd.s32 $0x1800, s30;
	s25 =	simm.s32 $0x1  }
0x17: {  	v0 =	vand.u32 $0x7, v2;
	v2 =	vor.u32 $0x8, v2;
	v1 =	vmul.u32 $0x8, v1;
	s1 =	simm.s32 $0x11200;
	[dreg:$0x8] =	wrdreg s0;
	s0 =	simm.s32 $0x10A00  }
.LBB2_1:
0x18: {  	s4 =	rddreg [dreg:$0x3]  }
0x19: {  	[tilespmem:s2], [sflag:$0x2] =	stream.linear.gather [hbm4b:s4+s2], $0x80, $0x38;
	[tilespmem:$0x18200] =	vst v63  }
0x1a: {  	_ =	swait.ge [sflag:s13], $0x80  }
0x1b: {  	[sflag:s13] =	ssyncset.done $0x0  }
0x1c: {  	s5 =	simm.s32 $0x80;
	s31 =	rddreg [dreg:$0x4];
	[sflag:s13] =	ssyncadd.s32 $0xFFFFFF80  }
0x1d: {  	[tilespmem:s5], [sflag:$0x2] =	stream.linear.gather [hbm4b:s31+s2], $0x80, $0x38;
	[tilespmem:$0x18200] =	vst v63  }
0x1e: {  	_ =	swait.ge [sflag:s13], $0x80  }
0x1f: {  	[sflag:s13] =	ssyncset.done $0x0  }
0x20: {  	s6 =	rddreg [dreg:$0x5];
	[sflag:s13] =	ssyncadd.s32 $0xFFFFFF80  }
0x21: {  	[tilespmem:s15], [sflag:$0x2] =	stream.linear.gather [hbm4b:s6+s2], $0x80, $0x38;
	[tilespmem:$0x18200] =	vst v63  }
0x22: {  	_ =	swait.ge [sflag:s13], $0x80  }
0x23: {  	[sflag:s13] =	ssyncset.done $0x0  }
0x24: {  	s31 =	rddreg [dreg:$0x6];
	[sflag:s13] =	ssyncadd.s32 $0xFFFFFF80  }
0x25: {  	[tilespmem:s16], [sflag:$0x2] =	stream.linear.gather [hbm4b:s31+s2], $0x80, $0x38;
	[tilespmem:$0x18200] =	vst v63  }
0x26: {  	_ =	swait.ge [sflag:s13], $0x80  }
0x27: {  	[sflag:s13] =	ssyncset.done $0x0  }
0x28: {  	[sflag:s13] =	ssyncadd.s32 $0xFFFFFF80  }
0x29: {  	v3 =	vld [tilespmem:$0x0];
	_ =	sdelay $0x4  }
0x2a: {  	v4 =	vshrl.u32 v3, $0x3  }
0x2b: {  	v4 =	vmul.u32 $0x30, v4  }
0x2c: {  	v3 =	vand.u32 $0x7, v3  }
0x2d: {  	v3 =	vor.u32 v3, v4  }
0x2e: {  	v4 =	vperm.xlane v3, v0;
	_ =	sdelay $0x1  }
0x2f: {  	v4 =	vadd.s32 v1, v4;
	_ =	sdelay $0x3  }
0x30: {  	v3 =	vperm.xlane v3, v2  }
0x31: {  	[tilespmem:s17], [sflag:$0x1] =	stream.indirect_vreg.gather [hbm4b:s3+s2], $0x80, v4, vm0, $0xb8;
	[tilespmem:$0x18200] =	vst v63  }
0x32: {  	s5 =	simm.s32 $0xA00;
	v3 =	vadd.s32 v1, v3  }
0x33: {  	[tilespmem:s5], [sflag:$0x1] =	stream.indirect_vreg.gather [hbm4b:s8+s2], $0x80, v4, vm0, $0xb8;
	[tilespmem:$0x18200] =	vst v63  }
0x34: {  	s6 =	simm.s32 $0x1200  }
0x35: {  	[tilespmem:s6], [sflag:$0x1] =	stream.indirect_vreg.gather [hbm4b:s9+s2], $0x80, v4, vm0, $0xb8;
	[tilespmem:$0x18200] =	vst v63  }
0x36: {  	s31 =	simm.s32 $0x1A00  }
0x37: {  	[tilespmem:s31], [sflag:$0x1] =	stream.indirect_vreg.gather [hbm4b:s3+s2], $0x80, v3, vm0, $0xb8;
	[tilespmem:$0x18200] =	vst v63  }
0x38: {  	s5 =	simm.s32 $0x2200  }
0x39: {  	[tilespmem:s5], [sflag:$0x1] =	stream.indirect_vreg.gather [hbm4b:s8+s2], $0x80, v3, vm0, $0xb8;
	[tilespmem:$0x18200] =	vst v63  }
0x3a: {  	s6 =	simm.s32 $0x2A00  }
0x3b: {  	[tilespmem:s6], [sflag:$0x1] =	stream.indirect_vreg.gather [hbm4b:s9+s2], $0x80, v3, vm0, $0xb8;
	[tilespmem:$0x18200] =	vst v63  }
0x3c: {  	v3 =	vld [tilespmem:$0x10];
	_ =	sdelay $0x4  }
0x3d: {  	v4 =	vshrl.u32 v3, $0x3  }
0x3e: {  	v4 =	vmul.u32 $0x30, v4  }
0x3f: {  	v3 =	vand.u32 $0x7, v3  }
0x40: {  	v3 =	vor.u32 v3, v4  }
0x41: {  	v4 =	vperm.xlane v3, v0;
	_ =	sdelay $0x1  }
0x42: {  	v4 =	vadd.s32 v1, v4;
	_ =	sdelay $0x3  }
0x43: {  	s31 =	simm.s32 $0x3200;
	v3 =	vperm.xlane v3, v2  }
0x44: {  	[tilespmem:s31], [sflag:$0x1] =	stream.indirect_vreg.gather [hbm4b:s3+s2], $0x80, v4, vm0, $0xb8;
	[tilespmem:$0x18200] =	vst v63  }
0x45: {  	s5 =	simm.s32 $0x3A00;
	v3 =	vadd.s32 v1, v3  }
0x46: {  	[tilespmem:s5], [sflag:$0x1] =	stream.indirect_vreg.gather [hbm4b:s8+s2], $0x80, v4, vm0, $0xb8;
	[tilespmem:$0x18200] =	vst v63  }
0x47: {  	s6 =	simm.s32 $0x4200  }
0x48: {  	[tilespmem:s6], [sflag:$0x1] =	stream.indirect_vreg.gather [hbm4b:s9+s2], $0x80, v4, vm0, $0xb8;
	[tilespmem:$0x18200] =	vst v63  }
0x49: {  	s31 =	simm.s32 $0x4A00  }
0x4a: {  	[tilespmem:s31], [sflag:$0x1] =	stream.indirect_vreg.gather [hbm4b:s3+s2], $0x80, v3, vm0, $0xb8;
	[tilespmem:$0x18200] =	vst v63  }
0x4b: {  	s5 =	simm.s32 $0x5200  }
0x4c: {  	[tilespmem:s5], [sflag:$0x1] =	stream.indirect_vreg.gather [hbm4b:s8+s2], $0x80, v3, vm0, $0xb8;
	[tilespmem:$0x18200] =	vst v63  }
0x4d: {  	s6 =	simm.s32 $0x5A00  }
0x4e: {  	[tilespmem:s6], [sflag:$0x1] =	stream.indirect_vreg.gather [hbm4b:s9+s2], $0x80, v3, vm0, $0xb8;
	[tilespmem:$0x18200] =	vst v63  }
0x4f: {  	v3 =	vld [tilespmem:$0x20];
	_ =	sdelay $0x4  }
0x50: {  	v4 =	vshrl.u32 v3, $0x3  }
0x51: {  	v4 =	vmul.u32 $0x30, v4  }
0x52: {  	v3 =	vand.u32 $0x7, v3  }
0x53: {  	v3 =	vor.u32 v3, v4  }
0x54: {  	v4 =	vperm.xlane v3, v0;
	_ =	sdelay $0x1  }
0x55: {  	v4 =	vadd.s32 v1, v4;
	_ =	sdelay $0x3  }
0x56: {  	s31 =	simm.s32 $0x6200;
	v3 =	vperm.xlane v3, v2  }
0x57: {  	[tilespmem:s31], [sflag:$0x1] =	stream.indirect_vreg.gather [hbm4b:s3+s2], $0x80, v4, vm0, $0xb8;
	[tilespmem:$0x18200] =	vst v63  }
0x58: {  	s5 =	simm.s32 $0x6A00;
	v3 =	vadd.s32 v1, v3  }
0x59: {  	[tilespmem:s5], [sflag:$0x1] =	stream.indirect_vreg.gather [hbm4b:s8+s2], $0x80, v4, vm0, $0xb8;
	[tilespmem:$0x18200] =	vst v63  }
0x5a: {  	s6 =	simm.s32 $0x7200  }
0x5b: {  	[tilespmem:s6], [sflag:$0x1] =	stream.indirect_vreg.gather [hbm4b:s9+s2], $0x80, v4, vm0, $0xb8;
	[tilespmem:$0x18200] =	vst v63  }
0x5c: {  	s31 =	simm.s32 $0x7A00  }
0x5d: {  	[tilespmem:s31], [sflag:$0x1] =	stream.indirect_vreg.gather [hbm4b:s3+s2], $0x80, v3, vm0, $0xb8;
	[tilespmem:$0x18200] =	vst v63  }
0x5e: {  	s5 =	simm.s32 $0x8200  }
0x5f: {  	[tilespmem:s5], [sflag:$0x1] =	stream.indirect_vreg.gather [hbm4b:s8+s2], $0x80, v3, vm0, $0xb8;
	[tilespmem:$0x18200] =	vst v63  }
0x60: {  	s6 =	simm.s32 $0x8A00  }
0x61: {  	[tilespmem:s6], [sflag:$0x1] =	stream.indirect_vreg.gather [hbm4b:s9+s2], $0x80, v3, vm0, $0xb8;
	[tilespmem:$0x18200] =	vst v63  }
0x62: {  	v3 =	vld [tilespmem:$0x30];
	_ =	sdelay $0x4  }
0x63: {  	v4 =	vshrl.u32 v3, $0x3  }
0x64: {  	v4 =	vmul.u32 $0x30, v4  }
0x65: {  	v3 =	vand.u32 $0x7, v3  }
0x66: {  	v3 =	vor.u32 v3, v4  }
0x67: {  	v4 =	vperm.xlane v3, v0;
	_ =	sdelay $0x1  }
0x68: {  	v4 =	vadd.s32 v1, v4;
	_ =	sdelay $0x3  }
0x69: {  	s31 =	simm.s32 $0x9200;
	v3 =	vperm.xlane v3, v2  }
0x6a: {  	[tilespmem:s31], [sflag:$0x1] =	stream.indirect_vreg.gather [hbm4b:s3+s2], $0x80, v4, vm0, $0xb8;
	[tilespmem:$0x18200] =	vst v63  }
0x6b: {  	s5 =	simm.s32 $0x9A00;
	v3 =	vadd.s32 v1, v3  }
0x6c: {  	[tilespmem:s5], [sflag:$0x1] =	stream.indirect_vreg.gather [hbm4b:s8+s2], $0x80, v4, vm0, $0xb8;
	[tilespmem:$0x18200] =	vst v63  }
0x6d: {  	s6 =	simm.s32 $0xA200  }
0x6e: {  	[tilespmem:s6], [sflag:$0x1] =	stream.indirect_vreg.gather [hbm4b:s9+s2], $0x80, v4, vm0, $0xb8;
	[tilespmem:$0x18200] =	vst v63  }
0x6f: {  	s31 =	simm.s32 $0xAA00  }
0x70: {  	[tilespmem:s31], [sflag:$0x1] =	stream.indirect_vreg.gather [hbm4b:s3+s2], $0x80, v3, vm0, $0xb8;
	[tilespmem:$0x18200] =	vst v63  }
0x71: {  	s5 =	simm.s32 $0xB200  }
0x72: {  	[tilespmem:s5], [sflag:$0x1] =	stream.indirect_vreg.gather [hbm4b:s8+s2], $0x80, v3, vm0, $0xb8;
	[tilespmem:$0x18200] =	vst v63  }
0x73: {  	s6 =	simm.s32 $0xBA00  }
0x74: {  	[tilespmem:s6], [sflag:$0x1] =	stream.indirect_vreg.gather [hbm4b:s9+s2], $0x80, v3, vm0, $0xb8;
	[tilespmem:$0x18200] =	vst v63  }
0x75: {  	_ =	swait.ge [sflag:s25], $0xC000  }
0x76: {  	[sflag:s25] =	ssyncset.done $0x0  }
0x77: {  	[sflag:s25] =	ssyncadd.s32 $0xFFFF4000  }
0x78: {  	v3 =	vld [tilespmem:$0x80];
	_ =	sdelay $0x4  }
0x79: {  	v4 =	vshrl.u32 v3, $0x3  }
0x7a: {  	v4 =	vmul.u32 $0x30, v4  }
0x7b: {  	v3 =	vand.u32 $0x7, v3  }
0x7c: {  	v3 =	vor.u32 v3, v4  }
0x7d: {  	v4 =	vperm.xlane v3, v0;
	_ =	sdelay $0x1  }
0x7e: {  	v4 =	vadd.s32 v1, v4;
	_ =	sdelay $0x3  }
0x7f: {  	s31 =	simm.s32 $0xC200;
	v3 =	vperm.xlane v3, v2  }
0x80: {  	[tilespmem:s31], [sflag:$0x1] =	stream.indirect_vreg.gather [hbm4b:s3+s2], $0x80, v4, vm0, $0xb8;
	[tilespmem:$0x18200] =	vst v63  }
0x81: {  	s5 =	simm.s32 $0xCA00;
	v3 =	vadd.s32 v1, v3  }
0x82: {  	[tilespmem:s5], [sflag:$0x1] =	stream.indirect_vreg.gather [hbm4b:s8+s2], $0x80, v4, vm0, $0xb8;
	[tilespmem:$0x18200] =	vst v63  }
0x83: {  	s6 =	simm.s32 $0xD200  }
0x84: {  	[tilespmem:s6], [sflag:$0x1] =	stream.indirect_vreg.gather [hbm4b:s9+s2], $0x80, v4, vm0, $0xb8;
	[tilespmem:$0x18200] =	vst v63  }
0x85: {  	s31 =	simm.s32 $0xDA00  }
0x86: {  	[tilespmem:s31], [sflag:$0x1] =	stream.indirect_vreg.gather [hbm4b:s3+s2], $0x80, v3, vm0, $0xb8;
	[tilespmem:$0x18200] =	vst v63  }
0x87: {  	s5 =	simm.s32 $0xE200  }
0x88: {  	[tilespmem:s5], [sflag:$0x1] =	stream.indirect_vreg.gather [hbm4b:s8+s2], $0x80, v3, vm0, $0xb8;
	[tilespmem:$0x18200] =	vst v63  }
0x89: {  	s6 =	simm.s32 $0xEA00  }
0x8a: {  	[tilespmem:s6], [sflag:$0x1] =	stream.indirect_vreg.gather [hbm4b:s9+s2], $0x80, v3, vm0, $0xb8;
	[tilespmem:$0x18200] =	vst v63  }
0x8b: {  	v3 =	vld [tilespmem:$0x90];
	_ =	sdelay $0x4  }
0x8c: {  	v4 =	vshrl.u32 v3, $0x3  }
0x8d: {  	v4 =	vmul.u32 $0x30, v4  }
0x8e: {  	v3 =	vand.u32 $0x7, v3  }
0x8f: {  	v3 =	vor.u32 v3, v4  }
0x90: {  	v4 =	vperm.xlane v3, v0;
	_ =	sdelay $0x1  }
0x91: {  	v4 =	vadd.s32 v1, v4;
	_ =	sdelay $0x3  }
0x92: {  	s31 =	simm.s32 $0xF200;
	v3 =	vperm.xlane v3, v2  }
0x93: {  	[tilespmem:s31], [sflag:$0x1] =	stream.indirect_vreg.gather [hbm4b:s3+s2], $0x80, v4, vm0, $0xb8;
	[tilespmem:$0x18200] =	vst v63  }
0x94: {  	s5 =	simm.s32 $0xFA00;
	v3 =	vadd.s32 v1, v3  }
0x95: {  	[tilespmem:s5], [sflag:$0x1] =	stream.indirect_vreg.gather [hbm4b:s8+s2], $0x80, v4, vm0, $0xb8;
	[tilespmem:$0x18200] =	vst v63  }
0x96: {  	_ = 	snop  }
0x97: {  	[tilespmem:s7], [sflag:$0x1] =	stream.indirect_vreg.gather [hbm4b:s9+s2], $0x80, v4, vm0, $0xb8;
	[tilespmem:$0x18200] =	vst v63  }
0x98: {  	_ = 	snop  }
0x99: {  	[tilespmem:s0], [sflag:$0x1] =	stream.indirect_vreg.gather [hbm4b:s3+s2], $0x80, v3, vm0, $0xb8;
	[tilespmem:$0x18200] =	vst v63  }
0x9a: {  	_ = 	snop  }
0x9b: {  	[tilespmem:s1], [sflag:$0x1] =	stream.indirect_vreg.gather [hbm4b:s8+s2], $0x80, v3, vm0, $0xb8;
	[tilespmem:$0x18200] =	vst v63  }
0x9c: {  	_ = 	snop  }
0x9d: {  	[tilespmem:s14], [sflag:$0x1] =	stream.indirect_vreg.gather [hbm4b:s9+s2], $0x80, v3, vm0, $0xb8;
	[tilespmem:$0x18200] =	vst v63  }
0x9e: {  	v3 =	vld [tilespmem:$0xA0];
	_ =	sdelay $0x4  }
0x9f: {  	v4 =	vshrl.u32 v3, $0x3  }
0xa0: {  	v4 =	vmul.u32 $0x30, v4  }
0xa1: {  	v3 =	vand.u32 $0x7, v3  }
0xa2: {  	v3 =	vor.u32 v3, v4  }
0xa3: {  	v4 =	vperm.xlane v3, v0;
	_ =	sdelay $0x1  }
0xa4: {  	v4 =	vadd.s32 v1, v4;
	_ =	sdelay $0x3  }
0xa5: {  	v3 =	vperm.xlane v3, v2  }
0xa6: {  	[tilespmem:s18], [sflag:$0x1] =	stream.indirect_vreg.gather [hbm4b:s3+s2], $0x80, v4, vm0, $0xb8;
	[tilespmem:$0x18200] =	vst v63  }
0xa7: {  	v3 =	vadd.s32 v1, v3  }
0xa8: {  	[tilespmem:s19], [sflag:$0x1] =	stream.indirect_vreg.gather [hbm4b:s8+s2], $0x80, v4, vm0, $0xb8;
	[tilespmem:$0x18200] =	vst v63  }
0xa9: {  	_ = 	snop  }
0xaa: {  	[tilespmem:s20], [sflag:$0x1] =	stream.indirect_vreg.gather [hbm4b:s9+s2], $0x80, v4, vm0, $0xb8;
	[tilespmem:$0x18200] =	vst v63  }
0xab: {  	_ = 	snop  }
0xac: {  	[tilespmem:s10], [sflag:$0x1] =	stream.indirect_vreg.gather [hbm4b:s3+s2], $0x80, v3, vm0, $0xb8;
	[tilespmem:$0x18200] =	vst v63  }
0xad: {  	_ = 	snop  }
0xae: {  	[tilespmem:s21], [sflag:$0x1] =	stream.indirect_vreg.gather [hbm4b:s8+s2], $0x80, v3, vm0, $0xb8;
	[tilespmem:$0x18200] =	vst v63  }
0xaf: {  	_ = 	snop  }
0xb0: {  	[tilespmem:s11], [sflag:$0x1] =	stream.indirect_vreg.gather [hbm4b:s9+s2], $0x80, v3, vm0, $0xb8;
	[tilespmem:$0x18200] =	vst v63  }
0xb1: {  	v3 =	vld [tilespmem:$0xB0];
	_ =	sdelay $0x4  }
0xb2: {  	v4 =	vshrl.u32 v3, $0x3  }
0xb3: {  	v4 =	vmul.u32 $0x30, v4  }
0xb4: {  	v3 =	vand.u32 $0x7, v3  }
0xb5: {  	v3 =	vor.u32 v3, v4  }
0xb6: {  	v4 =	vperm.xlane v3, v0;
	_ =	sdelay $0x1  }
0xb7: {  	v4 =	vadd.s32 v1, v4;
	_ =	sdelay $0x3  }
0xb8: {  	v3 =	vperm.xlane v3, v2  }
0xb9: {  	[tilespmem:s22], [sflag:$0x1] =	stream.indirect_vreg.gather [hbm4b:s3+s2], $0x80, v4, vm0, $0xb8;
	[tilespmem:$0x18200] =	vst v63  }
0xba: {  	v3 =	vadd.s32 v1, v3  }
0xbb: {  	[tilespmem:s12], [sflag:$0x1] =	stream.indirect_vreg.gather [hbm4b:s8+s2], $0x80, v4, vm0, $0xb8;
	[tilespmem:$0x18200] =	vst v63  }
0xbc: {  	_ = 	snop  }
0xbd: {  	[tilespmem:s23], [sflag:$0x1] =	stream.indirect_vreg.gather [hbm4b:s9+s2], $0x80, v4, vm0, $0xb8;
	[tilespmem:$0x18200] =	vst v63  }
0xbe: {  	_ = 	snop  }
0xbf: {  	[tilespmem:s24], [sflag:$0x1] =	stream.indirect_vreg.gather [hbm4b:s3+s2], $0x80, v3, vm0, $0xb8;
	[tilespmem:$0x18200] =	vst v63  }
0xc0: {  	_ = 	snop  }
0xc1: {  	[tilespmem:s26], [sflag:$0x1] =	stream.indirect_vreg.gather [hbm4b:s8+s2], $0x80, v3, vm0, $0xb8;
	[tilespmem:$0x18200] =	vst v63  }
0xc2: {  	s6 =	simm.s32 $0x0  }
0xc3: {  	[tilespmem:s28], [sflag:$0x1] =	stream.indirect_vreg.gather [hbm4b:s9+s2], $0x80, v3, vm0, $0xb8;
	[tilespmem:$0x18200] =	vst v63  }
0xc4: {  	s4 =	smul.u32 $0x1800, s6;
	_ =	swait.ge [sflag:s25], $0xC000  }
0xc5: {  	s31 =	sand.u32 $0x380, s2;
	[sflag:s25] =	ssyncset.done $0x0  }
0xc6: {  	s4 =	sor.u32 s31, s4;
	[sflag:s25] =	ssyncadd.s32 $0xFFFF4000  }
0xc7: {  	v4 =	vld [tilespmem:s4+$0x210]  }
0xc8: {  	v3 =	vld [tilespmem:s4+$0xC210]  }
0xc9: {  	v6 =	vld [tilespmem:s4+$0x220]  }
0xca: {  	v5 =	vld [tilespmem:s4+$0xC220]  }
0xcb: {  	v8 =	vld [tilespmem:s4+$0x230]  }
0xcc: {  	v7 =	vld [tilespmem:s4+$0xC230]  }
0xcd: {  	v10 =	vld [tilespmem:s4+$0x240]  }
0xce: {  	v9 =	vld [tilespmem:s4+$0xC240]  }
0xcf: {  	v12 =	vld [tilespmem:s4+$0x250]  }
0xd0: {  	v11 =	vld [tilespmem:s4+$0xC250]  }
0xd1: {  	v13 =	vld [tilespmem:s4+$0x260]  }
0xd2: {  	v14 =	vld [tilespmem:s4+$0x270]  }
0xd3: {  	v15 =	vld [tilespmem:s4+$0x600]  }
0xd4: {  	v16 =	vld [tilespmem:s4+$0x610]  }
0xd5: {  	v17 =	vld [tilespmem:s4+$0x620]  }
0xd6: {  	v18 =	vld [tilespmem:s4+$0x630]  }
0xd7: {  	v19 =	vld [tilespmem:s4+$0x640]  }
0xd8: {  	v20 =	vld [tilespmem:s4+$0x650]  }
0xd9: {  	v21 =	vld [tilespmem:s4+$0x660]  }
0xda: {  	v22 =	vld [tilespmem:s4+$0x670]  }
0xdb: {  	v23 =	vld [tilespmem:s4+$0xA00]  }
0xdc: {  	v24 =	vld [tilespmem:s4+$0xA10]  }
0xdd: {  	v25 =	vld [tilespmem:s4+$0xA20]  }
0xde: {  	v26 =	vld [tilespmem:s4+$0xA30]  }
0xdf: {  	v27 =	vld [tilespmem:s4+$0xA40]  }
0xe0: {  	v28 =	vld [tilespmem:s4+$0xA50]  }
0xe1: {  	v29 =	vld [tilespmem:s4+$0xA60]  }
0xe2: {  	v30 =	vld [tilespmem:s4+$0xA70]  }
0xe3: {  	v32 =	vld [tilespmem:s4+$0xE00]  }
0xe4: {  	v34 =	vld [tilespmem:s4+$0xE10]  }
0xe5: {  	v35 =	vld [tilespmem:s4+$0xE20]  }
0xe6: {  	v36 =	vld [tilespmem:s4+$0xE30]  }
0xe7: {  	v37 =	vld [tilespmem:s4+$0xE40]  }
0xe8: {  	v38 =	vld [tilespmem:s4+$0xE50]  }
0xe9: {  	v39 =	vld [tilespmem:s4+$0xE60]  }
0xea: {  	v40 =	vld [tilespmem:s4+$0xE70]  }
0xeb: {  	v41 =	vld [tilespmem:s4+$0x1200]  }
0xec: {  	v42 =	vld [tilespmem:s4+$0x1210]  }
0xed: {  	v43 =	vld [tilespmem:s4+$0x1220]  }
0xee: {  	v44 =	vld [tilespmem:s4+$0x1230]  }
0xef: {  	v45 =	vld [tilespmem:s4+$0x1240]  }
0xf0: {  	v46 =	vld [tilespmem:s4+$0x1250]  }
0xf1: {  	v47 =	vld [tilespmem:s4+$0x1260]  }
0xf2: {  	v50 =	vmov s2;
	v48 =	vld [tilespmem:s4+$0x1600]  }
0xf3: {  	s30 =	simm.s32 $0x1;
	s5 =	simm.s32 $0x0;
	v49 =	vld [tilespmem:s4+$0x1610]  }
.LBB2_2:
0xf4: {  	p0 =	sne.s32 s30, $0x3F;
	v51 =	vld [tilespmem:s4+$0xD610]  }
0xf5: {  	v52 =	vld [tilespmem:s4+$0xD630]  }
0xf6: {  	v53 =	vld [tilespmem:s4+$0x1620]  }
0xf7: {  	v33 =	vld.idx.msk [tilespmem:v50+s15+$0x0], $0xffff  }
0xf8: {  	v31 =	vld.idx.msk [tilespmem:v50+s16+$0x0], $0xffff  }
0xf9: {  	v50 =	vld [tilespmem:s4+$0x1630]  }
0xfa: {  	v54 =	vld [tilespmem:s4+$0xD620]  }
0xfb: {  	v55 =	vld [tilespmem:s4+$0xD600]  }
0xfc: {  	v56 =	vld [tilespmem:s4+$0x1270]  }
0xfd: {  	v49 =	vmul.f32 v49, v33;
	v53 =	vmul.f32 v53, v33;
	v57 =	vld [tilespmem:s4+$0xD270]  }
0xfe: {  	v52 =	vmul.f32 v52, v31;
	v58 =	vld [tilespmem:s4+$0xD260];
	v50 =	vmul.f32 v50, v33  }
0xff: {  	v51 =	vmul.f32 v51, v31;
	v59 =	vld [tilespmem:s4+$0xD250];
	v54 =	vmul.f32 v54, v31  }
0x100: {  	v48 =	vmul.f32 v48, v33;
	v60 =	vld [tilespmem:s4+$0xD240];
	v55 =	vmul.f32 v55, v31;
	v50 =	vadd.f32 v52, v50  }
0x101: {  	v49 =	vadd.f32 v51, v49;
	v52 =	vld [tilespmem:s4+$0xD230];
	v56 =	vmul.f32 v56, v33;
	v51 =	vadd.f32 v54, v53  }
0x102: {  	v47 =	vmul.f32 v47, v33;
	v53 =	vld [tilespmem:s4+$0xD220];
	v54 =	vmul.f32 v57, v31;
	v48 =	vadd.f32 v55, v48;
	[tilespmem:s4+$0x1630] =	vst v50  }
0x103: {  	v46 =	vmul.f32 v46, v33;
	v50 =	vld [tilespmem:s4+$0xD210];
	v55 =	vmul.f32 v58, v31;
	[tilespmem:s4+$0x1620] =	vst v51  }
0x104: {  	v45 =	vmul.f32 v45, v33;
	v51 =	vld [tilespmem:s4+$0xD200];
	v57 =	vmul.f32 v59, v31;
	v54 =	vadd.f32 v54, v56;
	[tilespmem:s4+$0x1610] =	vst v49  }
0x105: {  	v44 =	vmul.f32 v44, v33;
	v49 =	vld [tilespmem:s4+$0xCE70];
	v56 =	vmul.f32 v60, v31;
	v47 =	vadd.f32 v55, v47;
	[tilespmem:s4+$0x1600] =	vst v48  }
0x106: {  	v43 =	vmul.f32 v43, v33;
	v48 =	vld [tilespmem:s4+$0xCE60];
	v52 =	vmul.f32 v52, v31;
	v46 =	vadd.f32 v57, v46;
	[tilespmem:s4+$0x1270] =	vst v54  }
0x107: {  	v42 =	vmul.f32 v42, v33;
	v54 =	vld [tilespmem:s4+$0xCE50];
	v53 =	vmul.f32 v53, v31;
	v45 =	vadd.f32 v56, v45;
	[tilespmem:s4+$0x1260] =	vst v47  }
0x108: {  	v41 =	vmul.f32 v41, v33;
	v47 =	vld [tilespmem:s4+$0xCE40];
	v50 =	vmul.f32 v50, v31;
	v44 =	vadd.f32 v52, v44;
	[tilespmem:s4+$0x1250] =	vst v46  }
0x109: {  	v40 =	vmul.f32 v40, v33;
	v46 =	vld [tilespmem:s4+$0xCE30];
	v51 =	vmul.f32 v51, v31;
	v43 =	vadd.f32 v53, v43;
	[tilespmem:s4+$0x1240] =	vst v45  }
0x10a: {  	v39 =	vmul.f32 v39, v33;
	v45 =	vld [tilespmem:s4+$0xCE20];
	v49 =	vmul.f32 v49, v31;
	v42 =	vadd.f32 v50, v42;
	[tilespmem:s4+$0x1230] =	vst v44  }
0x10b: {  	v38 =	vmul.f32 v38, v33;
	v44 =	vld [tilespmem:s4+$0xCE10];
	v48 =	vmul.f32 v48, v31;
	v41 =	vadd.f32 v51, v41;
	[tilespmem:s4+$0x1220] =	vst v43  }
0x10c: {  	v37 =	vmul.f32 v37, v33;
	v43 =	vld [tilespmem:s4+$0xCE00];
	v50 =	vmul.f32 v54, v31;
	v40 =	vadd.f32 v49, v40;
	[tilespmem:s4+$0x1210] =	vst v42  }
0x10d: {  	v36 =	vmul.f32 v36, v33;
	v42 =	vld [tilespmem:s4+$0xCA70];
	v47 =	vmul.f32 v47, v31;
	v39 =	vadd.f32 v48, v39;
	[tilespmem:s4+$0x1200] =	vst v41  }
0x10e: {  	v35 =	vmul.f32 v35, v33;
	v41 =	vld [tilespmem:s4+$0xCA60];
	v46 =	vmul.f32 v46, v31;
	v38 =	vadd.f32 v50, v38;
	[tilespmem:s4+$0xE70] =	vst v40  }
0x10f: {  	v34 =	vmul.f32 v34, v33;
	v40 =	vld [tilespmem:s4+$0xCA50];
	v45 =	vmul.f32 v45, v31;
	v37 =	vadd.f32 v47, v37;
	[tilespmem:s4+$0xE60] =	vst v39  }
0x110: {  	v32 =	vmul.f32 v32, v33;
	v39 =	vld [tilespmem:s4+$0xCA40];
	v44 =	vmul.f32 v44, v31;
	v36 =	vadd.f32 v46, v36;
	[tilespmem:s4+$0xE50] =	vst v38  }
0x111: {  	v30 =	vmul.f32 v30, v33;
	v38 =	vld [tilespmem:s4+$0xCA30];
	v43 =	vmul.f32 v43, v31;
	v35 =	vadd.f32 v45, v35;
	[tilespmem:s4+$0xE40] =	vst v37  }
0x112: {  	v29 =	vmul.f32 v29, v33;
	v37 =	vld [tilespmem:s4+$0xCA20];
	v42 =	vmul.f32 v42, v31;
	v34 =	vadd.f32 v44, v34;
	[tilespmem:s4+$0xE30] =	vst v36  }
0x113: {  	v28 =	vmul.f32 v28, v33;
	v36 =	vld [tilespmem:s4+$0xCA10];
	v41 =	vmul.f32 v41, v31;
	v32 =	vadd.f32 v43, v32;
	[tilespmem:s4+$0xE20] =	vst v35  }
0x114: {  	v27 =	vmul.f32 v27, v33;
	v35 =	vld [tilespmem:s4+$0xCA00];
	v40 =	vmul.f32 v40, v31;
	v30 =	vadd.f32 v42, v30;
	[tilespmem:s4+$0xE10] =	vst v34  }
0x115: {  	v26 =	vmul.f32 v26, v33;
	v34 =	vld [tilespmem:s4+$0xC670];
	v39 =	vmul.f32 v39, v31;
	v29 =	vadd.f32 v41, v29;
	[tilespmem:s4+$0xE00] =	vst v32  }
0x116: {  	v25 =	vmul.f32 v25, v33;
	v32 =	vld [tilespmem:s4+$0xC660];
	v38 =	vmul.f32 v38, v31;
	v28 =	vadd.f32 v40, v28;
	[tilespmem:s4+$0xA70] =	vst v30  }
0x117: {  	v24 =	vmul.f32 v24, v33;
	v30 =	vld [tilespmem:s4+$0xC650];
	v37 =	vmul.f32 v37, v31;
	v27 =	vadd.f32 v39, v27;
	[tilespmem:s4+$0xA60] =	vst v29  }
0x118: {  	v23 =	vmul.f32 v23, v33;
	v29 =	vld [tilespmem:s4+$0xC640];
	v36 =	vmul.f32 v36, v31;
	v26 =	vadd.f32 v38, v26;
	[tilespmem:s4+$0xA50] =	vst v28  }
0x119: {  	v22 =	vmul.f32 v22, v33;
	v28 =	vld [tilespmem:s4+$0xC630];
	v35 =	vmul.f32 v35, v31;
	v25 =	vadd.f32 v37, v25;
	[tilespmem:s4+$0xA40] =	vst v27  }
0x11a: {  	v21 =	vmul.f32 v21, v33;
	v27 =	vld [tilespmem:s4+$0xC620];
	v34 =	vmul.f32 v34, v31;
	v24 =	vadd.f32 v36, v24;
	[tilespmem:s4+$0xA30] =	vst v26  }
0x11b: {  	v20 =	vmul.f32 v20, v33;
	v26 =	vld [tilespmem:s4+$0xC610];
	v32 =	vmul.f32 v32, v31;
	v23 =	vadd.f32 v35, v23;
	[tilespmem:s4+$0xA20] =	vst v25  }
0x11c: {  	v19 =	vmul.f32 v19, v33;
	v25 =	vld [tilespmem:s4+$0xC600];
	v30 =	vmul.f32 v30, v31;
	v22 =	vadd.f32 v34, v22;
	[tilespmem:s4+$0xA10] =	vst v24  }
0x11d: {  	v18 =	vmul.f32 v18, v33;
	v24 =	vld [tilespmem:s4+$0xC270];
	v29 =	vmul.f32 v29, v31;
	v21 =	vadd.f32 v32, v21;
	[tilespmem:s4+$0xA00] =	vst v23  }
0x11e: {  	v17 =	vmul.f32 v17, v33;
	v23 =	vld [tilespmem:s4+$0xC260];
	v28 =	vmul.f32 v28, v31;
	v20 =	vadd.f32 v30, v20;
	[tilespmem:s4+$0x670] =	vst v22  }
0x11f: {  	v16 =	vmul.f32 v16, v33;
	v22 =	vmul.f32 v27, v31;
	v19 =	vadd.f32 v29, v19;
	[tilespmem:s4+$0x660] =	vst v21;
	v21 =	vld [tilespmem:s4+$0xD640]  }
0x120: {  	v15 =	vmul.f32 v15, v33;
	v26 =	vmul.f32 v26, v31;
	v18 =	vadd.f32 v28, v18;
	[tilespmem:s4+$0x650] =	vst v20;
	v20 =	vld [tilespmem:s4+$0xD650]  }
0x121: {  	v14 =	vmul.f32 v14, v33;
	v25 =	vmul.f32 v25, v31;
	v17 =	vadd.f32 v22, v17;
	[tilespmem:s4+$0x640] =	vst v19;
	v19 =	vld [tilespmem:s4+$0xD660]  }
0x122: {  	v13 =	vmul.f32 v13, v33;
	v22 =	vmul.f32 v24, v31;
	v16 =	vadd.f32 v26, v16;
	[tilespmem:s4+$0x630] =	vst v18;
	v18 =	vld [tilespmem:s4+$0xD670]  }
0x123: {  	v12 =	vmul.f32 v12, v33;
	v23 =	vmul.f32 v23, v31;
	v15 =	vadd.f32 v25, v15;
	[tilespmem:s4+$0x620] =	vst v17;
	v17 =	vld [tilespmem:s4+$0x1640]  }
0x124: {  	v10 =	vmul.f32 v10, v33;
	v11 =	vmul.f32 v11, v31;
	v14 =	vadd.f32 v22, v14;
	[tilespmem:s4+$0x610] =	vst v16;
	v16 =	vld [tilespmem:s4+$0x1650]  }
0x125: {  	v8 =	vmul.f32 v8, v33;
	v9 =	vmul.f32 v9, v31;
	v13 =	vadd.f32 v23, v13;
	[tilespmem:s4+$0x600] =	vst v15;
	v15 =	vld [tilespmem:s4+$0x1660]  }
0x126: {  	v6 =	vmul.f32 v6, v33;
	v7 =	vmul.f32 v7, v31;
	v11 =	vadd.f32 v11, v12;
	[tilespmem:s4+$0x270] =	vst v14;
	v12 =	vld [tilespmem:s4+$0x1670]  }
0x127: {  	v4 =	vmul.f32 v4, v33;
	v5 =	vmul.f32 v5, v31;
	v9 =	vadd.f32 v9, v10;
	v14 =	vld [tilespmem:s4+$0x200];
	[tilespmem:s4+$0x260] =	vst v13  }
0x128: {  	v3 =	vmul.f32 v3, v31;
	v7 =	vadd.f32 v7, v8;
	v10 =	vld [tilespmem:s4+$0xC200];
	[tilespmem:s4+$0x250] =	vst v11;
	v8 =	vmul.f32 v17, v33  }
0x129: {  	s6 =	sshrl.u32 s30, $0x3;
	v5 =	vadd.f32 v5, v6;
	v6 =	vmul.f32 v21, v31;
	[tilespmem:s4+$0x240] =	vst v9;
	v9 =	vmul.f32 v16, v33  }
0x12a: {  	s5 =	sadd.s32 $0x80, s5;
	s6 =	smul.u32 $0x1800, s6;
	v3 =	vadd.f32 v3, v4;
	v4 =	vmul.f32 v20, v31;
	[tilespmem:s4+$0x230] =	vst v7;
	v7 =	vmul.f32 v15, v33  }
0x12b: {  	s31 =	sand.u32 $0x380, s5;
	[tilespmem:s4+$0x220] =	vst v5;
	v5 =	vadd.f32 v6, v8;
	v6 =	vmul.f32 v19, v31;
	v8 =	vmul.f32 v12, v33  }
0x12c: {  	s6 =	sor.u32 s31, s6;
	v9 =	vadd.f32 v4, v9;
	v12 =	vmul.f32 v18, v31;
	v11 =	vmul.f32 v14, v33;
	[tilespmem:s4+$0x210] =	vst v3  }
0x12d: {  	v4 =	vld [tilespmem:s6+$0x210];
	v10 =	vmul.f32 v10, v31;
	[tilespmem:s4+$0x1640] =	vst v5;
	v5 =	vadd.f32 v6, v7  }
0x12e: {  	v7 =	vadd.f32 v12, v8;
	v3 =	vld [tilespmem:s6+$0xC210];
	[tilespmem:s4+$0x1650] =	vst v9  }
0x12f: {  	v6 =	vld [tilespmem:s6+$0x220];
	v9 =	vadd.f32 v10, v11;
	[tilespmem:s4+$0x1660] =	vst v5  }
0x130: {  	v5 =	vld [tilespmem:s6+$0xC220];
	[tilespmem:s4+$0x1670] =	vst v7  }
0x131: {  	v8 =	vld [tilespmem:s6+$0x230];
	[tilespmem:s4+$0x200] =	vst v9;
	s4 =	smov.u32 s6  }
0x132: {  	v7 =	vld [tilespmem:s4+$0xC230]  }
0x133: {  	v10 =	vld [tilespmem:s4+$0x240]  }
0x134: {  	v9 =	vld [tilespmem:s4+$0xC240]  }
0x135: {  	v12 =	vld [tilespmem:s4+$0x250]  }
0x136: {  	v11 =	vld [tilespmem:s4+$0xC250]  }
0x137: {  	v13 =	vld [tilespmem:s4+$0x260]  }
0x138: {  	v14 =	vld [tilespmem:s4+$0x270]  }
0x139: {  	v15 =	vld [tilespmem:s4+$0x600]  }
0x13a: {  	v16 =	vld [tilespmem:s4+$0x610]  }
0x13b: {  	v17 =	vld [tilespmem:s4+$0x620]  }
0x13c: {  	v18 =	vld [tilespmem:s4+$0x630]  }
0x13d: {  	v19 =	vld [tilespmem:s4+$0x640]  }
0x13e: {  	v20 =	vld [tilespmem:s4+$0x650]  }
0x13f: {  	v21 =	vld [tilespmem:s4+$0x660]  }
0x140: {  	v22 =	vld [tilespmem:s4+$0x670]  }
0x141: {  	v23 =	vld [tilespmem:s4+$0xA00]  }
0x142: {  	v24 =	vld [tilespmem:s4+$0xA10]  }
0x143: {  	v25 =	vld [tilespmem:s4+$0xA20]  }
0x144: {  	v26 =	vld [tilespmem:s4+$0xA30]  }
0x145: {  	v27 =	vld [tilespmem:s4+$0xA40]  }
0x146: {  	v28 =	vld [tilespmem:s4+$0xA50]  }
0x147: {  	v29 =	vld [tilespmem:s4+$0xA60]  }
0x148: {  	v30 =	vld [tilespmem:s4+$0xA70]  }
0x149: {  	v32 =	vld [tilespmem:s4+$0xE00]  }
0x14a: {  	v34 =	vld [tilespmem:s4+$0xE10]  }
0x14b: {  	v35 =	vld [tilespmem:s4+$0xE20]  }
0x14c: {  	v36 =	vld [tilespmem:s4+$0xE30]  }
0x14d: {  	v37 =	vld [tilespmem:s4+$0xE40]  }
0x14e: {  	v38 =	vld [tilespmem:s4+$0xE50]  }
0x14f: {  	v39 =	vld [tilespmem:s4+$0xE60]  }
0x150: {  	v40 =	vld [tilespmem:s4+$0xE70]  }
0x151: {  	v41 =	vld [tilespmem:s4+$0x1200]  }
0x152: {  	v42 =	vld [tilespmem:s4+$0x1210]  }
0x153: {  	v43 =	vld [tilespmem:s4+$0x1220]  }
0x154: {  	v44 =	vld [tilespmem:s4+$0x1230]  }
.Ltmp0:
0x155: {  	v45 =	vld [tilespmem:s4+$0x1240];
	(pc) =	sbr.rel @p0 .LBB2_2-.Ltmp0, $4  }
0x156: {  	v46 =	vld [tilespmem:s4+$0x1250]  }
0x157: {  	v47 =	vld [tilespmem:s4+$0x1260]  }
0x158: {  	v50 =	vmov s30;
	v48 =	vld [tilespmem:s4+$0x1600]  }
0x159: {  	s30 =	sadd.s32 $0x1, s30;
	v49 =	vld [tilespmem:s4+$0x1610]  }
0x15a: {  	_ = 	snop  }
0x15b: {  	v51 =	vld [tilespmem:s4+$0xD610]  }
0x15c: {  	v52 =	vld [tilespmem:s4+$0xD630]  }
0x15d: {  	v53 =	vld [tilespmem:s4+$0x1620]  }
0x15e: {  	v31 =	vld.idx.msk [tilespmem:v50+s15+$0x0], $0xffff  }
0x15f: {  	v33 =	vld.idx.msk [tilespmem:v50+s16+$0x0], $0xffff  }
0x160: {  	v61 =	vld [tilespmem:s4+$0x1630]  }
0x161: {  	v54 =	vld [tilespmem:s4+$0xD620]  }
0x162: {  	v55 =	vld [tilespmem:s4+$0xD600]  }
0x163: {  	v56 =	vld [tilespmem:s4+$0x1270]  }
0x164: {  	v57 =	vld [tilespmem:s4+$0xD270]  }
0x165: {  	v58 =	vld [tilespmem:s4+$0xD260];
	v50 =	vmul.f32 v61, v31;
	v52 =	vmul.f32 v52, v33  }
0x166: {  	v53 =	vmul.f32 v53, v31;
	v54 =	vmul.f32 v54, v33  }
0x167: {  	v59 =	vld [tilespmem:s4+$0xD250];
	v49 =	vmul.f32 v49, v31;
	v51 =	vmul.f32 v51, v33  }
0x168: {  	v60 =	vld [tilespmem:s4+$0xD240];
	v48 =	vmul.f32 v48, v31;
	v62 =	vmul.f32 v55, v33  }
0x169: {  	v61 =	vld [tilespmem:s4+$0xD220];
	v63 =	vmul.f32 v56, v31;
	v57 =	vmul.f32 v57, v33;
	v50 =	vadd.f32 v52, v50  }
0x16a: {  	v47 =	vmul.f32 v47, v31;
	v58 =	vmul.f32 v58, v33;
	v55 =	vld [tilespmem:s4+$0xCA50];
	v53 =	vadd.f32 v54, v53  }
0x16b: {  	v46 =	vmul.f32 v46, v31;
	v45 =	vmul.f32 v45, v31;
	v52 =	vld [tilespmem:s4+$0xD230];
	v49 =	vadd.f32 v51, v49;
	[tilespmem:s4+$0x1630] =	vst v50  }
0x16c: {  	v44 =	vmul.f32 v44, v31;
	v43 =	vmul.f32 v43, v31;
	v51 =	vld [tilespmem:s4+$0xD200];
	v48 =	vadd.f32 v62, v48;
	[tilespmem:s4+$0x1620] =	vst v53  }
0x16d: {  	v42 =	vmul.f32 v42, v31;
	v62 =	vmul.f32 v59, v33;
	v47 =	vadd.f32 v58, v47;
	v58 =	vld [tilespmem:s4+$0xCE30];
	[tilespmem:s4+$0x1610] =	vst v49  }
0x16e: {  	v41 =	vmul.f32 v41, v31;
	v50 =	vld [tilespmem:s4+$0xD210];
	v53 =	vadd.f32 v57, v63;
	[tilespmem:s4+$0x1600] =	vst v48;
	v63 =	vmul.f32 v60, v33  }
0x16f: {  	v40 =	vmul.f32 v40, v31;
	v49 =	vld [tilespmem:s4+$0xCE70];
	v46 =	vadd.f32 v62, v46;
	[tilespmem:s4+$0x1260] =	vst v47;
	v59 =	vmul.f32 v61, v33  }
0x170: {  	v39 =	vmul.f32 v39, v31;
	v48 =	vld [tilespmem:s4+$0xCE60];
	[tilespmem:s4+$0x1270] =	vst v53;
	v45 =	vadd.f32 v63, v45;
	v52 =	vmul.f32 v52, v33  }
0x171: {  	v38 =	vmul.f32 v38, v31;
	v57 =	vld [tilespmem:s4+$0xCE40];
	[tilespmem:s4+$0x1250] =	vst v46;
	v43 =	vadd.f32 v59, v43;
	v51 =	vmul.f32 v51, v33  }
0x172: {  	v36 =	vmul.f32 v36, v31;
	v60 =	vld [tilespmem:s4+$0xCE20];
	v46 =	vmul.f32 v58, v33;
	[tilespmem:s4+$0x1240] =	vst v45;
	v44 =	vadd.f32 v52, v44  }
0x173: {  	v37 =	vmul.f32 v37, v31;
	v53 =	vld [tilespmem:s4+$0xCE50];
	v50 =	vmul.f32 v50, v33;
	[tilespmem:s4+$0x1220] =	vst v43;
	v41 =	vadd.f32 v51, v41  }
0x174: {  	v35 =	vmul.f32 v35, v31;
	v61 =	vld [tilespmem:s4+$0xCE10];
	v49 =	vmul.f32 v49, v33;
	v36 =	vadd.f32 v46, v36;
	[tilespmem:s4+$0x1230] =	vst v44  }
0x175: {  	v34 =	vmul.f32 v34, v31;
	v59 =	vld [tilespmem:s4+$0xCA10];
	v48 =	vmul.f32 v48, v33;
	v42 =	vadd.f32 v50, v42;
	[tilespmem:s4+$0x1200] =	vst v41  }
0x176: {  	v30 =	vmul.f32 v30, v31;
	v63 =	vld [tilespmem:s4+$0xCA70];
	v47 =	vmul.f32 v57, v33;
	v40 =	vadd.f32 v49, v40;
	[tilespmem:s4+$0xE30] =	vst v36  }
0x177: {  	v56 =	vld [tilespmem:s4+$0xCA40];
	v29 =	vmul.f32 v29, v31;
	v45 =	vmul.f32 v60, v33;
	v39 =	vadd.f32 v48, v39;
	[tilespmem:s4+$0x1210] =	vst v42  }
0x178: {  	v28 =	vmul.f32 v28, v31;
	v52 =	vld [tilespmem:s4+$0xCA60];
	v54 =	vmul.f32 v53, v33;
	v37 =	vadd.f32 v47, v37;
	[tilespmem:s4+$0xE70] =	vst v40  }
0x179: {  	v27 =	vmul.f32 v27, v31;
	v62 =	vld [tilespmem:s4+$0xCE00];
	v44 =	vmul.f32 v61, v33;
	v35 =	vadd.f32 v45, v35;
	[tilespmem:s4+$0xE60] =	vst v39  }
0x17a: {  	v24 =	vmul.f32 v24, v31;
	v58 =	vld [tilespmem:s4+$0xCA20];
	v36 =	vmul.f32 v59, v33;
	v38 =	vadd.f32 v54, v38;
	[tilespmem:s4+$0xE40] =	vst v37  }
0x17b: {  	v26 =	vmul.f32 v26, v31;
	v60 =	vld [tilespmem:s4+$0xCA00];
	v34 =	vadd.f32 v44, v34;
	[tilespmem:s4+$0xE20] =	vst v35;
	v42 =	vmul.f32 v63, v33  }
0x17c: {  	v25 =	vmul.f32 v25, v31;
	v57 =	vld [tilespmem:s4+$0xCA30];
	v40 =	vmul.f32 v55, v33;
	v24 =	vadd.f32 v36, v24;
	[tilespmem:s4+$0xE50] =	vst v38  }
0x17d: {  	v23 =	vmul.f32 v23, v31;
	v61 =	vld [tilespmem:s4+$0xC670];
	v41 =	vmul.f32 v52, v33;
	[tilespmem:s4+$0xE10] =	vst v34;
	v30 =	vadd.f32 v42, v30  }
0x17e: {  	v22 =	vmul.f32 v22, v31;
	v39 =	vmul.f32 v56, v33;
	v28 =	vadd.f32 v40, v28;
	[tilespmem:s4+$0xA10] =	vst v24  }
0x17f: {  	v43 =	vmul.f32 v62, v33;
	v62 =	vld [tilespmem:s4+$0xC660];
	v37 =	vmul.f32 v58, v33;
	v29 =	vadd.f32 v41, v29;
	[tilespmem:s4+$0xA70] =	vst v30  }
0x180: {  	v21 =	vmul.f32 v21, v31;
	v35 =	vmul.f32 v60, v33;
	v27 =	vadd.f32 v39, v27;
	v30 =	vld [tilespmem:s4+$0xC650];
	[tilespmem:s4+$0xA50] =	vst v28  }
0x181: {  	v10 =	vmul.f32 v10, v31;
	v38 =	vmul.f32 v57, v33;
	v25 =	vadd.f32 v37, v25;
	[tilespmem:s4+$0xA60] =	vst v29;
	v29 =	vld [tilespmem:s4+$0xC640]  }
0x182: {  	v9 =	vmul.f32 v9, v33;
	v34 =	vmul.f32 v61, v33;
	v23 =	vadd.f32 v35, v23;
	v28 =	vld [tilespmem:s4+$0xC630];
	[tilespmem:s4+$0xA40] =	vst v27  }
0x183: {  	v12 =	vmul.f32 v12, v31;
	v11 =	vmul.f32 v11, v33;
	v26 =	vadd.f32 v38, v26;
	v27 =	vld [tilespmem:s4+$0xC620];
	[tilespmem:s4+$0xA20] =	vst v25  }
0x184: {  	v9 =	vadd.f32 v9, v10;
	v10 =	vld [tilespmem:s4+$0xC200];
	v24 =	vmul.f32 v62, v33;
	v22 =	vadd.f32 v34, v22;
	[tilespmem:s4+$0xA00] =	vst v23  }
0x185: {  	v20 =	vmul.f32 v20, v31;
	v11 =	vadd.f32 v11, v12;
	[tilespmem:s4+$0xA30] =	vst v26;
	v26 =	vld [tilespmem:s4+$0xC610];
	v23 =	vmul.f32 v30, v33  }
0x186: {  	v19 =	vmul.f32 v19, v31;
	v25 =	vld [tilespmem:s4+$0xC600];
	v21 =	vadd.f32 v24, v21;
	[tilespmem:s4+$0x670] =	vst v22;
	v22 =	vmul.f32 v29, v33  }
0x187: {  	v18 =	vmul.f32 v18, v31;
	[tilespmem:s4+$0x250] =	vst v11;
	v63 =	vld [tilespmem:s4+$0xC270];
	v20 =	vadd.f32 v23, v20;
	v23 =	vmul.f32 v28, v33  }
0x188: {  	v17 =	vmul.f32 v17, v31;
	v24 =	vld [tilespmem:s4+$0xC260];
	[tilespmem:s4+$0x660] =	vst v21;
	v19 =	vadd.f32 v22, v19;
	v22 =	vmul.f32 v27, v33  }
0x189: {  	v21 =	vld [tilespmem:s4+$0xD640];
	[tilespmem:s4+$0x650] =	vst v20;
	v18 =	vadd.f32 v23, v18  }
0x18a: {  	v16 =	vmul.f32 v16, v31;
	v20 =	vld [tilespmem:s4+$0xD650];
	v23 =	vmul.f32 v26, v33;
	[tilespmem:s4+$0x640] =	vst v19;
	v17 =	vadd.f32 v22, v17  }
0x18b: {  	v15 =	vmul.f32 v15, v31;
	v19 =	vld [tilespmem:s4+$0xD660];
	[tilespmem:s4+$0x630] =	vst v18;
	v18 =	vmul.f32 v25, v33  }
0x18c: {  	v14 =	vmul.f32 v14, v31;
	v22 =	vld [tilespmem:s4+$0xD670];
	v16 =	vadd.f32 v23, v16;
	[tilespmem:s4+$0x620] =	vst v17;
	v17 =	vmul.f32 v63, v33  }
0x18d: {  	v8 =	vmul.f32 v8, v31;
	v7 =	vmul.f32 v7, v33;
	[tilespmem:s4+$0x240] =	vst v9;
	v15 =	vadd.f32 v18, v15;
	v18 =	vld [tilespmem:s4+$0x1640]  }
0x18e: {  	v6 =	vmul.f32 v6, v31;
	v5 =	vmul.f32 v5, v33;
	[tilespmem:s4+$0x610] =	vst v16;
	v16 =	vld [tilespmem:s4+$0x1650];
	v14 =	vadd.f32 v17, v14  }
0x18f: {  	v4 =	vmul.f32 v4, v31;
	v3 =	vmul.f32 v3, v33;
	v7 =	vadd.f32 v7, v8;
	[tilespmem:s4+$0x600] =	vst v15;
	v15 =	vld [tilespmem:s4+$0x1660]  }
0x190: {  	v32 =	vmul.f32 v32, v31;
	v5 =	vadd.f32 v5, v6;
	[tilespmem:s4+$0x270] =	vst v14;
	v14 =	vld [tilespmem:s4+$0x1670]  }
0x191: {  	v13 =	vmul.f32 v13, v31;
	v12 =	vld [tilespmem:s4+$0x200];
	v3 =	vadd.f32 v3, v4;
	[tilespmem:s4+$0x230] =	vst v7;
	v23 =	vmul.f32 v24, v33  }
0x192: {  	[tilespmem:s4+$0x220] =	vst v5;
	v32 =	vadd.f32 v43, v32;
	v6 =	vmul.f32 v21, v33;
	v8 =	vmul.f32 v18, v31  }
0x193: {  	[tilespmem:s4+$0x210] =	vst v3;
	v13 =	vadd.f32 v23, v13;
	v4 =	vmul.f32 v20, v33;
	v9 =	vmul.f32 v16, v31  }
0x194: {  	[tilespmem:s4+$0xE00] =	vst v32;
	v7 =	vmul.f32 v15, v31;
	v5 =	vadd.f32 v6, v8;
	v6 =	vmul.f32 v19, v33  }
0x195: {  	[tilespmem:s4+$0x260] =	vst v13;
	v3 =	vadd.f32 v4, v9;
	v4 =	vmul.f32 v22, v33;
	v8 =	vmul.f32 v14, v31  }
0x196: {  	v10 =	vmul.f32 v10, v33;
	v9 =	vmul.f32 v12, v31;
	[tilespmem:s4+$0x1640] =	vst v5;
	v5 =	vadd.f32 v6, v7  }
0x197: {  	[tilespmem:s4+$0x1650] =	vst v3;
	v3 =	vadd.f32 v4, v8  }
0x198: {  	v4 =	vadd.f32 v10, v9;
	[tilespmem:s4+$0x1660] =	vst v5  }
0x199: {  	[tilespmem:s4+$0x1670] =	vst v3  }
0x19a: {  	s30 =	simm.s32 $0x0;
	s31 =	rddreg [dreg:$0x7];
	[tilespmem:s4+$0x200] =	vst v4  }
0x19b: {  	[hbm4b:s31+s30] =	stream.linear.scatter [tilespmem:s17], [sflag:$0x2], $0xC000, $0x38;
	[tilespmem:$0x18200] =	vst v63  }
0x19c: {  	_ =	swait.ge [sflag:s13], $0xC000  }
0x19d: {  	[sflag:s13] =	ssyncset.done $0x0  }
0x19e: {  	[sflag:s13] =	ssyncadd.s32 $0xFFFF4000  }
0x19f: {  	v3 =	vld [tilespmem:$0x40];
	_ =	sdelay $0x4  }
0x1a0: {  	v4 =	vshrl.u32 v3, $0x3  }
0x1a1: {  	v4 =	vmul.u32 $0x30, v4  }
0x1a2: {  	v3 =	vand.u32 $0x7, v3  }
0x1a3: {  	v3 =	vor.u32 v3, v4  }
0x1a4: {  	v4 =	vperm.xlane v3, v0;
	_ =	sdelay $0x1  }
0x1a5: {  	v4 =	vadd.s32 v1, v4;
	_ =	sdelay $0x3  }
0x1a6: {  	v3 =	vperm.xlane v3, v2  }
0x1a7: {  	[tilespmem:s17], [sflag:$0x1] =	stream.indirect_vreg.gather [hbm4b:s3+s30], $0x80, v4, vm0, $0xb8;
	[tilespmem:$0x18200] =	vst v63  }
0x1a8: {  	s5 =	simm.s32 $0xA00;
	v3 =	vadd.s32 v1, v3  }
0x1a9: {  	[tilespmem:s5], [sflag:$0x1] =	stream.indirect_vreg.gather [hbm4b:s8+s30], $0x80, v4, vm0, $0xb8;
	[tilespmem:$0x18200] =	vst v63  }
0x1aa: {  	s6 =	simm.s32 $0x1200  }
0x1ab: {  	[tilespmem:s6], [sflag:$0x1] =	stream.indirect_vreg.gather [hbm4b:s9+s30], $0x80, v4, vm0, $0xb8;
	[tilespmem:$0x18200] =	vst v63  }
0x1ac: {  	s31 =	simm.s32 $0x1A00  }
0x1ad: {  	[tilespmem:s31], [sflag:$0x1] =	stream.indirect_vreg.gather [hbm4b:s3+s30], $0x80, v3, vm0, $0xb8;
	[tilespmem:$0x18200] =	vst v63  }
0x1ae: {  	s5 =	simm.s32 $0x2200  }
0x1af: {  	[tilespmem:s5], [sflag:$0x1] =	stream.indirect_vreg.gather [hbm4b:s8+s30], $0x80, v3, vm0, $0xb8;
	[tilespmem:$0x18200] =	vst v63  }
0x1b0: {  	s6 =	simm.s32 $0x2A00  }
0x1b1: {  	[tilespmem:s6], [sflag:$0x1] =	stream.indirect_vreg.gather [hbm4b:s9+s30], $0x80, v3, vm0, $0xb8;
	[tilespmem:$0x18200] =	vst v63  }
0x1b2: {  	v3 =	vld [tilespmem:$0x50];
	_ =	sdelay $0x4  }
0x1b3: {  	v4 =	vshrl.u32 v3, $0x3  }
0x1b4: {  	v4 =	vmul.u32 $0x30, v4  }
0x1b5: {  	v3 =	vand.u32 $0x7, v3  }
0x1b6: {  	v3 =	vor.u32 v3, v4  }
0x1b7: {  	v4 =	vperm.xlane v3, v0;
	_ =	sdelay $0x1  }
0x1b8: {  	v4 =	vadd.s32 v1, v4;
	_ =	sdelay $0x3  }
0x1b9: {  	s31 =	simm.s32 $0x3200;
	v3 =	vperm.xlane v3, v2  }
0x1ba: {  	[tilespmem:s31], [sflag:$0x1] =	stream.indirect_vreg.gather [hbm4b:s3+s30], $0x80, v4, vm0, $0xb8;
	[tilespmem:$0x18200] =	vst v63  }
0x1bb: {  	s5 =	simm.s32 $0x3A00;
	v3 =	vadd.s32 v1, v3  }
0x1bc: {  	[tilespmem:s5], [sflag:$0x1] =	stream.indirect_vreg.gather [hbm4b:s8+s30], $0x80, v4, vm0, $0xb8;
	[tilespmem:$0x18200] =	vst v63  }
0x1bd: {  	s6 =	simm.s32 $0x4200  }
0x1be: {  	[tilespmem:s6], [sflag:$0x1] =	stream.indirect_vreg.gather [hbm4b:s9+s30], $0x80, v4, vm0, $0xb8;
	[tilespmem:$0x18200] =	vst v63  }
0x1bf: {  	s31 =	simm.s32 $0x4A00  }
0x1c0: {  	[tilespmem:s31], [sflag:$0x1] =	stream.indirect_vreg.gather [hbm4b:s3+s30], $0x80, v3, vm0, $0xb8;
	[tilespmem:$0x18200] =	vst v63  }
0x1c1: {  	s5 =	simm.s32 $0x5200  }
0x1c2: {  	[tilespmem:s5], [sflag:$0x1] =	stream.indirect_vreg.gather [hbm4b:s8+s30], $0x80, v3, vm0, $0xb8;
	[tilespmem:$0x18200] =	vst v63  }
0x1c3: {  	s6 =	simm.s32 $0x5A00  }
0x1c4: {  	[tilespmem:s6], [sflag:$0x1] =	stream.indirect_vreg.gather [hbm4b:s9+s30], $0x80, v3, vm0, $0xb8;
	[tilespmem:$0x18200] =	vst v63  }
0x1c5: {  	v3 =	vld [tilespmem:$0x60];
	_ =	sdelay $0x4  }
0x1c6: {  	v4 =	vshrl.u32 v3, $0x3  }
0x1c7: {  	v4 =	vmul.u32 $0x30, v4  }
0x1c8: {  	v3 =	vand.u32 $0x7, v3  }
0x1c9: {  	v3 =	vor.u32 v3, v4  }
0x1ca: {  	v4 =	vperm.xlane v3, v0;
	_ =	sdelay $0x1  }
0x1cb: {  	v4 =	vadd.s32 v1, v4;
	_ =	sdelay $0x3  }
0x1cc: {  	s31 =	simm.s32 $0x6200;
	v3 =	vperm.xlane v3, v2  }
0x1cd: {  	[tilespmem:s31], [sflag:$0x1] =	stream.indirect_vreg.gather [hbm4b:s3+s30], $0x80, v4, vm0, $0xb8;
	[tilespmem:$0x18200] =	vst v63  }
0x1ce: {  	s5 =	simm.s32 $0x6A00;
	v3 =	vadd.s32 v1, v3  }
0x1cf: {  	[tilespmem:s5], [sflag:$0x1] =	stream.indirect_vreg.gather [hbm4b:s8+s30], $0x80, v4, vm0, $0xb8;
	[tilespmem:$0x18200] =	vst v63  }
0x1d0: {  	s6 =	simm.s32 $0x7200  }
0x1d1: {  	[tilespmem:s6], [sflag:$0x1] =	stream.indirect_vreg.gather [hbm4b:s9+s30], $0x80, v4, vm0, $0xb8;
	[tilespmem:$0x18200] =	vst v63  }
0x1d2: {  	s31 =	simm.s32 $0x7A00  }
0x1d3: {  	[tilespmem:s31], [sflag:$0x1] =	stream.indirect_vreg.gather [hbm4b:s3+s30], $0x80, v3, vm0, $0xb8;
	[tilespmem:$0x18200] =	vst v63  }
0x1d4: {  	s5 =	simm.s32 $0x8200  }
0x1d5: {  	[tilespmem:s5], [sflag:$0x1] =	stream.indirect_vreg.gather [hbm4b:s8+s30], $0x80, v3, vm0, $0xb8;
	[tilespmem:$0x18200] =	vst v63  }
0x1d6: {  	s6 =	simm.s32 $0x8A00  }
0x1d7: {  	[tilespmem:s6], [sflag:$0x1] =	stream.indirect_vreg.gather [hbm4b:s9+s30], $0x80, v3, vm0, $0xb8;
	[tilespmem:$0x18200] =	vst v63  }
0x1d8: {  	v3 =	vld [tilespmem:$0x70];
	_ =	sdelay $0x4  }
0x1d9: {  	v4 =	vshrl.u32 v3, $0x3  }
0x1da: {  	v4 =	vmul.u32 $0x30, v4  }
0x1db: {  	v3 =	vand.u32 $0x7, v3  }
0x1dc: {  	v3 =	vor.u32 v3, v4  }
0x1dd: {  	v4 =	vperm.xlane v3, v0;
	_ =	sdelay $0x1  }
0x1de: {  	v4 =	vadd.s32 v1, v4;
	_ =	sdelay $0x3  }
0x1df: {  	s31 =	simm.s32 $0x9200;
	v3 =	vperm.xlane v3, v2  }
0x1e0: {  	[tilespmem:s31], [sflag:$0x1] =	stream.indirect_vreg.gather [hbm4b:s3+s30], $0x80, v4, vm0, $0xb8;
	[tilespmem:$0x18200] =	vst v63  }
0x1e1: {  	s5 =	simm.s32 $0x9A00;
	v3 =	vadd.s32 v1, v3  }
0x1e2: {  	[tilespmem:s5], [sflag:$0x1] =	stream.indirect_vreg.gather [hbm4b:s8+s30], $0x80, v4, vm0, $0xb8;
	[tilespmem:$0x18200] =	vst v63  }
0x1e3: {  	s6 =	simm.s32 $0xA200  }
0x1e4: {  	[tilespmem:s6], [sflag:$0x1] =	stream.indirect_vreg.gather [hbm4b:s9+s30], $0x80, v4, vm0, $0xb8;
	[tilespmem:$0x18200] =	vst v63  }
0x1e5: {  	s31 =	simm.s32 $0xAA00  }
0x1e6: {  	[tilespmem:s31], [sflag:$0x1] =	stream.indirect_vreg.gather [hbm4b:s3+s30], $0x80, v3, vm0, $0xb8;
	[tilespmem:$0x18200] =	vst v63  }
0x1e7: {  	s5 =	simm.s32 $0xB200  }
0x1e8: {  	[tilespmem:s5], [sflag:$0x1] =	stream.indirect_vreg.gather [hbm4b:s8+s30], $0x80, v3, vm0, $0xb8;
	[tilespmem:$0x18200] =	vst v63  }
0x1e9: {  	s6 =	simm.s32 $0xBA00  }
0x1ea: {  	[tilespmem:s6], [sflag:$0x1] =	stream.indirect_vreg.gather [hbm4b:s9+s30], $0x80, v3, vm0, $0xb8;
	[tilespmem:$0x18200] =	vst v63  }
0x1eb: {  	_ =	swait.ge [sflag:s25], $0xC000  }
0x1ec: {  	[sflag:s25] =	ssyncset.done $0x0  }
0x1ed: {  	[sflag:s25] =	ssyncadd.s32 $0xFFFF4000  }
0x1ee: {  	v3 =	vld [tilespmem:$0xC0];
	_ =	sdelay $0x4  }
0x1ef: {  	v4 =	vshrl.u32 v3, $0x3  }
0x1f0: {  	v4 =	vmul.u32 $0x30, v4  }
0x1f1: {  	v3 =	vand.u32 $0x7, v3  }
0x1f2: {  	v3 =	vor.u32 v3, v4  }
0x1f3: {  	v4 =	vperm.xlane v3, v0;
	_ =	sdelay $0x1  }
0x1f4: {  	v4 =	vadd.s32 v1, v4;
	_ =	sdelay $0x3  }
0x1f5: {  	s31 =	simm.s32 $0xC200;
	v3 =	vperm.xlane v3, v2  }
0x1f6: {  	[tilespmem:s31], [sflag:$0x1] =	stream.indirect_vreg.gather [hbm4b:s3+s30], $0x80, v4, vm0, $0xb8;
	[tilespmem:$0x18200] =	vst v63  }
0x1f7: {  	s5 =	simm.s32 $0xCA00;
	v3 =	vadd.s32 v1, v3  }
0x1f8: {  	[tilespmem:s5], [sflag:$0x1] =	stream.indirect_vreg.gather [hbm4b:s8+s30], $0x80, v4, vm0, $0xb8;
	[tilespmem:$0x18200] =	vst v63  }
0x1f9: {  	s6 =	simm.s32 $0xD200  }
0x1fa: {  	[tilespmem:s6], [sflag:$0x1] =	stream.indirect_vreg.gather [hbm4b:s9+s30], $0x80, v4, vm0, $0xb8;
	[tilespmem:$0x18200] =	vst v63  }
0x1fb: {  	s31 =	simm.s32 $0xDA00  }
0x1fc: {  	[tilespmem:s31], [sflag:$0x1] =	stream.indirect_vreg.gather [hbm4b:s3+s30], $0x80, v3, vm0, $0xb8;
	[tilespmem:$0x18200] =	vst v63  }
0x1fd: {  	s5 =	simm.s32 $0xE200  }
0x1fe: {  	[tilespmem:s5], [sflag:$0x1] =	stream.indirect_vreg.gather [hbm4b:s8+s30], $0x80, v3, vm0, $0xb8;
	[tilespmem:$0x18200] =	vst v63  }
0x1ff: {  	s6 =	simm.s32 $0xEA00  }
0x200: {  	[tilespmem:s6], [sflag:$0x1] =	stream.indirect_vreg.gather [hbm4b:s9+s30], $0x80, v3, vm0, $0xb8;
	[tilespmem:$0x18200] =	vst v63  }
0x201: {  	v3 =	vld [tilespmem:$0xD0];
	_ =	sdelay $0x4  }
0x202: {  	v4 =	vshrl.u32 v3, $0x3  }
0x203: {  	v4 =	vmul.u32 $0x30, v4  }
0x204: {  	v3 =	vand.u32 $0x7, v3  }
0x205: {  	v3 =	vor.u32 v3, v4  }
0x206: {  	v4 =	vperm.xlane v3, v0;
	_ =	sdelay $0x1  }
0x207: {  	v4 =	vadd.s32 v1, v4;
	_ =	sdelay $0x3  }
0x208: {  	s31 =	simm.s32 $0xF200;
	v3 =	vperm.xlane v3, v2  }
0x209: {  	[tilespmem:s31], [sflag:$0x1] =	stream.indirect_vreg.gather [hbm4b:s3+s30], $0x80, v4, vm0, $0xb8;
	[tilespmem:$0x18200] =	vst v63  }
0x20a: {  	s5 =	simm.s32 $0xFA00;
	v3 =	vadd.s32 v1, v3  }
0x20b: {  	[tilespmem:s5], [sflag:$0x1] =	stream.indirect_vreg.gather [hbm4b:s8+s30], $0x80, v4, vm0, $0xb8;
	[tilespmem:$0x18200] =	vst v63  }
0x20c: {  	_ = 	snop  }
0x20d: {  	[tilespmem:s7], [sflag:$0x1] =	stream.indirect_vreg.gather [hbm4b:s9+s30], $0x80, v4, vm0, $0xb8;
	[tilespmem:$0x18200] =	vst v63  }
0x20e: {  	_ = 	snop  }
0x20f: {  	[tilespmem:s0], [sflag:$0x1] =	stream.indirect_vreg.gather [hbm4b:s3+s30], $0x80, v3, vm0, $0xb8;
	[tilespmem:$0x18200] =	vst v63  }
0x210: {  	_ = 	snop  }
0x211: {  	[tilespmem:s1], [sflag:$0x1] =	stream.indirect_vreg.gather [hbm4b:s8+s30], $0x80, v3, vm0, $0xb8;
	[tilespmem:$0x18200] =	vst v63  }
0x212: {  	_ = 	snop  }
0x213: {  	[tilespmem:s14], [sflag:$0x1] =	stream.indirect_vreg.gather [hbm4b:s9+s30], $0x80, v3, vm0, $0xb8;
	[tilespmem:$0x18200] =	vst v63  }
0x214: {  	v3 =	vld [tilespmem:$0xE0];
	_ =	sdelay $0x4  }
0x215: {  	v4 =	vshrl.u32 v3, $0x3  }
0x216: {  	v4 =	vmul.u32 $0x30, v4  }
0x217: {  	v3 =	vand.u32 $0x7, v3  }
0x218: {  	v3 =	vor.u32 v3, v4  }
0x219: {  	v4 =	vperm.xlane v3, v0;
	_ =	sdelay $0x1  }
0x21a: {  	v4 =	vadd.s32 v1, v4;
	_ =	sdelay $0x3  }
0x21b: {  	v3 =	vperm.xlane v3, v2  }
0x21c: {  	[tilespmem:s18], [sflag:$0x1] =	stream.indirect_vreg.gather [hbm4b:s3+s30], $0x80, v4, vm0, $0xb8;
	[tilespmem:$0x18200] =	vst v63  }
0x21d: {  	v3 =	vadd.s32 v1, v3  }
0x21e: {  	[tilespmem:s19], [sflag:$0x1] =	stream.indirect_vreg.gather [hbm4b:s8+s30], $0x80, v4, vm0, $0xb8;
	[tilespmem:$0x18200] =	vst v63  }
0x21f: {  	_ = 	snop  }
0x220: {  	[tilespmem:s20], [sflag:$0x1] =	stream.indirect_vreg.gather [hbm4b:s9+s30], $0x80, v4, vm0, $0xb8;
	[tilespmem:$0x18200] =	vst v63  }
0x221: {  	_ = 	snop  }
0x222: {  	[tilespmem:s10], [sflag:$0x1] =	stream.indirect_vreg.gather [hbm4b:s3+s30], $0x80, v3, vm0, $0xb8;
	[tilespmem:$0x18200] =	vst v63  }
0x223: {  	_ = 	snop  }
0x224: {  	[tilespmem:s21], [sflag:$0x1] =	stream.indirect_vreg.gather [hbm4b:s8+s30], $0x80, v3, vm0, $0xb8;
	[tilespmem:$0x18200] =	vst v63  }
0x225: {  	_ = 	snop  }
0x226: {  	[tilespmem:s11], [sflag:$0x1] =	stream.indirect_vreg.gather [hbm4b:s9+s30], $0x80, v3, vm0, $0xb8;
	[tilespmem:$0x18200] =	vst v63  }
0x227: {  	v3 =	vld [tilespmem:$0xF0];
	_ =	sdelay $0x4  }
0x228: {  	v4 =	vshrl.u32 v3, $0x3  }
0x229: {  	v4 =	vmul.u32 $0x30, v4  }
0x22a: {  	v3 =	vand.u32 $0x7, v3  }
0x22b: {  	v3 =	vor.u32 v3, v4  }
0x22c: {  	v4 =	vperm.xlane v3, v0;
	_ =	sdelay $0x1  }
0x22d: {  	v4 =	vadd.s32 v1, v4;
	_ =	sdelay $0x3  }
0x22e: {  	v3 =	vperm.xlane v3, v2  }
0x22f: {  	[tilespmem:s22], [sflag:$0x1] =	stream.indirect_vreg.gather [hbm4b:s3+s30], $0x80, v4, vm0, $0xb8;
	[tilespmem:$0x18200] =	vst v63  }
0x230: {  	v3 =	vadd.s32 v1, v3  }
0x231: {  	[tilespmem:s12], [sflag:$0x1] =	stream.indirect_vreg.gather [hbm4b:s8+s30], $0x80, v4, vm0, $0xb8;
	[tilespmem:$0x18200] =	vst v63  }
0x232: {  	_ = 	snop  }
0x233: {  	[tilespmem:s23], [sflag:$0x1] =	stream.indirect_vreg.gather [hbm4b:s9+s30], $0x80, v4, vm0, $0xb8;
	[tilespmem:$0x18200] =	vst v63  }
0x234: {  	_ = 	snop  }
0x235: {  	[tilespmem:s24], [sflag:$0x1] =	stream.indirect_vreg.gather [hbm4b:s3+s30], $0x80, v3, vm0, $0xb8;
	[tilespmem:$0x18200] =	vst v63  }
0x236: {  	_ = 	snop  }
0x237: {  	[tilespmem:s26], [sflag:$0x1] =	stream.indirect_vreg.gather [hbm4b:s8+s30], $0x80, v3, vm0, $0xb8;
	[tilespmem:$0x18200] =	vst v63  }
0x238: {  	s6 =	simm.s32 $0x0  }
0x239: {  	[tilespmem:s28], [sflag:$0x1] =	stream.indirect_vreg.gather [hbm4b:s9+s30], $0x80, v3, vm0, $0xb8;
	[tilespmem:$0x18200] =	vst v63  }
0x23a: {  	s4 =	smul.u32 $0x1800, s6;
	_ =	swait.ge [sflag:s25], $0xC000  }
0x23b: {  	s5 =	sand.u32 $0x380, s30;
	[sflag:s25] =	ssyncset.done $0x0  }
0x23c: {  	s4 =	sor.u32 s5, s4;
	[sflag:s25] =	ssyncadd.s32 $0xFFFF4000  }
0x23d: {  	v4 =	vld [tilespmem:s4+$0x210]  }
0x23e: {  	v3 =	vld [tilespmem:s4+$0xC210]  }
0x23f: {  	v6 =	vld [tilespmem:s4+$0x220]  }
0x240: {  	v5 =	vld [tilespmem:s4+$0xC220]  }
0x241: {  	v8 =	vld [tilespmem:s4+$0x230]  }
0x242: {  	v7 =	vld [tilespmem:s4+$0xC230]  }
0x243: {  	v10 =	vld [tilespmem:s4+$0x240]  }
0x244: {  	v9 =	vld [tilespmem:s4+$0xC240]  }
0x245: {  	v12 =	vld [tilespmem:s4+$0x250]  }
0x246: {  	v11 =	vld [tilespmem:s4+$0xC250]  }
0x247: {  	v13 =	vld [tilespmem:s4+$0x260]  }
0x248: {  	v14 =	vld [tilespmem:s4+$0x270]  }
0x249: {  	v15 =	vld [tilespmem:s4+$0x600]  }
0x24a: {  	v16 =	vld [tilespmem:s4+$0x610]  }
0x24b: {  	v17 =	vld [tilespmem:s4+$0x620]  }
0x24c: {  	v18 =	vld [tilespmem:s4+$0x630]  }
0x24d: {  	v19 =	vld [tilespmem:s4+$0x640]  }
0x24e: {  	v20 =	vld [tilespmem:s4+$0x650]  }
0x24f: {  	v21 =	vld [tilespmem:s4+$0x660]  }
0x250: {  	v22 =	vld [tilespmem:s4+$0x670]  }
0x251: {  	v23 =	vld [tilespmem:s4+$0xA00]  }
0x252: {  	v24 =	vld [tilespmem:s4+$0xA10]  }
0x253: {  	v25 =	vld [tilespmem:s4+$0xA20]  }
0x254: {  	v26 =	vld [tilespmem:s4+$0xA30]  }
0x255: {  	v27 =	vld [tilespmem:s4+$0xA40]  }
0x256: {  	v28 =	vld [tilespmem:s4+$0xA50]  }
0x257: {  	v29 =	vld [tilespmem:s4+$0xA60]  }
0x258: {  	v30 =	vld [tilespmem:s4+$0xA70]  }
0x259: {  	v32 =	vld [tilespmem:s4+$0xE00]  }
0x25a: {  	v34 =	vld [tilespmem:s4+$0xE10]  }
0x25b: {  	v35 =	vld [tilespmem:s4+$0xE20]  }
0x25c: {  	v36 =	vld [tilespmem:s4+$0xE30]  }
0x25d: {  	v37 =	vld [tilespmem:s4+$0xE40]  }
0x25e: {  	v38 =	vld [tilespmem:s4+$0xE50]  }
0x25f: {  	v39 =	vld [tilespmem:s4+$0xE60]  }
0x260: {  	v40 =	vld [tilespmem:s4+$0xE70]  }
0x261: {  	v41 =	vld [tilespmem:s4+$0x1200]  }
0x262: {  	v42 =	vld [tilespmem:s4+$0x1210]  }
0x263: {  	v43 =	vld [tilespmem:s4+$0x1220]  }
0x264: {  	v44 =	vld [tilespmem:s4+$0x1230]  }
0x265: {  	v45 =	vld [tilespmem:s4+$0x1240]  }
0x266: {  	v46 =	vld [tilespmem:s4+$0x1250]  }
0x267: {  	s31 =	simm.s32 $0x40;
	v47 =	vld [tilespmem:s4+$0x1260]  }
0x268: {  	v49 =	vmov s31;
	s5 =	simm.s32 $0x1;
	v48 =	vld [tilespmem:s4+$0x1600]  }
.LBB2_4:
0x269: {  	p0 =	sne.s32 s5, $0x3F;
	v50 =	vld [tilespmem:s4+$0x1610]  }
0x26a: {  	v51 =	vld [tilespmem:s4+$0xD610]  }
0x26b: {  	v52 =	vld [tilespmem:s4+$0xD630]  }
0x26c: {  	v53 =	vld [tilespmem:s4+$0x1620]  }
0x26d: {  	v33 =	vld.idx.msk [tilespmem:v49+s15+$0x0], $0xffff  }
0x26e: {  	v31 =	vld.idx.msk [tilespmem:v49+s16+$0x0], $0xffff  }
0x26f: {  	v49 =	vld [tilespmem:s4+$0x1630]  }
0x270: {  	v54 =	vld [tilespmem:s4+$0xD620]  }
0x271: {  	v55 =	vld [tilespmem:s4+$0xD600]  }
0x272: {  	v56 =	vld [tilespmem:s4+$0x1270]  }
0x273: {  	v50 =	vmul.f32 v50, v33;
	v53 =	vmul.f32 v53, v33;
	v57 =	vld [tilespmem:s4+$0xD270]  }
0x274: {  	v52 =	vmul.f32 v52, v31;
	v58 =	vld [tilespmem:s4+$0xD260];
	v49 =	vmul.f32 v49, v33  }
0x275: {  	v51 =	vmul.f32 v51, v31;
	v59 =	vld [tilespmem:s4+$0xD250];
	v54 =	vmul.f32 v54, v31  }
0x276: {  	v48 =	vmul.f32 v48, v33;
	v60 =	vld [tilespmem:s4+$0xD240];
	v55 =	vmul.f32 v55, v31;
	v49 =	vadd.f32 v52, v49  }
0x277: {  	v50 =	vadd.f32 v51, v50;
	v52 =	vld [tilespmem:s4+$0xD230];
	v56 =	vmul.f32 v56, v33;
	v51 =	vadd.f32 v54, v53  }
0x278: {  	v47 =	vmul.f32 v47, v33;
	v53 =	vld [tilespmem:s4+$0xD220];
	v54 =	vmul.f32 v57, v31;
	v48 =	vadd.f32 v55, v48;
	[tilespmem:s4+$0x1630] =	vst v49  }
0x279: {  	v46 =	vmul.f32 v46, v33;
	v49 =	vld [tilespmem:s4+$0xD210];
	v55 =	vmul.f32 v58, v31;
	[tilespmem:s4+$0x1620] =	vst v51  }
0x27a: {  	v45 =	vmul.f32 v45, v33;
	v51 =	vld [tilespmem:s4+$0xD200];
	v57 =	vmul.f32 v59, v31;
	v54 =	vadd.f32 v54, v56;
	[tilespmem:s4+$0x1610] =	vst v50  }
0x27b: {  	v44 =	vmul.f32 v44, v33;
	v50 =	vld [tilespmem:s4+$0xCE70];
	v56 =	vmul.f32 v60, v31;
	v47 =	vadd.f32 v55, v47;
	[tilespmem:s4+$0x1600] =	vst v48  }
0x27c: {  	v43 =	vmul.f32 v43, v33;
	v48 =	vld [tilespmem:s4+$0xCE60];
	v52 =	vmul.f32 v52, v31;
	v46 =	vadd.f32 v57, v46;
	[tilespmem:s4+$0x1270] =	vst v54  }
0x27d: {  	v42 =	vmul.f32 v42, v33;
	v54 =	vld [tilespmem:s4+$0xCE50];
	v53 =	vmul.f32 v53, v31;
	v45 =	vadd.f32 v56, v45;
	[tilespmem:s4+$0x1260] =	vst v47  }
0x27e: {  	v41 =	vmul.f32 v41, v33;
	v47 =	vld [tilespmem:s4+$0xCE40];
	v49 =	vmul.f32 v49, v31;
	v44 =	vadd.f32 v52, v44;
	[tilespmem:s4+$0x1250] =	vst v46  }
0x27f: {  	v40 =	vmul.f32 v40, v33;
	v46 =	vld [tilespmem:s4+$0xCE30];
	v51 =	vmul.f32 v51, v31;
	v43 =	vadd.f32 v53, v43;
	[tilespmem:s4+$0x1240] =	vst v45  }
0x280: {  	v39 =	vmul.f32 v39, v33;
	v45 =	vld [tilespmem:s4+$0xCE20];
	v50 =	vmul.f32 v50, v31;
	v42 =	vadd.f32 v49, v42;
	[tilespmem:s4+$0x1230] =	vst v44  }
0x281: {  	v38 =	vmul.f32 v38, v33;
	v44 =	vld [tilespmem:s4+$0xCE10];
	v48 =	vmul.f32 v48, v31;
	v41 =	vadd.f32 v51, v41;
	[tilespmem:s4+$0x1220] =	vst v43  }
0x282: {  	v37 =	vmul.f32 v37, v33;
	v43 =	vld [tilespmem:s4+$0xCE00];
	v49 =	vmul.f32 v54, v31;
	v40 =	vadd.f32 v50, v40;
	[tilespmem:s4+$0x1210] =	vst v42  }
0x283: {  	v36 =	vmul.f32 v36, v33;
	v42 =	vld [tilespmem:s4+$0xCA70];
	v47 =	vmul.f32 v47, v31;
	v39 =	vadd.f32 v48, v39;
	[tilespmem:s4+$0x1200] =	vst v41  }
0x284: {  	v35 =	vmul.f32 v35, v33;
	v41 =	vld [tilespmem:s4+$0xCA60];
	v46 =	vmul.f32 v46, v31;
	v38 =	vadd.f32 v49, v38;
	[tilespmem:s4+$0xE70] =	vst v40  }
0x285: {  	v34 =	vmul.f32 v34, v33;
	v40 =	vld [tilespmem:s4+$0xCA50];
	v45 =	vmul.f32 v45, v31;
	v37 =	vadd.f32 v47, v37;
	[tilespmem:s4+$0xE60] =	vst v39  }
0x286: {  	v32 =	vmul.f32 v32, v33;
	v39 =	vld [tilespmem:s4+$0xCA40];
	v44 =	vmul.f32 v44, v31;
	v36 =	vadd.f32 v46, v36;
	[tilespmem:s4+$0xE50] =	vst v38  }
0x287: {  	v30 =	vmul.f32 v30, v33;
	v38 =	vld [tilespmem:s4+$0xCA30];
	v43 =	vmul.f32 v43, v31;
	v35 =	vadd.f32 v45, v35;
	[tilespmem:s4+$0xE40] =	vst v37  }
0x288: {  	v29 =	vmul.f32 v29, v33;
	v37 =	vld [tilespmem:s4+$0xCA20];
	v42 =	vmul.f32 v42, v31;
	v34 =	vadd.f32 v44, v34;
	[tilespmem:s4+$0xE30] =	vst v36  }
0x289: {  	v28 =	vmul.f32 v28, v33;
	v36 =	vld [tilespmem:s4+$0xCA10];
	v41 =	vmul.f32 v41, v31;
	v32 =	vadd.f32 v43, v32;
	[tilespmem:s4+$0xE20] =	vst v35  }
0x28a: {  	v27 =	vmul.f32 v27, v33;
	v35 =	vld [tilespmem:s4+$0xCA00];
	v40 =	vmul.f32 v40, v31;
	v30 =	vadd.f32 v42, v30;
	[tilespmem:s4+$0xE10] =	vst v34  }
0x28b: {  	v26 =	vmul.f32 v26, v33;
	v34 =	vld [tilespmem:s4+$0xC670];
	v39 =	vmul.f32 v39, v31;
	v29 =	vadd.f32 v41, v29;
	[tilespmem:s4+$0xE00] =	vst v32  }
0x28c: {  	v25 =	vmul.f32 v25, v33;
	v32 =	vld [tilespmem:s4+$0xC660];
	v38 =	vmul.f32 v38, v31;
	v28 =	vadd.f32 v40, v28;
	[tilespmem:s4+$0xA70] =	vst v30  }
0x28d: {  	v24 =	vmul.f32 v24, v33;
	v30 =	vld [tilespmem:s4+$0xC650];
	v37 =	vmul.f32 v37, v31;
	v27 =	vadd.f32 v39, v27;
	[tilespmem:s4+$0xA60] =	vst v29  }
0x28e: {  	v23 =	vmul.f32 v23, v33;
	v29 =	vld [tilespmem:s4+$0xC640];
	v36 =	vmul.f32 v36, v31;
	v26 =	vadd.f32 v38, v26;
	[tilespmem:s4+$0xA50] =	vst v28  }
0x28f: {  	v22 =	vmul.f32 v22, v33;
	v28 =	vld [tilespmem:s4+$0xC630];
	v35 =	vmul.f32 v35, v31;
	v25 =	vadd.f32 v37, v25;
	[tilespmem:s4+$0xA40] =	vst v27  }
0x290: {  	v21 =	vmul.f32 v21, v33;
	v27 =	vld [tilespmem:s4+$0xC620];
	v34 =	vmul.f32 v34, v31;
	v24 =	vadd.f32 v36, v24;
	[tilespmem:s4+$0xA30] =	vst v26  }
0x291: {  	v20 =	vmul.f32 v20, v33;
	v26 =	vld [tilespmem:s4+$0xC610];
	v32 =	vmul.f32 v32, v31;
	v23 =	vadd.f32 v35, v23;
	[tilespmem:s4+$0xA20] =	vst v25  }
0x292: {  	v19 =	vmul.f32 v19, v33;
	v25 =	vld [tilespmem:s4+$0xC600];
	v30 =	vmul.f32 v30, v31;
	v22 =	vadd.f32 v34, v22;
	[tilespmem:s4+$0xA10] =	vst v24  }
0x293: {  	v18 =	vmul.f32 v18, v33;
	v24 =	vld [tilespmem:s4+$0xC270];
	v29 =	vmul.f32 v29, v31;
	v21 =	vadd.f32 v32, v21;
	[tilespmem:s4+$0xA00] =	vst v23  }
0x294: {  	v17 =	vmul.f32 v17, v33;
	v23 =	vld [tilespmem:s4+$0xC260];
	v28 =	vmul.f32 v28, v31;
	v20 =	vadd.f32 v30, v20;
	[tilespmem:s4+$0x670] =	vst v22  }
0x295: {  	v16 =	vmul.f32 v16, v33;
	v22 =	vmul.f32 v27, v31;
	v19 =	vadd.f32 v29, v19;
	[tilespmem:s4+$0x660] =	vst v21;
	v21 =	vld [tilespmem:s4+$0xD640]  }
0x296: {  	v15 =	vmul.f32 v15, v33;
	v26 =	vmul.f32 v26, v31;
	v18 =	vadd.f32 v28, v18;
	[tilespmem:s4+$0x650] =	vst v20;
	v20 =	vld [tilespmem:s4+$0xD650]  }
0x297: {  	v14 =	vmul.f32 v14, v33;
	v25 =	vmul.f32 v25, v31;
	v17 =	vadd.f32 v22, v17;
	[tilespmem:s4+$0x640] =	vst v19;
	v19 =	vld [tilespmem:s4+$0xD660]  }
0x298: {  	v13 =	vmul.f32 v13, v33;
	v22 =	vmul.f32 v24, v31;
	v16 =	vadd.f32 v26, v16;
	[tilespmem:s4+$0x630] =	vst v18;
	v18 =	vld [tilespmem:s4+$0xD670]  }
0x299: {  	v12 =	vmul.f32 v12, v33;
	v23 =	vmul.f32 v23, v31;
	v15 =	vadd.f32 v25, v15;
	[tilespmem:s4+$0x620] =	vst v17;
	v17 =	vld [tilespmem:s4+$0x1640]  }
0x29a: {  	v10 =	vmul.f32 v10, v33;
	v11 =	vmul.f32 v11, v31;
	v14 =	vadd.f32 v22, v14;
	[tilespmem:s4+$0x610] =	vst v16;
	v16 =	vld [tilespmem:s4+$0x1650]  }
0x29b: {  	v8 =	vmul.f32 v8, v33;
	v9 =	vmul.f32 v9, v31;
	v13 =	vadd.f32 v23, v13;
	[tilespmem:s4+$0x600] =	vst v15;
	v15 =	vld [tilespmem:s4+$0x1660]  }
0x29c: {  	v6 =	vmul.f32 v6, v33;
	v7 =	vmul.f32 v7, v31;
	v11 =	vadd.f32 v11, v12;
	[tilespmem:s4+$0x270] =	vst v14;
	v12 =	vld [tilespmem:s4+$0x1670]  }
0x29d: {  	v4 =	vmul.f32 v4, v33;
	v5 =	vmul.f32 v5, v31;
	v9 =	vadd.f32 v9, v10;
	v14 =	vld [tilespmem:s4+$0x200];
	[tilespmem:s4+$0x260] =	vst v13  }
0x29e: {  	v3 =	vmul.f32 v3, v31;
	v7 =	vadd.f32 v7, v8;
	v10 =	vld [tilespmem:s4+$0xC200];
	[tilespmem:s4+$0x250] =	vst v11;
	v8 =	vmul.f32 v17, v33  }
0x29f: {  	s6 =	sshrl.u32 s5, $0x3;
	v5 =	vadd.f32 v5, v6;
	v6 =	vmul.f32 v21, v31;
	[tilespmem:s4+$0x240] =	vst v9;
	v9 =	vmul.f32 v16, v33  }
0x2a0: {  	s30 =	sadd.s32 $0x80, s30;
	s6 =	smul.u32 $0x1800, s6;
	v3 =	vadd.f32 v3, v4;
	v4 =	vmul.f32 v20, v31;
	[tilespmem:s4+$0x230] =	vst v7;
	v7 =	vmul.f32 v15, v33  }
0x2a1: {  	s31 =	sand.u32 $0x380, s30;
	[tilespmem:s4+$0x220] =	vst v5;
	v5 =	vadd.f32 v6, v8;
	v6 =	vmul.f32 v19, v31;
	v8 =	vmul.f32 v12, v33  }
0x2a2: {  	s6 =	sor.u32 s31, s6;
	v9 =	vadd.f32 v4, v9;
	v12 =	vmul.f32 v18, v31;
	v11 =	vmul.f32 v14, v33;
	[tilespmem:s4+$0x210] =	vst v3  }
0x2a3: {  	v4 =	vld [tilespmem:s6+$0x210];
	v10 =	vmul.f32 v10, v31;
	[tilespmem:s4+$0x1640] =	vst v5;
	v5 =	vadd.f32 v6, v7  }
0x2a4: {  	v7 =	vadd.f32 v12, v8;
	v3 =	vld [tilespmem:s6+$0xC210];
	[tilespmem:s4+$0x1650] =	vst v9  }
0x2a5: {  	v6 =	vld [tilespmem:s6+$0x220];
	v9 =	vadd.f32 v10, v11;
	[tilespmem:s4+$0x1660] =	vst v5  }
0x2a6: {  	v5 =	vld [tilespmem:s6+$0xC220];
	[tilespmem:s4+$0x1670] =	vst v7  }
0x2a7: {  	v8 =	vld [tilespmem:s6+$0x230];
	[tilespmem:s4+$0x200] =	vst v9;
	s4 =	smov.u32 s6  }
0x2a8: {  	v7 =	vld [tilespmem:s4+$0xC230]  }
0x2a9: {  	v10 =	vld [tilespmem:s4+$0x240]  }
0x2aa: {  	v9 =	vld [tilespmem:s4+$0xC240]  }
0x2ab: {  	v12 =	vld [tilespmem:s4+$0x250]  }
0x2ac: {  	v11 =	vld [tilespmem:s4+$0xC250]  }
0x2ad: {  	v13 =	vld [tilespmem:s4+$0x260]  }
0x2ae: {  	v14 =	vld [tilespmem:s4+$0x270]  }
0x2af: {  	v15 =	vld [tilespmem:s4+$0x600]  }
0x2b0: {  	v16 =	vld [tilespmem:s4+$0x610]  }
0x2b1: {  	v17 =	vld [tilespmem:s4+$0x620]  }
0x2b2: {  	v18 =	vld [tilespmem:s4+$0x630]  }
0x2b3: {  	v19 =	vld [tilespmem:s4+$0x640]  }
0x2b4: {  	v20 =	vld [tilespmem:s4+$0x650]  }
0x2b5: {  	v21 =	vld [tilespmem:s4+$0x660]  }
0x2b6: {  	v22 =	vld [tilespmem:s4+$0x670]  }
0x2b7: {  	v23 =	vld [tilespmem:s4+$0xA00]  }
0x2b8: {  	v24 =	vld [tilespmem:s4+$0xA10]  }
0x2b9: {  	v25 =	vld [tilespmem:s4+$0xA20]  }
0x2ba: {  	v26 =	vld [tilespmem:s4+$0xA30]  }
0x2bb: {  	v27 =	vld [tilespmem:s4+$0xA40]  }
0x2bc: {  	v28 =	vld [tilespmem:s4+$0xA50]  }
0x2bd: {  	v29 =	vld [tilespmem:s4+$0xA60]  }
0x2be: {  	v30 =	vld [tilespmem:s4+$0xA70]  }
0x2bf: {  	v32 =	vld [tilespmem:s4+$0xE00]  }
0x2c0: {  	v34 =	vld [tilespmem:s4+$0xE10]  }
0x2c1: {  	v35 =	vld [tilespmem:s4+$0xE20]  }
0x2c2: {  	v36 =	vld [tilespmem:s4+$0xE30]  }
0x2c3: {  	v37 =	vld [tilespmem:s4+$0xE40]  }
0x2c4: {  	v38 =	vld [tilespmem:s4+$0xE50]  }
0x2c5: {  	v39 =	vld [tilespmem:s4+$0xE60]  }
0x2c6: {  	v40 =	vld [tilespmem:s4+$0xE70]  }
0x2c7: {  	v41 =	vld [tilespmem:s4+$0x1200]  }
0x2c8: {  	v42 =	vld [tilespmem:s4+$0x1210]  }
0x2c9: {  	v43 =	vld [tilespmem:s4+$0x1220]  }
.Ltmp1:
0x2ca: {  	v44 =	vld [tilespmem:s4+$0x1230];
	(pc) =	sbr.rel @p0 .LBB2_4-.Ltmp1, $4  }
0x2cb: {  	v45 =	vld [tilespmem:s4+$0x1240]  }
0x2cc: {  	v46 =	vld [tilespmem:s4+$0x1250]  }
0x2cd: {  	s6 =	sadd.s32 $0x40, s5;
	v47 =	vld [tilespmem:s4+$0x1260]  }
0x2ce: {  	s5 =	sadd.s32 $0x1, s5;
	v49 =	vmov s6;
	v48 =	vld [tilespmem:s4+$0x1600]  }
0x2cf: {  	v50 =	vld [tilespmem:s4+$0x1610]  }
0x2d0: {  	v51 =	vld [tilespmem:s4+$0xD610]  }
0x2d1: {  	v52 =	vld [tilespmem:s4+$0xD630]  }
0x2d2: {  	v53 =	vld [tilespmem:s4+$0x1620]  }
0x2d3: {  	v31 =	vld.idx.msk [tilespmem:v49+s15+$0x0], $0xffff  }
0x2d4: {  	v61 =	vld [tilespmem:s4+$0x1630]  }
0x2d5: {  	v33 =	vld.idx.msk [tilespmem:v49+s16+$0x0], $0xffff  }
0x2d6: {  	v54 =	vld [tilespmem:s4+$0xD620]  }
0x2d7: {  	v55 =	vld [tilespmem:s4+$0xD600]  }
0x2d8: {  	v56 =	vld [tilespmem:s4+$0x1270]  }
0x2d9: {  	v58 =	vld [tilespmem:s4+$0xD260];
	v49 =	vmul.f32 v61, v31  }
0x2da: {  	v59 =	vld [tilespmem:s4+$0xD250];
	v52 =	vmul.f32 v52, v33;
	v53 =	vmul.f32 v53, v31  }
0x2db: {  	v57 =	vld [tilespmem:s4+$0xD270];
	v54 =	vmul.f32 v54, v33;
	v50 =	vmul.f32 v50, v31  }
0x2dc: {  	v60 =	vld [tilespmem:s4+$0xD240];
	v51 =	vmul.f32 v51, v33;
	v48 =	vmul.f32 v48, v31;
	v49 =	vadd.f32 v52, v49  }
0x2dd: {  	v61 =	vld [tilespmem:s4+$0xD220];
	v62 =	vmul.f32 v55, v33;
	v63 =	vmul.f32 v56, v31;
	v53 =	vadd.f32 v54, v53  }
0x2de: {  	v47 =	vmul.f32 v47, v31;
	v58 =	vmul.f32 v58, v33;
	v55 =	vld [tilespmem:s4+$0xC660];
	v50 =	vadd.f32 v51, v50;
	[tilespmem:s4+$0x1630] =	vst v49  }
0x2df: {  	v46 =	vmul.f32 v46, v31;
	v59 =	vmul.f32 v59, v33;
	v56 =	vld [tilespmem:s4+$0xC650];
	v48 =	vadd.f32 v62, v48;
	[tilespmem:s4+$0x1620] =	vst v53  }
0x2e0: {  	v12 =	vmul.f32 v12, v31;
	v11 =	vmul.f32 v11, v33;
	v52 =	vld [tilespmem:s4+$0xD230];
	v47 =	vadd.f32 v58, v47;
	[tilespmem:s4+$0x1610] =	vst v50  }
0x2e1: {  	v10 =	vmul.f32 v10, v31;
	v9 =	vmul.f32 v9, v33;
	v51 =	vld [tilespmem:s4+$0xD200];
	v46 =	vadd.f32 v59, v46;
	[tilespmem:s4+$0x1600] =	vst v48  }
0x2e2: {  	v8 =	vmul.f32 v8, v31;
	v7 =	vmul.f32 v7, v33;
	v58 =	vld [tilespmem:s4+$0xCE10];
	v11 =	vadd.f32 v11, v12;
	[tilespmem:s4+$0x1260] =	vst v47  }
0x2e3: {  	v6 =	vmul.f32 v6, v31;
	v5 =	vmul.f32 v5, v33;
	v59 =	vld [tilespmem:s4+$0xCE00];
	v9 =	vadd.f32 v9, v10;
	[tilespmem:s4+$0x1250] =	vst v46  }
0x2e4: {  	v4 =	vmul.f32 v4, v31;
	v3 =	vmul.f32 v3, v33;
	v54 =	vld [tilespmem:s4+$0xC670];
	v7 =	vadd.f32 v7, v8;
	[tilespmem:s4+$0x250] =	vst v11  }
0x2e5: {  	v57 =	vmul.f32 v57, v33;
	v5 =	vadd.f32 v5, v6;
	v49 =	vld [tilespmem:s4+$0xD210];
	[tilespmem:s4+$0x240] =	vst v9  }
0x2e6: {  	v45 =	vmul.f32 v45, v31;
	v62 =	vmul.f32 v60, v33;
	v3 =	vadd.f32 v3, v4;
	v50 =	vld [tilespmem:s4+$0xCE70];
	[tilespmem:s4+$0x230] =	vst v7  }
0x2e7: {  	v43 =	vmul.f32 v43, v31;
	v53 =	vadd.f32 v57, v63;
	v48 =	vld [tilespmem:s4+$0xCE60];
	[tilespmem:s4+$0x220] =	vst v5;
	v63 =	vmul.f32 v61, v33  }
0x2e8: {  	v44 =	vmul.f32 v44, v31;
	v47 =	vld [tilespmem:s4+$0xCE40];
	v45 =	vadd.f32 v62, v45;
	[tilespmem:s4+$0x210] =	vst v3;
	v52 =	vmul.f32 v52, v33  }
0x2e9: {  	v41 =	vmul.f32 v41, v31;
	v46 =	vld [tilespmem:s4+$0xCE30];
	[tilespmem:s4+$0x1270] =	vst v53;
	v43 =	vadd.f32 v63, v43;
	v51 =	vmul.f32 v51, v33  }
0x2ea: {  	v42 =	vmul.f32 v42, v31;
	v57 =	vld [tilespmem:s4+$0xCE20];
	[tilespmem:s4+$0x1240] =	vst v45;
	v44 =	vadd.f32 v52, v44;
	v49 =	vmul.f32 v49, v33  }
0x2eb: {  	v40 =	vmul.f32 v40, v31;
	v62 =	vld [tilespmem:s4+$0xCA60];
	[tilespmem:s4+$0x1220] =	vst v43;
	v60 =	vmul.f32 v50, v33;
	v41 =	vadd.f32 v51, v41  }
0x2ec: {  	v39 =	vmul.f32 v39, v31;
	v53 =	vld [tilespmem:s4+$0xCE50];
	v48 =	vmul.f32 v48, v33;
	[tilespmem:s4+$0x1230] =	vst v44;
	v42 =	vadd.f32 v49, v42  }
0x2ed: {  	v37 =	vmul.f32 v37, v31;
	v61 =	vld [tilespmem:s4+$0xCA70];
	v47 =	vmul.f32 v47, v33;
	v40 =	vadd.f32 v60, v40;
	[tilespmem:s4+$0x1200] =	vst v41  }
0x2ee: {  	v36 =	vmul.f32 v36, v31;
	v46 =	vmul.f32 v46, v33;
	v50 =	vld [tilespmem:s4+$0xCA30];
	v39 =	vadd.f32 v48, v39;
	[tilespmem:s4+$0x1210] =	vst v42  }
0x2ef: {  	v35 =	vmul.f32 v35, v31;
	v45 =	vmul.f32 v57, v33;
	v51 =	vld [tilespmem:s4+$0xCA20];
	v37 =	vadd.f32 v47, v37;
	[tilespmem:s4+$0xE70] =	vst v40  }
0x2f0: {  	v32 =	vmul.f32 v32, v31;
	v52 =	vld [tilespmem:s4+$0xCA10];
	v43 =	vmul.f32 v59, v33;
	v36 =	vadd.f32 v46, v36;
	[tilespmem:s4+$0xE60] =	vst v39  }
0x2f1: {  	v38 =	vmul.f32 v38, v31;
	v57 =	vld [tilespmem:s4+$0xC640];
	v63 =	vmul.f32 v53, v33;
	v35 =	vadd.f32 v45, v35;
	[tilespmem:s4+$0xE40] =	vst v37  }
0x2f2: {  	v34 =	vmul.f32 v34, v31;
	v59 =	vld [tilespmem:s4+$0xC620];
	v44 =	vmul.f32 v58, v33;
	v32 =	vadd.f32 v43, v32;
	[tilespmem:s4+$0xE30] =	vst v36  }
0x2f3: {  	v29 =	vmul.f32 v29, v31;
	v48 =	vld [tilespmem:s4+$0xCA50];
	v41 =	vmul.f32 v62, v33;
	v38 =	vadd.f32 v63, v38;
	[tilespmem:s4+$0xE20] =	vst v35  }
0x2f4: {  	v21 =	vmul.f32 v21, v31;
	v49 =	vld [tilespmem:s4+$0xCA40];
	v62 =	vmul.f32 v55, v33;
	v34 =	vadd.f32 v44, v34;
	[tilespmem:s4+$0xE00] =	vst v32  }
0x2f5: {  	v30 =	vmul.f32 v30, v31;
	v53 =	vld [tilespmem:s4+$0xCA00];
	v42 =	vmul.f32 v61, v33;
	v29 =	vadd.f32 v41, v29;
	[tilespmem:s4+$0xE50] =	vst v38  }
0x2f6: {  	v25 =	vmul.f32 v25, v31;
	v58 =	vld [tilespmem:s4+$0xC630];
	v21 =	vadd.f32 v62, v21;
	v37 =	vmul.f32 v51, v33;
	[tilespmem:s4+$0xE10] =	vst v34  }
0x2f7: {  	v24 =	vmul.f32 v24, v31;
	v60 =	vld [tilespmem:s4+$0xC610];
	v36 =	vmul.f32 v52, v33;
	v30 =	vadd.f32 v42, v30;
	[tilespmem:s4+$0xA60] =	vst v29  }
0x2f8: {  	v26 =	vmul.f32 v26, v31;
	v43 =	vld [tilespmem:s4+$0xD670];
	v38 =	vmul.f32 v50, v33;
	[tilespmem:s4+$0x660] =	vst v21;
	v25 =	vadd.f32 v37, v25  }
0x2f9: {  	v22 =	vmul.f32 v22, v31;
	v45 =	vld [tilespmem:s4+$0x1640];
	v34 =	vmul.f32 v54, v33;
	v24 =	vadd.f32 v36, v24;
	[tilespmem:s4+$0xA70] =	vst v30  }
0x2fa: {  	v28 =	vmul.f32 v28, v31;
	v46 =	vld [tilespmem:s4+$0x1650];
	v40 =	vmul.f32 v48, v33;
	v26 =	vadd.f32 v38, v26;
	[tilespmem:s4+$0xA20] =	vst v25  }
0x2fb: {  	v27 =	vmul.f32 v27, v31;
	v61 =	vld [tilespmem:s4+$0xC600];
	v39 =	vmul.f32 v49, v33;
	v22 =	vadd.f32 v34, v22;
	[tilespmem:s4+$0xA10] =	vst v24  }
0x2fc: {  	v23 =	vmul.f32 v23, v31;
	v63 =	vld [tilespmem:s4+$0xC270];
	v35 =	vmul.f32 v53, v33;
	v28 =	vadd.f32 v40, v28;
	[tilespmem:s4+$0xA30] =	vst v26  }
0x2fd: {  	v18 =	vmul.f32 v18, v31;
	v51 =	vld [tilespmem:s4+$0x200];
	v37 =	vmul.f32 v58, v33;
	v27 =	vadd.f32 v39, v27;
	[tilespmem:s4+$0x670] =	vst v22  }
0x2fe: {  	v16 =	vmul.f32 v16, v31;
	v50 =	vld [tilespmem:s4+$0xC200];
	v41 =	vmul.f32 v60, v33;
	v23 =	vadd.f32 v35, v23;
	[tilespmem:s4+$0xA50] =	vst v28  }
0x2ff: {  	v20 =	vmul.f32 v20, v31;
	v36 =	vld [tilespmem:s4+$0xD640];
	v30 =	vmul.f32 v56, v33;
	v18 =	vadd.f32 v37, v18;
	[tilespmem:s4+$0xA40] =	vst v27  }
0x300: {  	v19 =	vmul.f32 v19, v31;
	v48 =	vld [tilespmem:s4+$0x1660];
	v35 =	vmul.f32 v57, v33;
	v16 =	vadd.f32 v41, v16;
	[tilespmem:s4+$0xA00] =	vst v23  }
0x301: {  	v17 =	vmul.f32 v17, v31;
	v34 =	vld [tilespmem:s4+$0xC260];
	v39 =	vmul.f32 v59, v33;
	v20 =	vadd.f32 v30, v20;
	[tilespmem:s4+$0x630] =	vst v18  }
0x302: {  	v15 =	vmul.f32 v15, v31;
	v38 =	vld [tilespmem:s4+$0xD650];
	v42 =	vmul.f32 v61, v33;
	v19 =	vadd.f32 v35, v19;
	[tilespmem:s4+$0x610] =	vst v16  }
0x303: {  	v14 =	vmul.f32 v14, v31;
	v40 =	vld [tilespmem:s4+$0xD660];
	v44 =	vmul.f32 v63, v33;
	v17 =	vadd.f32 v39, v17;
	[tilespmem:s4+$0x650] =	vst v20  }
0x304: {  	v49 =	vld [tilespmem:s4+$0x1670];
	v61 =	vmul.f32 v51, v31;
	v15 =	vadd.f32 v42, v15;
	v10 =	vmul.f32 v50, v33;
	[tilespmem:s4+$0x640] =	vst v19  }
0x305: {  	v52 =	vmul.f32 v45, v31;
	v14 =	vadd.f32 v44, v14;
	v53 =	vmul.f32 v36, v33;
	[tilespmem:s4+$0x620] =	vst v17  }
0x306: {  	v13 =	vmul.f32 v13, v31;
	v47 =	vmul.f32 v34, v33;
	[tilespmem:s4+$0x600] =	vst v15;
	v63 =	vadd.f32 v10, v61  }
0x307: {  	v54 =	vmul.f32 v46, v31;
	[tilespmem:s4+$0x270] =	vst v14;
	v55 =	vmul.f32 v38, v33;
	v57 =	vadd.f32 v53, v52  }
0x308: {  	v56 =	vmul.f32 v48, v31;
	v58 =	vmul.f32 v40, v33;
	v13 =	vadd.f32 v47, v13;
	[tilespmem:s4+$0x200] =	vst v63  }
0x309: {  	v60 =	vmul.f32 v43, v33;
	v59 =	vmul.f32 v49, v31;
	v3 =	vadd.f32 v55, v54;
	[tilespmem:s4+$0x1640] =	vst v57  }
0x30a: {  	v62 =	vadd.f32 v58, v56;
	[tilespmem:s4+$0x260] =	vst v13  }
0x30b: {  	[tilespmem:s4+$0x1650] =	vst v3;
	v3 =	vadd.f32 v60, v59  }
0x30c: {  	[tilespmem:s4+$0x1660] =	vst v62  }
0x30d: {  	s30 =	rddreg [dreg:$0x8];
	[tilespmem:s4+$0x1670] =	vst v3  }
0x30e: {  	[hbm4b:s30+s2] =	stream.linear.scatter [tilespmem:s17], [sflag:$0x2], $0xC000, $0x38;
	[tilespmem:$0x18200] =	vst v63  }
0x30f: {  	_ =	swait.ge [sflag:s13], $0xC000  }
0x310: {  	s29 =	sadd.s32 $0x1, s29;
	s31 =	rddreg [dreg:$0x9]  }
0x311: {  	p0 =	sne.s32 s29, s31  }
.Ltmp2:
0x312: {  	_ = 	snop;
	(pc) =	sbr.rel @p0 .LBB2_1-.Ltmp2, $3  }
0x313: {  	_ =	sdelay $0x1  }
0x314: {  	[sflag:s13] =	ssyncset.done $0x0  }
0x315: {  	[sflag:s13] =	ssyncadd.s32 $0xFFFF4000  }
0x316: {  	_ =	sfence.sel $0x180000  }
0x317: {  	[bflag:$0x0] =	sbarrier.arrive $0xFFFF  }
0x318: {  	_ =	strace $0x9000004A  }
0x319: {  	s0 =	stileid.u32;
	[bflag:$0x2] =	sbarrier.arrive $0xFFFF  }
0x31a: {  	p0 =	sne.s32 s0, $0x0;
	s0 =	rddreg [dreg:$0x2]  }
0x31b: {  	s0 =	sadd.s32 @!p0 $0x100000, s0  }
0x31c: {  	[sflag:s0] =	ssyncadd.tile.s32 @!p0 $0x1;
	_ =	shalt  }
.Lfunc_end2:
_tile_overlayer_lowered:
.L_overlay_start_2:
0x31d: {  	(tag) =	ssettag $0x2  }
0x31e: {  	s0 =	rddreg [dreg:$0x0];
	s2 =	stileid.u32  }
0x31f: {  	s1 =	rddreg [dreg:$0x1];
	p0 =	sne.s32 s2, $0x0  }
0x320: {  	s3 =	rddreg [dreg:$0x2];
	[bflag:$0x3] =	sbarrier.arrive $0xFFFF;
	s2 =	simm.s32 @!p0 $0x1C02  }
0x321: {  	[timem:s3], [sflag:s2] =	dma.local @!p0 [hbm:s0], s1  }
0x322: {  	s0 =	simm.s32 @!p0 $0x2  }
0x323: {  	_ =	swait.ge @!p0 [sflag:s0], s1  }
0x324: {  	s1 =	ssub.s32 @!p0 $0x0, s1;
	[sflag:s0] =	ssyncset.done @!p0 $0x0  }
0x325: {  	[sflag:s0] =	ssyncadd.s32 @!p0 s1  }
0x326: {  	[bflag:$0x3] =	sbarrier.arrive $0xFFFF  }
0x327: {  	_ =	shalt  }

</sc_bundles>
